<compile_context>
chip_gen: v7x
topology: tpu7x:2x2x1
jax: 0.10.2.dev20260603
libtpu: 0.0.44.dev20260713+nightly
codegen_flags: <defaults>
</compile_context>

<pallas_src>
import functools

import jax
import jax.numpy as jnp
from jax import lax
from jax.experimental import pallas as pl
from jax.experimental.pallas import tpu as pltpu
from jax.experimental.pallas import tpu_sc as plsc

N = 10000
E = 160000
HID = 512
OUTD = 256
G = 64

NSUB = 16
CH = 80
NIT = 126
EPT = NIT * CH
EPAD = NSUB * EPT
EPC = NSUB * NIT
NPAD = 10240
TRASH = N + 100
RPT = NPAD // NSUB
ZR = 128


def _make_sc_agg(nch, chunk_major):
    p_per_sc = nch // 2
    mesh = plsc.VectorSubcoreMesh(core_axis_name="c", subcore_axis_name="s")

    @functools.partial(
        pl.kernel,
        out_type=jax.ShapeDtypeStruct((nch * NPAD, 128), jnp.float32),
        mesh=mesh,
        scratch_types=[
            pltpu.VMEM((2, 2, CH), jnp.int32),
            pltpu.VMEM((2, CH, 128), jnp.float32),
            pltpu.VMEM((ZR, 128), jnp.float32),
            pltpu.VMEM_SHARED((NPAD, 128), jnp.float32),
            pltpu.SemaphoreType.DMA,
            pltpu.SemaphoreType.DMA,
        ],
    )
    def sc_agg(h4, combo_hbm, out_hbm, idx_v, rows, zbuf, acc, *gs):
        c = lax.axis_index("c")
        s = lax.axis_index("s")

        def zrow(i, carry):
            for j in range(8):
                zbuf[i, pl.ds(j * 16, 16)] = jnp.zeros((16,), jnp.float32)
            return carry

        lax.fori_loop(0, ZR, zrow, 0)

        def stage(i, slot, f):
            pltpu.sync_copy(combo_hbm.at[f * EPC + s * NIT + i],
                            idx_v.at[slot])

        for p in range(p_per_sc):
            f = c * p_per_sc + p
            for j in range(RPT // ZR):
                pltpu.sync_copy(zbuf, acc.at[pl.ds(s * RPT + j * ZR, ZR)])
            stage(0, 0, f)
            pltpu.async_copy(h4.at[idx_v.at[0, 0]], rows.at[0], gs[0])
            stage(1, 1, f)
            plsc.subcore_barrier()

            def pair(gp, carry):
                for par in range(2):
                    i = 2 * gp + par
                    o = par ^ 1
                    pltpu.make_async_copy(h4.at[idx_v.at[par, 0]],
                                          rows.at[par], gs[par]).wait()

                    @pl.when(i + 1 < NIT)
                    def _():
                        pltpu.async_copy(h4.at[idx_v.at[o, 0]], rows.at[o],
                                         gs[o])
                    pltpu.sync_copy(rows.at[par], acc.at[idx_v.at[par, 1]],
                                    add=True)

                    @pl.when(i + 2 < NIT)
                    def _():
                        stage(i + 2, par, f)
                return carry

            lax.fori_loop(0, NIT // 2, pair, 0)
            plsc.subcore_barrier()
            pltpu.sync_copy(acc.at[pl.ds(s * RPT, RPT)],
                            out_hbm.at[pl.ds(f * NPAD + s * RPT, RPT)])

    return sc_agg


_SC_AGG = {}


def _get_sc_agg(nch, chunk_major):
    key = (nch, chunk_major)
    if key not in _SC_AGG:
        _SC_AGG[key] = _make_sc_agg(nch, chunk_major)
    return _SC_AGG[key]


_ROWS = 2000


def _k1_body(nch, x_chunked, h_ref, agg_ref, w1_ref, b1_ref, w2_ref, b2_ref,
             out_ref, st_ref):
    g = pl.program_id(0)
    if x_chunked:
        xv = jnp.concatenate([h_ref[i] for i in range(nch)], axis=1)
    else:
        xv = h_ref[...]
    xin = xv + jnp.concatenate([agg_ref[i] for i in range(nch)], axis=1)
    t = jnp.maximum(
        jnp.dot(xin, w1_ref[...], preferred_element_type=jnp.float32)
        + b1_ref[...], 0.0)
    h2 = jnp.dot(t, w2_ref[...], preferred_element_type=jnp.float32) \
        + b2_ref[...]
    out_ref[...] = h2
    s0 = jnp.sum(h2, axis=0)[None, :]
    s1 = jnp.sum(h2 * h2, axis=0)[None, :]
    blk = jnp.concatenate([s0, s1, jnp.zeros((6, HID), jnp.float32)], axis=0)

    @pl.when(g == 0)
    def _():
        st_ref[...] = blk

    @pl.when(g != 0)
    def _():
        st_ref[...] = st_ref[...] + blk


def _run_k1(h, agg, w1, b1, w2, b2, nch, din, x_chunked=False):
    grid = N // _ROWS
    if x_chunked:
        h_spec = pl.BlockSpec((nch, _ROWS, 128), lambda g: (0, g, 0))
    else:
        h_spec = pl.BlockSpec((_ROWS, din), lambda g: (g, 0))
    return pl.pallas_call(
        functools.partial(_k1_body, nch, x_chunked),
        grid=(grid,),
        in_specs=[
            h_spec,
            pl.BlockSpec((nch, _ROWS, 128), lambda g: (0, g, 0)),
            pl.BlockSpec((din, HID), lambda g: (0, 0)),
            pl.BlockSpec((1, HID), lambda g: (0, 0)),
            pl.BlockSpec((HID, HID), lambda g: (0, 0)),
            pl.BlockSpec((1, HID), lambda g: (0, 0)),
        ],
        out_specs=[
            pl.BlockSpec((_ROWS, HID), lambda g: (g, 0)),
            pl.BlockSpec((8, HID), lambda g: (0, 0)),
        ],
        out_shape=[
            jax.ShapeDtypeStruct((N, HID), jnp.float32),
            jax.ShapeDtypeStruct((8, HID), jnp.float32),
        ],
    )(h, agg, w1, b1.reshape(1, HID), w2, b2.reshape(1, HID))


def _k2_body(h2_ref, st_ref, gam_ref, bet_ref, out_ref):
    mean = st_ref[0:1, :] / N
    var = st_ref[1:2, :] / N - mean * mean
    rstd = lax.rsqrt(var + 1e-5)
    y = jnp.maximum(
        (h2_ref[...] - mean) * rstd * gam_ref[...] + bet_ref[...], 0.0)
    for i in range(HID // 128):
        out_ref[i] = y[:, 128 * i:128 * (i + 1)]


def _run_k2(h2, st, gamma, beta):
    grid = N // _ROWS
    return pl.pallas_call(
        _k2_body,
        grid=(grid,),
        in_specs=[
            pl.BlockSpec((_ROWS, HID), lambda g: (g, 0)),
            pl.BlockSpec((8, HID), lambda g: (0, 0)),
            pl.BlockSpec((1, HID), lambda g: (0, 0)),
            pl.BlockSpec((1, HID), lambda g: (0, 0)),
        ],
        out_specs=pl.BlockSpec((HID // 128, _ROWS, 128), lambda g: (0, g, 0)),
        out_shape=jax.ShapeDtypeStruct((HID // 128, N, 128), jnp.float32),
    )(h2, st, gamma.reshape(1, HID), beta.reshape(1, HID))


def _kpool_body(h2_ref, st_ref, gam_ref, bet_ref, bt_ref, wo_ref, bo_ref,
                out_ref, pool_ref, cnt_ref):
    g = pl.program_id(0)
    mean = st_ref[0:1, :] / N
    var = st_ref[1:2, :] / N - mean * mean
    rstd = lax.rsqrt(var + 1e-5)
    hn = jnp.maximum(
        (h2_ref[...] - mean) * rstd * gam_ref[...] + bet_ref[...], 0.0)
    ohT = (lax.broadcasted_iota(jnp.int32, (G, _ROWS), 0).astype(jnp.float32)
           == bt_ref[0]).astype(jnp.float32)
    ps = jnp.dot(ohT, hn, preferred_element_type=jnp.float32)
    cs = jnp.dot(ohT, jnp.ones((_ROWS, 128), jnp.float32),
                 preferred_element_type=jnp.float32)

    @pl.when(g == 0)
    def _():
        pool_ref[...] = ps
        cnt_ref[...] = cs

    @pl.when(g != 0)
    def _():
        pool_ref[...] = pool_ref[...] + ps
        cnt_ref[...] = cnt_ref[...] + cs

    pooled = pool_ref[...] / jnp.maximum(cnt_ref[:, 0:1], 1.0)
    out_ref[...] = jnp.dot(pooled, wo_ref[...],
                           preferred_element_type=jnp.float32) + bo_ref[...]


def _run_kpool(h2, st, gamma, beta, bt, wout, bout):
    grid = N // _ROWS
    return pl.pallas_call(
        _kpool_body,
        grid=(grid,),
        in_specs=[
            pl.BlockSpec((_ROWS, HID), lambda g: (g, 0)),
            pl.BlockSpec((8, HID), lambda g: (0, 0)),
            pl.BlockSpec((1, HID), lambda g: (0, 0)),
            pl.BlockSpec((1, HID), lambda g: (0, 0)),
            pl.BlockSpec((1, 1, _ROWS), lambda g: (g, 0, 0)),
            pl.BlockSpec((HID, OUTD), lambda g: (0, 0)),
            pl.BlockSpec((1, OUTD), lambda g: (0, 0)),
        ],
        out_specs=pl.BlockSpec((G, OUTD), lambda g: (0, 0)),
        out_shape=jax.ShapeDtypeStruct((G, OUTD), jnp.float32),
        scratch_shapes=[
            pltpu.VMEM((G, HID), jnp.float32),
            pltpu.VMEM((G, 128), jnp.float32),
        ],
    )(h2, st, gamma.reshape(1, HID), beta.reshape(1, HID), bt, wout,
      bout.reshape(1, OUTD))


def kernel(x, edge_index, batch,
           W1_0, b1_0, W2_0, b2_0, gamma_0, beta_0,
           W1_1, b1_1, W2_1, b2_1, gamma_1, beta_1,
           W1_2, b1_2, W2_2, b2_2, gamma_2, beta_2,
           Wout, bout):
    src = edge_index[0].astype(jnp.int32)
    dst = edge_index[1].astype(jnp.int32)
    bt = batch.astype(jnp.float32).reshape(N // _ROWS, 1, _ROWS)
    src_pad = jnp.concatenate([src, jnp.zeros((EPAD - E,), jnp.int32)])
    dst_pad = jnp.concatenate([dst, jnp.full((EPAD - E,), TRASH, jnp.int32)])
    idx2 = (src_pad[None, :] * 2
            + jnp.arange(2, dtype=jnp.int32)[:, None]).reshape(2, EPC, CH)
    idx4 = (src_pad[None, :]
            + (jnp.arange(4, dtype=jnp.int32) * N)[:, None]).reshape(4, EPC,
                                                                     CH)
    dst_c = jnp.broadcast_to(dst_pad.reshape(1, EPC, CH), (2, EPC, CH))
    combo2 = jnp.stack([idx2, dst_c], axis=2).reshape(2 * EPC, 2, CH)
    dst_c4 = jnp.broadcast_to(dst_pad.reshape(1, EPC, CH), (4, EPC, CH))
    combo4 = jnp.stack([idx4, dst_c4], axis=2).reshape(4 * EPC, 2, CH)

    agg = _get_sc_agg(2, False)(x.reshape(2 * N, 128),
                                combo2).reshape(2, NPAD, 128)
    h2, st = _run_k1(x, agg, W1_0, b1_0, W2_0, b2_0, nch=2, din=256)
    hn = _run_k2(h2, st, gamma_0, beta_0)

    agg = _get_sc_agg(4, True)(hn.reshape(4 * N, 128),
                               combo4).reshape(4, NPAD, 128)
    h2, st = _run_k1(hn, agg, W1_1, b1_1, W2_1, b2_1, nch=4, din=HID,
                     x_chunked=True)
    hn = _run_k2(h2, st, gamma_1, beta_1)

    agg = _get_sc_agg(4, True)(hn.reshape(4 * N, 128),
                               combo4).reshape(4, NPAD, 128)
    h2, st = _run_k1(hn, agg, W1_2, b1_2, W2_2, b2_2, nch=4, din=HID,
                     x_chunked=True)
    return _run_kpool(h2, st, gamma_2, beta_2, bt, Wout, bout)

# --- scband reference (transcript-rebuilt; emitter-appended) ---
"""Pipeline reference for scband-ginencoder-54107997995460 (READ-ONLY COPY).

The authoritative reference and input builder live on the scoring server;
editing this copy changes nothing except your own understanding.
"""

import jax, jax.numpy as jnp
import numpy as np

N = 10000
E = 160000
IN_DIM = 256
HID = 512
OUT = 256
NUM_GRAPHS = 64


def setup_inputs(seed: int = 0) -> dict:
    key = jax.random.key(seed)
    ks = jax.random.split(key, 24)
    inp = {}
    inp["x"] = jax.random.normal(ks[0], (N, IN_DIM), dtype=jnp.float32)
    inp["edge_index"] = jax.random.randint(ks[1], (2, E), 0, N, dtype=jnp.int64)
    inp["batch"] = jnp.sort(jax.random.randint(ks[2], (N,), 0, NUM_GRAPHS, dtype=jnp.int64))
    # GIN layer 0: MLP(IN_DIM -> HID -> HID), BN(HID)
    # GIN layers 1,2: MLP(HID -> HID -> HID), BN(HID)
    dims_in = [IN_DIM, HID, HID]
    k = 3
    for l in range(3):
        din = dims_in[l]
        inp[f"W1_{l}"] = jax.random.normal(ks[k], (din, HID), dtype=jnp.float32) * (1.0 / np.sqrt(din)); k += 1
        inp[f"b1_{l}"] = jnp.zeros((HID,), dtype=jnp.float32)
        inp[f"W2_{l}"] = jax.random.normal(ks[k], (HID, HID), dtype=jnp.float32) * (1.0 / np.sqrt(HID)); k += 1
        inp[f"b2_{l}"] = jnp.zeros((HID,), dtype=jnp.float32)
        inp[f"gamma_{l}"] = jnp.ones((HID,), dtype=jnp.float32)
        inp[f"beta_{l}"] = jnp.zeros((HID,), dtype=jnp.float32)
    inp["Wout"] = jax.random.normal(ks[k], (HID, OUT), dtype=jnp.float32) * (1.0 / np.sqrt(HID)); k += 1
    inp["bout"] = jnp.zeros((OUT,), dtype=jnp.float32)
    return inp


def _gin_layer(x, src, dst, W1, b1, W2, b2, gamma, beta):
    # GINConv with eps=0: h = MLP((1+eps)*x + sum_{j->i} x_j)
    agg = jnp.zeros_like(x).at[dst].add(x[src])
    h = x + agg
    h = jnp.maximum(h @ W1 + b1, 0.0) @ W2 + b2
    # BatchNorm1d (training mode: batch statistics)
    mean = jnp.mean(h, axis=0)
    var = jnp.var(h, axis=0)
    h = (h - mean) / jnp.sqrt(var + 1e-5) * gamma + beta
    return jnp.maximum(h, 0.0)


def reference(x, edge_index, batch,
              W1_0, b1_0, W2_0, b2_0, gamma_0, beta_0,
              W1_1, b1_1, W2_1, b2_1, gamma_1, beta_1,
              W1_2, b1_2, W2_2, b2_2, gamma_2, beta_2,
              Wout, bout):
    src, dst = edge_index[0], edge_index[1]
    h = _gin_layer(x, src, dst, W1_0, b1_0, W2_0, b2_0, gamma_0, beta_0)
    h = _gin_layer(h, src, dst, W1_1, b1_1, W2_1, b2_1, gamma_1, beta_1)
    h = _gin_layer(h, src, dst, W1_2, b1_2, W2_2, b2_2, gamma_2, beta_2)
    # global_mean_pool over graph ids
    sums = jax.ops.segment_sum(h, batch, num_segments=NUM_GRAPHS)
    counts = jax.ops.segment_sum(jnp.ones((h.shape[0],), dtype=h.dtype), batch, num_segments=NUM_GRAPHS)
    pooled = sums / jnp.maximum(counts, 1.0)[:, None]
    return pooled @ Wout + bout

if __name__ == "__main__":
    import jax
    _d = setup_inputs()
    print(jax.jit(kernel)(*tuple(_d.values())))

</pallas_src>

<mosaic_0001>
#map = affine_map<(d0, d1) -> (0, 0)>
#map1 = affine_map<(d0, d1) -> (0, 0, 0)>
module attributes {stable_mosaic.version = 14 : i64} {
  func.func @sc_agg(%arg0: i32, %arg1: i32, %arg2: memref<40000x128xf32, #tpu.memory_space<hbm>>, %arg3: memref<8064x2x80xi32, #tpu.memory_space<hbm>>, %arg4: memref<40960x128xf32, #tpu.memory_space<hbm>>, %arg5: memref<2x2x80xi32, #tpu.memory_space<vmem>>, %arg6: memref<2x80x128xf32, #tpu.memory_space<vmem>>, %arg7: memref<128x128xf32, #tpu.memory_space<vmem>>, %arg8: memref<10240x128xf32, #tpu.memory_space<vmem_shared>>, %arg9: memref<!tpu.dma_semaphore, #tpu.memory_space<semaphore_mem>>, %arg10: memref<!tpu.dma_semaphore, #tpu.memory_space<semaphore_mem>>) attributes {dimension_semantics = [#tpu.dimension_semantics<core_parallel>, #tpu.dimension_semantics<subcore_parallel>], iteration_bounds = array<i64: 2, 16>, scalar_prefetch = 0 : i64, scratch_operands = 6 : i64, tpu.core_type = #tpu.core_type<sc_vector_subcore>, window_params = [{transform_indices = #map}, {transform_indices = #map1}, {transform_indices = #map}]} {
    %scan3A = arith.constant 0 : i32
    %scan3A_0 = arith.constant 0 : i32
    %scan3A_1 = arith.constant 128 : i32
    %scan3A_2 = arith.addi %scan3A_0, %scan3A_1 : i32
    %scan3A_3 = arith.constant 1 : i32
    scf.for %scan3A_136 = %scan3A_0 to %scan3A_2 step %scan3A_3  : i32 {
      %broadcast_in_dim3A = arith.constant 0.000000e+00 : f32
      %broadcast_in_dim3A_137 = vector.broadcast %broadcast_in_dim3A : f32 to vector<16xf32>
      %swap3A = arith.index_cast %scan3A_136 : i32 to index
      %swap3A_138 = arith.constant 0 : index
      %swap3A_139 = tpu.vector_load %arg7[%swap3A, %swap3A_138] {strides = array<i32>} : memref<128x128xf32, #tpu.memory_space<vmem>>, vector<1x16xf32>,
      %swap3A_140 = vector.shape_cast %swap3A_139 : vector<1x16xf32> to vector<16xf32>
      %swap3A_141 = vector.shape_cast %broadcast_in_dim3A_137 : vector<16xf32> to vector<1x16xf32>
      tpu.vector_store %arg7[%swap3A, %swap3A_138], %swap3A_141 {strides = array<i32>} : memref<128x128xf32, #tpu.memory_space<vmem>>, vector<1x16xf32>,
      %broadcast_in_dim3A_142 = arith.constant 0.000000e+00 : f32
      %broadcast_in_dim3A_143 = vector.broadcast %broadcast_in_dim3A_142 : f32 to vector<16xf32>
      %swap3A_144 = arith.index_cast %scan3A_136 : i32 to index
      %swap3A_145 = arith.constant 16 : index
      %swap3A_146 = tpu.vector_load %arg7[%swap3A_144, %swap3A_145] {strides = array<i32>} : memref<128x128xf32, #tpu.memory_space<vmem>>, vector<1x16xf32>,
      %swap3A_147 = vector.shape_cast %swap3A_146 : vector<1x16xf32> to vector<16xf32>
      %swap3A_148 = vector.shape_cast %broadcast_in_dim3A_143 : vector<16xf32> to vector<1x16xf32>
      tpu.vector_store %arg7[%swap3A_144, %swap3A_145], %swap3A_148 {strides = array<i32>} : memref<128x128xf32, #tpu.memory_space<vmem>>, vector<1x16xf32>,
      %broadcast_in_dim3A_149 = arith.constant 0.000000e+00 : f32
      %broadcast_in_dim3A_150 = vector.broadcast %broadcast_in_dim3A_149 : f32 to vector<16xf32>
      %swap3A_151 = arith.index_cast %scan3A_136 : i32 to index
      %swap3A_152 = arith.constant 32 : index
      %swap3A_153 = tpu.vector_load %arg7[%swap3A_151, %swap3A_152] {strides = array<i32>} : memref<128x128xf32, #tpu.memory_space<vmem>>, vector<1x16xf32>,
      %swap3A_154 = vector.shape_cast %swap3A_153 : vector<1x16xf32> to vector<16xf32>
      %swap3A_155 = vector.shape_cast %broadcast_in_dim3A_150 : vector<16xf32> to vector<1x16xf32>
      tpu.vector_store %arg7[%swap3A_151, %swap3A_152], %swap3A_155 {strides = array<i32>} : memref<128x128xf32, #tpu.memory_space<vmem>>, vector<1x16xf32>,
      %broadcast_in_dim3A_156 = arith.constant 0.000000e+00 : f32
      %broadcast_in_dim3A_157 = vector.broadcast %broadcast_in_dim3A_156 : f32 to vector<16xf32>
      %swap3A_158 = arith.index_cast %scan3A_136 : i32 to index
      %swap3A_159 = arith.constant 48 : index
      %swap3A_160 = tpu.vector_load %arg7[%swap3A_158, %swap3A_159] {strides = array<i32>} : memref<128x128xf32, #tpu.memory_space<vmem>>, vector<1x16xf32>,
      %swap3A_161 = vector.shape_cast %swap3A_160 : vector<1x16xf32> to vector<16xf32>
      %swap3A_162 = vector.shape_cast %broadcast_in_dim3A_157 : vector<16xf32> to vector<1x16xf32>
      tpu.vector_store %arg7[%swap3A_158, %swap3A_159], %swap3A_162 {strides = array<i32>} : memref<128x128xf32, #tpu.memory_space<vmem>>, vector<1x16xf32>,
      %broadcast_in_dim3A_163 = arith.constant 0.000000e+00 : f32
      %broadcast_in_dim3A_164 = vector.broadcast %broadcast_in_dim3A_163 : f32 to vector<16xf32>
      %swap3A_165 = arith.index_cast %scan3A_136 : i32 to index
      %swap3A_166 = arith.constant 64 : index
      %swap3A_167 = tpu.vector_load %arg7[%swap3A_165, %swap3A_166] {strides = array<i32>} : memref<128x128xf32, #tpu.memory_space<vmem>>, vector<1x16xf32>,
      %swap3A_168 = vector.shape_cast %swap3A_167 : vector<1x16xf32> to vector<16xf32>
      %swap3A_169 = vector.shape_cast %broadcast_in_dim3A_164 : vector<16xf32> to vector<1x16xf32>
      tpu.vector_store %arg7[%swap3A_165, %swap3A_166], %swap3A_169 {strides = array<i32>} : memref<128x128xf32, #tpu.memory_space<vmem>>, vector<1x16xf32>,
      %broadcast_in_dim3A_170 = arith.constant 0.000000e+00 : f32
      %broadcast_in_dim3A_171 = vector.broadcast %broadcast_in_dim3A_170 : f32 to vector<16xf32>
      %swap3A_172 = arith.index_cast %scan3A_136 : i32 to index
      %swap3A_173 = arith.constant 80 : index
      %swap3A_174 = tpu.vector_load %arg7[%swap3A_172, %swap3A_173] {strides = array<i32>} : memref<128x128xf32, #tpu.memory_space<vmem>>, vector<1x16xf32>,
      %swap3A_175 = vector.shape_cast %swap3A_174 : vector<1x16xf32> to vector<16xf32>
      %swap3A_176 = vector.shape_cast %broadcast_in_dim3A_171 : vector<16xf32> to vector<1x16xf32>
      tpu.vector_store %arg7[%swap3A_172, %swap3A_173], %swap3A_176 {strides = array<i32>} : memref<128x128xf32, #tpu.memory_space<vmem>>, vector<1x16xf32>,
      %broadcast_in_dim3A_177 = arith.constant 0.000000e+00 : f32
      %broadcast_in_dim3A_178 = vector.broadcast %broadcast_in_dim3A_177 : f32 to vector<16xf32>
      %swap3A_179 = arith.index_cast %scan3A_136 : i32 to index
      %swap3A_180 = arith.constant 96 : index
      %swap3A_181 = tpu.vector_load %arg7[%swap3A_179, %swap3A_180] {strides = array<i32>} : memref<128x128xf32, #tpu.memory_space<vmem>>, vector<1x16xf32>,
      %swap3A_182 = vector.shape_cast %swap3A_181 : vector<1x16xf32> to vector<16xf32>
      %swap3A_183 = vector.shape_cast %broadcast_in_dim3A_178 : vector<16xf32> to vector<1x16xf32>
      tpu.vector_store %arg7[%swap3A_179, %swap3A_180], %swap3A_183 {strides = array<i32>} : memref<128x128xf32, #tpu.memory_space<vmem>>, vector<1x16xf32>,
      %broadcast_in_dim3A_184 = arith.constant 0.000000e+00 : f32
      %broadcast_in_dim3A_185 = vector.broadcast %broadcast_in_dim3A_184 : f32 to vector<16xf32>
      %swap3A_186 = arith.index_cast %scan3A_136 : i32 to index
      %swap3A_187 = arith.constant 112 : index
      %swap3A_188 = tpu.vector_load %arg7[%swap3A_186, %swap3A_187] {strides = array<i32>} : memref<128x128xf32, #tpu.memory_space<vmem>>, vector<1x16xf32>,
      %swap3A_189 = vector.shape_cast %swap3A_188 : vector<1x16xf32> to vector<16xf32>
      %swap3A_190 = vector.shape_cast %broadcast_in_dim3A_185 : vector<16xf32> to vector<1x16xf32>
      tpu.vector_store %arg7[%swap3A_186, %swap3A_187], %swap3A_190 {strides = array<i32>} : memref<128x128xf32, #tpu.memory_space<vmem>>, vector<1x16xf32>,
    }
    %scan3A_4 = arith.constant 128 : i32
    %mul3A = arith.constant 2 : i32
    %mul3A_5 = arith.muli %arg0, %mul3A : i32
    %add3A = arith.constant 0 : i32
    %add3A_6 = arith.addi %mul3A_5, %add3A : i32
    %mul3A_7 = arith.constant 640 : i32
    %mul3A_8 = arith.muli %arg1, %mul3A_7 : i32
    %add3A_9 = arith.constant 0 : i32
    %add3A_10 = arith.addi %mul3A_8, %add3A_9 : i32
    "tpu.region"() ({
      %run_scoped3A_136 = tpu.sem_alloc : memref<!tpu.dma_semaphore, #tpu.memory_space<semaphore_mem>>
      %dma_start3A_137 = arith.constant 0 : i32
      %dma_start3A_138 = tpu.memref_slice %arg8[%add3A_10, %dma_start3A_137] : memref<10240x128xf32, #tpu.memory_space<vmem_shared>> -> memref<128x128xf32, #tpu.memory_space<vmem_shared>>
      %dma_start3A_139 = arith.constant 0 : i32
      %dma_start3A_140 = tpu.memref_slice %arg8[%add3A_10, %dma_start3A_139] : memref<10240x128xf32, #tpu.memory_space<vmem_shared>> -> memref<128x128xf32, #tpu.memory_space<vmem_shared>>
      tpu.enqueue_dma source(%arg7 : memref<128x128xf32, #tpu.memory_space<vmem>>) target(%dma_start3A_140 : memref<128x128xf32, #tpu.memory_space<vmem_shared>>) target_semaphore(%run_scoped3A_136 : memref<!tpu.dma_semaphore, #tpu.memory_space<semaphore_mem>>)
      %dma_wait3A = arith.constant 0 : i32
      %dma_wait3A_141 = tpu.memref_slice %arg8[%add3A_10, %dma_wait3A] : memref<10240x128xf32, #tpu.memory_space<vmem_shared>> -> memref<128x128xf32, #tpu.memory_space<vmem_shared>>
      %dma_wait3A_142 = arith.constant 0 : i32
      %dma_wait3A_143 = tpu.memref_slice %arg8[%add3A_10, %dma_wait3A_142] : memref<10240x128xf32, #tpu.memory_space<vmem_shared>> -> memref<128x128xf32, #tpu.memory_space<vmem_shared>>
      tpu.wait_dma2 semaphore(%run_scoped3A_136 : memref<!tpu.dma_semaphore, #tpu.memory_space<semaphore_mem>>) src(%arg7 : memref<128x128xf32, #tpu.memory_space<vmem>>) dst(%dma_wait3A_143 : memref<128x128xf32, #tpu.memory_space<vmem_shared>>)
      tpu.yield
    }) : () -> ()
    %mul3A_11 = arith.constant 640 : i32
    %mul3A_12 = arith.muli %arg1, %mul3A_11 : i32
    %add3A_13 = arith.constant 128 : i32
    %add3A_14 = arith.addi %mul3A_12, %add3A_13 : i32
    "tpu.region"() ({
      %run_scoped3A_136 = tpu.sem_alloc : memref<!tpu.dma_semaphore, #tpu.memory_space<semaphore_mem>>
      %dma_start3A_137 = arith.constant 0 : i32
      %dma_start3A_138 = tpu.memref_slice %arg8[%add3A_14, %dma_start3A_137] : memref<10240x128xf32, #tpu.memory_space<vmem_shared>> -> memref<128x128xf32, #tpu.memory_space<vmem_shared>>
      %dma_start3A_139 = arith.constant 0 : i32
      %dma_start3A_140 = tpu.memref_slice %arg8[%add3A_14, %dma_start3A_139] : memref<10240x128xf32, #tpu.memory_space<vmem_shared>> -> memref<128x128xf32, #tpu.memory_space<vmem_shared>>
      tpu.enqueue_dma source(%arg7 : memref<128x128xf32, #tpu.memory_space<vmem>>) target(%dma_start3A_140 : memref<128x128xf32, #tpu.memory_space<vmem_shared>>) target_semaphore(%run_scoped3A_136 : memref<!tpu.dma_semaphore, #tpu.memory_space<semaphore_mem>>)
      %dma_wait3A = arith.constant 0 : i32
      %dma_wait3A_141 = tpu.memref_slice %arg8[%add3A_14, %dma_wait3A] : memref<10240x128xf32, #tpu.memory_space<vmem_shared>> -> memref<128x128xf32, #tpu.memory_space<vmem_shared>>
      %dma_wait3A_142 = arith.constant 0 : i32
      %dma_wait3A_143 = tpu.memref_slice %arg8[%add3A_14, %dma_wait3A_142] : memref<10240x128xf32, #tpu.memory_space<vmem_shared>> -> memref<128x128xf32, #tpu.memory_space<vmem_shared>>
      tpu.wait_dma2 semaphore(%run_scoped3A_136 : memref<!tpu.dma_semaphore, #tpu.memory_space<semaphore_mem>>) src(%arg7 : memref<128x128xf32, #tpu.memory_space<vmem>>) dst(%dma_wait3A_143 : memref<128x128xf32, #tpu.memory_space<vmem_shared>>)
      tpu.yield
    }) : () -> ()
    %mul3A_15 = arith.constant 640 : i32
    %mul3A_16 = arith.muli %arg1, %mul3A_15 : i32
    %add3A_17 = arith.constant 256 : i32
    %add3A_18 = arith.addi %mul3A_16, %add3A_17 : i32
    "tpu.region"() ({
      %run_scoped3A_136 = tpu.sem_alloc : memref<!tpu.dma_semaphore, #tpu.memory_space<semaphore_mem>>
      %dma_start3A_137 = arith.constant 0 : i32
      %dma_start3A_138 = tpu.memref_slice %arg8[%add3A_18, %dma_start3A_137] : memref<10240x128xf32, #tpu.memory_space<vmem_shared>> -> memref<128x128xf32, #tpu.memory_space<vmem_shared>>
      %dma_start3A_139 = arith.constant 0 : i32
      %dma_start3A_140 = tpu.memref_slice %arg8[%add3A_18, %dma_start3A_139] : memref<10240x128xf32, #tpu.memory_space<vmem_shared>> -> memref<128x128xf32, #tpu.memory_space<vmem_shared>>
      tpu.enqueue_dma source(%arg7 : memref<128x128xf32, #tpu.memory_space<vmem>>) target(%dma_start3A_140 : memref<128x128xf32, #tpu.memory_space<vmem_shared>>) target_semaphore(%run_scoped3A_136 : memref<!tpu.dma_semaphore, #tpu.memory_space<semaphore_mem>>)
      %dma_wait3A = arith.constant 0 : i32
      %dma_wait3A_141 = tpu.memref_slice %arg8[%add3A_18, %dma_wait3A] : memref<10240x128xf32, #tpu.memory_space<vmem_shared>> -> memref<128x128xf32, #tpu.memory_space<vmem_shared>>
      %dma_wait3A_142 = arith.constant 0 : i32
      %dma_wait3A_143 = tpu.memref_slice %arg8[%add3A_18, %dma_wait3A_142] : memref<10240x128xf32, #tpu.memory_space<vmem_shared>> -> memref<128x128xf32, #tpu.memory_space<vmem_shared>>
      tpu.wait_dma2 semaphore(%run_scoped3A_136 : memref<!tpu.dma_semaphore, #tpu.memory_space<semaphore_mem>>) src(%arg7 : memref<128x128xf32, #tpu.memory_space<vmem>>) dst(%dma_wait3A_143 : memref<128x128xf32, #tpu.memory_space<vmem_shared>>)
      tpu.yield
    }) : () -> ()
    %mul3A_19 = arith.constant 640 : i32
    %mul3A_20 = arith.muli %arg1, %mul3A_19 : i32
    %add3A_21 = arith.constant 384 : i32
    %add3A_22 = arith.addi %mul3A_20, %add3A_21 : i32
    "tpu.region"() ({
      %run_scoped3A_136 = tpu.sem_alloc : memref<!tpu.dma_semaphore, #tpu.memory_space<semaphore_mem>>
      %dma_start3A_137 = arith.constant 0 : i32
      %dma_start3A_138 = tpu.memref_slice %arg8[%add3A_22, %dma_start3A_137] : memref<10240x128xf32, #tpu.memory_space<vmem_shared>> -> memref<128x128xf32, #tpu.memory_space<vmem_shared>>
      %dma_start3A_139 = arith.constant 0 : i32
      %dma_start3A_140 = tpu.memref_slice %arg8[%add3A_22, %dma_start3A_139] : memref<10240x128xf32, #tpu.memory_space<vmem_shared>> -> memref<128x128xf32, #tpu.memory_space<vmem_shared>>
      tpu.enqueue_dma source(%arg7 : memref<128x128xf32, #tpu.memory_space<vmem>>) target(%dma_start3A_140 : memref<128x128xf32, #tpu.memory_space<vmem_shared>>) target_semaphore(%run_scoped3A_136 : memref<!tpu.dma_semaphore, #tpu.memory_space<semaphore_mem>>)
      %dma_wait3A = arith.constant 0 : i32
      %dma_wait3A_141 = tpu.memref_slice %arg8[%add3A_22, %dma_wait3A] : memref<10240x128xf32, #tpu.memory_space<vmem_shared>> -> memref<128x128xf32, #tpu.memory_space<vmem_shared>>
      %dma_wait3A_142 = arith.constant 0 : i32
      %dma_wait3A_143 = tpu.memref_slice %arg8[%add3A_22, %dma_wait3A_142] : memref<10240x128xf32, #tpu.memory_space<vmem_shared>> -> memref<128x128xf32, #tpu.memory_space<vmem_shared>>
      tpu.wait_dma2 semaphore(%run_scoped3A_136 : memref<!tpu.dma_semaphore, #tpu.memory_space<semaphore_mem>>) src(%arg7 : memref<128x128xf32, #tpu.memory_space<vmem>>) dst(%dma_wait3A_143 : memref<128x128xf32, #tpu.memory_space<vmem_shared>>)
      tpu.yield
    }) : () -> ()
    %mul3A_23 = arith.constant 640 : i32
    %mul3A_24 = arith.muli %arg1, %mul3A_23 : i32
    %add3A_25 = arith.constant 512 : i32
    %add3A_26 = arith.addi %mul3A_24, %add3A_25 : i32
    "tpu.region"() ({
      %run_scoped3A_136 = tpu.sem_alloc : memref<!tpu.dma_semaphore, #tpu.memory_space<semaphore_mem>>
      %dma_start3A_137 = arith.constant 0 : i32
      %dma_start3A_138 = tpu.memref_slice %arg8[%add3A_26, %dma_start3A_137] : memref<10240x128xf32, #tpu.memory_space<vmem_shared>> -> memref<128x128xf32, #tpu.memory_space<vmem_shared>>
      %dma_start3A_139 = arith.constant 0 : i32
      %dma_start3A_140 = tpu.memref_slice %arg8[%add3A_26, %dma_start3A_139] : memref<10240x128xf32, #tpu.memory_space<vmem_shared>> -> memref<128x128xf32, #tpu.memory_space<vmem_shared>>
      tpu.enqueue_dma source(%arg7 : memref<128x128xf32, #tpu.memory_space<vmem>>) target(%dma_start3A_140 : memref<128x128xf32, #tpu.memory_space<vmem_shared>>) target_semaphore(%run_scoped3A_136 : memref<!tpu.dma_semaphore, #tpu.memory_space<semaphore_mem>>)
      %dma_wait3A = arith.constant 0 : i32
      %dma_wait3A_141 = tpu.memref_slice %arg8[%add3A_26, %dma_wait3A] : memref<10240x128xf32, #tpu.memory_space<vmem_shared>> -> memref<128x128xf32, #tpu.memory_space<vmem_shared>>
      %dma_wait3A_142 = arith.constant 0 : i32
      %dma_wait3A_143 = tpu.memref_slice %arg8[%add3A_26, %dma_wait3A_142] : memref<10240x128xf32, #tpu.memory_space<vmem_shared>> -> memref<128x128xf32, #tpu.memory_space<vmem_shared>>
      tpu.wait_dma2 semaphore(%run_scoped3A_136 : memref<!tpu.dma_semaphore, #tpu.memory_space<semaphore_mem>>) src(%arg7 : memref<128x128xf32, #tpu.memory_space<vmem>>) dst(%dma_wait3A_143 : memref<128x128xf32, #tpu.memory_space<vmem_shared>>)
      tpu.yield
    }) : () -> ()
    %mul3A_27 = arith.constant 2016 : i32
    %mul3A_28 = arith.muli %add3A_6, %mul3A_27 : i32
    %mul3A_29 = arith.constant 126 : i32
    %mul3A_30 = arith.muli %arg1, %mul3A_29 : i32
    %add3A_31 = arith.addi %mul3A_28, %mul3A_30 : i32
    %add3A_32 = arith.constant 0 : i32
    %add3A_33 = arith.addi %add3A_31, %add3A_32 : i32
    %run_scoped3A = arith.constant 0 : i32
    "tpu.region"() ({
      %run_scoped3A_136 = tpu.sem_alloc : memref<!tpu.dma_semaphore, #tpu.memory_space<semaphore_mem>>
      %dma_start3A_137 = arith.constant 0 : i32
      %dma_start3A_138 = arith.constant 0 : i32
      %dma_start3A_139 = tpu.memref_slice %arg5[%run_scoped3A, %dma_start3A_137, %dma_start3A_138] : memref<2x2x80xi32, #tpu.memory_space<vmem>> -> memref<1x2x80xi32, #tpu.memory_space<vmem>>
      %dma_start3A_140 = tpu.memref_squeeze %dma_start3A_139 : memref<1x2x80xi32, #tpu.memory_space<vmem>> -> memref<2x80xi32, #tpu.memory_space<vmem>>
      %dma_start3A_141 = arith.constant 0 : i32
      %dma_start3A_142 = arith.constant 0 : i32
      %dma_start3A_143 = tpu.memref_slice %arg3[%add3A_33, %dma_start3A_141, %dma_start3A_142] : memref<8064x2x80xi32, #tpu.memory_space<hbm>> -> memref<1x2x80xi32, #tpu.memory_space<hbm>>
      %dma_start3A_144 = tpu.memref_squeeze %dma_start3A_143 : memref<1x2x80xi32, #tpu.memory_space<hbm>> -> memref<2x80xi32, #tpu.memory_space<hbm>>
      %dma_start3A_145 = arith.constant 0 : i32
      %dma_start3A_146 = arith.constant 0 : i32
      %dma_start3A_147 = tpu.memref_slice %arg5[%run_scoped3A, %dma_start3A_145, %dma_start3A_146] : memref<2x2x80xi32, #tpu.memory_space<vmem>> -> memref<1x2x80xi32, #tpu.memory_space<vmem>>
      %dma_start3A_148 = tpu.memref_squeeze %dma_start3A_147 : memref<1x2x80xi32, #tpu.memory_space<vmem>> -> memref<2x80xi32, #tpu.memory_space<vmem>>
      %dma_start3A_149 = arith.constant 0 : i32
      %dma_start3A_150 = arith.constant 0 : i32
      %dma_start3A_151 = tpu.memref_slice %arg3[%add3A_33, %dma_start3A_149, %dma_start3A_150] : memref<8064x2x80xi32, #tpu.memory_space<hbm>> -> memref<1x2x80xi32, #tpu.memory_space<hbm>>
      %dma_start3A_152 = tpu.memref_squeeze %dma_start3A_151 : memref<1x2x80xi32, #tpu.memory_space<hbm>> -> memref<2x80xi32, #tpu.memory_space<hbm>>
      tpu.enqueue_dma source(%dma_start3A_152 : memref<2x80xi32, #tpu.memory_space<hbm>>) target(%dma_start3A_148 : memref<2x80xi32, #tpu.memory_space<vmem>>) target_semaphore(%run_scoped3A_136 : memref<!tpu.dma_semaphore, #tpu.memory_space<semaphore_mem>>)
      %dma_wait3A = arith.constant 0 : i32
      %dma_wait3A_153 = arith.constant 0 : i32
      %dma_wait3A_154 = tpu.memref_slice %arg5[%run_scoped3A, %dma_wait3A, %dma_wait3A_153] : memref<2x2x80xi32, #tpu.memory_space<vmem>> -> memref<1x2x80xi32, #tpu.memory_space<vmem>>
      %dma_wait3A_155 = tpu.memref_squeeze %dma_wait3A_154 : memref<1x2x80xi32, #tpu.memory_space<vmem>> -> memref<2x80xi32, #tpu.memory_space<vmem>>
      %dma_wait3A_156 = arith.constant 0 : i32
      %dma_wait3A_157 = arith.constant 0 : i32
      %dma_wait3A_158 = tpu.memref_slice %arg3[%add3A_33, %dma_wait3A_156, %dma_wait3A_157] : memref<8064x2x80xi32, #tpu.memory_space<hbm>> -> memref<1x2x80xi32, #tpu.memory_space<hbm>>
      %dma_wait3A_159 = tpu.memref_squeeze %dma_wait3A_158 : memref<1x2x80xi32, #tpu.memory_space<hbm>> -> memref<2x80xi32, #tpu.memory_space<hbm>>
      %dma_wait3A_160 = arith.constant 0 : i32
      %dma_wait3A_161 = arith.constant 0 : i32
      %dma_wait3A_162 = tpu.memref_slice %arg5[%run_scoped3A, %dma_wait3A_160, %dma_wait3A_161] : memref<2x2x80xi32, #tpu.memory_space<vmem>> -> memref<1x2x80xi32, #tpu.memory_space<vmem>>
      %dma_wait3A_163 = tpu.memref_squeeze %dma_wait3A_162 : memref<1x2x80xi32, #tpu.memory_space<vmem>> -> memref<2x80xi32, #tpu.memory_space<vmem>>
      %dma_wait3A_164 = arith.constant 0 : i32
      %dma_wait3A_165 = arith.constant 0 : i32
      %dma_wait3A_166 = tpu.memref_slice %arg3[%add3A_33, %dma_wait3A_164, %dma_wait3A_165] : memref<8064x2x80xi32, #tpu.memory_space<hbm>> -> memref<1x2x80xi32, #tpu.memory_space<hbm>>
      %dma_wait3A_167 = tpu.memref_squeeze %dma_wait3A_166 : memref<1x2x80xi32, #tpu.memory_space<hbm>> -> memref<2x80xi32, #tpu.memory_space<hbm>>
      tpu.wait_dma2 semaphore(%run_scoped3A_136 : memref<!tpu.dma_semaphore, #tpu.memory_space<semaphore_mem>>) src(%dma_wait3A_167 : memref<2x80xi32, #tpu.memory_space<hbm>>) dst(%dma_wait3A_163 : memref<2x80xi32, #tpu.memory_space<vmem>>)
      tpu.yield
    }) : () -> ()
    %dma_start3A = arith.constant 0 : i32
    %dma_start3A_34 = arith.constant 0 : i32
    %dma_start3A_35 = arith.constant 0 : i32
    %dma_start3A_36 = arith.constant 0 : i32
    %dma_start3A_37 = arith.constant 0 : i32
    %dma_start3A_38 = tpu.memref_slice %arg6[%dma_start3A_35, %dma_start3A_36, %dma_start3A_37] : memref<2x80x128xf32, #tpu.memory_space<vmem>> -> memref<1x80x128xf32, #tpu.memory_space<vmem>>
    %dma_start3A_39 = tpu.memref_squeeze %dma_start3A_38 : memref<1x80x128xf32, #tpu.memory_space<vmem>> -> memref<80x128xf32, #tpu.memory_space<vmem>>
    %dma_start3A_40 = arith.constant 0 : i32
    %dma_start3A_41 = tpu.memref_slice %arg5[%dma_start3A, %dma_start3A_34, %dma_start3A_40] : memref<2x2x80xi32, #tpu.memory_space<vmem>> -> memref<1x1x80xi32, #tpu.memory_space<vmem>>
    %dma_start3A_42 = tpu.memref_squeeze %dma_start3A_41 : memref<1x1x80xi32, #tpu.memory_space<vmem>> -> memref<80xi32, #tpu.memory_space<vmem>>
    %dma_start3A_43 = arith.constant 0 : i32
    %dma_start3A_44 = arith.constant 0 : i32
    %dma_start3A_45 = tpu.memref_slice %arg2[%dma_start3A_43, %dma_start3A_44] : memref<40000x128xf32, #tpu.memory_space<hbm>> -> memref<40000x128xf32, #tpu.memory_space<hbm>>
    tpu.enqueue_indirect_dma source(%dma_start3A_45 : memref<40000x128xf32, #tpu.memory_space<hbm>>) target(%dma_start3A_39 : memref<80x128xf32, #tpu.memory_space<vmem>>) offsets(%dma_start3A_42 : memref<80xi32, #tpu.memory_space<vmem>>) semaphore(%arg9 : memref<!tpu.dma_semaphore, #tpu.memory_space<semaphore_mem>>)
    %mul3A_46 = arith.constant 2016 : i32
    %mul3A_47 = arith.muli %add3A_6, %mul3A_46 : i32
    %mul3A_48 = arith.constant 126 : i32
    %mul3A_49 = arith.muli %arg1, %mul3A_48 : i32
    %add3A_50 = arith.addi %mul3A_47, %mul3A_49 : i32
    %add3A_51 = arith.constant 1 : i32
    %add3A_52 = arith.addi %add3A_50, %add3A_51 : i32
    %run_scoped3A_53 = arith.constant 1 : i32
    "tpu.region"() ({
      %run_scoped3A_136 = tpu.sem_alloc : memref<!tpu.dma_semaphore, #tpu.memory_space<semaphore_mem>>
      %dma_start3A_137 = arith.constant 0 : i32
      %dma_start3A_138 = arith.constant 0 : i32
      %dma_start3A_139 = tpu.memref_slice %arg5[%run_scoped3A_53, %dma_start3A_137, %dma_start3A_138] : memref<2x2x80xi32, #tpu.memory_space<vmem>> -> memref<1x2x80xi32, #tpu.memory_space<vmem>>
      %dma_start3A_140 = tpu.memref_squeeze %dma_start3A_139 : memref<1x2x80xi32, #tpu.memory_space<vmem>> -> memref<2x80xi32, #tpu.memory_space<vmem>>
      %dma_start3A_141 = arith.constant 0 : i32
      %dma_start3A_142 = arith.constant 0 : i32
      %dma_start3A_143 = tpu.memref_slice %arg3[%add3A_52, %dma_start3A_141, %dma_start3A_142] : memref<8064x2x80xi32, #tpu.memory_space<hbm>> -> memref<1x2x80xi32, #tpu.memory_space<hbm>>
      %dma_start3A_144 = tpu.memref_squeeze %dma_start3A_143 : memref<1x2x80xi32, #tpu.memory_space<hbm>> -> memref<2x80xi32, #tpu.memory_space<hbm>>
      %dma_start3A_145 = arith.constant 0 : i32
      %dma_start3A_146 = arith.constant 0 : i32
      %dma_start3A_147 = tpu.memref_slice %arg5[%run_scoped3A_53, %dma_start3A_145, %dma_start3A_146] : memref<2x2x80xi32, #tpu.memory_space<vmem>> -> memref<1x2x80xi32, #tpu.memory_space<vmem>>
      %dma_start3A_148 = tpu.memref_squeeze %dma_start3A_147 : memref<1x2x80xi32, #tpu.memory_space<vmem>> -> memref<2x80xi32, #tpu.memory_space<vmem>>
      %dma_start3A_149 = arith.constant 0 : i32
      %dma_start3A_150 = arith.constant 0 : i32
      %dma_start3A_151 = tpu.memref_slice %arg3[%add3A_52, %dma_start3A_149, %dma_start3A_150] : memref<8064x2x80xi32, #tpu.memory_space<hbm>> -> memref<1x2x80xi32, #tpu.memory_space<hbm>>
      %dma_start3A_152 = tpu.memref_squeeze %dma_start3A_151 : memref<1x2x80xi32, #tpu.memory_space<hbm>> -> memref<2x80xi32, #tpu.memory_space<hbm>>
      tpu.enqueue_dma source(%dma_start3A_152 : memref<2x80xi32, #tpu.memory_space<hbm>>) target(%dma_start3A_148 : memref<2x80xi32, #tpu.memory_space<vmem>>) target_semaphore(%run_scoped3A_136 : memref<!tpu.dma_semaphore, #tpu.memory_space<semaphore_mem>>)
      %dma_wait3A = arith.constant 0 : i32
      %dma_wait3A_153 = arith.constant 0 : i32
      %dma_wait3A_154 = tpu.memref_slice %arg5[%run_scoped3A_53, %dma_wait3A, %dma_wait3A_153] : memref<2x2x80xi32, #tpu.memory_space<vmem>> -> memref<1x2x80xi32, #tpu.memory_space<vmem>>
      %dma_wait3A_155 = tpu.memref_squeeze %dma_wait3A_154 : memref<1x2x80xi32, #tpu.memory_space<vmem>> -> memref<2x80xi32, #tpu.memory_space<vmem>>
      %dma_wait3A_156 = arith.constant 0 : i32
      %dma_wait3A_157 = arith.constant 0 : i32
      %dma_wait3A_158 = tpu.memref_slice %arg3[%add3A_52, %dma_wait3A_156, %dma_wait3A_157] : memref<8064x2x80xi32, #tpu.memory_space<hbm>> -> memref<1x2x80xi32, #tpu.memory_space<hbm>>
      %dma_wait3A_159 = tpu.memref_squeeze %dma_wait3A_158 : memref<1x2x80xi32, #tpu.memory_space<hbm>> -> memref<2x80xi32, #tpu.memory_space<hbm>>
      %dma_wait3A_160 = arith.constant 0 : i32
      %dma_wait3A_161 = arith.constant 0 : i32
      %dma_wait3A_162 = tpu.memref_slice %arg5[%run_scoped3A_53, %dma_wait3A_160, %dma_wait3A_161] : memref<2x2x80xi32, #tpu.memory_space<vmem>> -> memref<1x2x80xi32, #tpu.memory_space<vmem>>
      %dma_wait3A_163 = tpu.memref_squeeze %dma_wait3A_162 : memref<1x2x80xi32, #tpu.memory_space<vmem>> -> memref<2x80xi32, #tpu.memory_space<vmem>>
      %dma_wait3A_164 = arith.constant 0 : i32
      %dma_wait3A_165 = arith.constant 0 : i32
      %dma_wait3A_166 = tpu.memref_slice %arg3[%add3A_52, %dma_wait3A_164, %dma_wait3A_165] : memref<8064x2x80xi32, #tpu.memory_space<hbm>> -> memref<1x2x80xi32, #tpu.memory_space<hbm>>
      %dma_wait3A_167 = tpu.memref_squeeze %dma_wait3A_166 : memref<1x2x80xi32, #tpu.memory_space<hbm>> -> memref<2x80xi32, #tpu.memory_space<hbm>>
      tpu.wait_dma2 semaphore(%run_scoped3A_136 : memref<!tpu.dma_semaphore, #tpu.memory_space<semaphore_mem>>) src(%dma_wait3A_167 : memref<2x80xi32, #tpu.memory_space<hbm>>) dst(%dma_wait3A_163 : memref<2x80xi32, #tpu.memory_space<vmem>>)
      tpu.yield
    }) : () -> ()
    %barrier3A = arith.constant 0 : index
    tpu.barrier barrier_id(%barrier3A)
    %scan3A_54 = arith.constant 0 : i32
    %scan3A_55 = arith.constant 0 : i32
    %scan3A_56 = arith.constant 63 : i32
    %scan3A_57 = arith.addi %scan3A_55, %scan3A_56 : i32
    %scan3A_58 = arith.constant 1 : i32
    scf.for %scan3A_136 = %scan3A_55 to %scan3A_57 step %scan3A_58  : i32 {
      %mul3A_137 = arith.constant 2 : i32
      %mul3A_138 = arith.muli %mul3A_137, %scan3A_136 : i32
      %add3A_139 = arith.constant 0 : i32
      %add3A_140 = arith.addi %mul3A_138, %add3A_139 : i32
      %dma_wait3A = arith.constant 0 : i32
      %dma_wait3A_141 = arith.constant 0 : i32
      %dma_wait3A_142 = arith.constant 0 : i32
      %dma_wait3A_143 = arith.constant 0 : i32
      %dma_wait3A_144 = arith.constant 0 : i32
      %dma_wait3A_145 = tpu.memref_slice %arg6[%dma_wait3A_142, %dma_wait3A_143, %dma_wait3A_144] : memref<2x80x128xf32, #tpu.memory_space<vmem>> -> memref<1x80x128xf32, #tpu.memory_space<vmem>>
      %dma_wait3A_146 = tpu.memref_squeeze %dma_wait3A_145 : memref<1x80x128xf32, #tpu.memory_space<vmem>> -> memref<80x128xf32, #tpu.memory_space<vmem>>
      %dma_wait3A_147 = arith.constant 0 : i32
      %dma_wait3A_148 = tpu.memref_slice %arg5[%dma_wait3A, %dma_wait3A_141, %dma_wait3A_147] : memref<2x2x80xi32, #tpu.memory_space<vmem>> -> memref<1x1x80xi32, #tpu.memory_space<vmem>>
      %dma_wait3A_149 = tpu.memref_squeeze %dma_wait3A_148 : memref<1x1x80xi32, #tpu.memory_space<vmem>> -> memref<80xi32, #tpu.memory_space<vmem>>
      %dma_wait3A_150 = arith.constant 0 : i32
      %dma_wait3A_151 = arith.constant 0 : i32
      %dma_wait3A_152 = tpu.memref_slice %arg2[%dma_wait3A_150, %dma_wait3A_151] : memref<40000x128xf32, #tpu.memory_space<hbm>> -> memref<40000x128xf32, #tpu.memory_space<hbm>>
      tpu.wait_indirect_dma semaphore(%arg9 : memref<!tpu.dma_semaphore, #tpu.memory_space<semaphore_mem>>) src(%dma_wait3A_152 : memref<40000x128xf32, #tpu.memory_space<hbm>>) dst(%dma_wait3A_146 : memref<80x128xf32, #tpu.memory_space<vmem>>)
      %add3A_153 = arith.constant 1 : i32
      %add3A_154 = arith.addi %add3A_140, %add3A_153 : i32
      %lt3A = arith.constant 126 : i32
      %lt3A_155 = arith.cmpi slt, %add3A_154, %lt3A : i32
      %convert_element_type3A = arith.extui %lt3A_155 : i1 to i32
      %cond3A = arith.constant 0 : i32
      %cond3A_156 = arith.cmpi ne, %convert_element_type3A, %cond3A : i32
      scf.if %cond3A_156 {
        %dma_start3A_201 = arith.constant 1 : i32
        %dma_start3A_202 = arith.constant 0 : i32
        %dma_start3A_203 = arith.constant 1 : i32
        %dma_start3A_204 = arith.constant 0 : i32
        %dma_start3A_205 = arith.constant 0 : i32
        %dma_start3A_206 = tpu.memref_slice %arg6[%dma_start3A_203, %dma_start3A_204, %dma_start3A_205] : memref<2x80x128xf32, #tpu.memory_space<vmem>> -> memref<1x80x128xf32, #tpu.memory_space<vmem>>
        %dma_start3A_207 = tpu.memref_squeeze %dma_start3A_206 : memref<1x80x128xf32, #tpu.memory_space<vmem>> -> memref<80x128xf32, #tpu.memory_space<vmem>>
        %dma_start3A_208 = arith.constant 0 : i32
        %dma_start3A_209 = tpu.memref_slice %arg5[%dma_start3A_201, %dma_start3A_202, %dma_start3A_208] : memref<2x2x80xi32, #tpu.memory_space<vmem>> -> memref<1x1x80xi32, #tpu.memory_space<vmem>>
        %dma_start3A_210 = tpu.memref_squeeze %dma_start3A_209 : memref<1x1x80xi32, #tpu.memory_space<vmem>> -> memref<80xi32, #tpu.memory_space<vmem>>
        %dma_start3A_211 = arith.constant 0 : i32
        %dma_start3A_212 = arith.constant 0 : i32
        %dma_start3A_213 = tpu.memref_slice %arg2[%dma_start3A_211, %dma_start3A_212] : memref<40000x128xf32, #tpu.memory_space<hbm>> -> memref<40000x128xf32, #tpu.memory_space<hbm>>
        tpu.enqueue_indirect_dma source(%dma_start3A_213 : memref<40000x128xf32, #tpu.memory_space<hbm>>) target(%dma_start3A_207 : memref<80x128xf32, #tpu.memory_space<vmem>>) offsets(%dma_start3A_210 : memref<80xi32, #tpu.memory_space<vmem>>) semaphore(%arg10 : memref<!tpu.dma_semaphore, #tpu.memory_space<semaphore_mem>>)
      } else {
      }
      %run_scoped3A_157 = arith.constant 0 : i32
      %run_scoped3A_158 = arith.constant 0 : i32
      %run_scoped3A_159 = arith.constant 1 : i32
      "tpu.region"() ({
        %run_scoped3A_201 = tpu.sem_alloc : memref<!tpu.dma_semaphore, #tpu.memory_space<semaphore_mem>>
        %dma_start3A_202 = arith.constant 0 : i32
        %dma_start3A_203 = arith.constant 0 : i32
        %dma_start3A_204 = tpu.memref_slice %arg6[%run_scoped3A_157, %dma_start3A_202, %dma_start3A_203] : memref<2x80x128xf32, #tpu.memory_space<vmem>> -> memref<1x80x128xf32, #tpu.memory_space<vmem>>
        %dma_start3A_205 = tpu.memref_squeeze %dma_start3A_204 : memref<1x80x128xf32, #tpu.memory_space<vmem>> -> memref<80x128xf32, #tpu.memory_space<vmem>>
        %dma_start3A_206 = arith.constant 0 : i32
        %dma_start3A_207 = tpu.memref_slice %arg5[%run_scoped3A_158, %run_scoped3A_159, %dma_start3A_206] : memref<2x2x80xi32, #tpu.memory_space<vmem>> -> memref<1x1x80xi32, #tpu.memory_space<vmem>>
        %dma_start3A_208 = tpu.memref_squeeze %dma_start3A_207 : memref<1x1x80xi32, #tpu.memory_space<vmem>> -> memref<80xi32, #tpu.memory_space<vmem>>
        %dma_start3A_209 = arith.constant 0 : i32
        %dma_start3A_210 = arith.constant 0 : i32
        %dma_start3A_211 = tpu.memref_slice %arg8[%dma_start3A_209, %dma_start3A_210] : memref<10240x128xf32, #tpu.memory_space<vmem_shared>> -> memref<10240x128xf32, #tpu.memory_space<vmem_shared>>
        tpu.enqueue_indirect_dma source(%dma_start3A_205 : memref<80x128xf32, #tpu.memory_space<vmem>>) target(%dma_start3A_211 : memref<10240x128xf32, #tpu.memory_space<vmem_shared>>) offsets(%dma_start3A_208 : memref<80xi32, #tpu.memory_space<vmem>>) semaphore(%run_scoped3A_201 : memref<!tpu.dma_semaphore, #tpu.memory_space<semaphore_mem>>) {add = true}
        %dma_wait3A_212 = arith.constant 0 : i32
        %dma_wait3A_213 = arith.constant 0 : i32
        %dma_wait3A_214 = tpu.memref_slice %arg6[%run_scoped3A_157, %dma_wait3A_212, %dma_wait3A_213] : memref<2x80x128xf32, #tpu.memory_space<vmem>> -> memref<1x80x128xf32, #tpu.memory_space<vmem>>
        %dma_wait3A_215 = tpu.memref_squeeze %dma_wait3A_214 : memref<1x80x128xf32, #tpu.memory_space<vmem>> -> memref<80x128xf32, #tpu.memory_space<vmem>>
        %dma_wait3A_216 = arith.constant 0 : i32
        %dma_wait3A_217 = tpu.memref_slice %arg5[%run_scoped3A_158, %run_scoped3A_159, %dma_wait3A_216] : memref<2x2x80xi32, #tpu.memory_space<vmem>> -> memref<1x1x80xi32, #tpu.memory_space<vmem>>
        %dma_wait3A_218 = tpu.memref_squeeze %dma_wait3A_217 : memref<1x1x80xi32, #tpu.memory_space<vmem>> -> memref<80xi32, #tpu.memory_space<vmem>>
        %dma_wait3A_219 = arith.constant 0 : i32
        %dma_wait3A_220 = arith.constant 0 : i32
        %dma_wait3A_221 = tpu.memref_slice %arg8[%dma_wait3A_219, %dma_wait3A_220] : memref<10240x128xf32, #tpu.memory_space<vmem_shared>> -> memref<10240x128xf32, #tpu.memory_space<vmem_shared>>
        tpu.wait_indirect_dma semaphore(%run_scoped3A_201 : memref<!tpu.dma_semaphore, #tpu.memory_space<semaphore_mem>>) src(%dma_wait3A_215 : memref<80x128xf32, #tpu.memory_space<vmem>>) dst(%dma_wait3A_221 : memref<10240x128xf32, #tpu.memory_space<vmem_shared>>)
        tpu.yield
      }) : () -> ()
      %add3A_160 = arith.constant 2 : i32
      %add3A_161 = arith.addi %add3A_140, %add3A_160 : i32
      %lt3A_162 = arith.constant 126 : i32
      %lt3A_163 = arith.cmpi slt, %add3A_161, %lt3A_162 : i32
      %convert_element_type3A_164 = arith.extui %lt3A_163 : i1 to i32
      %cond3A_165 = arith.constant 0 : i32
      %cond3A_166 = arith.cmpi ne, %convert_element_type3A_164, %cond3A_165 : i32
      scf.if %cond3A_166 {
        %add3A_201 = arith.constant 2 : i32
        %add3A_202 = arith.addi %add3A_140, %add3A_201 : i32
        %mul3A_203 = arith.constant 2016 : i32
        %mul3A_204 = arith.muli %add3A_6, %mul3A_203 : i32
        %mul3A_205 = arith.constant 126 : i32
        %mul3A_206 = arith.muli %arg1, %mul3A_205 : i32
        %add3A_207 = arith.addi %mul3A_204, %mul3A_206 : i32
        %add3A_208 = arith.addi %add3A_207, %add3A_202 : i32
        %run_scoped3A_209 = arith.constant 0 : i32
        "tpu.region"() ({
          %run_scoped3A_210 = tpu.sem_alloc : memref<!tpu.dma_semaphore, #tpu.memory_space<semaphore_mem>>
          %dma_start3A_211 = arith.constant 0 : i32
          %dma_start3A_212 = arith.constant 0 : i32
          %dma_start3A_213 = tpu.memref_slice %arg5[%run_scoped3A_209, %dma_start3A_211, %dma_start3A_212] : memref<2x2x80xi32, #tpu.memory_space<vmem>> -> memref<1x2x80xi32, #tpu.memory_space<vmem>>
          %dma_start3A_214 = tpu.memref_squeeze %dma_start3A_213 : memref<1x2x80xi32, #tpu.memory_space<vmem>> -> memref<2x80xi32, #tpu.memory_space<vmem>>
          %dma_start3A_215 = arith.constant 0 : i32
          %dma_start3A_216 = arith.constant 0 : i32
          %dma_start3A_217 = tpu.memref_slice %arg3[%add3A_208, %dma_start3A_215, %dma_start3A_216] : memref<8064x2x80xi32, #tpu.memory_space<hbm>> -> memref<1x2x80xi32, #tpu.memory_space<hbm>>
          %dma_start3A_218 = tpu.memref_squeeze %dma_start3A_217 : memref<1x2x80xi32, #tpu.memory_space<hbm>> -> memref<2x80xi32, #tpu.memory_space<hbm>>
          %dma_start3A_219 = arith.constant 0 : i32
          %dma_start3A_220 = arith.constant 0 : i32
          %dma_start3A_221 = tpu.memref_slice %arg5[%run_scoped3A_209, %dma_start3A_219, %dma_start3A_220] : memref<2x2x80xi32, #tpu.memory_space<vmem>> -> memref<1x2x80xi32, #tpu.memory_space<vmem>>
          %dma_start3A_222 = tpu.memref_squeeze %dma_start3A_221 : memref<1x2x80xi32, #tpu.memory_space<vmem>> -> memref<2x80xi32, #tpu.memory_space<vmem>>
          %dma_start3A_223 = arith.constant 0 : i32
          %dma_start3A_224 = arith.constant 0 : i32
          %dma_start3A_225 = tpu.memref_slice %arg3[%add3A_208, %dma_start3A_223, %dma_start3A_224] : memref<8064x2x80xi32, #tpu.memory_space<hbm>> -> memref<1x2x80xi32, #tpu.memory_space<hbm>>
          %dma_start3A_226 = tpu.memref_squeeze %dma_start3A_225 : memref<1x2x80xi32, #tpu.memory_space<hbm>> -> memref<2x80xi32, #tpu.memory_space<hbm>>
          tpu.enqueue_dma source(%dma_start3A_226 : memref<2x80xi32, #tpu.memory_space<hbm>>) target(%dma_start3A_222 : memref<2x80xi32, #tpu.memory_space<vmem>>) target_semaphore(%run_scoped3A_210 : memref<!tpu.dma_semaphore, #tpu.memory_space<semaphore_mem>>)
          %dma_wait3A_227 = arith.constant 0 : i32
          %dma_wait3A_228 = arith.constant 0 : i32
          %dma_wait3A_229 = tpu.memref_slice %arg5[%run_scoped3A_209, %dma_wait3A_227, %dma_wait3A_228] : memref<2x2x80xi32, #tpu.memory_space<vmem>> -> memref<1x2x80xi32, #tpu.memory_space<vmem>>
          %dma_wait3A_230 = tpu.memref_squeeze %dma_wait3A_229 : memref<1x2x80xi32, #tpu.memory_space<vmem>> -> memref<2x80xi32, #tpu.memory_space<vmem>>
          %dma_wait3A_231 = arith.constant 0 : i32
          %dma_wait3A_232 = arith.constant 0 : i32
          %dma_wait3A_233 = tpu.memref_slice %arg3[%add3A_208, %dma_wait3A_231, %dma_wait3A_232] : memref<8064x2x80xi32, #tpu.memory_space<hbm>> -> memref<1x2x80xi32, #tpu.memory_space<hbm>>
          %dma_wait3A_234 = tpu.memref_squeeze %dma_wait3A_233 : memref<1x2x80xi32, #tpu.memory_space<hbm>> -> memref<2x80xi32, #tpu.memory_space<hbm>>
          %dma_wait3A_235 = arith.constant 0 : i32
          %dma_wait3A_236 = arith.constant 0 : i32
          %dma_wait3A_237 = tpu.memref_slice %arg5[%run_scoped3A_209, %dma_wait3A_235, %dma_wait3A_236] : memref<2x2x80xi32, #tpu.memory_space<vmem>> -> memref<1x2x80xi32, #tpu.memory_space<vmem>>
          %dma_wait3A_238 = tpu.memref_squeeze %dma_wait3A_237 : memref<1x2x80xi32, #tpu.memory_space<vmem>> -> memref<2x80xi32, #tpu.memory_space<vmem>>
          %dma_wait3A_239 = arith.constant 0 : i32
          %dma_wait3A_240 = arith.constant 0 : i32
          %dma_wait3A_241 = tpu.memref_slice %arg3[%add3A_208, %dma_wait3A_239, %dma_wait3A_240] : memref<8064x2x80xi32, #tpu.memory_space<hbm>> -> memref<1x2x80xi32, #tpu.memory_space<hbm>>
          %dma_wait3A_242 = tpu.memref_squeeze %dma_wait3A_241 : memref<1x2x80xi32, #tpu.memory_space<hbm>> -> memref<2x80xi32, #tpu.memory_space<hbm>>
          tpu.wait_dma2 semaphore(%run_scoped3A_210 : memref<!tpu.dma_semaphore, #tpu.memory_space<semaphore_mem>>) src(%dma_wait3A_242 : memref<2x80xi32, #tpu.memory_space<hbm>>) dst(%dma_wait3A_238 : memref<2x80xi32, #tpu.memory_space<vmem>>)
          tpu.yield
        }) : () -> ()
      } else {
      }
      %mul3A_167 = arith.constant 2 : i32
      %mul3A_168 = arith.muli %mul3A_167, %scan3A_136 : i32
      %add3A_169 = arith.constant 1 : i32
      %add3A_170 = arith.addi %mul3A_168, %add3A_169 : i32
      %dma_wait3A_171 = arith.constant 1 : i32
      %dma_wait3A_172 = arith.constant 0 : i32
      %dma_wait3A_173 = arith.constant 1 : i32
      %dma_wait3A_174 = arith.constant 0 : i32
      %dma_wait3A_175 = arith.constant 0 : i32
      %dma_wait3A_176 = tpu.memref_slice %arg6[%dma_wait3A_173, %dma_wait3A_174, %dma_wait3A_175] : memref<2x80x128xf32, #tpu.memory_space<vmem>> -> memref<1x80x128xf32, #tpu.memory_space<vmem>>
      %dma_wait3A_177 = tpu.memref_squeeze %dma_wait3A_176 : memref<1x80x128xf32, #tpu.memory_space<vmem>> -> memref<80x128xf32, #tpu.memory_space<vmem>>
      %dma_wait3A_178 = arith.constant 0 : i32
      %dma_wait3A_179 = tpu.memref_slice %arg5[%dma_wait3A_171, %dma_wait3A_172, %dma_wait3A_178] : memref<2x2x80xi32, #tpu.memory_space<vmem>> -> memref<1x1x80xi32, #tpu.memory_space<vmem>>
      %dma_wait3A_180 = tpu.memref_squeeze %dma_wait3A_179 : memref<1x1x80xi32, #tpu.memory_space<vmem>> -> memref<80xi32, #tpu.memory_space<vmem>>
      %dma_wait3A_181 = arith.constant 0 : i32
      %dma_wait3A_182 = arith.constant 0 : i32
      %dma_wait3A_183 = tpu.memref_slice %arg2[%dma_wait3A_181, %dma_wait3A_182] : memref<40000x128xf32, #tpu.memory_space<hbm>> -> memref<40000x128xf32, #tpu.memory_space<hbm>>
      tpu.wait_indirect_dma semaphore(%arg10 : memref<!tpu.dma_semaphore, #tpu.memory_space<semaphore_mem>>) src(%dma_wait3A_183 : memref<40000x128xf32, #tpu.memory_space<hbm>>) dst(%dma_wait3A_177 : memref<80x128xf32, #tpu.memory_space<vmem>>)
      %add3A_184 = arith.constant 1 : i32
      %add3A_185 = arith.addi %add3A_170, %add3A_184 : i32
      %lt3A_186 = arith.constant 126 : i32
      %lt3A_187 = arith.cmpi slt, %add3A_185, %lt3A_186 : i32
      %convert_element_type3A_188 = arith.extui %lt3A_187 : i1 to i32
      %cond3A_189 = arith.constant 0 : i32
      %cond3A_190 = arith.cmpi ne, %convert_element_type3A_188, %cond3A_189 : i32
      scf.if %cond3A_190 {
        %dma_start3A_201 = arith.constant 0 : i32
        %dma_start3A_202 = arith.constant 0 : i32
        %dma_start3A_203 = arith.constant 0 : i32
        %dma_start3A_204 = arith.constant 0 : i32
        %dma_start3A_205 = arith.constant 0 : i32
        %dma_start3A_206 = tpu.memref_slice %arg6[%dma_start3A_203, %dma_start3A_204, %dma_start3A_205] : memref<2x80x128xf32, #tpu.memory_space<vmem>> -> memref<1x80x128xf32, #tpu.memory_space<vmem>>
        %dma_start3A_207 = tpu.memref_squeeze %dma_start3A_206 : memref<1x80x128xf32, #tpu.memory_space<vmem>> -> memref<80x128xf32, #tpu.memory_space<vmem>>
        %dma_start3A_208 = arith.constant 0 : i32
        %dma_start3A_209 = tpu.memref_slice %arg5[%dma_start3A_201, %dma_start3A_202, %dma_start3A_208] : memref<2x2x80xi32, #tpu.memory_space<vmem>> -> memref<1x1x80xi32, #tpu.memory_space<vmem>>
        %dma_start3A_210 = tpu.memref_squeeze %dma_start3A_209 : memref<1x1x80xi32, #tpu.memory_space<vmem>> -> memref<80xi32, #tpu.memory_space<vmem>>
        %dma_start3A_211 = arith.constant 0 : i32
        %dma_start3A_212 = arith.constant 0 : i32
        %dma_start3A_213 = tpu.memref_slice %arg2[%dma_start3A_211, %dma_start3A_212] : memref<40000x128xf32, #tpu.memory_space<hbm>> -> memref<40000x128xf32, #tpu.memory_space<hbm>>
        tpu.enqueue_indirect_dma source(%dma_start3A_213 : memref<40000x128xf32, #tpu.memory_space<hbm>>) target(%dma_start3A_207 : memref<80x128xf32, #tpu.memory_space<vmem>>) offsets(%dma_start3A_210 : memref<80xi32, #tpu.memory_space<vmem>>) semaphore(%arg9 : memref<!tpu.dma_semaphore, #tpu.memory_space<semaphore_mem>>)
      } else {
      }
      %run_scoped3A_191 = arith.constant 1 : i32
      %run_scoped3A_192 = arith.constant 1 : i32
      %run_scoped3A_193 = arith.constant 1 : i32
      "tpu.region"() ({
        %run_scoped3A_201 = tpu.sem_alloc : memref<!tpu.dma_semaphore, #tpu.memory_space<semaphore_mem>>
        %dma_start3A_202 = arith.constant 0 : i32
        %dma_start3A_203 = arith.constant 0 : i32
        %dma_start3A_204 = tpu.memref_slice %arg6[%run_scoped3A_191, %dma_start3A_202, %dma_start3A_203] : memref<2x80x128xf32, #tpu.memory_space<vmem>> -> memref<1x80x128xf32, #tpu.memory_space<vmem>>
        %dma_start3A_205 = tpu.memref_squeeze %dma_start3A_204 : memref<1x80x128xf32, #tpu.memory_space<vmem>> -> memref<80x128xf32, #tpu.memory_space<vmem>>
        %dma_start3A_206 = arith.constant 0 : i32
        %dma_start3A_207 = tpu.memref_slice %arg5[%run_scoped3A_192, %run_scoped3A_193, %dma_start3A_206] : memref<2x2x80xi32, #tpu.memory_space<vmem>> -> memref<1x1x80xi32, #tpu.memory_space<vmem>>
        %dma_start3A_208 = tpu.memref_squeeze %dma_start3A_207 : memref<1x1x80xi32, #tpu.memory_space<vmem>> -> memref<80xi32, #tpu.memory_space<vmem>>
        %dma_start3A_209 = arith.constant 0 : i32
        %dma_start3A_210 = arith.constant 0 : i32
        %dma_start3A_211 = tpu.memref_slice %arg8[%dma_start3A_209, %dma_start3A_210] : memref<10240x128xf32, #tpu.memory_space<vmem_shared>> -> memref<10240x128xf32, #tpu.memory_space<vmem_shared>>
        tpu.enqueue_indirect_dma source(%dma_start3A_205 : memref<80x128xf32, #tpu.memory_space<vmem>>) target(%dma_start3A_211 : memref<10240x128xf32, #tpu.memory_space<vmem_shared>>) offsets(%dma_start3A_208 : memref<80xi32, #tpu.memory_space<vmem>>) semaphore(%run_scoped3A_201 : memref<!tpu.dma_semaphore, #tpu.memory_space<semaphore_mem>>) {add = true}
        %dma_wait3A_212 = arith.constant 0 : i32
        %dma_wait3A_213 = arith.constant 0 : i32
        %dma_wait3A_214 = tpu.memref_slice %arg6[%run_scoped3A_191, %dma_wait3A_212, %dma_wait3A_213] : memref<2x80x128xf32, #tpu.memory_space<vmem>> -> memref<1x80x128xf32, #tpu.memory_space<vmem>>
        %dma_wait3A_215 = tpu.memref_squeeze %dma_wait3A_214 : memref<1x80x128xf32, #tpu.memory_space<vmem>> -> memref<80x128xf32, #tpu.memory_space<vmem>>
        %dma_wait3A_216 = arith.constant 0 : i32
        %dma_wait3A_217 = tpu.memref_slice %arg5[%run_scoped3A_192, %run_scoped3A_193, %dma_wait3A_216] : memref<2x2x80xi32, #tpu.memory_space<vmem>> -> memref<1x1x80xi32, #tpu.memory_space<vmem>>
        %dma_wait3A_218 = tpu.memref_squeeze %dma_wait3A_217 : memref<1x1x80xi32, #tpu.memory_space<vmem>> -> memref<80xi32, #tpu.memory_space<vmem>>
        %dma_wait3A_219 = arith.constant 0 : i32
        %dma_wait3A_220 = arith.constant 0 : i32
        %dma_wait3A_221 = tpu.memref_slice %arg8[%dma_wait3A_219, %dma_wait3A_220] : memref<10240x128xf32, #tpu.memory_space<vmem_shared>> -> memref<10240x128xf32, #tpu.memory_space<vmem_shared>>
        tpu.wait_indirect_dma semaphore(%run_scoped3A_201 : memref<!tpu.dma_semaphore, #tpu.memory_space<semaphore_mem>>) src(%dma_wait3A_215 : memref<80x128xf32, #tpu.memory_space<vmem>>) dst(%dma_wait3A_221 : memref<10240x128xf32, #tpu.memory_space<vmem_shared>>)
        tpu.yield
      }) : () -> ()
      %add3A_194 = arith.constant 2 : i32
      %add3A_195 = arith.addi %add3A_170, %add3A_194 : i32
      %lt3A_196 = arith.constant 126 : i32
      %lt3A_197 = arith.cmpi slt, %add3A_195, %lt3A_196 : i32
      %convert_element_type3A_198 = arith.extui %lt3A_197 : i1 to i32
      %cond3A_199 = arith.constant 0 : i32
      %cond3A_200 = arith.cmpi ne, %convert_element_type3A_198, %cond3A_199 : i32
      scf.if %cond3A_200 {
        %add3A_201 = arith.constant 2 : i32
        %add3A_202 = arith.addi %add3A_170, %add3A_201 : i32
        %mul3A_203 = arith.constant 2016 : i32
        %mul3A_204 = arith.muli %add3A_6, %mul3A_203 : i32
        %mul3A_205 = arith.constant 126 : i32
        %mul3A_206 = arith.muli %arg1, %mul3A_205 : i32
        %add3A_207 = arith.addi %mul3A_204, %mul3A_206 : i32
        %add3A_208 = arith.addi %add3A_207, %add3A_202 : i32
        %run_scoped3A_209 = arith.constant 1 : i32
        "tpu.region"() ({
          %run_scoped3A_210 = tpu.sem_alloc : memref<!tpu.dma_semaphore, #tpu.memory_space<semaphore_mem>>
          %dma_start3A_211 = arith.constant 0 : i32
          %dma_start3A_212 = arith.constant 0 : i32
          %dma_start3A_213 = tpu.memref_slice %arg5[%run_scoped3A_209, %dma_start3A_211, %dma_start3A_212] : memref<2x2x80xi32, #tpu.memory_space<vmem>> -> memref<1x2x80xi32, #tpu.memory_space<vmem>>
          %dma_start3A_214 = tpu.memref_squeeze %dma_start3A_213 : memref<1x2x80xi32, #tpu.memory_space<vmem>> -> memref<2x80xi32, #tpu.memory_space<vmem>>
          %dma_start3A_215 = arith.constant 0 : i32
          %dma_start3A_216 = arith.constant 0 : i32
          %dma_start3A_217 = tpu.memref_slice %arg3[%add3A_208, %dma_start3A_215, %dma_start3A_216] : memref<8064x2x80xi32, #tpu.memory_space<hbm>> -> memref<1x2x80xi32, #tpu.memory_space<hbm>>
          %dma_start3A_218 = tpu.memref_squeeze %dma_start3A_217 : memref<1x2x80xi32, #tpu.memory_space<hbm>> -> memref<2x80xi32, #tpu.memory_space<hbm>>
          %dma_start3A_219 = arith.constant 0 : i32
          %dma_start3A_220 = arith.constant 0 : i32
          %dma_start3A_221 = tpu.memref_slice %arg5[%run_scoped3A_209, %dma_start3A_219, %dma_start3A_220] : memref<2x2x80xi32, #tpu.memory_space<vmem>> -> memref<1x2x80xi32, #tpu.memory_space<vmem>>
          %dma_start3A_222 = tpu.memref_squeeze %dma_start3A_221 : memref<1x2x80xi32, #tpu.memory_space<vmem>> -> memref<2x80xi32, #tpu.memory_space<vmem>>
          %dma_start3A_223 = arith.constant 0 : i32
          %dma_start3A_224 = arith.constant 0 : i32
          %dma_start3A_225 = tpu.memref_slice %arg3[%add3A_208, %dma_start3A_223, %dma_start3A_224] : memref<8064x2x80xi32, #tpu.memory_space<hbm>> -> memref<1x2x80xi32, #tpu.memory_space<hbm>>
          %dma_start3A_226 = tpu.memref_squeeze %dma_start3A_225 : memref<1x2x80xi32, #tpu.memory_space<hbm>> -> memref<2x80xi32, #tpu.memory_space<hbm>>
          tpu.enqueue_dma source(%dma_start3A_226 : memref<2x80xi32, #tpu.memory_space<hbm>>) target(%dma_start3A_222 : memref<2x80xi32, #tpu.memory_space<vmem>>) target_semaphore(%run_scoped3A_210 : memref<!tpu.dma_semaphore, #tpu.memory_space<semaphore_mem>>)
          %dma_wait3A_227 = arith.constant 0 : i32
          %dma_wait3A_228 = arith.constant 0 : i32
          %dma_wait3A_229 = tpu.memref_slice %arg5[%run_scoped3A_209, %dma_wait3A_227, %dma_wait3A_228] : memref<2x2x80xi32, #tpu.memory_space<vmem>> -> memref<1x2x80xi32, #tpu.memory_space<vmem>>
          %dma_wait3A_230 = tpu.memref_squeeze %dma_wait3A_229 : memref<1x2x80xi32, #tpu.memory_space<vmem>> -> memref<2x80xi32, #tpu.memory_space<vmem>>
          %dma_wait3A_231 = arith.constant 0 : i32
          %dma_wait3A_232 = arith.constant 0 : i32
          %dma_wait3A_233 = tpu.memref_slice %arg3[%add3A_208, %dma_wait3A_231, %dma_wait3A_232] : memref<8064x2x80xi32, #tpu.memory_space<hbm>> -> memref<1x2x80xi32, #tpu.memory_space<hbm>>
          %dma_wait3A_234 = tpu.memref_squeeze %dma_wait3A_233 : memref<1x2x80xi32, #tpu.memory_space<hbm>> -> memref<2x80xi32, #tpu.memory_space<hbm>>
          %dma_wait3A_235 = arith.constant 0 : i32
          %dma_wait3A_236 = arith.constant 0 : i32
          %dma_wait3A_237 = tpu.memref_slice %arg5[%run_scoped3A_209, %dma_wait3A_235, %dma_wait3A_236] : memref<2x2x80xi32, #tpu.memory_space<vmem>> -> memref<1x2x80xi32, #tpu.memory_space<vmem>>
          %dma_wait3A_238 = tpu.memref_squeeze %dma_wait3A_237 : memref<1x2x80xi32, #tpu.memory_space<vmem>> -> memref<2x80xi32, #tpu.memory_space<vmem>>
          %dma_wait3A_239 = arith.constant 0 : i32
          %dma_wait3A_240 = arith.constant 0 : i32
          %dma_wait3A_241 = tpu.memref_slice %arg3[%add3A_208, %dma_wait3A_239, %dma_wait3A_240] : memref<8064x2x80xi32, #tpu.memory_space<hbm>> -> memref<1x2x80xi32, #tpu.memory_space<hbm>>
          %dma_wait3A_242 = tpu.memref_squeeze %dma_wait3A_241 : memref<1x2x80xi32, #tpu.memory_space<hbm>> -> memref<2x80xi32, #tpu.memory_space<hbm>>
          tpu.wait_dma2 semaphore(%run_scoped3A_210 : memref<!tpu.dma_semaphore, #tpu.memory_space<semaphore_mem>>) src(%dma_wait3A_242 : memref<2x80xi32, #tpu.memory_space<hbm>>) dst(%dma_wait3A_238 : memref<2x80xi32, #tpu.memory_space<vmem>>)
          tpu.yield
        }) : () -> ()
      } else {
      }
    }
    %scan3A_59 = arith.constant 63 : i32
    %barrier3A_60 = arith.constant 0 : index
    tpu.barrier barrier_id(%barrier3A_60)
    %mul3A_61 = arith.constant 640 : i32
    %mul3A_62 = arith.muli %arg1, %mul3A_61 : i32
    %mul3A_63 = arith.constant 10240 : i32
    %mul3A_64 = arith.muli %add3A_6, %mul3A_63 : i32
    %mul3A_65 = arith.constant 640 : i32
    %mul3A_66 = arith.muli %arg1, %mul3A_65 : i32
    %add3A_67 = arith.addi %mul3A_64, %mul3A_66 : i32
    "tpu.region"() ({
      %run_scoped3A_136 = tpu.sem_alloc : memref<!tpu.dma_semaphore, #tpu.memory_space<semaphore_mem>>
      %dma_start3A_137 = arith.constant 0 : i32
      %dma_start3A_138 = tpu.memref_slice %arg4[%add3A_67, %dma_start3A_137] : memref<40960x128xf32, #tpu.memory_space<hbm>> -> memref<640x128xf32, #tpu.memory_space<hbm>>
      %dma_start3A_139 = arith.constant 0 : i32
      %dma_start3A_140 = tpu.memref_slice %arg8[%mul3A_62, %dma_start3A_139] : memref<10240x128xf32, #tpu.memory_space<vmem_shared>> -> memref<640x128xf32, #tpu.memory_space<vmem_shared>>
      tpu.enqueue_dma source(%dma_start3A_140 : memref<640x128xf32, #tpu.memory_space<vmem_shared>>) target(%dma_start3A_138 : memref<640x128xf32, #tpu.memory_space<hbm>>) target_semaphore(%run_scoped3A_136 : memref<!tpu.dma_semaphore, #tpu.memory_space<semaphore_mem>>)
      %dma_wait3A = arith.constant 0 : i32
      %dma_wait3A_141 = tpu.memref_slice %arg4[%add3A_67, %dma_wait3A] : memref<40960x128xf32, #tpu.memory_space<hbm>> -> memref<640x128xf32, #tpu.memory_space<hbm>>
      %dma_wait3A_142 = arith.constant 0 : i32
      %dma_wait3A_143 = tpu.memref_slice %arg8[%mul3A_62, %dma_wait3A_142] : memref<10240x128xf32, #tpu.memory_space<vmem_shared>> -> memref<640x128xf32, #tpu.memory_space<vmem_shared>>
      tpu.wait_dma2 semaphore(%run_scoped3A_136 : memref<!tpu.dma_semaphore, #tpu.memory_space<semaphore_mem>>) src(%dma_wait3A_143 : memref<640x128xf32, #tpu.memory_space<vmem_shared>>) dst(%dma_wait3A_141 : memref<640x128xf32, #tpu.memory_space<hbm>>)
      tpu.yield
    }) : () -> ()
    %mul3A_68 = arith.constant 2 : i32
    %mul3A_69 = arith.muli %arg0, %mul3A_68 : i32
    %add3A_70 = arith.constant 1 : i32
    %add3A_71 = arith.addi %mul3A_69, %add3A_70 : i32
    %mul3A_72 = arith.constant 640 : i32
    %mul3A_73 = arith.muli %arg1, %mul3A_72 : i32
    %add3A_74 = arith.constant 0 : i32
    %add3A_75 = arith.addi %mul3A_73, %add3A_74 : i32
    "tpu.region"() ({
      %run_scoped3A_136 = tpu.sem_alloc : memref<!tpu.dma_semaphore, #tpu.memory_space<semaphore_mem>>
      %dma_start3A_137 = arith.constant 0 : i32
      %dma_start3A_138 = tpu.memref_slice %arg8[%add3A_75, %dma_start3A_137] : memref<10240x128xf32, #tpu.memory_space<vmem_shared>> -> memref<128x128xf32, #tpu.memory_space<vmem_shared>>
      %dma_start3A_139 = arith.constant 0 : i32
      %dma_start3A_140 = tpu.memref_slice %arg8[%add3A_75, %dma_start3A_139] : memref<10240x128xf32, #tpu.memory_space<vmem_shared>> -> memref<128x128xf32, #tpu.memory_space<vmem_shared>>
      tpu.enqueue_dma source(%arg7 : memref<128x128xf32, #tpu.memory_space<vmem>>) target(%dma_start3A_140 : memref<128x128xf32, #tpu.memory_space<vmem_shared>>) target_semaphore(%run_scoped3A_136 : memref<!tpu.dma_semaphore, #tpu.memory_space<semaphore_mem>>)
      %dma_wait3A = arith.constant 0 : i32
      %dma_wait3A_141 = tpu.memref_slice %arg8[%add3A_75, %dma_wait3A] : memref<10240x128xf32, #tpu.memory_space<vmem_shared>> -> memref<128x128xf32, #tpu.memory_space<vmem_shared>>
      %dma_wait3A_142 = arith.constant 0 : i32
      %dma_wait3A_143 = tpu.memref_slice %arg8[%add3A_75, %dma_wait3A_142] : memref<10240x128xf32, #tpu.memory_space<vmem_shared>> -> memref<128x128xf32, #tpu.memory_space<vmem_shared>>
      tpu.wait_dma2 semaphore(%run_scoped3A_136 : memref<!tpu.dma_semaphore, #tpu.memory_space<semaphore_mem>>) src(%arg7 : memref<128x128xf32, #tpu.memory_space<vmem>>) dst(%dma_wait3A_143 : memref<128x128xf32, #tpu.memory_space<vmem_shared>>)
      tpu.yield
    }) : () -> ()
    %mul3A_76 = arith.constant 640 : i32
    %mul3A_77 = arith.muli %arg1, %mul3A_76 : i32
    %add3A_78 = arith.constant 128 : i32
    %add3A_79 = arith.addi %mul3A_77, %add3A_78 : i32
    "tpu.region"() ({
      %run_scoped3A_136 = tpu.sem_alloc : memref<!tpu.dma_semaphore, #tpu.memory_space<semaphore_mem>>
      %dma_start3A_137 = arith.constant 0 : i32
      %dma_start3A_138 = tpu.memref_slice %arg8[%add3A_79, %dma_start3A_137] : memref<10240x128xf32, #tpu.memory_space<vmem_shared>> -> memref<128x128xf32, #tpu.memory_space<vmem_shared>>
      %dma_start3A_139 = arith.constant 0 : i32
      %dma_start3A_140 = tpu.memref_slice %arg8[%add3A_79, %dma_start3A_139] : memref<10240x128xf32, #tpu.memory_space<vmem_shared>> -> memref<128x128xf32, #tpu.memory_space<vmem_shared>>
      tpu.enqueue_dma source(%arg7 : memref<128x128xf32, #tpu.memory_space<vmem>>) target(%dma_start3A_140 : memref<128x128xf32, #tpu.memory_space<vmem_shared>>) target_semaphore(%run_scoped3A_136 : memref<!tpu.dma_semaphore, #tpu.memory_space<semaphore_mem>>)
      %dma_wait3A = arith.constant 0 : i32
      %dma_wait3A_141 = tpu.memref_slice %arg8[%add3A_79, %dma_wait3A] : memref<10240x128xf32, #tpu.memory_space<vmem_shared>> -> memref<128x128xf32, #tpu.memory_space<vmem_shared>>
      %dma_wait3A_142 = arith.constant 0 : i32
      %dma_wait3A_143 = tpu.memref_slice %arg8[%add3A_79, %dma_wait3A_142] : memref<10240x128xf32, #tpu.memory_space<vmem_shared>> -> memref<128x128xf32, #tpu.memory_space<vmem_shared>>
      tpu.wait_dma2 semaphore(%run_scoped3A_136 : memref<!tpu.dma_semaphore, #tpu.memory_space<semaphore_mem>>) src(%arg7 : memref<128x128xf32, #tpu.memory_space<vmem>>) dst(%dma_wait3A_143 : memref<128x128xf32, #tpu.memory_space<vmem_shared>>)
      tpu.yield
    }) : () -> ()
    %mul3A_80 = arith.constant 640 : i32
    %mul3A_81 = arith.muli %arg1, %mul3A_80 : i32
    %add3A_82 = arith.constant 256 : i32
    %add3A_83 = arith.addi %mul3A_81, %add3A_82 : i32
    "tpu.region"() ({
      %run_scoped3A_136 = tpu.sem_alloc : memref<!tpu.dma_semaphore, #tpu.memory_space<semaphore_mem>>
      %dma_start3A_137 = arith.constant 0 : i32
      %dma_start3A_138 = tpu.memref_slice %arg8[%add3A_83, %dma_start3A_137] : memref<10240x128xf32, #tpu.memory_space<vmem_shared>> -> memref<128x128xf32, #tpu.memory_space<vmem_shared>>
      %dma_start3A_139 = arith.constant 0 : i32
      %dma_start3A_140 = tpu.memref_slice %arg8[%add3A_83, %dma_start3A_139] : memref<10240x128xf32, #tpu.memory_space<vmem_shared>> -> memref<128x128xf32, #tpu.memory_space<vmem_shared>>
      tpu.enqueue_dma source(%arg7 : memref<128x128xf32, #tpu.memory_space<vmem>>) target(%dma_start3A_140 : memref<128x128xf32, #tpu.memory_space<vmem_shared>>) target_semaphore(%run_scoped3A_136 : memref<!tpu.dma_semaphore, #tpu.memory_space<semaphore_mem>>)
      %dma_wait3A = arith.constant 0 : i32
      %dma_wait3A_141 = tpu.memref_slice %arg8[%add3A_83, %dma_wait3A] : memref<10240x128xf32, #tpu.memory_space<vmem_shared>> -> memref<128x128xf32, #tpu.memory_space<vmem_shared>>
      %dma_wait3A_142 = arith.constant 0 : i32
      %dma_wait3A_143 = tpu.memref_slice %arg8[%add3A_83, %dma_wait3A_142] : memref<10240x128xf32, #tpu.memory_space<vmem_shared>> -> memref<128x128xf32, #tpu.memory_space<vmem_shared>>
      tpu.wait_dma2 semaphore(%run_scoped3A_136 : memref<!tpu.dma_semaphore, #tpu.memory_space<semaphore_mem>>) src(%arg7 : memref<128x128xf32, #tpu.memory_space<vmem>>) dst(%dma_wait3A_143 : memref<128x128xf32, #tpu.memory_space<vmem_shared>>)
      tpu.yield
    }) : () -> ()
    %mul3A_84 = arith.constant 640 : i32
    %mul3A_85 = arith.muli %arg1, %mul3A_84 : i32
    %add3A_86 = arith.constant 384 : i32
    %add3A_87 = arith.addi %mul3A_85, %add3A_86 : i32
    "tpu.region"() ({
      %run_scoped3A_136 = tpu.sem_alloc : memref<!tpu.dma_semaphore, #tpu.memory_space<semaphore_mem>>
      %dma_start3A_137 = arith.constant 0 : i32
      %dma_start3A_138 = tpu.memref_slice %arg8[%add3A_87, %dma_start3A_137] : memref<10240x128xf32, #tpu.memory_space<vmem_shared>> -> memref<128x128xf32, #tpu.memory_space<vmem_shared>>
      %dma_start3A_139 = arith.constant 0 : i32
      %dma_start3A_140 = tpu.memref_slice %arg8[%add3A_87, %dma_start3A_139] : memref<10240x128xf32, #tpu.memory_space<vmem_shared>> -> memref<128x128xf32, #tpu.memory_space<vmem_shared>>
      tpu.enqueue_dma source(%arg7 : memref<128x128xf32, #tpu.memory_space<vmem>>) target(%dma_start3A_140 : memref<128x128xf32, #tpu.memory_space<vmem_shared>>) target_semaphore(%run_scoped3A_136 : memref<!tpu.dma_semaphore, #tpu.memory_space<semaphore_mem>>)
      %dma_wait3A = arith.constant 0 : i32
      %dma_wait3A_141 = tpu.memref_slice %arg8[%add3A_87, %dma_wait3A] : memref<10240x128xf32, #tpu.memory_space<vmem_shared>> -> memref<128x128xf32, #tpu.memory_space<vmem_shared>>
      %dma_wait3A_142 = arith.constant 0 : i32
      %dma_wait3A_143 = tpu.memref_slice %arg8[%add3A_87, %dma_wait3A_142] : memref<10240x128xf32, #tpu.memory_space<vmem_shared>> -> memref<128x128xf32, #tpu.memory_space<vmem_shared>>
      tpu.wait_dma2 semaphore(%run_scoped3A_136 : memref<!tpu.dma_semaphore, #tpu.memory_space<semaphore_mem>>) src(%arg7 : memref<128x128xf32, #tpu.memory_space<vmem>>) dst(%dma_wait3A_143 : memref<128x128xf32, #tpu.memory_space<vmem_shared>>)
      tpu.yield
    }) : () -> ()
    %mul3A_88 = arith.constant 640 : i32
    %mul3A_89 = arith.muli %arg1, %mul3A_88 : i32
    %add3A_90 = arith.constant 512 : i32
    %add3A_91 = arith.addi %mul3A_89, %add3A_90 : i32
    "tpu.region"() ({
      %run_scoped3A_136 = tpu.sem_alloc : memref<!tpu.dma_semaphore, #tpu.memory_space<semaphore_mem>>
      %dma_start3A_137 = arith.constant 0 : i32
      %dma_start3A_138 = tpu.memref_slice %arg8[%add3A_91, %dma_start3A_137] : memref<10240x128xf32, #tpu.memory_space<vmem_shared>> -> memref<128x128xf32, #tpu.memory_space<vmem_shared>>
      %dma_start3A_139 = arith.constant 0 : i32
      %dma_start3A_140 = tpu.memref_slice %arg8[%add3A_91, %dma_start3A_139] : memref<10240x128xf32, #tpu.memory_space<vmem_shared>> -> memref<128x128xf32, #tpu.memory_space<vmem_shared>>
      tpu.enqueue_dma source(%arg7 : memref<128x128xf32, #tpu.memory_space<vmem>>) target(%dma_start3A_140 : memref<128x128xf32, #tpu.memory_space<vmem_shared>>) target_semaphore(%run_scoped3A_136 : memref<!tpu.dma_semaphore, #tpu.memory_space<semaphore_mem>>)
      %dma_wait3A = arith.constant 0 : i32
      %dma_wait3A_141 = tpu.memref_slice %arg8[%add3A_91, %dma_wait3A] : memref<10240x128xf32, #tpu.memory_space<vmem_shared>> -> memref<128x128xf32, #tpu.memory_space<vmem_shared>>
      %dma_wait3A_142 = arith.constant 0 : i32
      %dma_wait3A_143 = tpu.memref_slice %arg8[%add3A_91, %dma_wait3A_142] : memref<10240x128xf32, #tpu.memory_space<vmem_shared>> -> memref<128x128xf32, #tpu.memory_space<vmem_shared>>
      tpu.wait_dma2 semaphore(%run_scoped3A_136 : memref<!tpu.dma_semaphore, #tpu.memory_space<semaphore_mem>>) src(%arg7 : memref<128x128xf32, #tpu.memory_space<vmem>>) dst(%dma_wait3A_143 : memref<128x128xf32, #tpu.memory_space<vmem_shared>>)
      tpu.yield
    }) : () -> ()
    %mul3A_92 = arith.constant 2016 : i32
    %mul3A_93 = arith.muli %add3A_71, %mul3A_92 : i32
    %mul3A_94 = arith.constant 126 : i32
    %mul3A_95 = arith.muli %arg1, %mul3A_94 : i32
    %add3A_96 = arith.addi %mul3A_93, %mul3A_95 : i32
    %add3A_97 = arith.constant 0 : i32
    %add3A_98 = arith.addi %add3A_96, %add3A_97 : i32
    %run_scoped3A_99 = arith.constant 0 : i32
    "tpu.region"() ({
      %run_scoped3A_136 = tpu.sem_alloc : memref<!tpu.dma_semaphore, #tpu.memory_space<semaphore_mem>>
      %dma_start3A_137 = arith.constant 0 : i32
      %dma_start3A_138 = arith.constant 0 : i32
      %dma_start3A_139 = tpu.memref_slice %arg5[%run_scoped3A_99, %dma_start3A_137, %dma_start3A_138] : memref<2x2x80xi32, #tpu.memory_space<vmem>> -> memref<1x2x80xi32, #tpu.memory_space<vmem>>
      %dma_start3A_140 = tpu.memref_squeeze %dma_start3A_139 : memref<1x2x80xi32, #tpu.memory_space<vmem>> -> memref<2x80xi32, #tpu.memory_space<vmem>>
      %dma_start3A_141 = arith.constant 0 : i32
      %dma_start3A_142 = arith.constant 0 : i32
      %dma_start3A_143 = tpu.memref_slice %arg3[%add3A_98, %dma_start3A_141, %dma_start3A_142] : memref<8064x2x80xi32, #tpu.memory_space<hbm>> -> memref<1x2x80xi32, #tpu.memory_space<hbm>>
      %dma_start3A_144 = tpu.memref_squeeze %dma_start3A_143 : memref<1x2x80xi32, #tpu.memory_space<hbm>> -> memref<2x80xi32, #tpu.memory_space<hbm>>
      %dma_start3A_145 = arith.constant 0 : i32
      %dma_start3A_146 = arith.constant 0 : i32
      %dma_start3A_147 = tpu.memref_slice %arg5[%run_scoped3A_99, %dma_start3A_145, %dma_start3A_146] : memref<2x2x80xi32, #tpu.memory_space<vmem>> -> memref<1x2x80xi32, #tpu.memory_space<vmem>>
      %dma_start3A_148 = tpu.memref_squeeze %dma_start3A_147 : memref<1x2x80xi32, #tpu.memory_space<vmem>> -> memref<2x80xi32, #tpu.memory_space<vmem>>
      %dma_start3A_149 = arith.constant 0 : i32
      %dma_start3A_150 = arith.constant 0 : i32
      %dma_start3A_151 = tpu.memref_slice %arg3[%add3A_98, %dma_start3A_149, %dma_start3A_150] : memref<8064x2x80xi32, #tpu.memory_space<hbm>> -> memref<1x2x80xi32, #tpu.memory_space<hbm>>
      %dma_start3A_152 = tpu.memref_squeeze %dma_start3A_151 : memref<1x2x80xi32, #tpu.memory_space<hbm>> -> memref<2x80xi32, #tpu.memory_space<hbm>>
      tpu.enqueue_dma source(%dma_start3A_152 : memref<2x80xi32, #tpu.memory_space<hbm>>) target(%dma_start3A_148 : memref<2x80xi32, #tpu.memory_space<vmem>>) target_semaphore(%run_scoped3A_136 : memref<!tpu.dma_semaphore, #tpu.memory_space<semaphore_mem>>)
      %dma_wait3A = arith.constant 0 : i32
      %dma_wait3A_153 = arith.constant 0 : i32
      %dma_wait3A_154 = tpu.memref_slice %arg5[%run_scoped3A_99, %dma_wait3A, %dma_wait3A_153] : memref<2x2x80xi32, #tpu.memory_space<vmem>> -> memref<1x2x80xi32, #tpu.memory_space<vmem>>
      %dma_wait3A_155 = tpu.memref_squeeze %dma_wait3A_154 : memref<1x2x80xi32, #tpu.memory_space<vmem>> -> memref<2x80xi32, #tpu.memory_space<vmem>>
      %dma_wait3A_156 = arith.constant 0 : i32
      %dma_wait3A_157 = arith.constant 0 : i32
      %dma_wait3A_158 = tpu.memref_slice %arg3[%add3A_98, %dma_wait3A_156, %dma_wait3A_157] : memref<8064x2x80xi32, #tpu.memory_space<hbm>> -> memref<1x2x80xi32, #tpu.memory_space<hbm>>
      %dma_wait3A_159 = tpu.memref_squeeze %dma_wait3A_158 : memref<1x2x80xi32, #tpu.memory_space<hbm>> -> memref<2x80xi32, #tpu.memory_space<hbm>>
      %dma_wait3A_160 = arith.constant 0 : i32
      %dma_wait3A_161 = arith.constant 0 : i32
      %dma_wait3A_162 = tpu.memref_slice %arg5[%run_scoped3A_99, %dma_wait3A_160, %dma_wait3A_161] : memref<2x2x80xi32, #tpu.memory_space<vmem>> -> memref<1x2x80xi32, #tpu.memory_space<vmem>>
      %dma_wait3A_163 = tpu.memref_squeeze %dma_wait3A_162 : memref<1x2x80xi32, #tpu.memory_space<vmem>> -> memref<2x80xi32, #tpu.memory_space<vmem>>
      %dma_wait3A_164 = arith.constant 0 : i32
      %dma_wait3A_165 = arith.constant 0 : i32
      %dma_wait3A_166 = tpu.memref_slice %arg3[%add3A_98, %dma_wait3A_164, %dma_wait3A_165] : memref<8064x2x80xi32, #tpu.memory_space<hbm>> -> memref<1x2x80xi32, #tpu.memory_space<hbm>>
      %dma_wait3A_167 = tpu.memref_squeeze %dma_wait3A_166 : memref<1x2x80xi32, #tpu.memory_space<hbm>> -> memref<2x80xi32, #tpu.memory_space<hbm>>
      tpu.wait_dma2 semaphore(%run_scoped3A_136 : memref<!tpu.dma_semaphore, #tpu.memory_space<semaphore_mem>>) src(%dma_wait3A_167 : memref<2x80xi32, #tpu.memory_space<hbm>>) dst(%dma_wait3A_163 : memref<2x80xi32, #tpu.memory_space<vmem>>)
      tpu.yield
    }) : () -> ()
    %dma_start3A_100 = arith.constant 0 : i32
    %dma_start3A_101 = arith.constant 0 : i32
    %dma_start3A_102 = arith.constant 0 : i32
    %dma_start3A_103 = arith.constant 0 : i32
    %dma_start3A_104 = arith.constant 0 : i32
    %dma_start3A_105 = tpu.memref_slice %arg6[%dma_start3A_102, %dma_start3A_103, %dma_start3A_104] : memref<2x80x128xf32, #tpu.memory_space<vmem>> -> memref<1x80x128xf32, #tpu.memory_space<vmem>>
    %dma_start3A_106 = tpu.memref_squeeze %dma_start3A_105 : memref<1x80x128xf32, #tpu.memory_space<vmem>> -> memref<80x128xf32, #tpu.memory_space<vmem>>
    %dma_start3A_107 = arith.constant 0 : i32
    %dma_start3A_108 = tpu.memref_slice %arg5[%dma_start3A_100, %dma_start3A_101, %dma_start3A_107] : memref<2x2x80xi32, #tpu.memory_space<vmem>> -> memref<1x1x80xi32, #tpu.memory_space<vmem>>
    %dma_start3A_109 = tpu.memref_squeeze %dma_start3A_108 : memref<1x1x80xi32, #tpu.memory_space<vmem>> -> memref<80xi32, #tpu.memory_space<vmem>>
    %dma_start3A_110 = arith.constant 0 : i32
    %dma_start3A_111 = arith.constant 0 : i32
    %dma_start3A_112 = tpu.memref_slice %arg2[%dma_start3A_110, %dma_start3A_111] : memref<40000x128xf32, #tpu.memory_space<hbm>> -> memref<40000x128xf32, #tpu.memory_space<hbm>>
    tpu.enqueue_indirect_dma source(%dma_start3A_112 : memref<40000x128xf32, #tpu.memory_space<hbm>>) target(%dma_start3A_106 : memref<80x128xf32, #tpu.memory_space<vmem>>) offsets(%dma_start3A_109 : memref<80xi32, #tpu.memory_space<vmem>>) semaphore(%arg9 : memref<!tpu.dma_semaphore, #tpu.memory_space<semaphore_mem>>)
    %mul3A_113 = arith.constant 2016 : i32
    %mul3A_114 = arith.muli %add3A_71, %mul3A_113 : i32
    %mul3A_115 = arith.constant 126 : i32
    %mul3A_116 = arith.muli %arg1, %mul3A_115 : i32
    %add3A_117 = arith.addi %mul3A_114, %mul3A_116 : i32
    %add3A_118 = arith.constant 1 : i32
    %add3A_119 = arith.addi %add3A_117, %add3A_118 : i32
    %run_scoped3A_120 = arith.constant 1 : i32
    "tpu.region"() ({
      %run_scoped3A_136 = tpu.sem_alloc : memref<!tpu.dma_semaphore, #tpu.memory_space<semaphore_mem>>
      %dma_start3A_137 = arith.constant 0 : i32
      %dma_start3A_138 = arith.constant 0 : i32
      %dma_start3A_139 = tpu.memref_slice %arg5[%run_scoped3A_120, %dma_start3A_137, %dma_start3A_138] : memref<2x2x80xi32, #tpu.memory_space<vmem>> -> memref<1x2x80xi32, #tpu.memory_space<vmem>>
      %dma_start3A_140 = tpu.memref_squeeze %dma_start3A_139 : memref<1x2x80xi32, #tpu.memory_space<vmem>> -> memref<2x80xi32, #tpu.memory_space<vmem>>
      %dma_start3A_141 = arith.constant 0 : i32
      %dma_start3A_142 = arith.constant 0 : i32
      %dma_start3A_143 = tpu.memref_slice %arg3[%add3A_119, %dma_start3A_141, %dma_start3A_142] : memref<8064x2x80xi32, #tpu.memory_space<hbm>> -> memref<1x2x80xi32, #tpu.memory_space<hbm>>
      %dma_start3A_144 = tpu.memref_squeeze %dma_start3A_143 : memref<1x2x80xi32, #tpu.memory_space<hbm>> -> memref<2x80xi32, #tpu.memory_space<hbm>>
      %dma_start3A_145 = arith.constant 0 : i32
      %dma_start3A_146 = arith.constant 0 : i32
      %dma_start3A_147 = tpu.memref_slice %arg5[%run_scoped3A_120, %dma_start3A_145, %dma_start3A_146] : memref<2x2x80xi32, #tpu.memory_space<vmem>> -> memref<1x2x80xi32, #tpu.memory_space<vmem>>
      %dma_start3A_148 = tpu.memref_squeeze %dma_start3A_147 : memref<1x2x80xi32, #tpu.memory_space<vmem>> -> memref<2x80xi32, #tpu.memory_space<vmem>>
      %dma_start3A_149 = arith.constant 0 : i32
      %dma_start3A_150 = arith.constant 0 : i32
      %dma_start3A_151 = tpu.memref_slice %arg3[%add3A_119, %dma_start3A_149, %dma_start3A_150] : memref<8064x2x80xi32, #tpu.memory_space<hbm>> -> memref<1x2x80xi32, #tpu.memory_space<hbm>>
      %dma_start3A_152 = tpu.memref_squeeze %dma_start3A_151 : memref<1x2x80xi32, #tpu.memory_space<hbm>> -> memref<2x80xi32, #tpu.memory_space<hbm>>
      tpu.enqueue_dma source(%dma_start3A_152 : memref<2x80xi32, #tpu.memory_space<hbm>>) target(%dma_start3A_148 : memref<2x80xi32, #tpu.memory_space<vmem>>) target_semaphore(%run_scoped3A_136 : memref<!tpu.dma_semaphore, #tpu.memory_space<semaphore_mem>>)
      %dma_wait3A = arith.constant 0 : i32
      %dma_wait3A_153 = arith.constant 0 : i32
      %dma_wait3A_154 = tpu.memref_slice %arg5[%run_scoped3A_120, %dma_wait3A, %dma_wait3A_153] : memref<2x2x80xi32, #tpu.memory_space<vmem>> -> memref<1x2x80xi32, #tpu.memory_space<vmem>>
      %dma_wait3A_155 = tpu.memref_squeeze %dma_wait3A_154 : memref<1x2x80xi32, #tpu.memory_space<vmem>> -> memref<2x80xi32, #tpu.memory_space<vmem>>
      %dma_wait3A_156 = arith.constant 0 : i32
      %dma_wait3A_157 = arith.constant 0 : i32
      %dma_wait3A_158 = tpu.memref_slice %arg3[%add3A_119, %dma_wait3A_156, %dma_wait3A_157] : memref<8064x2x80xi32, #tpu.memory_space<hbm>> -> memref<1x2x80xi32, #tpu.memory_space<hbm>>
      %dma_wait3A_159 = tpu.memref_squeeze %dma_wait3A_158 : memref<1x2x80xi32, #tpu.memory_space<hbm>> -> memref<2x80xi32, #tpu.memory_space<hbm>>
      %dma_wait3A_160 = arith.constant 0 : i32
      %dma_wait3A_161 = arith.constant 0 : i32
      %dma_wait3A_162 = tpu.memref_slice %arg5[%run_scoped3A_120, %dma_wait3A_160, %dma_wait3A_161] : memref<2x2x80xi32, #tpu.memory_space<vmem>> -> memref<1x2x80xi32, #tpu.memory_space<vmem>>
      %dma_wait3A_163 = tpu.memref_squeeze %dma_wait3A_162 : memref<1x2x80xi32, #tpu.memory_space<vmem>> -> memref<2x80xi32, #tpu.memory_space<vmem>>
      %dma_wait3A_164 = arith.constant 0 : i32
      %dma_wait3A_165 = arith.constant 0 : i32
      %dma_wait3A_166 = tpu.memref_slice %arg3[%add3A_119, %dma_wait3A_164, %dma_wait3A_165] : memref<8064x2x80xi32, #tpu.memory_space<hbm>> -> memref<1x2x80xi32, #tpu.memory_space<hbm>>
      %dma_wait3A_167 = tpu.memref_squeeze %dma_wait3A_166 : memref<1x2x80xi32, #tpu.memory_space<hbm>> -> memref<2x80xi32, #tpu.memory_space<hbm>>
      tpu.wait_dma2 semaphore(%run_scoped3A_136 : memref<!tpu.dma_semaphore, #tpu.memory_space<semaphore_mem>>) src(%dma_wait3A_167 : memref<2x80xi32, #tpu.memory_space<hbm>>) dst(%dma_wait3A_163 : memref<2x80xi32, #tpu.memory_space<vmem>>)
      tpu.yield
    }) : () -> ()
    %barrier3A_121 = arith.constant 0 : index
    tpu.barrier barrier_id(%barrier3A_121)
    %scan3A_122 = arith.constant 0 : i32
    %scan3A_123 = arith.constant 0 : i32
    %scan3A_124 = arith.constant 63 : i32
    %scan3A_125 = arith.addi %scan3A_123, %scan3A_124 : i32
    %scan3A_126 = arith.constant 1 : i32
    scf.for %scan3A_136 = %scan3A_123 to %scan3A_125 step %scan3A_126  : i32 {
      %mul3A_137 = arith.constant 2 : i32
      %mul3A_138 = arith.muli %mul3A_137, %scan3A_136 : i32
      %add3A_139 = arith.constant 0 : i32
      %add3A_140 = arith.addi %mul3A_138, %add3A_139 : i32
      %dma_wait3A = arith.constant 0 : i32
      %dma_wait3A_141 = arith.constant 0 : i32
      %dma_wait3A_142 = arith.constant 0 : i32
      %dma_wait3A_143 = arith.constant 0 : i32
      %dma_wait3A_144 = arith.constant 0 : i32
      %dma_wait3A_145 = tpu.memref_slice %arg6[%dma_wait3A_142, %dma_wait3A_143, %dma_wait3A_144] : memref<2x80x128xf32, #tpu.memory_space<vmem>> -> memref<1x80x128xf32, #tpu.memory_space<vmem>>
      %dma_wait3A_146 = tpu.memref_squeeze %dma_wait3A_145 : memref<1x80x128xf32, #tpu.memory_space<vmem>> -> memref<80x128xf32, #tpu.memory_space<vmem>>
      %dma_wait3A_147 = arith.constant 0 : i32
      %dma_wait3A_148 = tpu.memref_slice %arg5[%dma_wait3A, %dma_wait3A_141, %dma_wait3A_147] : memref<2x2x80xi32, #tpu.memory_space<vmem>> -> memref<1x1x80xi32, #tpu.memory_space<vmem>>
      %dma_wait3A_149 = tpu.memref_squeeze %dma_wait3A_148 : memref<1x1x80xi32, #tpu.memory_space<vmem>> -> memref<80xi32, #tpu.memory_space<vmem>>
      %dma_wait3A_150 = arith.constant 0 : i32
      %dma_wait3A_151 = arith.constant 0 : i32
      %dma_wait3A_152 = tpu.memref_slice %arg2[%dma_wait3A_150, %dma_wait3A_151] : memref<40000x128xf32, #tpu.memory_space<hbm>> -> memref<40000x128xf32, #tpu.memory_space<hbm>>
      tpu.wait_indirect_dma semaphore(%arg9 : memref<!tpu.dma_semaphore, #tpu.memory_space<semaphore_mem>>) src(%dma_wait3A_152 : memref<40000x128xf32, #tpu.memory_space<hbm>>) dst(%dma_wait3A_146 : memref<80x128xf32, #tpu.memory_space<vmem>>)
      %add3A_153 = arith.constant 1 : i32
      %add3A_154 = arith.addi %add3A_140, %add3A_153 : i32
      %lt3A = arith.constant 126 : i32
      %lt3A_155 = arith.cmpi slt, %add3A_154, %lt3A : i32
      %convert_element_type3A = arith.extui %lt3A_155 : i1 to i32
      %cond3A = arith.constant 0 : i32
      %cond3A_156 = arith.cmpi ne, %convert_element_type3A, %cond3A : i32
      scf.if %cond3A_156 {
        %dma_start3A_201 = arith.constant 1 : i32
        %dma_start3A_202 = arith.constant 0 : i32
        %dma_start3A_203 = arith.constant 1 : i32
        %dma_start3A_204 = arith.constant 0 : i32
        %dma_start3A_205 = arith.constant 0 : i32
        %dma_start3A_206 = tpu.memref_slice %arg6[%dma_start3A_203, %dma_start3A_204, %dma_start3A_205] : memref<2x80x128xf32, #tpu.memory_space<vmem>> -> memref<1x80x128xf32, #tpu.memory_space<vmem>>
        %dma_start3A_207 = tpu.memref_squeeze %dma_start3A_206 : memref<1x80x128xf32, #tpu.memory_space<vmem>> -> memref<80x128xf32, #tpu.memory_space<vmem>>
        %dma_start3A_208 = arith.constant 0 : i32
        %dma_start3A_209 = tpu.memref_slice %arg5[%dma_start3A_201, %dma_start3A_202, %dma_start3A_208] : memref<2x2x80xi32, #tpu.memory_space<vmem>> -> memref<1x1x80xi32, #tpu.memory_space<vmem>>
        %dma_start3A_210 = tpu.memref_squeeze %dma_start3A_209 : memref<1x1x80xi32, #tpu.memory_space<vmem>> -> memref<80xi32, #tpu.memory_space<vmem>>
        %dma_start3A_211 = arith.constant 0 : i32
        %dma_start3A_212 = arith.constant 0 : i32
        %dma_start3A_213 = tpu.memref_slice %arg2[%dma_start3A_211, %dma_start3A_212] : memref<40000x128xf32, #tpu.memory_space<hbm>> -> memref<40000x128xf32, #tpu.memory_space<hbm>>
        tpu.enqueue_indirect_dma source(%dma_start3A_213 : memref<40000x128xf32, #tpu.memory_space<hbm>>) target(%dma_start3A_207 : memref<80x128xf32, #tpu.memory_space<vmem>>) offsets(%dma_start3A_210 : memref<80xi32, #tpu.memory_space<vmem>>) semaphore(%arg10 : memref<!tpu.dma_semaphore, #tpu.memory_space<semaphore_mem>>)
      } else {
      }
      %run_scoped3A_157 = arith.constant 0 : i32
      %run_scoped3A_158 = arith.constant 0 : i32
      %run_scoped3A_159 = arith.constant 1 : i32
      "tpu.region"() ({
        %run_scoped3A_201 = tpu.sem_alloc : memref<!tpu.dma_semaphore, #tpu.memory_space<semaphore_mem>>
        %dma_start3A_202 = arith.constant 0 : i32
        %dma_start3A_203 = arith.constant 0 : i32
        %dma_start3A_204 = tpu.memref_slice %arg6[%run_scoped3A_157, %dma_start3A_202, %dma_start3A_203] : memref<2x80x128xf32, #tpu.memory_space<vmem>> -> memref<1x80x128xf32, #tpu.memory_space<vmem>>
        %dma_start3A_205 = tpu.memref_squeeze %dma_start3A_204 : memref<1x80x128xf32, #tpu.memory_space<vmem>> -> memref<80x128xf32, #tpu.memory_space<vmem>>
        %dma_start3A_206 = arith.constant 0 : i32
        %dma_start3A_207 = tpu.memref_slice %arg5[%run_scoped3A_158, %run_scoped3A_159, %dma_start3A_206] : memref<2x2x80xi32, #tpu.memory_space<vmem>> -> memref<1x1x80xi32, #tpu.memory_space<vmem>>
        %dma_start3A_208 = tpu.memref_squeeze %dma_start3A_207 : memref<1x1x80xi32, #tpu.memory_space<vmem>> -> memref<80xi32, #tpu.memory_space<vmem>>
        %dma_start3A_209 = arith.constant 0 : i32
        %dma_start3A_210 = arith.constant 0 : i32
        %dma_start3A_211 = tpu.memref_slice %arg8[%dma_start3A_209, %dma_start3A_210] : memref<10240x128xf32, #tpu.memory_space<vmem_shared>> -> memref<10240x128xf32, #tpu.memory_space<vmem_shared>>
        tpu.enqueue_indirect_dma source(%dma_start3A_205 : memref<80x128xf32, #tpu.memory_space<vmem>>) target(%dma_start3A_211 : memref<10240x128xf32, #tpu.memory_space<vmem_shared>>) offsets(%dma_start3A_208 : memref<80xi32, #tpu.memory_space<vmem>>) semaphore(%run_scoped3A_201 : memref<!tpu.dma_semaphore, #tpu.memory_space<semaphore_mem>>) {add = true}
        %dma_wait3A_212 = arith.constant 0 : i32
        %dma_wait3A_213 = arith.constant 0 : i32
        %dma_wait3A_214 = tpu.memref_slice %arg6[%run_scoped3A_157, %dma_wait3A_212, %dma_wait3A_213] : memref<2x80x128xf32, #tpu.memory_space<vmem>> -> memref<1x80x128xf32, #tpu.memory_space<vmem>>
        %dma_wait3A_215 = tpu.memref_squeeze %dma_wait3A_214 : memref<1x80x128xf32, #tpu.memory_space<vmem>> -> memref<80x128xf32, #tpu.memory_space<vmem>>
        %dma_wait3A_216 = arith.constant 0 : i32
        %dma_wait3A_217 = tpu.memref_slice %arg5[%run_scoped3A_158, %run_scoped3A_159, %dma_wait3A_216] : memref<2x2x80xi32, #tpu.memory_space<vmem>> -> memref<1x1x80xi32, #tpu.memory_space<vmem>>
        %dma_wait3A_218 = tpu.memref_squeeze %dma_wait3A_217 : memref<1x1x80xi32, #tpu.memory_space<vmem>> -> memref<80xi32, #tpu.memory_space<vmem>>
        %dma_wait3A_219 = arith.constant 0 : i32
        %dma_wait3A_220 = arith.constant 0 : i32
        %dma_wait3A_221 = tpu.memref_slice %arg8[%dma_wait3A_219, %dma_wait3A_220] : memref<10240x128xf32, #tpu.memory_space<vmem_shared>> -> memref<10240x128xf32, #tpu.memory_space<vmem_shared>>
        tpu.wait_indirect_dma semaphore(%run_scoped3A_201 : memref<!tpu.dma_semaphore, #tpu.memory_space<semaphore_mem>>) src(%dma_wait3A_215 : memref<80x128xf32, #tpu.memory_space<vmem>>) dst(%dma_wait3A_221 : memref<10240x128xf32, #tpu.memory_space<vmem_shared>>)
        tpu.yield
      }) : () -> ()
      %add3A_160 = arith.constant 2 : i32
      %add3A_161 = arith.addi %add3A_140, %add3A_160 : i32
      %lt3A_162 = arith.constant 126 : i32
      %lt3A_163 = arith.cmpi slt, %add3A_161, %lt3A_162 : i32
      %convert_element_type3A_164 = arith.extui %lt3A_163 : i1 to i32
      %cond3A_165 = arith.constant 0 : i32
      %cond3A_166 = arith.cmpi ne, %convert_element_type3A_164, %cond3A_165 : i32
      scf.if %cond3A_166 {
        %add3A_201 = arith.constant 2 : i32
        %add3A_202 = arith.addi %add3A_140, %add3A_201 : i32
        %mul3A_203 = arith.constant 2016 : i32
        %mul3A_204 = arith.muli %add3A_71, %mul3A_203 : i32
        %mul3A_205 = arith.constant 126 : i32
        %mul3A_206 = arith.muli %arg1, %mul3A_205 : i32
        %add3A_207 = arith.addi %mul3A_204, %mul3A_206 : i32
        %add3A_208 = arith.addi %add3A_207, %add3A_202 : i32
        %run_scoped3A_209 = arith.constant 0 : i32
        "tpu.region"() ({
          %run_scoped3A_210 = tpu.sem_alloc : memref<!tpu.dma_semaphore, #tpu.memory_space<semaphore_mem>>
          %dma_start3A_211 = arith.constant 0 : i32
          %dma_start3A_212 = arith.constant 0 : i32
          %dma_start3A_213 = tpu.memref_slice %arg5[%run_scoped3A_209, %dma_start3A_211, %dma_start3A_212] : memref<2x2x80xi32, #tpu.memory_space<vmem>> -> memref<1x2x80xi32, #tpu.memory_space<vmem>>
          %dma_start3A_214 = tpu.memref_squeeze %dma_start3A_213 : memref<1x2x80xi32, #tpu.memory_space<vmem>> -> memref<2x80xi32, #tpu.memory_space<vmem>>
          %dma_start3A_215 = arith.constant 0 : i32
          %dma_start3A_216 = arith.constant 0 : i32
          %dma_start3A_217 = tpu.memref_slice %arg3[%add3A_208, %dma_start3A_215, %dma_start3A_216] : memref<8064x2x80xi32, #tpu.memory_space<hbm>> -> memref<1x2x80xi32, #tpu.memory_space<hbm>>
          %dma_start3A_218 = tpu.memref_squeeze %dma_start3A_217 : memref<1x2x80xi32, #tpu.memory_space<hbm>> -> memref<2x80xi32, #tpu.memory_space<hbm>>
          %dma_start3A_219 = arith.constant 0 : i32
          %dma_start3A_220 = arith.constant 0 : i32
          %dma_start3A_221 = tpu.memref_slice %arg5[%run_scoped3A_209, %dma_start3A_219, %dma_start3A_220] : memref<2x2x80xi32, #tpu.memory_space<vmem>> -> memref<1x2x80xi32, #tpu.memory_space<vmem>>
          %dma_start3A_222 = tpu.memref_squeeze %dma_start3A_221 : memref<1x2x80xi32, #tpu.memory_space<vmem>> -> memref<2x80xi32, #tpu.memory_space<vmem>>
          %dma_start3A_223 = arith.constant 0 : i32
          %dma_start3A_224 = arith.constant 0 : i32
          %dma_start3A_225 = tpu.memref_slice %arg3[%add3A_208, %dma_start3A_223, %dma_start3A_224] : memref<8064x2x80xi32, #tpu.memory_space<hbm>> -> memref<1x2x80xi32, #tpu.memory_space<hbm>>
          %dma_start3A_226 = tpu.memref_squeeze %dma_start3A_225 : memref<1x2x80xi32, #tpu.memory_space<hbm>> -> memref<2x80xi32, #tpu.memory_space<hbm>>
          tpu.enqueue_dma source(%dma_start3A_226 : memref<2x80xi32, #tpu.memory_space<hbm>>) target(%dma_start3A_222 : memref<2x80xi32, #tpu.memory_space<vmem>>) target_semaphore(%run_scoped3A_210 : memref<!tpu.dma_semaphore, #tpu.memory_space<semaphore_mem>>)
          %dma_wait3A_227 = arith.constant 0 : i32
          %dma_wait3A_228 = arith.constant 0 : i32
          %dma_wait3A_229 = tpu.memref_slice %arg5[%run_scoped3A_209, %dma_wait3A_227, %dma_wait3A_228] : memref<2x2x80xi32, #tpu.memory_space<vmem>> -> memref<1x2x80xi32, #tpu.memory_space<vmem>>
          %dma_wait3A_230 = tpu.memref_squeeze %dma_wait3A_229 : memref<1x2x80xi32, #tpu.memory_space<vmem>> -> memref<2x80xi32, #tpu.memory_space<vmem>>
          %dma_wait3A_231 = arith.constant 0 : i32
          %dma_wait3A_232 = arith.constant 0 : i32
          %dma_wait3A_233 = tpu.memref_slice %arg3[%add3A_208, %dma_wait3A_231, %dma_wait3A_232] : memref<8064x2x80xi32, #tpu.memory_space<hbm>> -> memref<1x2x80xi32, #tpu.memory_space<hbm>>
          %dma_wait3A_234 = tpu.memref_squeeze %dma_wait3A_233 : memref<1x2x80xi32, #tpu.memory_space<hbm>> -> memref<2x80xi32, #tpu.memory_space<hbm>>
          %dma_wait3A_235 = arith.constant 0 : i32
          %dma_wait3A_236 = arith.constant 0 : i32
          %dma_wait3A_237 = tpu.memref_slice %arg5[%run_scoped3A_209, %dma_wait3A_235, %dma_wait3A_236] : memref<2x2x80xi32, #tpu.memory_space<vmem>> -> memref<1x2x80xi32, #tpu.memory_space<vmem>>
          %dma_wait3A_238 = tpu.memref_squeeze %dma_wait3A_237 : memref<1x2x80xi32, #tpu.memory_space<vmem>> -> memref<2x80xi32, #tpu.memory_space<vmem>>
          %dma_wait3A_239 = arith.constant 0 : i32
          %dma_wait3A_240 = arith.constant 0 : i32
          %dma_wait3A_241 = tpu.memref_slice %arg3[%add3A_208, %dma_wait3A_239, %dma_wait3A_240] : memref<8064x2x80xi32, #tpu.memory_space<hbm>> -> memref<1x2x80xi32, #tpu.memory_space<hbm>>
          %dma_wait3A_242 = tpu.memref_squeeze %dma_wait3A_241 : memref<1x2x80xi32, #tpu.memory_space<hbm>> -> memref<2x80xi32, #tpu.memory_space<hbm>>
          tpu.wait_dma2 semaphore(%run_scoped3A_210 : memref<!tpu.dma_semaphore, #tpu.memory_space<semaphore_mem>>) src(%dma_wait3A_242 : memref<2x80xi32, #tpu.memory_space<hbm>>) dst(%dma_wait3A_238 : memref<2x80xi32, #tpu.memory_space<vmem>>)
          tpu.yield
        }) : () -> ()
      } else {
      }
      %mul3A_167 = arith.constant 2 : i32
      %mul3A_168 = arith.muli %mul3A_167, %scan3A_136 : i32
      %add3A_169 = arith.constant 1 : i32
      %add3A_170 = arith.addi %mul3A_168, %add3A_169 : i32
      %dma_wait3A_171 = arith.constant 1 : i32
      %dma_wait3A_172 = arith.constant 0 : i32
      %dma_wait3A_173 = arith.constant 1 : i32
      %dma_wait3A_174 = arith.constant 0 : i32
      %dma_wait3A_175 = arith.constant 0 : i32
      %dma_wait3A_176 = tpu.memref_slice %arg6[%dma_wait3A_173, %dma_wait3A_174, %dma_wait3A_175] : memref<2x80x128xf32, #tpu.memory_space<vmem>> -> memref<1x80x128xf32, #tpu.memory_space<vmem>>
      %dma_wait3A_177 = tpu.memref_squeeze %dma_wait3A_176 : memref<1x80x128xf32, #tpu.memory_space<vmem>> -> memref<80x128xf32, #tpu.memory_space<vmem>>
      %dma_wait3A_178 = arith.constant 0 : i32
      %dma_wait3A_179 = tpu.memref_slice %arg5[%dma_wait3A_171, %dma_wait3A_172, %dma_wait3A_178] : memref<2x2x80xi32, #tpu.memory_space<vmem>> -> memref<1x1x80xi32, #tpu.memory_space<vmem>>
      %dma_wait3A_180 = tpu.memref_squeeze %dma_wait3A_179 : memref<1x1x80xi32, #tpu.memory_space<vmem>> -> memref<80xi32, #tpu.memory_space<vmem>>
      %dma_wait3A_181 = arith.constant 0 : i32
      %dma_wait3A_182 = arith.constant 0 : i32
      %dma_wait3A_183 = tpu.memref_slice %arg2[%dma_wait3A_181, %dma_wait3A_182] : memref<40000x128xf32, #tpu.memory_space<hbm>> -> memref<40000x128xf32, #tpu.memory_space<hbm>>
      tpu.wait_indirect_dma semaphore(%arg10 : memref<!tpu.dma_semaphore, #tpu.memory_space<semaphore_mem>>) src(%dma_wait3A_183 : memref<40000x128xf32, #tpu.memory_space<hbm>>) dst(%dma_wait3A_177 : memref<80x128xf32, #tpu.memory_space<vmem>>)
      %add3A_184 = arith.constant 1 : i32
      %add3A_185 = arith.addi %add3A_170, %add3A_184 : i32
      %lt3A_186 = arith.constant 126 : i32
      %lt3A_187 = arith.cmpi slt, %add3A_185, %lt3A_186 : i32
      %convert_element_type3A_188 = arith.extui %lt3A_187 : i1 to i32
      %cond3A_189 = arith.constant 0 : i32
      %cond3A_190 = arith.cmpi ne, %convert_element_type3A_188, %cond3A_189 : i32
      scf.if %cond3A_190 {
        %dma_start3A_201 = arith.constant 0 : i32
        %dma_start3A_202 = arith.constant 0 : i32
        %dma_start3A_203 = arith.constant 0 : i32
        %dma_start3A_204 = arith.constant 0 : i32
        %dma_start3A_205 = arith.constant 0 : i32
        %dma_start3A_206 = tpu.memref_slice %arg6[%dma_start3A_203, %dma_start3A_204, %dma_start3A_205] : memref<2x80x128xf32, #tpu.memory_space<vmem>> -> memref<1x80x128xf32, #tpu.memory_space<vmem>>
        %dma_start3A_207 = tpu.memref_squeeze %dma_start3A_206 : memref<1x80x128xf32, #tpu.memory_space<vmem>> -> memref<80x128xf32, #tpu.memory_space<vmem>>
        %dma_start3A_208 = arith.constant 0 : i32
        %dma_start3A_209 = tpu.memref_slice %arg5[%dma_start3A_201, %dma_start3A_202, %dma_start3A_208] : memref<2x2x80xi32, #tpu.memory_space<vmem>> -> memref<1x1x80xi32, #tpu.memory_space<vmem>>
        %dma_start3A_210 = tpu.memref_squeeze %dma_start3A_209 : memref<1x1x80xi32, #tpu.memory_space<vmem>> -> memref<80xi32, #tpu.memory_space<vmem>>
        %dma_start3A_211 = arith.constant 0 : i32
        %dma_start3A_212 = arith.constant 0 : i32
        %dma_start3A_213 = tpu.memref_slice %arg2[%dma_start3A_211, %dma_start3A_212] : memref<40000x128xf32, #tpu.memory_space<hbm>> -> memref<40000x128xf32, #tpu.memory_space<hbm>>
        tpu.enqueue_indirect_dma source(%dma_start3A_213 : memref<40000x128xf32, #tpu.memory_space<hbm>>) target(%dma_start3A_207 : memref<80x128xf32, #tpu.memory_space<vmem>>) offsets(%dma_start3A_210 : memref<80xi32, #tpu.memory_space<vmem>>) semaphore(%arg9 : memref<!tpu.dma_semaphore, #tpu.memory_space<semaphore_mem>>)
      } else {
      }
      %run_scoped3A_191 = arith.constant 1 : i32
      %run_scoped3A_192 = arith.constant 1 : i32
      %run_scoped3A_193 = arith.constant 1 : i32
      "tpu.region"() ({
        %run_scoped3A_201 = tpu.sem_alloc : memref<!tpu.dma_semaphore, #tpu.memory_space<semaphore_mem>>
        %dma_start3A_202 = arith.constant 0 : i32
        %dma_start3A_203 = arith.constant 0 : i32
        %dma_start3A_204 = tpu.memref_slice %arg6[%run_scoped3A_191, %dma_start3A_202, %dma_start3A_203] : memref<2x80x128xf32, #tpu.memory_space<vmem>> -> memref<1x80x128xf32, #tpu.memory_space<vmem>>
        %dma_start3A_205 = tpu.memref_squeeze %dma_start3A_204 : memref<1x80x128xf32, #tpu.memory_space<vmem>> -> memref<80x128xf32, #tpu.memory_space<vmem>>
        %dma_start3A_206 = arith.constant 0 : i32
        %dma_start3A_207 = tpu.memref_slice %arg5[%run_scoped3A_192, %run_scoped3A_193, %dma_start3A_206] : memref<2x2x80xi32, #tpu.memory_space<vmem>> -> memref<1x1x80xi32, #tpu.memory_space<vmem>>
        %dma_start3A_208 = tpu.memref_squeeze %dma_start3A_207 : memref<1x1x80xi32, #tpu.memory_space<vmem>> -> memref<80xi32, #tpu.memory_space<vmem>>
        %dma_start3A_209 = arith.constant 0 : i32
        %dma_start3A_210 = arith.constant 0 : i32
        %dma_start3A_211 = tpu.memref_slice %arg8[%dma_start3A_209, %dma_start3A_210] : memref<10240x128xf32, #tpu.memory_space<vmem_shared>> -> memref<10240x128xf32, #tpu.memory_space<vmem_shared>>
        tpu.enqueue_indirect_dma source(%dma_start3A_205 : memref<80x128xf32, #tpu.memory_space<vmem>>) target(%dma_start3A_211 : memref<10240x128xf32, #tpu.memory_space<vmem_shared>>) offsets(%dma_start3A_208 : memref<80xi32, #tpu.memory_space<vmem>>) semaphore(%run_scoped3A_201 : memref<!tpu.dma_semaphore, #tpu.memory_space<semaphore_mem>>) {add = true}
        %dma_wait3A_212 = arith.constant 0 : i32
        %dma_wait3A_213 = arith.constant 0 : i32
        %dma_wait3A_214 = tpu.memref_slice %arg6[%run_scoped3A_191, %dma_wait3A_212, %dma_wait3A_213] : memref<2x80x128xf32, #tpu.memory_space<vmem>> -> memref<1x80x128xf32, #tpu.memory_space<vmem>>
        %dma_wait3A_215 = tpu.memref_squeeze %dma_wait3A_214 : memref<1x80x128xf32, #tpu.memory_space<vmem>> -> memref<80x128xf32, #tpu.memory_space<vmem>>
        %dma_wait3A_216 = arith.constant 0 : i32
        %dma_wait3A_217 = tpu.memref_slice %arg5[%run_scoped3A_192, %run_scoped3A_193, %dma_wait3A_216] : memref<2x2x80xi32, #tpu.memory_space<vmem>> -> memref<1x1x80xi32, #tpu.memory_space<vmem>>
        %dma_wait3A_218 = tpu.memref_squeeze %dma_wait3A_217 : memref<1x1x80xi32, #tpu.memory_space<vmem>> -> memref<80xi32, #tpu.memory_space<vmem>>
        %dma_wait3A_219 = arith.constant 0 : i32
        %dma_wait3A_220 = arith.constant 0 : i32
        %dma_wait3A_221 = tpu.memref_slice %arg8[%dma_wait3A_219, %dma_wait3A_220] : memref<10240x128xf32, #tpu.memory_space<vmem_shared>> -> memref<10240x128xf32, #tpu.memory_space<vmem_shared>>
        tpu.wait_indirect_dma semaphore(%run_scoped3A_201 : memref<!tpu.dma_semaphore, #tpu.memory_space<semaphore_mem>>) src(%dma_wait3A_215 : memref<80x128xf32, #tpu.memory_space<vmem>>) dst(%dma_wait3A_221 : memref<10240x128xf32, #tpu.memory_space<vmem_shared>>)
        tpu.yield
      }) : () -> ()
      %add3A_194 = arith.constant 2 : i32
      %add3A_195 = arith.addi %add3A_170, %add3A_194 : i32
      %lt3A_196 = arith.constant 126 : i32
      %lt3A_197 = arith.cmpi slt, %add3A_195, %lt3A_196 : i32
      %convert_element_type3A_198 = arith.extui %lt3A_197 : i1 to i32
      %cond3A_199 = arith.constant 0 : i32
      %cond3A_200 = arith.cmpi ne, %convert_element_type3A_198, %cond3A_199 : i32
      scf.if %cond3A_200 {
        %add3A_201 = arith.constant 2 : i32
        %add3A_202 = arith.addi %add3A_170, %add3A_201 : i32
        %mul3A_203 = arith.constant 2016 : i32
        %mul3A_204 = arith.muli %add3A_71, %mul3A_203 : i32
        %mul3A_205 = arith.constant 126 : i32
        %mul3A_206 = arith.muli %arg1, %mul3A_205 : i32
        %add3A_207 = arith.addi %mul3A_204, %mul3A_206 : i32
        %add3A_208 = arith.addi %add3A_207, %add3A_202 : i32
        %run_scoped3A_209 = arith.constant 1 : i32
        "tpu.region"() ({
          %run_scoped3A_210 = tpu.sem_alloc : memref<!tpu.dma_semaphore, #tpu.memory_space<semaphore_mem>>
          %dma_start3A_211 = arith.constant 0 : i32
          %dma_start3A_212 = arith.constant 0 : i32
          %dma_start3A_213 = tpu.memref_slice %arg5[%run_scoped3A_209, %dma_start3A_211, %dma_start3A_212] : memref<2x2x80xi32, #tpu.memory_space<vmem>> -> memref<1x2x80xi32, #tpu.memory_space<vmem>>
          %dma_start3A_214 = tpu.memref_squeeze %dma_start3A_213 : memref<1x2x80xi32, #tpu.memory_space<vmem>> -> memref<2x80xi32, #tpu.memory_space<vmem>>
          %dma_start3A_215 = arith.constant 0 : i32
          %dma_start3A_216 = arith.constant 0 : i32
          %dma_start3A_217 = tpu.memref_slice %arg3[%add3A_208, %dma_start3A_215, %dma_start3A_216] : memref<8064x2x80xi32, #tpu.memory_space<hbm>> -> memref<1x2x80xi32, #tpu.memory_space<hbm>>
          %dma_start3A_218 = tpu.memref_squeeze %dma_start3A_217 : memref<1x2x80xi32, #tpu.memory_space<hbm>> -> memref<2x80xi32, #tpu.memory_space<hbm>>
          %dma_start3A_219 = arith.constant 0 : i32
          %dma_start3A_220 = arith.constant 0 : i32
          %dma_start3A_221 = tpu.memref_slice %arg5[%run_scoped3A_209, %dma_start3A_219, %dma_start3A_220] : memref<2x2x80xi32, #tpu.memory_space<vmem>> -> memref<1x2x80xi32, #tpu.memory_space<vmem>>
          %dma_start3A_222 = tpu.memref_squeeze %dma_start3A_221 : memref<1x2x80xi32, #tpu.memory_space<vmem>> -> memref<2x80xi32, #tpu.memory_space<vmem>>
          %dma_start3A_223 = arith.constant 0 : i32
          %dma_start3A_224 = arith.constant 0 : i32
          %dma_start3A_225 = tpu.memref_slice %arg3[%add3A_208, %dma_start3A_223, %dma_start3A_224] : memref<8064x2x80xi32, #tpu.memory_space<hbm>> -> memref<1x2x80xi32, #tpu.memory_space<hbm>>
          %dma_start3A_226 = tpu.memref_squeeze %dma_start3A_225 : memref<1x2x80xi32, #tpu.memory_space<hbm>> -> memref<2x80xi32, #tpu.memory_space<hbm>>
          tpu.enqueue_dma source(%dma_start3A_226 : memref<2x80xi32, #tpu.memory_space<hbm>>) target(%dma_start3A_222 : memref<2x80xi32, #tpu.memory_space<vmem>>) target_semaphore(%run_scoped3A_210 : memref<!tpu.dma_semaphore, #tpu.memory_space<semaphore_mem>>)
          %dma_wait3A_227 = arith.constant 0 : i32
          %dma_wait3A_228 = arith.constant 0 : i32
          %dma_wait3A_229 = tpu.memref_slice %arg5[%run_scoped3A_209, %dma_wait3A_227, %dma_wait3A_228] : memref<2x2x80xi32, #tpu.memory_space<vmem>> -> memref<1x2x80xi32, #tpu.memory_space<vmem>>
          %dma_wait3A_230 = tpu.memref_squeeze %dma_wait3A_229 : memref<1x2x80xi32, #tpu.memory_space<vmem>> -> memref<2x80xi32, #tpu.memory_space<vmem>>
          %dma_wait3A_231 = arith.constant 0 : i32
          %dma_wait3A_232 = arith.constant 0 : i32
          %dma_wait3A_233 = tpu.memref_slice %arg3[%add3A_208, %dma_wait3A_231, %dma_wait3A_232] : memref<8064x2x80xi32, #tpu.memory_space<hbm>> -> memref<1x2x80xi32, #tpu.memory_space<hbm>>
          %dma_wait3A_234 = tpu.memref_squeeze %dma_wait3A_233 : memref<1x2x80xi32, #tpu.memory_space<hbm>> -> memref<2x80xi32, #tpu.memory_space<hbm>>
          %dma_wait3A_235 = arith.constant 0 : i32
          %dma_wait3A_236 = arith.constant 0 : i32
          %dma_wait3A_237 = tpu.memref_slice %arg5[%run_scoped3A_209, %dma_wait3A_235, %dma_wait3A_236] : memref<2x2x80xi32, #tpu.memory_space<vmem>> -> memref<1x2x80xi32, #tpu.memory_space<vmem>>
          %dma_wait3A_238 = tpu.memref_squeeze %dma_wait3A_237 : memref<1x2x80xi32, #tpu.memory_space<vmem>> -> memref<2x80xi32, #tpu.memory_space<vmem>>
          %dma_wait3A_239 = arith.constant 0 : i32
          %dma_wait3A_240 = arith.constant 0 : i32
          %dma_wait3A_241 = tpu.memref_slice %arg3[%add3A_208, %dma_wait3A_239, %dma_wait3A_240] : memref<8064x2x80xi32, #tpu.memory_space<hbm>> -> memref<1x2x80xi32, #tpu.memory_space<hbm>>
          %dma_wait3A_242 = tpu.memref_squeeze %dma_wait3A_241 : memref<1x2x80xi32, #tpu.memory_space<hbm>> -> memref<2x80xi32, #tpu.memory_space<hbm>>
          tpu.wait_dma2 semaphore(%run_scoped3A_210 : memref<!tpu.dma_semaphore, #tpu.memory_space<semaphore_mem>>) src(%dma_wait3A_242 : memref<2x80xi32, #tpu.memory_space<hbm>>) dst(%dma_wait3A_238 : memref<2x80xi32, #tpu.memory_space<vmem>>)
          tpu.yield
        }) : () -> ()
      } else {
      }
    }
    %scan3A_127 = arith.constant 63 : i32
    %barrier3A_128 = arith.constant 0 : index
    tpu.barrier barrier_id(%barrier3A_128)
    %mul3A_129 = arith.constant 640 : i32
    %mul3A_130 = arith.muli %arg1, %mul3A_129 : i32
    %mul3A_131 = arith.constant 10240 : i32
    %mul3A_132 = arith.muli %add3A_71, %mul3A_131 : i32
    %mul3A_133 = arith.constant 640 : i32
    %mul3A_134 = arith.muli %arg1, %mul3A_133 : i32
    %add3A_135 = arith.addi %mul3A_132, %mul3A_134 : i32
    "tpu.region"() ({
      %run_scoped3A_136 = tpu.sem_alloc : memref<!tpu.dma_semaphore, #tpu.memory_space<semaphore_mem>>
      %dma_start3A_137 = arith.constant 0 : i32
      %dma_start3A_138 = tpu.memref_slice %arg4[%add3A_135, %dma_start3A_137] : memref<40960x128xf32, #tpu.memory_space<hbm>> -> memref<640x128xf32, #tpu.memory_space<hbm>>
      %dma_start3A_139 = arith.constant 0 : i32
      %dma_start3A_140 = tpu.memref_slice %arg8[%mul3A_130, %dma_start3A_139] : memref<10240x128xf32, #tpu.memory_space<vmem_shared>> -> memref<640x128xf32, #tpu.memory_space<vmem_shared>>
      tpu.enqueue_dma source(%dma_start3A_140 : memref<640x128xf32, #tpu.memory_space<vmem_shared>>) target(%dma_start3A_138 : memref<640x128xf32, #tpu.memory_space<hbm>>) target_semaphore(%run_scoped3A_136 : memref<!tpu.dma_semaphore, #tpu.memory_space<semaphore_mem>>)
      %dma_wait3A = arith.constant 0 : i32
      %dma_wait3A_141 = tpu.memref_slice %arg4[%add3A_135, %dma_wait3A] : memref<40960x128xf32, #tpu.memory_space<hbm>> -> memref<640x128xf32, #tpu.memory_space<hbm>>
      %dma_wait3A_142 = arith.constant 0 : i32
      %dma_wait3A_143 = tpu.memref_slice %arg8[%mul3A_130, %dma_wait3A_142] : memref<10240x128xf32, #tpu.memory_space<vmem_shared>> -> memref<640x128xf32, #tpu.memory_space<vmem_shared>>
      tpu.wait_dma2 semaphore(%run_scoped3A_136 : memref<!tpu.dma_semaphore, #tpu.memory_space<semaphore_mem>>) src(%dma_wait3A_143 : memref<640x128xf32, #tpu.memory_space<vmem_shared>>) dst(%dma_wait3A_141 : memref<640x128xf32, #tpu.memory_space<hbm>>)
      tpu.yield
    }) : () -> ()
    return
  }
}

#map = affine_map<(d0, d1) -> (0, 0)>
#map1 = affine_map<(d0, d1) -> (0, 0, 0)>
module attributes {stable_mosaic.version = 14 : i64} {
  func.func @sc_agg(%arg0: i32, %arg1: i32, %arg2: memref<20000x128xf32, #tpu.memory_space<hbm>>, %arg3: memref<4032x2x80xi32, #tpu.memory_space<hbm>>, %arg4: memref<20480x128xf32, #tpu.memory_space<hbm>>, %arg5: memref<2x2x80xi32, #tpu.memory_space<vmem>>, %arg6: memref<2x80x128xf32, #tpu.memory_space<vmem>>, %arg7: memref<128x128xf32, #tpu.memory_space<vmem>>, %arg8: memref<10240x128xf32, #tpu.memory_space<vmem_shared>>, %arg9: memref<!tpu.dma_semaphore, #tpu.memory_space<semaphore_mem>>, %arg10: memref<!tpu.dma_semaphore, #tpu.memory_space<semaphore_mem>>) attributes {dimension_semantics = [#tpu.dimension_semantics<core_parallel>, #tpu.dimension_semantics<subcore_parallel>], iteration_bounds = array<i64: 2, 16>, scalar_prefetch = 0 : i64, scratch_operands = 6 : i64, tpu.core_type = #tpu.core_type<sc_vector_subcore>, window_params = [{transform_indices = #map}, {transform_indices = #map1}, {transform_indices = #map}]} {
    %scan3A = arith.constant 0 : i32
    %scan3A_0 = arith.constant 0 : i32
    %scan3A_1 = arith.constant 128 : i32
    %scan3A_2 = arith.addi %scan3A_0, %scan3A_1 : i32
    %scan3A_3 = arith.constant 1 : i32
    scf.for %scan3A_68 = %scan3A_0 to %scan3A_2 step %scan3A_3  : i32 {
      %broadcast_in_dim3A = arith.constant 0.000000e+00 : f32
      %broadcast_in_dim3A_69 = vector.broadcast %broadcast_in_dim3A : f32 to vector<16xf32>
      %swap3A = arith.index_cast %scan3A_68 : i32 to index
      %swap3A_70 = arith.constant 0 : index
      %swap3A_71 = tpu.vector_load %arg7[%swap3A, %swap3A_70] {strides = array<i32>} : memref<128x128xf32, #tpu.memory_space<vmem>>, vector<1x16xf32>,
      %swap3A_72 = vector.shape_cast %swap3A_71 : vector<1x16xf32> to vector<16xf32>
      %swap3A_73 = vector.shape_cast %broadcast_in_dim3A_69 : vector<16xf32> to vector<1x16xf32>
      tpu.vector_store %arg7[%swap3A, %swap3A_70], %swap3A_73 {strides = array<i32>} : memref<128x128xf32, #tpu.memory_space<vmem>>, vector<1x16xf32>,
      %broadcast_in_dim3A_74 = arith.constant 0.000000e+00 : f32
      %broadcast_in_dim3A_75 = vector.broadcast %broadcast_in_dim3A_74 : f32 to vector<16xf32>
      %swap3A_76 = arith.index_cast %scan3A_68 : i32 to index
      %swap3A_77 = arith.constant 16 : index
      %swap3A_78 = tpu.vector_load %arg7[%swap3A_76, %swap3A_77] {strides = array<i32>} : memref<128x128xf32, #tpu.memory_space<vmem>>, vector<1x16xf32>,
      %swap3A_79 = vector.shape_cast %swap3A_78 : vector<1x16xf32> to vector<16xf32>
      %swap3A_80 = vector.shape_cast %broadcast_in_dim3A_75 : vector<16xf32> to vector<1x16xf32>
      tpu.vector_store %arg7[%swap3A_76, %swap3A_77], %swap3A_80 {strides = array<i32>} : memref<128x128xf32, #tpu.memory_space<vmem>>, vector<1x16xf32>,
      %broadcast_in_dim3A_81 = arith.constant 0.000000e+00 : f32
      %broadcast_in_dim3A_82 = vector.broadcast %broadcast_in_dim3A_81 : f32 to vector<16xf32>
      %swap3A_83 = arith.index_cast %scan3A_68 : i32 to index
      %swap3A_84 = arith.constant 32 : index
      %swap3A_85 = tpu.vector_load %arg7[%swap3A_83, %swap3A_84] {strides = array<i32>} : memref<128x128xf32, #tpu.memory_space<vmem>>, vector<1x16xf32>,
      %swap3A_86 = vector.shape_cast %swap3A_85 : vector<1x16xf32> to vector<16xf32>
      %swap3A_87 = vector.shape_cast %broadcast_in_dim3A_82 : vector<16xf32> to vector<1x16xf32>
      tpu.vector_store %arg7[%swap3A_83, %swap3A_84], %swap3A_87 {strides = array<i32>} : memref<128x128xf32, #tpu.memory_space<vmem>>, vector<1x16xf32>,
      %broadcast_in_dim3A_88 = arith.constant 0.000000e+00 : f32
      %broadcast_in_dim3A_89 = vector.broadcast %broadcast_in_dim3A_88 : f32 to vector<16xf32>
      %swap3A_90 = arith.index_cast %scan3A_68 : i32 to index
      %swap3A_91 = arith.constant 48 : index
      %swap3A_92 = tpu.vector_load %arg7[%swap3A_90, %swap3A_91] {strides = array<i32>} : memref<128x128xf32, #tpu.memory_space<vmem>>, vector<1x16xf32>,
      %swap3A_93 = vector.shape_cast %swap3A_92 : vector<1x16xf32> to vector<16xf32>
      %swap3A_94 = vector.shape_cast %broadcast_in_dim3A_89 : vector<16xf32> to vector<1x16xf32>
      tpu.vector_store %arg7[%swap3A_90, %swap3A_91], %swap3A_94 {strides = array<i32>} : memref<128x128xf32, #tpu.memory_space<vmem>>, vector<1x16xf32>,
      %broadcast_in_dim3A_95 = arith.constant 0.000000e+00 : f32
      %broadcast_in_dim3A_96 = vector.broadcast %broadcast_in_dim3A_95 : f32 to vector<16xf32>
      %swap3A_97 = arith.index_cast %scan3A_68 : i32 to index
      %swap3A_98 = arith.constant 64 : index
      %swap3A_99 = tpu.vector_load %arg7[%swap3A_97, %swap3A_98] {strides = array<i32>} : memref<128x128xf32, #tpu.memory_space<vmem>>, vector<1x16xf32>,
      %swap3A_100 = vector.shape_cast %swap3A_99 : vector<1x16xf32> to vector<16xf32>
      %swap3A_101 = vector.shape_cast %broadcast_in_dim3A_96 : vector<16xf32> to vector<1x16xf32>
      tpu.vector_store %arg7[%swap3A_97, %swap3A_98], %swap3A_101 {strides = array<i32>} : memref<128x128xf32, #tpu.memory_space<vmem>>, vector<1x16xf32>,
      %broadcast_in_dim3A_102 = arith.constant 0.000000e+00 : f32
      %broadcast_in_dim3A_103 = vector.broadcast %broadcast_in_dim3A_102 : f32 to vector<16xf32>
      %swap3A_104 = arith.index_cast %scan3A_68 : i32 to index
      %swap3A_105 = arith.constant 80 : index
      %swap3A_106 = tpu.vector_load %arg7[%swap3A_104, %swap3A_105] {strides = array<i32>} : memref<128x128xf32, #tpu.memory_space<vmem>>, vector<1x16xf32>,
      %swap3A_107 = vector.shape_cast %swap3A_106 : vector<1x16xf32> to vector<16xf32>
      %swap3A_108 = vector.shape_cast %broadcast_in_dim3A_103 : vector<16xf32> to vector<1x16xf32>
      tpu.vector_store %arg7[%swap3A_104, %swap3A_105], %swap3A_108 {strides = array<i32>} : memref<128x128xf32, #tpu.memory_space<vmem>>, vector<1x16xf32>,
      %broadcast_in_dim3A_109 = arith.constant 0.000000e+00 : f32
      %broadcast_in_dim3A_110 = vector.broadcast %broadcast_in_dim3A_109 : f32 to vector<16xf32>
      %swap3A_111 = arith.index_cast %scan3A_68 : i32 to index
      %swap3A_112 = arith.constant 96 : index
      %swap3A_113 = tpu.vector_load %arg7[%swap3A_111, %swap3A_112] {strides = array<i32>} : memref<128x128xf32, #tpu.memory_space<vmem>>, vector<1x16xf32>,
      %swap3A_114 = vector.shape_cast %swap3A_113 : vector<1x16xf32> to vector<16xf32>
      %swap3A_115 = vector.shape_cast %broadcast_in_dim3A_110 : vector<16xf32> to vector<1x16xf32>
      tpu.vector_store %arg7[%swap3A_111, %swap3A_112], %swap3A_115 {strides = array<i32>} : memref<128x128xf32, #tpu.memory_space<vmem>>, vector<1x16xf32>,
      %broadcast_in_dim3A_116 = arith.constant 0.000000e+00 : f32
      %broadcast_in_dim3A_117 = vector.broadcast %broadcast_in_dim3A_116 : f32 to vector<16xf32>
      %swap3A_118 = arith.index_cast %scan3A_68 : i32 to index
      %swap3A_119 = arith.constant 112 : index
      %swap3A_120 = tpu.vector_load %arg7[%swap3A_118, %swap3A_119] {strides = array<i32>} : memref<128x128xf32, #tpu.memory_space<vmem>>, vector<1x16xf32>,
      %swap3A_121 = vector.shape_cast %swap3A_120 : vector<1x16xf32> to vector<16xf32>
      %swap3A_122 = vector.shape_cast %broadcast_in_dim3A_117 : vector<16xf32> to vector<1x16xf32>
      tpu.vector_store %arg7[%swap3A_118, %swap3A_119], %swap3A_122 {strides = array<i32>} : memref<128x128xf32, #tpu.memory_space<vmem>>, vector<1x16xf32>,
    }
    %scan3A_4 = arith.constant 128 : i32
    %mul3A = arith.constant 1 : i32
    %mul3A_5 = arith.muli %arg0, %mul3A : i32
    %add3A = arith.constant 0 : i32
    %add3A_6 = arith.addi %mul3A_5, %add3A : i32
    %mul3A_7 = arith.constant 640 : i32
    %mul3A_8 = arith.muli %arg1, %mul3A_7 : i32
    %add3A_9 = arith.constant 0 : i32
    %add3A_10 = arith.addi %mul3A_8, %add3A_9 : i32
    "tpu.region"() ({
      %run_scoped3A_68 = tpu.sem_alloc : memref<!tpu.dma_semaphore, #tpu.memory_space<semaphore_mem>>
      %dma_start3A_69 = arith.constant 0 : i32
      %dma_start3A_70 = tpu.memref_slice %arg8[%add3A_10, %dma_start3A_69] : memref<10240x128xf32, #tpu.memory_space<vmem_shared>> -> memref<128x128xf32, #tpu.memory_space<vmem_shared>>
      %dma_start3A_71 = arith.constant 0 : i32
      %dma_start3A_72 = tpu.memref_slice %arg8[%add3A_10, %dma_start3A_71] : memref<10240x128xf32, #tpu.memory_space<vmem_shared>> -> memref<128x128xf32, #tpu.memory_space<vmem_shared>>
      tpu.enqueue_dma source(%arg7 : memref<128x128xf32, #tpu.memory_space<vmem>>) target(%dma_start3A_72 : memref<128x128xf32, #tpu.memory_space<vmem_shared>>) target_semaphore(%run_scoped3A_68 : memref<!tpu.dma_semaphore, #tpu.memory_space<semaphore_mem>>)
      %dma_wait3A = arith.constant 0 : i32
      %dma_wait3A_73 = tpu.memref_slice %arg8[%add3A_10, %dma_wait3A] : memref<10240x128xf32, #tpu.memory_space<vmem_shared>> -> memref<128x128xf32, #tpu.memory_space<vmem_shared>>
      %dma_wait3A_74 = arith.constant 0 : i32
      %dma_wait3A_75 = tpu.memref_slice %arg8[%add3A_10, %dma_wait3A_74] : memref<10240x128xf32, #tpu.memory_space<vmem_shared>> -> memref<128x128xf32, #tpu.memory_space<vmem_shared>>
      tpu.wait_dma2 semaphore(%run_scoped3A_68 : memref<!tpu.dma_semaphore, #tpu.memory_space<semaphore_mem>>) src(%arg7 : memref<128x128xf32, #tpu.memory_space<vmem>>) dst(%dma_wait3A_75 : memref<128x128xf32, #tpu.memory_space<vmem_shared>>)
      tpu.yield
    }) : () -> ()
    %mul3A_11 = arith.constant 640 : i32
    %mul3A_12 = arith.muli %arg1, %mul3A_11 : i32
    %add3A_13 = arith.constant 128 : i32
    %add3A_14 = arith.addi %mul3A_12, %add3A_13 : i32
    "tpu.region"() ({
      %run_scoped3A_68 = tpu.sem_alloc : memref<!tpu.dma_semaphore, #tpu.memory_space<semaphore_mem>>
      %dma_start3A_69 = arith.constant 0 : i32
      %dma_start3A_70 = tpu.memref_slice %arg8[%add3A_14, %dma_start3A_69] : memref<10240x128xf32, #tpu.memory_space<vmem_shared>> -> memref<128x128xf32, #tpu.memory_space<vmem_shared>>
      %dma_start3A_71 = arith.constant 0 : i32
      %dma_start3A_72 = tpu.memref_slice %arg8[%add3A_14, %dma_start3A_71] : memref<10240x128xf32, #tpu.memory_space<vmem_shared>> -> memref<128x128xf32, #tpu.memory_space<vmem_shared>>
      tpu.enqueue_dma source(%arg7 : memref<128x128xf32, #tpu.memory_space<vmem>>) target(%dma_start3A_72 : memref<128x128xf32, #tpu.memory_space<vmem_shared>>) target_semaphore(%run_scoped3A_68 : memref<!tpu.dma_semaphore, #tpu.memory_space<semaphore_mem>>)
      %dma_wait3A = arith.constant 0 : i32
      %dma_wait3A_73 = tpu.memref_slice %arg8[%add3A_14, %dma_wait3A] : memref<10240x128xf32, #tpu.memory_space<vmem_shared>> -> memref<128x128xf32, #tpu.memory_space<vmem_shared>>
      %dma_wait3A_74 = arith.constant 0 : i32
      %dma_wait3A_75 = tpu.memref_slice %arg8[%add3A_14, %dma_wait3A_74] : memref<10240x128xf32, #tpu.memory_space<vmem_shared>> -> memref<128x128xf32, #tpu.memory_space<vmem_shared>>
      tpu.wait_dma2 semaphore(%run_scoped3A_68 : memref<!tpu.dma_semaphore, #tpu.memory_space<semaphore_mem>>) src(%arg7 : memref<128x128xf32, #tpu.memory_space<vmem>>) dst(%dma_wait3A_75 : memref<128x128xf32, #tpu.memory_space<vmem_shared>>)
      tpu.yield
    }) : () -> ()
    %mul3A_15 = arith.constant 640 : i32
    %mul3A_16 = arith.muli %arg1, %mul3A_15 : i32
    %add3A_17 = arith.constant 256 : i32
    %add3A_18 = arith.addi %mul3A_16, %add3A_17 : i32
    "tpu.region"() ({
      %run_scoped3A_68 = tpu.sem_alloc : memref<!tpu.dma_semaphore, #tpu.memory_space<semaphore_mem>>
      %dma_start3A_69 = arith.constant 0 : i32
      %dma_start3A_70 = tpu.memref_slice %arg8[%add3A_18, %dma_start3A_69] : memref<10240x128xf32, #tpu.memory_space<vmem_shared>> -> memref<128x128xf32, #tpu.memory_space<vmem_shared>>
      %dma_start3A_71 = arith.constant 0 : i32
      %dma_start3A_72 = tpu.memref_slice %arg8[%add3A_18, %dma_start3A_71] : memref<10240x128xf32, #tpu.memory_space<vmem_shared>> -> memref<128x128xf32, #tpu.memory_space<vmem_shared>>
      tpu.enqueue_dma source(%arg7 : memref<128x128xf32, #tpu.memory_space<vmem>>) target(%dma_start3A_72 : memref<128x128xf32, #tpu.memory_space<vmem_shared>>) target_semaphore(%run_scoped3A_68 : memref<!tpu.dma_semaphore, #tpu.memory_space<semaphore_mem>>)
      %dma_wait3A = arith.constant 0 : i32
      %dma_wait3A_73 = tpu.memref_slice %arg8[%add3A_18, %dma_wait3A] : memref<10240x128xf32, #tpu.memory_space<vmem_shared>> -> memref<128x128xf32, #tpu.memory_space<vmem_shared>>
      %dma_wait3A_74 = arith.constant 0 : i32
      %dma_wait3A_75 = tpu.memref_slice %arg8[%add3A_18, %dma_wait3A_74] : memref<10240x128xf32, #tpu.memory_space<vmem_shared>> -> memref<128x128xf32, #tpu.memory_space<vmem_shared>>
      tpu.wait_dma2 semaphore(%run_scoped3A_68 : memref<!tpu.dma_semaphore, #tpu.memory_space<semaphore_mem>>) src(%arg7 : memref<128x128xf32, #tpu.memory_space<vmem>>) dst(%dma_wait3A_75 : memref<128x128xf32, #tpu.memory_space<vmem_shared>>)
      tpu.yield
    }) : () -> ()
    %mul3A_19 = arith.constant 640 : i32
    %mul3A_20 = arith.muli %arg1, %mul3A_19 : i32
    %add3A_21 = arith.constant 384 : i32
    %add3A_22 = arith.addi %mul3A_20, %add3A_21 : i32
    "tpu.region"() ({
      %run_scoped3A_68 = tpu.sem_alloc : memref<!tpu.dma_semaphore, #tpu.memory_space<semaphore_mem>>
      %dma_start3A_69 = arith.constant 0 : i32
      %dma_start3A_70 = tpu.memref_slice %arg8[%add3A_22, %dma_start3A_69] : memref<10240x128xf32, #tpu.memory_space<vmem_shared>> -> memref<128x128xf32, #tpu.memory_space<vmem_shared>>
      %dma_start3A_71 = arith.constant 0 : i32
      %dma_start3A_72 = tpu.memref_slice %arg8[%add3A_22, %dma_start3A_71] : memref<10240x128xf32, #tpu.memory_space<vmem_shared>> -> memref<128x128xf32, #tpu.memory_space<vmem_shared>>
      tpu.enqueue_dma source(%arg7 : memref<128x128xf32, #tpu.memory_space<vmem>>) target(%dma_start3A_72 : memref<128x128xf32, #tpu.memory_space<vmem_shared>>) target_semaphore(%run_scoped3A_68 : memref<!tpu.dma_semaphore, #tpu.memory_space<semaphore_mem>>)
      %dma_wait3A = arith.constant 0 : i32
      %dma_wait3A_73 = tpu.memref_slice %arg8[%add3A_22, %dma_wait3A] : memref<10240x128xf32, #tpu.memory_space<vmem_shared>> -> memref<128x128xf32, #tpu.memory_space<vmem_shared>>
      %dma_wait3A_74 = arith.constant 0 : i32
      %dma_wait3A_75 = tpu.memref_slice %arg8[%add3A_22, %dma_wait3A_74] : memref<10240x128xf32, #tpu.memory_space<vmem_shared>> -> memref<128x128xf32, #tpu.memory_space<vmem_shared>>
      tpu.wait_dma2 semaphore(%run_scoped3A_68 : memref<!tpu.dma_semaphore, #tpu.memory_space<semaphore_mem>>) src(%arg7 : memref<128x128xf32, #tpu.memory_space<vmem>>) dst(%dma_wait3A_75 : memref<128x128xf32, #tpu.memory_space<vmem_shared>>)
      tpu.yield
    }) : () -> ()
    %mul3A_23 = arith.constant 640 : i32
    %mul3A_24 = arith.muli %arg1, %mul3A_23 : i32
    %add3A_25 = arith.constant 512 : i32
    %add3A_26 = arith.addi %mul3A_24, %add3A_25 : i32
    "tpu.region"() ({
      %run_scoped3A_68 = tpu.sem_alloc : memref<!tpu.dma_semaphore, #tpu.memory_space<semaphore_mem>>
      %dma_start3A_69 = arith.constant 0 : i32
      %dma_start3A_70 = tpu.memref_slice %arg8[%add3A_26, %dma_start3A_69] : memref<10240x128xf32, #tpu.memory_space<vmem_shared>> -> memref<128x128xf32, #tpu.memory_space<vmem_shared>>
      %dma_start3A_71 = arith.constant 0 : i32
      %dma_start3A_72 = tpu.memref_slice %arg8[%add3A_26, %dma_start3A_71] : memref<10240x128xf32, #tpu.memory_space<vmem_shared>> -> memref<128x128xf32, #tpu.memory_space<vmem_shared>>
      tpu.enqueue_dma source(%arg7 : memref<128x128xf32, #tpu.memory_space<vmem>>) target(%dma_start3A_72 : memref<128x128xf32, #tpu.memory_space<vmem_shared>>) target_semaphore(%run_scoped3A_68 : memref<!tpu.dma_semaphore, #tpu.memory_space<semaphore_mem>>)
      %dma_wait3A = arith.constant 0 : i32
      %dma_wait3A_73 = tpu.memref_slice %arg8[%add3A_26, %dma_wait3A] : memref<10240x128xf32, #tpu.memory_space<vmem_shared>> -> memref<128x128xf32, #tpu.memory_space<vmem_shared>>
      %dma_wait3A_74 = arith.constant 0 : i32
      %dma_wait3A_75 = tpu.memref_slice %arg8[%add3A_26, %dma_wait3A_74] : memref<10240x128xf32, #tpu.memory_space<vmem_shared>> -> memref<128x128xf32, #tpu.memory_space<vmem_shared>>
      tpu.wait_dma2 semaphore(%run_scoped3A_68 : memref<!tpu.dma_semaphore, #tpu.memory_space<semaphore_mem>>) src(%arg7 : memref<128x128xf32, #tpu.memory_space<vmem>>) dst(%dma_wait3A_75 : memref<128x128xf32, #tpu.memory_space<vmem_shared>>)
      tpu.yield
    }) : () -> ()
    %mul3A_27 = arith.constant 2016 : i32
    %mul3A_28 = arith.muli %add3A_6, %mul3A_27 : i32
    %mul3A_29 = arith.constant 126 : i32
    %mul3A_30 = arith.muli %arg1, %mul3A_29 : i32
    %add3A_31 = arith.addi %mul3A_28, %mul3A_30 : i32
    %add3A_32 = arith.constant 0 : i32
    %add3A_33 = arith.addi %add3A_31, %add3A_32 : i32
    %run_scoped3A = arith.constant 0 : i32
    "tpu.region"() ({
      %run_scoped3A_68 = tpu.sem_alloc : memref<!tpu.dma_semaphore, #tpu.memory_space<semaphore_mem>>
      %dma_start3A_69 = arith.constant 0 : i32
      %dma_start3A_70 = arith.constant 0 : i32
      %dma_start3A_71 = tpu.memref_slice %arg5[%run_scoped3A, %dma_start3A_69, %dma_start3A_70] : memref<2x2x80xi32, #tpu.memory_space<vmem>> -> memref<1x2x80xi32, #tpu.memory_space<vmem>>
      %dma_start3A_72 = tpu.memref_squeeze %dma_start3A_71 : memref<1x2x80xi32, #tpu.memory_space<vmem>> -> memref<2x80xi32, #tpu.memory_space<vmem>>
      %dma_start3A_73 = arith.constant 0 : i32
      %dma_start3A_74 = arith.constant 0 : i32
      %dma_start3A_75 = tpu.memref_slice %arg3[%add3A_33, %dma_start3A_73, %dma_start3A_74] : memref<4032x2x80xi32, #tpu.memory_space<hbm>> -> memref<1x2x80xi32, #tpu.memory_space<hbm>>
      %dma_start3A_76 = tpu.memref_squeeze %dma_start3A_75 : memref<1x2x80xi32, #tpu.memory_space<hbm>> -> memref<2x80xi32, #tpu.memory_space<hbm>>
      %dma_start3A_77 = arith.constant 0 : i32
      %dma_start3A_78 = arith.constant 0 : i32
      %dma_start3A_79 = tpu.memref_slice %arg5[%run_scoped3A, %dma_start3A_77, %dma_start3A_78] : memref<2x2x80xi32, #tpu.memory_space<vmem>> -> memref<1x2x80xi32, #tpu.memory_space<vmem>>
      %dma_start3A_80 = tpu.memref_squeeze %dma_start3A_79 : memref<1x2x80xi32, #tpu.memory_space<vmem>> -> memref<2x80xi32, #tpu.memory_space<vmem>>
      %dma_start3A_81 = arith.constant 0 : i32
      %dma_start3A_82 = arith.constant 0 : i32
      %dma_start3A_83 = tpu.memref_slice %arg3[%add3A_33, %dma_start3A_81, %dma_start3A_82] : memref<4032x2x80xi32, #tpu.memory_space<hbm>> -> memref<1x2x80xi32, #tpu.memory_space<hbm>>
      %dma_start3A_84 = tpu.memref_squeeze %dma_start3A_83 : memref<1x2x80xi32, #tpu.memory_space<hbm>> -> memref<2x80xi32, #tpu.memory_space<hbm>>
      tpu.enqueue_dma source(%dma_start3A_84 : memref<2x80xi32, #tpu.memory_space<hbm>>) target(%dma_start3A_80 : memref<2x80xi32, #tpu.memory_space<vmem>>) target_semaphore(%run_scoped3A_68 : memref<!tpu.dma_semaphore, #tpu.memory_space<semaphore_mem>>)
      %dma_wait3A = arith.constant 0 : i32
      %dma_wait3A_85 = arith.constant 0 : i32
      %dma_wait3A_86 = tpu.memref_slice %arg5[%run_scoped3A, %dma_wait3A, %dma_wait3A_85] : memref<2x2x80xi32, #tpu.memory_space<vmem>> -> memref<1x2x80xi32, #tpu.memory_space<vmem>>
      %dma_wait3A_87 = tpu.memref_squeeze %dma_wait3A_86 : memref<1x2x80xi32, #tpu.memory_space<vmem>> -> memref<2x80xi32, #tpu.memory_space<vmem>>
      %dma_wait3A_88 = arith.constant 0 : i32
      %dma_wait3A_89 = arith.constant 0 : i32
      %dma_wait3A_90 = tpu.memref_slice %arg3[%add3A_33, %dma_wait3A_88, %dma_wait3A_89] : memref<4032x2x80xi32, #tpu.memory_space<hbm>> -> memref<1x2x80xi32, #tpu.memory_space<hbm>>
      %dma_wait3A_91 = tpu.memref_squeeze %dma_wait3A_90 : memref<1x2x80xi32, #tpu.memory_space<hbm>> -> memref<2x80xi32, #tpu.memory_space<hbm>>
      %dma_wait3A_92 = arith.constant 0 : i32
      %dma_wait3A_93 = arith.constant 0 : i32
      %dma_wait3A_94 = tpu.memref_slice %arg5[%run_scoped3A, %dma_wait3A_92, %dma_wait3A_93] : memref<2x2x80xi32, #tpu.memory_space<vmem>> -> memref<1x2x80xi32, #tpu.memory_space<vmem>>
      %dma_wait3A_95 = tpu.memref_squeeze %dma_wait3A_94 : memref<1x2x80xi32, #tpu.memory_space<vmem>> -> memref<2x80xi32, #tpu.memory_space<vmem>>
      %dma_wait3A_96 = arith.constant 0 : i32
      %dma_wait3A_97 = arith.constant 0 : i32
      %dma_wait3A_98 = tpu.memref_slice %arg3[%add3A_33, %dma_wait3A_96, %dma_wait3A_97] : memref<4032x2x80xi32, #tpu.memory_space<hbm>> -> memref<1x2x80xi32, #tpu.memory_space<hbm>>
      %dma_wait3A_99 = tpu.memref_squeeze %dma_wait3A_98 : memref<1x2x80xi32, #tpu.memory_space<hbm>> -> memref<2x80xi32, #tpu.memory_space<hbm>>
      tpu.wait_dma2 semaphore(%run_scoped3A_68 : memref<!tpu.dma_semaphore, #tpu.memory_space<semaphore_mem>>) src(%dma_wait3A_99 : memref<2x80xi32, #tpu.memory_space<hbm>>) dst(%dma_wait3A_95 : memref<2x80xi32, #tpu.memory_space<vmem>>)
      tpu.yield
    }) : () -> ()
    %dma_start3A = arith.constant 0 : i32
    %dma_start3A_34 = arith.constant 0 : i32
    %dma_start3A_35 = arith.constant 0 : i32
    %dma_start3A_36 = arith.constant 0 : i32
    %dma_start3A_37 = arith.constant 0 : i32
    %dma_start3A_38 = tpu.memref_slice %arg6[%dma_start3A_35, %dma_start3A_36, %dma_start3A_37] : memref<2x80x128xf32, #tpu.memory_space<vmem>> -> memref<1x80x128xf32, #tpu.memory_space<vmem>>
    %dma_start3A_39 = tpu.memref_squeeze %dma_start3A_38 : memref<1x80x128xf32, #tpu.memory_space<vmem>> -> memref<80x128xf32, #tpu.memory_space<vmem>>
    %dma_start3A_40 = arith.constant 0 : i32
    %dma_start3A_41 = tpu.memref_slice %arg5[%dma_start3A, %dma_start3A_34, %dma_start3A_40] : memref<2x2x80xi32, #tpu.memory_space<vmem>> -> memref<1x1x80xi32, #tpu.memory_space<vmem>>
    %dma_start3A_42 = tpu.memref_squeeze %dma_start3A_41 : memref<1x1x80xi32, #tpu.memory_space<vmem>> -> memref<80xi32, #tpu.memory_space<vmem>>
    %dma_start3A_43 = arith.constant 0 : i32
    %dma_start3A_44 = arith.constant 0 : i32
    %dma_start3A_45 = tpu.memref_slice %arg2[%dma_start3A_43, %dma_start3A_44] : memref<20000x128xf32, #tpu.memory_space<hbm>> -> memref<20000x128xf32, #tpu.memory_space<hbm>>
    tpu.enqueue_indirect_dma source(%dma_start3A_45 : memref<20000x128xf32, #tpu.memory_space<hbm>>) target(%dma_start3A_39 : memref<80x128xf32, #tpu.memory_space<vmem>>) offsets(%dma_start3A_42 : memref<80xi32, #tpu.memory_space<vmem>>) semaphore(%arg9 : memref<!tpu.dma_semaphore, #tpu.memory_space<semaphore_mem>>)
    %mul3A_46 = arith.constant 2016 : i32
    %mul3A_47 = arith.muli %add3A_6, %mul3A_46 : i32
    %mul3A_48 = arith.constant 126 : i32
    %mul3A_49 = arith.muli %arg1, %mul3A_48 : i32
    %add3A_50 = arith.addi %mul3A_47, %mul3A_49 : i32
    %add3A_51 = arith.constant 1 : i32
    %add3A_52 = arith.addi %add3A_50, %add3A_51 : i32
    %run_scoped3A_53 = arith.constant 1 : i32
    "tpu.region"() ({
      %run_scoped3A_68 = tpu.sem_alloc : memref<!tpu.dma_semaphore, #tpu.memory_space<semaphore_mem>>
      %dma_start3A_69 = arith.constant 0 : i32
      %dma_start3A_70 = arith.constant 0 : i32
      %dma_start3A_71 = tpu.memref_slice %arg5[%run_scoped3A_53, %dma_start3A_69, %dma_start3A_70] : memref<2x2x80xi32, #tpu.memory_space<vmem>> -> memref<1x2x80xi32, #tpu.memory_space<vmem>>
      %dma_start3A_72 = tpu.memref_squeeze %dma_start3A_71 : memref<1x2x80xi32, #tpu.memory_space<vmem>> -> memref<2x80xi32, #tpu.memory_space<vmem>>
      %dma_start3A_73 = arith.constant 0 : i32
      %dma_start3A_74 = arith.constant 0 : i32
      %dma_start3A_75 = tpu.memref_slice %arg3[%add3A_52, %dma_start3A_73, %dma_start3A_74] : memref<4032x2x80xi32, #tpu.memory_space<hbm>> -> memref<1x2x80xi32, #tpu.memory_space<hbm>>
      %dma_start3A_76 = tpu.memref_squeeze %dma_start3A_75 : memref<1x2x80xi32, #tpu.memory_space<hbm>> -> memref<2x80xi32, #tpu.memory_space<hbm>>
      %dma_start3A_77 = arith.constant 0 : i32
      %dma_start3A_78 = arith.constant 0 : i32
      %dma_start3A_79 = tpu.memref_slice %arg5[%run_scoped3A_53, %dma_start3A_77, %dma_start3A_78] : memref<2x2x80xi32, #tpu.memory_space<vmem>> -> memref<1x2x80xi32, #tpu.memory_space<vmem>>
      %dma_start3A_80 = tpu.memref_squeeze %dma_start3A_79 : memref<1x2x80xi32, #tpu.memory_space<vmem>> -> memref<2x80xi32, #tpu.memory_space<vmem>>
      %dma_start3A_81 = arith.constant 0 : i32
      %dma_start3A_82 = arith.constant 0 : i32
      %dma_start3A_83 = tpu.memref_slice %arg3[%add3A_52, %dma_start3A_81, %dma_start3A_82] : memref<4032x2x80xi32, #tpu.memory_space<hbm>> -> memref<1x2x80xi32, #tpu.memory_space<hbm>>
      %dma_start3A_84 = tpu.memref_squeeze %dma_start3A_83 : memref<1x2x80xi32, #tpu.memory_space<hbm>> -> memref<2x80xi32, #tpu.memory_space<hbm>>
      tpu.enqueue_dma source(%dma_start3A_84 : memref<2x80xi32, #tpu.memory_space<hbm>>) target(%dma_start3A_80 : memref<2x80xi32, #tpu.memory_space<vmem>>) target_semaphore(%run_scoped3A_68 : memref<!tpu.dma_semaphore, #tpu.memory_space<semaphore_mem>>)
      %dma_wait3A = arith.constant 0 : i32
      %dma_wait3A_85 = arith.constant 0 : i32
      %dma_wait3A_86 = tpu.memref_slice %arg5[%run_scoped3A_53, %dma_wait3A, %dma_wait3A_85] : memref<2x2x80xi32, #tpu.memory_space<vmem>> -> memref<1x2x80xi32, #tpu.memory_space<vmem>>
      %dma_wait3A_87 = tpu.memref_squeeze %dma_wait3A_86 : memref<1x2x80xi32, #tpu.memory_space<vmem>> -> memref<2x80xi32, #tpu.memory_space<vmem>>
      %dma_wait3A_88 = arith.constant 0 : i32
      %dma_wait3A_89 = arith.constant 0 : i32
      %dma_wait3A_90 = tpu.memref_slice %arg3[%add3A_52, %dma_wait3A_88, %dma_wait3A_89] : memref<4032x2x80xi32, #tpu.memory_space<hbm>> -> memref<1x2x80xi32, #tpu.memory_space<hbm>>
      %dma_wait3A_91 = tpu.memref_squeeze %dma_wait3A_90 : memref<1x2x80xi32, #tpu.memory_space<hbm>> -> memref<2x80xi32, #tpu.memory_space<hbm>>
      %dma_wait3A_92 = arith.constant 0 : i32
      %dma_wait3A_93 = arith.constant 0 : i32
      %dma_wait3A_94 = tpu.memref_slice %arg5[%run_scoped3A_53, %dma_wait3A_92, %dma_wait3A_93] : memref<2x2x80xi32, #tpu.memory_space<vmem>> -> memref<1x2x80xi32, #tpu.memory_space<vmem>>
      %dma_wait3A_95 = tpu.memref_squeeze %dma_wait3A_94 : memref<1x2x80xi32, #tpu.memory_space<vmem>> -> memref<2x80xi32, #tpu.memory_space<vmem>>
      %dma_wait3A_96 = arith.constant 0 : i32
      %dma_wait3A_97 = arith.constant 0 : i32
      %dma_wait3A_98 = tpu.memref_slice %arg3[%add3A_52, %dma_wait3A_96, %dma_wait3A_97] : memref<4032x2x80xi32, #tpu.memory_space<hbm>> -> memref<1x2x80xi32, #tpu.memory_space<hbm>>
      %dma_wait3A_99 = tpu.memref_squeeze %dma_wait3A_98 : memref<1x2x80xi32, #tpu.memory_space<hbm>> -> memref<2x80xi32, #tpu.memory_space<hbm>>
      tpu.wait_dma2 semaphore(%run_scoped3A_68 : memref<!tpu.dma_semaphore, #tpu.memory_space<semaphore_mem>>) src(%dma_wait3A_99 : memref<2x80xi32, #tpu.memory_space<hbm>>) dst(%dma_wait3A_95 : memref<2x80xi32, #tpu.memory_space<vmem>>)
      tpu.yield
    }) : () -> ()
    %barrier3A = arith.constant 0 : index
    tpu.barrier barrier_id(%barrier3A)
    %scan3A_54 = arith.constant 0 : i32
    %scan3A_55 = arith.constant 0 : i32
    %scan3A_56 = arith.constant 63 : i32
    %scan3A_57 = arith.addi %scan3A_55, %scan3A_56 : i32
    %scan3A_58 = arith.constant 1 : i32
    scf.for %scan3A_68 = %scan3A_55 to %scan3A_57 step %scan3A_58  : i32 {
      %mul3A_69 = arith.constant 2 : i32
      %mul3A_70 = arith.muli %mul3A_69, %scan3A_68 : i32
      %add3A_71 = arith.constant 0 : i32
      %add3A_72 = arith.addi %mul3A_70, %add3A_71 : i32
      %dma_wait3A = arith.constant 0 : i32
      %dma_wait3A_73 = arith.constant 0 : i32
      %dma_wait3A_74 = arith.constant 0 : i32
      %dma_wait3A_75 = arith.constant 0 : i32
      %dma_wait3A_76 = arith.constant 0 : i32
      %dma_wait3A_77 = tpu.memref_slice %arg6[%dma_wait3A_74, %dma_wait3A_75, %dma_wait3A_76] : memref<2x80x128xf32, #tpu.memory_space<vmem>> -> memref<1x80x128xf32, #tpu.memory_space<vmem>>
      %dma_wait3A_78 = tpu.memref_squeeze %dma_wait3A_77 : memref<1x80x128xf32, #tpu.memory_space<vmem>> -> memref<80x128xf32, #tpu.memory_space<vmem>>
      %dma_wait3A_79 = arith.constant 0 : i32
      %dma_wait3A_80 = tpu.memref_slice %arg5[%dma_wait3A, %dma_wait3A_73, %dma_wait3A_79] : memref<2x2x80xi32, #tpu.memory_space<vmem>> -> memref<1x1x80xi32, #tpu.memory_space<vmem>>
      %dma_wait3A_81 = tpu.memref_squeeze %dma_wait3A_80 : memref<1x1x80xi32, #tpu.memory_space<vmem>> -> memref<80xi32, #tpu.memory_space<vmem>>
      %dma_wait3A_82 = arith.constant 0 : i32
      %dma_wait3A_83 = arith.constant 0 : i32
      %dma_wait3A_84 = tpu.memref_slice %arg2[%dma_wait3A_82, %dma_wait3A_83] : memref<20000x128xf32, #tpu.memory_space<hbm>> -> memref<20000x128xf32, #tpu.memory_space<hbm>>
      tpu.wait_indirect_dma semaphore(%arg9 : memref<!tpu.dma_semaphore, #tpu.memory_space<semaphore_mem>>) src(%dma_wait3A_84 : memref<20000x128xf32, #tpu.memory_space<hbm>>) dst(%dma_wait3A_78 : memref<80x128xf32, #tpu.memory_space<vmem>>)
      %add3A_85 = arith.constant 1 : i32
      %add3A_86 = arith.addi %add3A_72, %add3A_85 : i32
      %lt3A = arith.constant 126 : i32
      %lt3A_87 = arith.cmpi slt, %add3A_86, %lt3A : i32
      %convert_element_type3A = arith.extui %lt3A_87 : i1 to i32
      %cond3A = arith.constant 0 : i32
      %cond3A_88 = arith.cmpi ne, %convert_element_type3A, %cond3A : i32
      scf.if %cond3A_88 {
        %dma_start3A_133 = arith.constant 1 : i32
        %dma_start3A_134 = arith.constant 0 : i32
        %dma_start3A_135 = arith.constant 1 : i32
        %dma_start3A_136 = arith.constant 0 : i32
        %dma_start3A_137 = arith.constant 0 : i32
        %dma_start3A_138 = tpu.memref_slice %arg6[%dma_start3A_135, %dma_start3A_136, %dma_start3A_137] : memref<2x80x128xf32, #tpu.memory_space<vmem>> -> memref<1x80x128xf32, #tpu.memory_space<vmem>>
        %dma_start3A_139 = tpu.memref_squeeze %dma_start3A_138 : memref<1x80x128xf32, #tpu.memory_space<vmem>> -> memref<80x128xf32, #tpu.memory_space<vmem>>
        %dma_start3A_140 = arith.constant 0 : i32
        %dma_start3A_141 = tpu.memref_slice %arg5[%dma_start3A_133, %dma_start3A_134, %dma_start3A_140] : memref<2x2x80xi32, #tpu.memory_space<vmem>> -> memref<1x1x80xi32, #tpu.memory_space<vmem>>
        %dma_start3A_142 = tpu.memref_squeeze %dma_start3A_141 : memref<1x1x80xi32, #tpu.memory_space<vmem>> -> memref<80xi32, #tpu.memory_space<vmem>>
        %dma_start3A_143 = arith.constant 0 : i32
        %dma_start3A_144 = arith.constant 0 : i32
        %dma_start3A_145 = tpu.memref_slice %arg2[%dma_start3A_143, %dma_start3A_144] : memref<20000x128xf32, #tpu.memory_space<hbm>> -> memref<20000x128xf32, #tpu.memory_space<hbm>>
        tpu.enqueue_indirect_dma source(%dma_start3A_145 : memref<20000x128xf32, #tpu.memory_space<hbm>>) target(%dma_start3A_139 : memref<80x128xf32, #tpu.memory_space<vmem>>) offsets(%dma_start3A_142 : memref<80xi32, #tpu.memory_space<vmem>>) semaphore(%arg10 : memref<!tpu.dma_semaphore, #tpu.memory_space<semaphore_mem>>)
      } else {
      }
      %run_scoped3A_89 = arith.constant 0 : i32
      %run_scoped3A_90 = arith.constant 0 : i32
      %run_scoped3A_91 = arith.constant 1 : i32
      "tpu.region"() ({
        %run_scoped3A_133 = tpu.sem_alloc : memref<!tpu.dma_semaphore, #tpu.memory_space<semaphore_mem>>
        %dma_start3A_134 = arith.constant 0 : i32
        %dma_start3A_135 = arith.constant 0 : i32
        %dma_start3A_136 = tpu.memref_slice %arg6[%run_scoped3A_89, %dma_start3A_134, %dma_start3A_135] : memref<2x80x128xf32, #tpu.memory_space<vmem>> -> memref<1x80x128xf32, #tpu.memory_space<vmem>>
        %dma_start3A_137 = tpu.memref_squeeze %dma_start3A_136 : memref<1x80x128xf32, #tpu.memory_space<vmem>> -> memref<80x128xf32, #tpu.memory_space<vmem>>
        %dma_start3A_138 = arith.constant 0 : i32
        %dma_start3A_139 = tpu.memref_slice %arg5[%run_scoped3A_90, %run_scoped3A_91, %dma_start3A_138] : memref<2x2x80xi32, #tpu.memory_space<vmem>> -> memref<1x1x80xi32, #tpu.memory_space<vmem>>
        %dma_start3A_140 = tpu.memref_squeeze %dma_start3A_139 : memref<1x1x80xi32, #tpu.memory_space<vmem>> -> memref<80xi32, #tpu.memory_space<vmem>>
        %dma_start3A_141 = arith.constant 0 : i32
        %dma_start3A_142 = arith.constant 0 : i32
        %dma_start3A_143 = tpu.memref_slice %arg8[%dma_start3A_141, %dma_start3A_142] : memref<10240x128xf32, #tpu.memory_space<vmem_shared>> -> memref<10240x128xf32, #tpu.memory_space<vmem_shared>>
        tpu.enqueue_indirect_dma source(%dma_start3A_137 : memref<80x128xf32, #tpu.memory_space<vmem>>) target(%dma_start3A_143 : memref<10240x128xf32, #tpu.memory_space<vmem_shared>>) offsets(%dma_start3A_140 : memref<80xi32, #tpu.memory_space<vmem>>) semaphore(%run_scoped3A_133 : memref<!tpu.dma_semaphore, #tpu.memory_space<semaphore_mem>>) {add = true}
        %dma_wait3A_144 = arith.constant 0 : i32
        %dma_wait3A_145 = arith.constant 0 : i32
        %dma_wait3A_146 = tpu.memref_slice %arg6[%run_scoped3A_89, %dma_wait3A_144, %dma_wait3A_145] : memref<2x80x128xf32, #tpu.memory_space<vmem>> -> memref<1x80x128xf32, #tpu.memory_space<vmem>>
        %dma_wait3A_147 = tpu.memref_squeeze %dma_wait3A_146 : memref<1x80x128xf32, #tpu.memory_space<vmem>> -> memref<80x128xf32, #tpu.memory_space<vmem>>
        %dma_wait3A_148 = arith.constant 0 : i32
        %dma_wait3A_149 = tpu.memref_slice %arg5[%run_scoped3A_90, %run_scoped3A_91, %dma_wait3A_148] : memref<2x2x80xi32, #tpu.memory_space<vmem>> -> memref<1x1x80xi32, #tpu.memory_space<vmem>>
        %dma_wait3A_150 = tpu.memref_squeeze %dma_wait3A_149 : memref<1x1x80xi32, #tpu.memory_space<vmem>> -> memref<80xi32, #tpu.memory_space<vmem>>
        %dma_wait3A_151 = arith.constant 0 : i32
        %dma_wait3A_152 = arith.constant 0 : i32
        %dma_wait3A_153 = tpu.memref_slice %arg8[%dma_wait3A_151, %dma_wait3A_152] : memref<10240x128xf32, #tpu.memory_space<vmem_shared>> -> memref<10240x128xf32, #tpu.memory_space<vmem_shared>>
        tpu.wait_indirect_dma semaphore(%run_scoped3A_133 : memref<!tpu.dma_semaphore, #tpu.memory_space<semaphore_mem>>) src(%dma_wait3A_147 : memref<80x128xf32, #tpu.memory_space<vmem>>) dst(%dma_wait3A_153 : memref<10240x128xf32, #tpu.memory_space<vmem_shared>>)
        tpu.yield
      }) : () -> ()
      %add3A_92 = arith.constant 2 : i32
      %add3A_93 = arith.addi %add3A_72, %add3A_92 : i32
      %lt3A_94 = arith.constant 126 : i32
      %lt3A_95 = arith.cmpi slt, %add3A_93, %lt3A_94 : i32
      %convert_element_type3A_96 = arith.extui %lt3A_95 : i1 to i32
      %cond3A_97 = arith.constant 0 : i32
      %cond3A_98 = arith.cmpi ne, %convert_element_type3A_96, %cond3A_97 : i32
      scf.if %cond3A_98 {
        %add3A_133 = arith.constant 2 : i32
        %add3A_134 = arith.addi %add3A_72, %add3A_133 : i32
        %mul3A_135 = arith.constant 2016 : i32
        %mul3A_136 = arith.muli %add3A_6, %mul3A_135 : i32
        %mul3A_137 = arith.constant 126 : i32
        %mul3A_138 = arith.muli %arg1, %mul3A_137 : i32
        %add3A_139 = arith.addi %mul3A_136, %mul3A_138 : i32
        %add3A_140 = arith.addi %add3A_139, %add3A_134 : i32
        %run_scoped3A_141 = arith.constant 0 : i32
        "tpu.region"() ({
          %run_scoped3A_142 = tpu.sem_alloc : memref<!tpu.dma_semaphore, #tpu.memory_space<semaphore_mem>>
          %dma_start3A_143 = arith.constant 0 : i32
          %dma_start3A_144 = arith.constant 0 : i32
          %dma_start3A_145 = tpu.memref_slice %arg5[%run_scoped3A_141, %dma_start3A_143, %dma_start3A_144] : memref<2x2x80xi32, #tpu.memory_space<vmem>> -> memref<1x2x80xi32, #tpu.memory_space<vmem>>
          %dma_start3A_146 = tpu.memref_squeeze %dma_start3A_145 : memref<1x2x80xi32, #tpu.memory_space<vmem>> -> memref<2x80xi32, #tpu.memory_space<vmem>>
          %dma_start3A_147 = arith.constant 0 : i32
          %dma_start3A_148 = arith.constant 0 : i32
          %dma_start3A_149 = tpu.memref_slice %arg3[%add3A_140, %dma_start3A_147, %dma_start3A_148] : memref<4032x2x80xi32, #tpu.memory_space<hbm>> -> memref<1x2x80xi32, #tpu.memory_space<hbm>>
          %dma_start3A_150 = tpu.memref_squeeze %dma_start3A_149 : memref<1x2x80xi32, #tpu.memory_space<hbm>> -> memref<2x80xi32, #tpu.memory_space<hbm>>
          %dma_start3A_151 = arith.constant 0 : i32
          %dma_start3A_152 = arith.constant 0 : i32
          %dma_start3A_153 = tpu.memref_slice %arg5[%run_scoped3A_141, %dma_start3A_151, %dma_start3A_152] : memref<2x2x80xi32, #tpu.memory_space<vmem>> -> memref<1x2x80xi32, #tpu.memory_space<vmem>>
          %dma_start3A_154 = tpu.memref_squeeze %dma_start3A_153 : memref<1x2x80xi32, #tpu.memory_space<vmem>> -> memref<2x80xi32, #tpu.memory_space<vmem>>
          %dma_start3A_155 = arith.constant 0 : i32
          %dma_start3A_156 = arith.constant 0 : i32
          %dma_start3A_157 = tpu.memref_slice %arg3[%add3A_140, %dma_start3A_155, %dma_start3A_156] : memref<4032x2x80xi32, #tpu.memory_space<hbm>> -> memref<1x2x80xi32, #tpu.memory_space<hbm>>
          %dma_start3A_158 = tpu.memref_squeeze %dma_start3A_157 : memref<1x2x80xi32, #tpu.memory_space<hbm>> -> memref<2x80xi32, #tpu.memory_space<hbm>>
          tpu.enqueue_dma source(%dma_start3A_158 : memref<2x80xi32, #tpu.memory_space<hbm>>) target(%dma_start3A_154 : memref<2x80xi32, #tpu.memory_space<vmem>>) target_semaphore(%run_scoped3A_142 : memref<!tpu.dma_semaphore, #tpu.memory_space<semaphore_mem>>)
          %dma_wait3A_159 = arith.constant 0 : i32
          %dma_wait3A_160 = arith.constant 0 : i32
          %dma_wait3A_161 = tpu.memref_slice %arg5[%run_scoped3A_141, %dma_wait3A_159, %dma_wait3A_160] : memref<2x2x80xi32, #tpu.memory_space<vmem>> -> memref<1x2x80xi32, #tpu.memory_space<vmem>>
          %dma_wait3A_162 = tpu.memref_squeeze %dma_wait3A_161 : memref<1x2x80xi32, #tpu.memory_space<vmem>> -> memref<2x80xi32, #tpu.memory_space<vmem>>
          %dma_wait3A_163 = arith.constant 0 : i32
          %dma_wait3A_164 = arith.constant 0 : i32
          %dma_wait3A_165 = tpu.memref_slice %arg3[%add3A_140, %dma_wait3A_163, %dma_wait3A_164] : memref<4032x2x80xi32, #tpu.memory_space<hbm>> -> memref<1x2x80xi32, #tpu.memory_space<hbm>>
          %dma_wait3A_166 = tpu.memref_squeeze %dma_wait3A_165 : memref<1x2x80xi32, #tpu.memory_space<hbm>> -> memref<2x80xi32, #tpu.memory_space<hbm>>
          %dma_wait3A_167 = arith.constant 0 : i32
          %dma_wait3A_168 = arith.constant 0 : i32
          %dma_wait3A_169 = tpu.memref_slice %arg5[%run_scoped3A_141, %dma_wait3A_167, %dma_wait3A_168] : memref<2x2x80xi32, #tpu.memory_space<vmem>> -> memref<1x2x80xi32, #tpu.memory_space<vmem>>
          %dma_wait3A_170 = tpu.memref_squeeze %dma_wait3A_169 : memref<1x2x80xi32, #tpu.memory_space<vmem>> -> memref<2x80xi32, #tpu.memory_space<vmem>>
          %dma_wait3A_171 = arith.constant 0 : i32
          %dma_wait3A_172 = arith.constant 0 : i32
          %dma_wait3A_173 = tpu.memref_slice %arg3[%add3A_140, %dma_wait3A_171, %dma_wait3A_172] : memref<4032x2x80xi32, #tpu.memory_space<hbm>> -> memref<1x2x80xi32, #tpu.memory_space<hbm>>
          %dma_wait3A_174 = tpu.memref_squeeze %dma_wait3A_173 : memref<1x2x80xi32, #tpu.memory_space<hbm>> -> memref<2x80xi32, #tpu.memory_space<hbm>>
          tpu.wait_dma2 semaphore(%run_scoped3A_142 : memref<!tpu.dma_semaphore, #tpu.memory_space<semaphore_mem>>) src(%dma_wait3A_174 : memref<2x80xi32, #tpu.memory_space<hbm>>) dst(%dma_wait3A_170 : memref<2x80xi32, #tpu.memory_space<vmem>>)
          tpu.yield
        }) : () -> ()
      } else {
      }
      %mul3A_99 = arith.constant 2 : i32
      %mul3A_100 = arith.muli %mul3A_99, %scan3A_68 : i32
      %add3A_101 = arith.constant 1 : i32
      %add3A_102 = arith.addi %mul3A_100, %add3A_101 : i32
      %dma_wait3A_103 = arith.constant 1 : i32
      %dma_wait3A_104 = arith.constant 0 : i32
      %dma_wait3A_105 = arith.constant 1 : i32
      %dma_wait3A_106 = arith.constant 0 : i32
      %dma_wait3A_107 = arith.constant 0 : i32
      %dma_wait3A_108 = tpu.memref_slice %arg6[%dma_wait3A_105, %dma_wait3A_106, %dma_wait3A_107] : memref<2x80x128xf32, #tpu.memory_space<vmem>> -> memref<1x80x128xf32, #tpu.memory_space<vmem>>
      %dma_wait3A_109 = tpu.memref_squeeze %dma_wait3A_108 : memref<1x80x128xf32, #tpu.memory_space<vmem>> -> memref<80x128xf32, #tpu.memory_space<vmem>>
      %dma_wait3A_110 = arith.constant 0 : i32
      %dma_wait3A_111 = tpu.memref_slice %arg5[%dma_wait3A_103, %dma_wait3A_104, %dma_wait3A_110] : memref<2x2x80xi32, #tpu.memory_space<vmem>> -> memref<1x1x80xi32, #tpu.memory_space<vmem>>
      %dma_wait3A_112 = tpu.memref_squeeze %dma_wait3A_111 : memref<1x1x80xi32, #tpu.memory_space<vmem>> -> memref<80xi32, #tpu.memory_space<vmem>>
      %dma_wait3A_113 = arith.constant 0 : i32
      %dma_wait3A_114 = arith.constant 0 : i32
      %dma_wait3A_115 = tpu.memref_slice %arg2[%dma_wait3A_113, %dma_wait3A_114] : memref<20000x128xf32, #tpu.memory_space<hbm>> -> memref<20000x128xf32, #tpu.memory_space<hbm>>
      tpu.wait_indirect_dma semaphore(%arg10 : memref<!tpu.dma_semaphore, #tpu.memory_space<semaphore_mem>>) src(%dma_wait3A_115 : memref<20000x128xf32, #tpu.memory_space<hbm>>) dst(%dma_wait3A_109 : memref<80x128xf32, #tpu.memory_space<vmem>>)
      %add3A_116 = arith.constant 1 : i32
      %add3A_117 = arith.addi %add3A_102, %add3A_116 : i32
      %lt3A_118 = arith.constant 126 : i32
      %lt3A_119 = arith.cmpi slt, %add3A_117, %lt3A_118 : i32
      %convert_element_type3A_120 = arith.extui %lt3A_119 : i1 to i32
      %cond3A_121 = arith.constant 0 : i32
      %cond3A_122 = arith.cmpi ne, %convert_element_type3A_120, %cond3A_121 : i32
      scf.if %cond3A_122 {
        %dma_start3A_133 = arith.constant 0 : i32
        %dma_start3A_134 = arith.constant 0 : i32
        %dma_start3A_135 = arith.constant 0 : i32
        %dma_start3A_136 = arith.constant 0 : i32
        %dma_start3A_137 = arith.constant 0 : i32
        %dma_start3A_138 = tpu.memref_slice %arg6[%dma_start3A_135, %dma_start3A_136, %dma_start3A_137] : memref<2x80x128xf32, #tpu.memory_space<vmem>> -> memref<1x80x128xf32, #tpu.memory_space<vmem>>
        %dma_start3A_139 = tpu.memref_squeeze %dma_start3A_138 : memref<1x80x128xf32, #tpu.memory_space<vmem>> -> memref<80x128xf32, #tpu.memory_space<vmem>>
        %dma_start3A_140 = arith.constant 0 : i32
        %dma_start3A_141 = tpu.memref_slice %arg5[%dma_start3A_133, %dma_start3A_134, %dma_start3A_140] : memref<2x2x80xi32, #tpu.memory_space<vmem>> -> memref<1x1x80xi32, #tpu.memory_space<vmem>>
        %dma_start3A_142 = tpu.memref_squeeze %dma_start3A_141 : memref<1x1x80xi32, #tpu.memory_space<vmem>> -> memref<80xi32, #tpu.memory_space<vmem>>
        %dma_start3A_143 = arith.constant 0 : i32
        %dma_start3A_144 = arith.constant 0 : i32
        %dma_start3A_145 = tpu.memref_slice %arg2[%dma_start3A_143, %dma_start3A_144] : memref<20000x128xf32, #tpu.memory_space<hbm>> -> memref<20000x128xf32, #tpu.memory_space<hbm>>
        tpu.enqueue_indirect_dma source(%dma_start3A_145 : memref<20000x128xf32, #tpu.memory_space<hbm>>) target(%dma_start3A_139 : memref<80x128xf32, #tpu.memory_space<vmem>>) offsets(%dma_start3A_142 : memref<80xi32, #tpu.memory_space<vmem>>) semaphore(%arg9 : memref<!tpu.dma_semaphore, #tpu.memory_space<semaphore_mem>>)
      } else {
      }
      %run_scoped3A_123 = arith.constant 1 : i32
      %run_scoped3A_124 = arith.constant 1 : i32
      %run_scoped3A_125 = arith.constant 1 : i32
      "tpu.region"() ({
        %run_scoped3A_133 = tpu.sem_alloc : memref<!tpu.dma_semaphore, #tpu.memory_space<semaphore_mem>>
        %dma_start3A_134 = arith.constant 0 : i32
        %dma_start3A_135 = arith.constant 0 : i32
        %dma_start3A_136 = tpu.memref_slice %arg6[%run_scoped3A_123, %dma_start3A_134, %dma_start3A_135] : memref<2x80x128xf32, #tpu.memory_space<vmem>> -> memref<1x80x128xf32, #tpu.memory_space<vmem>>
        %dma_start3A_137 = tpu.memref_squeeze %dma_start3A_136 : memref<1x80x128xf32, #tpu.memory_space<vmem>> -> memref<80x128xf32, #tpu.memory_space<vmem>>
        %dma_start3A_138 = arith.constant 0 : i32
        %dma_start3A_139 = tpu.memref_slice %arg5[%run_scoped3A_124, %run_scoped3A_125, %dma_start3A_138] : memref<2x2x80xi32, #tpu.memory_space<vmem>> -> memref<1x1x80xi32, #tpu.memory_space<vmem>>
        %dma_start3A_140 = tpu.memref_squeeze %dma_start3A_139 : memref<1x1x80xi32, #tpu.memory_space<vmem>> -> memref<80xi32, #tpu.memory_space<vmem>>
        %dma_start3A_141 = arith.constant 0 : i32
        %dma_start3A_142 = arith.constant 0 : i32
        %dma_start3A_143 = tpu.memref_slice %arg8[%dma_start3A_141, %dma_start3A_142] : memref<10240x128xf32, #tpu.memory_space<vmem_shared>> -> memref<10240x128xf32, #tpu.memory_space<vmem_shared>>
        tpu.enqueue_indirect_dma source(%dma_start3A_137 : memref<80x128xf32, #tpu.memory_space<vmem>>) target(%dma_start3A_143 : memref<10240x128xf32, #tpu.memory_space<vmem_shared>>) offsets(%dma_start3A_140 : memref<80xi32, #tpu.memory_space<vmem>>) semaphore(%run_scoped3A_133 : memref<!tpu.dma_semaphore, #tpu.memory_space<semaphore_mem>>) {add = true}
        %dma_wait3A_144 = arith.constant 0 : i32
        %dma_wait3A_145 = arith.constant 0 : i32
        %dma_wait3A_146 = tpu.memref_slice %arg6[%run_scoped3A_123, %dma_wait3A_144, %dma_wait3A_145] : memref<2x80x128xf32, #tpu.memory_space<vmem>> -> memref<1x80x128xf32, #tpu.memory_space<vmem>>
        %dma_wait3A_147 = tpu.memref_squeeze %dma_wait3A_146 : memref<1x80x128xf32, #tpu.memory_space<vmem>> -> memref<80x128xf32, #tpu.memory_space<vmem>>
        %dma_wait3A_148 = arith.constant 0 : i32
        %dma_wait3A_149 = tpu.memref_slice %arg5[%run_scoped3A_124, %run_scoped3A_125, %dma_wait3A_148] : memref<2x2x80xi32, #tpu.memory_space<vmem>> -> memref<1x1x80xi32, #tpu.memory_space<vmem>>
        %dma_wait3A_150 = tpu.memref_squeeze %dma_wait3A_149 : memref<1x1x80xi32, #tpu.memory_space<vmem>> -> memref<80xi32, #tpu.memory_space<vmem>>
        %dma_wait3A_151 = arith.constant 0 : i32
        %dma_wait3A_152 = arith.constant 0 : i32
        %dma_wait3A_153 = tpu.memref_slice %arg8[%dma_wait3A_151, %dma_wait3A_152] : memref<10240x128xf32, #tpu.memory_space<vmem_shared>> -> memref<10240x128xf32, #tpu.memory_space<vmem_shared>>
        tpu.wait_indirect_dma semaphore(%run_scoped3A_133 : memref<!tpu.dma_semaphore, #tpu.memory_space<semaphore_mem>>) src(%dma_wait3A_147 : memref<80x128xf32, #tpu.memory_space<vmem>>) dst(%dma_wait3A_153 : memref<10240x128xf32, #tpu.memory_space<vmem_shared>>)
        tpu.yield
      }) : () -> ()
      %add3A_126 = arith.constant 2 : i32
      %add3A_127 = arith.addi %add3A_102, %add3A_126 : i32
      %lt3A_128 = arith.constant 126 : i32
      %lt3A_129 = arith.cmpi slt, %add3A_127, %lt3A_128 : i32
      %convert_element_type3A_130 = arith.extui %lt3A_129 : i1 to i32
      %cond3A_131 = arith.constant 0 : i32
      %cond3A_132 = arith.cmpi ne, %convert_element_type3A_130, %cond3A_131 : i32
      scf.if %cond3A_132 {
        %add3A_133 = arith.constant 2 : i32
        %add3A_134 = arith.addi %add3A_102, %add3A_133 : i32
        %mul3A_135 = arith.constant 2016 : i32
        %mul3A_136 = arith.muli %add3A_6, %mul3A_135 : i32
        %mul3A_137 = arith.constant 126 : i32
        %mul3A_138 = arith.muli %arg1, %mul3A_137 : i32
        %add3A_139 = arith.addi %mul3A_136, %mul3A_138 : i32
        %add3A_140 = arith.addi %add3A_139, %add3A_134 : i32
        %run_scoped3A_141 = arith.constant 1 : i32
        "tpu.region"() ({
          %run_scoped3A_142 = tpu.sem_alloc : memref<!tpu.dma_semaphore, #tpu.memory_space<semaphore_mem>>
          %dma_start3A_143 = arith.constant 0 : i32
          %dma_start3A_144 = arith.constant 0 : i32
          %dma_start3A_145 = tpu.memref_slice %arg5[%run_scoped3A_141, %dma_start3A_143, %dma_start3A_144] : memref<2x2x80xi32, #tpu.memory_space<vmem>> -> memref<1x2x80xi32, #tpu.memory_space<vmem>>
          %dma_start3A_146 = tpu.memref_squeeze %dma_start3A_145 : memref<1x2x80xi32, #tpu.memory_space<vmem>> -> memref<2x80xi32, #tpu.memory_space<vmem>>
          %dma_start3A_147 = arith.constant 0 : i32
          %dma_start3A_148 = arith.constant 0 : i32
          %dma_start3A_149 = tpu.memref_slice %arg3[%add3A_140, %dma_start3A_147, %dma_start3A_148] : memref<4032x2x80xi32, #tpu.memory_space<hbm>> -> memref<1x2x80xi32, #tpu.memory_space<hbm>>
          %dma_start3A_150 = tpu.memref_squeeze %dma_start3A_149 : memref<1x2x80xi32, #tpu.memory_space<hbm>> -> memref<2x80xi32, #tpu.memory_space<hbm>>
          %dma_start3A_151 = arith.constant 0 : i32
          %dma_start3A_152 = arith.constant 0 : i32
          %dma_start3A_153 = tpu.memref_slice %arg5[%run_scoped3A_141, %dma_start3A_151, %dma_start3A_152] : memref<2x2x80xi32, #tpu.memory_space<vmem>> -> memref<1x2x80xi32, #tpu.memory_space<vmem>>
          %dma_start3A_154 = tpu.memref_squeeze %dma_start3A_153 : memref<1x2x80xi32, #tpu.memory_space<vmem>> -> memref<2x80xi32, #tpu.memory_space<vmem>>
          %dma_start3A_155 = arith.constant 0 : i32
          %dma_start3A_156 = arith.constant 0 : i32
          %dma_start3A_157 = tpu.memref_slice %arg3[%add3A_140, %dma_start3A_155, %dma_start3A_156] : memref<4032x2x80xi32, #tpu.memory_space<hbm>> -> memref<1x2x80xi32, #tpu.memory_space<hbm>>
          %dma_start3A_158 = tpu.memref_squeeze %dma_start3A_157 : memref<1x2x80xi32, #tpu.memory_space<hbm>> -> memref<2x80xi32, #tpu.memory_space<hbm>>
          tpu.enqueue_dma source(%dma_start3A_158 : memref<2x80xi32, #tpu.memory_space<hbm>>) target(%dma_start3A_154 : memref<2x80xi32, #tpu.memory_space<vmem>>) target_semaphore(%run_scoped3A_142 : memref<!tpu.dma_semaphore, #tpu.memory_space<semaphore_mem>>)
          %dma_wait3A_159 = arith.constant 0 : i32
          %dma_wait3A_160 = arith.constant 0 : i32
          %dma_wait3A_161 = tpu.memref_slice %arg5[%run_scoped3A_141, %dma_wait3A_159, %dma_wait3A_160] : memref<2x2x80xi32, #tpu.memory_space<vmem>> -> memref<1x2x80xi32, #tpu.memory_space<vmem>>
          %dma_wait3A_162 = tpu.memref_squeeze %dma_wait3A_161 : memref<1x2x80xi32, #tpu.memory_space<vmem>> -> memref<2x80xi32, #tpu.memory_space<vmem>>
          %dma_wait3A_163 = arith.constant 0 : i32
          %dma_wait3A_164 = arith.constant 0 : i32
          %dma_wait3A_165 = tpu.memref_slice %arg3[%add3A_140, %dma_wait3A_163, %dma_wait3A_164] : memref<4032x2x80xi32, #tpu.memory_space<hbm>> -> memref<1x2x80xi32, #tpu.memory_space<hbm>>
          %dma_wait3A_166 = tpu.memref_squeeze %dma_wait3A_165 : memref<1x2x80xi32, #tpu.memory_space<hbm>> -> memref<2x80xi32, #tpu.memory_space<hbm>>
          %dma_wait3A_167 = arith.constant 0 : i32
          %dma_wait3A_168 = arith.constant 0 : i32
          %dma_wait3A_169 = tpu.memref_slice %arg5[%run_scoped3A_141, %dma_wait3A_167, %dma_wait3A_168] : memref<2x2x80xi32, #tpu.memory_space<vmem>> -> memref<1x2x80xi32, #tpu.memory_space<vmem>>
          %dma_wait3A_170 = tpu.memref_squeeze %dma_wait3A_169 : memref<1x2x80xi32, #tpu.memory_space<vmem>> -> memref<2x80xi32, #tpu.memory_space<vmem>>
          %dma_wait3A_171 = arith.constant 0 : i32
          %dma_wait3A_172 = arith.constant 0 : i32
          %dma_wait3A_173 = tpu.memref_slice %arg3[%add3A_140, %dma_wait3A_171, %dma_wait3A_172] : memref<4032x2x80xi32, #tpu.memory_space<hbm>> -> memref<1x2x80xi32, #tpu.memory_space<hbm>>
          %dma_wait3A_174 = tpu.memref_squeeze %dma_wait3A_173 : memref<1x2x80xi32, #tpu.memory_space<hbm>> -> memref<2x80xi32, #tpu.memory_space<hbm>>
          tpu.wait_dma2 semaphore(%run_scoped3A_142 : memref<!tpu.dma_semaphore, #tpu.memory_space<semaphore_mem>>) src(%dma_wait3A_174 : memref<2x80xi32, #tpu.memory_space<hbm>>) dst(%dma_wait3A_170 : memref<2x80xi32, #tpu.memory_space<vmem>>)
          tpu.yield
        }) : () -> ()
      } else {
      }
    }
    %scan3A_59 = arith.constant 63 : i32
    %barrier3A_60 = arith.constant 0 : index
    tpu.barrier barrier_id(%barrier3A_60)
    %mul3A_61 = arith.constant 640 : i32
    %mul3A_62 = arith.muli %arg1, %mul3A_61 : i32
    %mul3A_63 = arith.constant 10240 : i32
    %mul3A_64 = arith.muli %add3A_6, %mul3A_63 : i32
    %mul3A_65 = arith.constant 640 : i32
    %mul3A_66 = arith.muli %arg1, %mul3A_65 : i32
    %add3A_67 = arith.addi %mul3A_64, %mul3A_66 : i32
    "tpu.region"() ({
      %run_scoped3A_68 = tpu.sem_alloc : memref<!tpu.dma_semaphore, #tpu.memory_space<semaphore_mem>>
      %dma_start3A_69 = arith.constant 0 : i32
      %dma_start3A_70 = tpu.memref_slice %arg4[%add3A_67, %dma_start3A_69] : memref<20480x128xf32, #tpu.memory_space<hbm>> -> memref<640x128xf32, #tpu.memory_space<hbm>>
      %dma_start3A_71 = arith.constant 0 : i32
      %dma_start3A_72 = tpu.memref_slice %arg8[%mul3A_62, %dma_start3A_71] : memref<10240x128xf32, #tpu.memory_space<vmem_shared>> -> memref<640x128xf32, #tpu.memory_space<vmem_shared>>
      tpu.enqueue_dma source(%dma_start3A_72 : memref<640x128xf32, #tpu.memory_space<vmem_shared>>) target(%dma_start3A_70 : memref<640x128xf32, #tpu.memory_space<hbm>>) target_semaphore(%run_scoped3A_68 : memref<!tpu.dma_semaphore, #tpu.memory_space<semaphore_mem>>)
      %dma_wait3A = arith.constant 0 : i32
      %dma_wait3A_73 = tpu.memref_slice %arg4[%add3A_67, %dma_wait3A] : memref<20480x128xf32, #tpu.memory_space<hbm>> -> memref<640x128xf32, #tpu.memory_space<hbm>>
      %dma_wait3A_74 = arith.constant 0 : i32
      %dma_wait3A_75 = tpu.memref_slice %arg8[%mul3A_62, %dma_wait3A_74] : memref<10240x128xf32, #tpu.memory_space<vmem_shared>> -> memref<640x128xf32, #tpu.memory_space<vmem_shared>>
      tpu.wait_dma2 semaphore(%run_scoped3A_68 : memref<!tpu.dma_semaphore, #tpu.memory_space<semaphore_mem>>) src(%dma_wait3A_75 : memref<640x128xf32, #tpu.memory_space<vmem_shared>>) dst(%dma_wait3A_73 : memref<640x128xf32, #tpu.memory_space<hbm>>)
      tpu.yield
    }) : () -> ()
    return
  }
}

#map = affine_map<(d0, d1) -> (0, 0)>
#map1 = affine_map<(d0, d1) -> (0, 0, 0)>
module attributes {stable_mosaic.version = 14 : i64} {
  func.func @sc_agg(%arg0: i32, %arg1: i32, %arg2: memref<40000x128xf32, #tpu.memory_space<hbm>>, %arg3: memref<8064x2x80xi32, #tpu.memory_space<hbm>>, %arg4: memref<40960x128xf32, #tpu.memory_space<hbm>>, %arg5: memref<2x2x80xi32, #tpu.memory_space<vmem>>, %arg6: memref<2x80x128xf32, #tpu.memory_space<vmem>>, %arg7: memref<128x128xf32, #tpu.memory_space<vmem>>, %arg8: memref<10240x128xf32, #tpu.memory_space<vmem_shared>>, %arg9: memref<!tpu.dma_semaphore, #tpu.memory_space<semaphore_mem>>, %arg10: memref<!tpu.dma_semaphore, #tpu.memory_space<semaphore_mem>>) attributes {dimension_semantics = [#tpu.dimension_semantics<core_parallel>, #tpu.dimension_semantics<subcore_parallel>], iteration_bounds = array<i64: 2, 16>, scalar_prefetch = 0 : i64, scratch_operands = 6 : i64, tpu.core_type = #tpu.core_type<sc_vector_subcore>, window_params = [{transform_indices = #map}, {transform_indices = #map1}, {transform_indices = #map}]} {
    %scan3A = arith.constant 0 : i32
    %scan3A_0 = arith.constant 0 : i32
    %scan3A_1 = arith.constant 128 : i32
    %scan3A_2 = arith.addi %scan3A_0, %scan3A_1 : i32
    %scan3A_3 = arith.constant 1 : i32
    scf.for %scan3A_136 = %scan3A_0 to %scan3A_2 step %scan3A_3  : i32 {
      %broadcast_in_dim3A = arith.constant 0.000000e+00 : f32
      %broadcast_in_dim3A_137 = vector.broadcast %broadcast_in_dim3A : f32 to vector<16xf32>
      %swap3A = arith.index_cast %scan3A_136 : i32 to index
      %swap3A_138 = arith.constant 0 : index
      %swap3A_139 = tpu.vector_load %arg7[%swap3A, %swap3A_138] {strides = array<i32>} : memref<128x128xf32, #tpu.memory_space<vmem>>, vector<1x16xf32>,
      %swap3A_140 = vector.shape_cast %swap3A_139 : vector<1x16xf32> to vector<16xf32>
      %swap3A_141 = vector.shape_cast %broadcast_in_dim3A_137 : vector<16xf32> to vector<1x16xf32>
      tpu.vector_store %arg7[%swap3A, %swap3A_138], %swap3A_141 {strides = array<i32>} : memref<128x128xf32, #tpu.memory_space<vmem>>, vector<1x16xf32>,
      %broadcast_in_dim3A_142 = arith.constant 0.000000e+00 : f32
      %broadcast_in_dim3A_143 = vector.broadcast %broadcast_in_dim3A_142 : f32 to vector<16xf32>
      %swap3A_144 = arith.index_cast %scan3A_136 : i32 to index
      %swap3A_145 = arith.constant 16 : index
      %swap3A_146 = tpu.vector_load %arg7[%swap3A_144, %swap3A_145] {strides = array<i32>} : memref<128x128xf32, #tpu.memory_space<vmem>>, vector<1x16xf32>,
      %swap3A_147 = vector.shape_cast %swap3A_146 : vector<1x16xf32> to vector<16xf32>
      %swap3A_148 = vector.shape_cast %broadcast_in_dim3A_143 : vector<16xf32> to vector<1x16xf32>
      tpu.vector_store %arg7[%swap3A_144, %swap3A_145], %swap3A_148 {strides = array<i32>} : memref<128x128xf32, #tpu.memory_space<vmem>>, vector<1x16xf32>,
      %broadcast_in_dim3A_149 = arith.constant 0.000000e+00 : f32
      %broadcast_in_dim3A_150 = vector.broadcast %broadcast_in_dim3A_149 : f32 to vector<16xf32>
      %swap3A_151 = arith.index_cast %scan3A_136 : i32 to index
      %swap3A_152 = arith.constant 32 : index
      %swap3A_153 = tpu.vector_load %arg7[%swap3A_151, %swap3A_152] {strides = array<i32>} : memref<128x128xf32, #tpu.memory_space<vmem>>, vector<1x16xf32>,
      %swap3A_154 = vector.shape_cast %swap3A_153 : vector<1x16xf32> to vector<16xf32>
      %swap3A_155 = vector.shape_cast %broadcast_in_dim3A_150 : vector<16xf32> to vector<1x16xf32>
      tpu.vector_store %arg7[%swap3A_151, %swap3A_152], %swap3A_155 {strides = array<i32>} : memref<128x128xf32, #tpu.memory_space<vmem>>, vector<1x16xf32>,
      %broadcast_in_dim3A_156 = arith.constant 0.000000e+00 : f32
      %broadcast_in_dim3A_157 = vector.broadcast %broadcast_in_dim3A_156 : f32 to vector<16xf32>
      %swap3A_158 = arith.index_cast %scan3A_136 : i32 to index
      %swap3A_159 = arith.constant 48 : index
      %swap3A_160 = tpu.vector_load %arg7[%swap3A_158, %swap3A_159] {strides = array<i32>} : memref<128x128xf32, #tpu.memory_space<vmem>>, vector<1x16xf32>,
      %swap3A_161 = vector.shape_cast %swap3A_160 : vector<1x16xf32> to vector<16xf32>
      %swap3A_162 = vector.shape_cast %broadcast_in_dim3A_157 : vector<16xf32> to vector<1x16xf32>
      tpu.vector_store %arg7[%swap3A_158, %swap3A_159], %swap3A_162 {strides = array<i32>} : memref<128x128xf32, #tpu.memory_space<vmem>>, vector<1x16xf32>,
      %broadcast_in_dim3A_163 = arith.constant 0.000000e+00 : f32
      %broadcast_in_dim3A_164 = vector.broadcast %broadcast_in_dim3A_163 : f32 to vector<16xf32>
      %swap3A_165 = arith.index_cast %scan3A_136 : i32 to index
      %swap3A_166 = arith.constant 64 : index
      %swap3A_167 = tpu.vector_load %arg7[%swap3A_165, %swap3A_166] {strides = array<i32>} : memref<128x128xf32, #tpu.memory_space<vmem>>, vector<1x16xf32>,
      %swap3A_168 = vector.shape_cast %swap3A_167 : vector<1x16xf32> to vector<16xf32>
      %swap3A_169 = vector.shape_cast %broadcast_in_dim3A_164 : vector<16xf32> to vector<1x16xf32>
      tpu.vector_store %arg7[%swap3A_165, %swap3A_166], %swap3A_169 {strides = array<i32>} : memref<128x128xf32, #tpu.memory_space<vmem>>, vector<1x16xf32>,
      %broadcast_in_dim3A_170 = arith.constant 0.000000e+00 : f32
      %broadcast_in_dim3A_171 = vector.broadcast %broadcast_in_dim3A_170 : f32 to vector<16xf32>
      %swap3A_172 = arith.index_cast %scan3A_136 : i32 to index
      %swap3A_173 = arith.constant 80 : index
      %swap3A_174 = tpu.vector_load %arg7[%swap3A_172, %swap3A_173] {strides = array<i32>} : memref<128x128xf32, #tpu.memory_space<vmem>>, vector<1x16xf32>,
      %swap3A_175 = vector.shape_cast %swap3A_174 : vector<1x16xf32> to vector<16xf32>
      %swap3A_176 = vector.shape_cast %broadcast_in_dim3A_171 : vector<16xf32> to vector<1x16xf32>
      tpu.vector_store %arg7[%swap3A_172, %swap3A_173], %swap3A_176 {strides = array<i32>} : memref<128x128xf32, #tpu.memory_space<vmem>>, vector<1x16xf32>,
      %broadcast_in_dim3A_177 = arith.constant 0.000000e+00 : f32
      %broadcast_in_dim3A_178 = vector.broadcast %broadcast_in_dim3A_177 : f32 to vector<16xf32>
      %swap3A_179 = arith.index_cast %scan3A_136 : i32 to index
      %swap3A_180 = arith.constant 96 : index
      %swap3A_181 = tpu.vector_load %arg7[%swap3A_179, %swap3A_180] {strides = array<i32>} : memref<128x128xf32, #tpu.memory_space<vmem>>, vector<1x16xf32>,
      %swap3A_182 = vector.shape_cast %swap3A_181 : vector<1x16xf32> to vector<16xf32>
      %swap3A_183 = vector.shape_cast %broadcast_in_dim3A_178 : vector<16xf32> to vector<1x16xf32>
      tpu.vector_store %arg7[%swap3A_179, %swap3A_180], %swap3A_183 {strides = array<i32>} : memref<128x128xf32, #tpu.memory_space<vmem>>, vector<1x16xf32>,
      %broadcast_in_dim3A_184 = arith.constant 0.000000e+00 : f32
      %broadcast_in_dim3A_185 = vector.broadcast %broadcast_in_dim3A_184 : f32 to vector<16xf32>
      %swap3A_186 = arith.index_cast %scan3A_136 : i32 to index
      %swap3A_187 = arith.constant 112 : index
      %swap3A_188 = tpu.vector_load %arg7[%swap3A_186, %swap3A_187] {strides = array<i32>} : memref<128x128xf32, #tpu.memory_space<vmem>>, vector<1x16xf32>,
      %swap3A_189 = vector.shape_cast %swap3A_188 : vector<1x16xf32> to vector<16xf32>
      %swap3A_190 = vector.shape_cast %broadcast_in_dim3A_185 : vector<16xf32> to vector<1x16xf32>
      tpu.vector_store %arg7[%swap3A_186, %swap3A_187], %swap3A_190 {strides = array<i32>} : memref<128x128xf32, #tpu.memory_space<vmem>>, vector<1x16xf32>,
    }
    %scan3A_4 = arith.constant 128 : i32
    %mul3A = arith.constant 2 : i32
    %mul3A_5 = arith.muli %arg0, %mul3A : i32
    %add3A = arith.constant 0 : i32
    %add3A_6 = arith.addi %mul3A_5, %add3A : i32
    %mul3A_7 = arith.constant 640 : i32
    %mul3A_8 = arith.muli %arg1, %mul3A_7 : i32
    %add3A_9 = arith.constant 0 : i32
    %add3A_10 = arith.addi %mul3A_8, %add3A_9 : i32
    "tpu.region"() ({
      %run_scoped3A_136 = tpu.sem_alloc : memref<!tpu.dma_semaphore, #tpu.memory_space<semaphore_mem>>
      %dma_start3A_137 = arith.constant 0 : i32
      %dma_start3A_138 = tpu.memref_slice %arg8[%add3A_10, %dma_start3A_137] : memref<10240x128xf32, #tpu.memory_space<vmem_shared>> -> memref<128x128xf32, #tpu.memory_space<vmem_shared>>
      %dma_start3A_139 = arith.constant 0 : i32
      %dma_start3A_140 = tpu.memref_slice %arg8[%add3A_10, %dma_start3A_139] : memref<10240x128xf32, #tpu.memory_space<vmem_shared>> -> memref<128x128xf32, #tpu.memory_space<vmem_shared>>
      tpu.enqueue_dma source(%arg7 : memref<128x128xf32, #tpu.memory_space<vmem>>) target(%dma_start3A_140 : memref<128x128xf32, #tpu.memory_space<vmem_shared>>) target_semaphore(%run_scoped3A_136 : memref<!tpu.dma_semaphore, #tpu.memory_space<semaphore_mem>>)
      %dma_wait3A = arith.constant 0 : i32
      %dma_wait3A_141 = tpu.memref_slice %arg8[%add3A_10, %dma_wait3A] : memref<10240x128xf32, #tpu.memory_space<vmem_shared>> -> memref<128x128xf32, #tpu.memory_space<vmem_shared>>
      %dma_wait3A_142 = arith.constant 0 : i32
      %dma_wait3A_143 = tpu.memref_slice %arg8[%add3A_10, %dma_wait3A_142] : memref<10240x128xf32, #tpu.memory_space<vmem_shared>> -> memref<128x128xf32, #tpu.memory_space<vmem_shared>>
      tpu.wait_dma2 semaphore(%run_scoped3A_136 : memref<!tpu.dma_semaphore, #tpu.memory_space<semaphore_mem>>) src(%arg7 : memref<128x128xf32, #tpu.memory_space<vmem>>) dst(%dma_wait3A_143 : memref<128x128xf32, #tpu.memory_space<vmem_shared>>)
      tpu.yield
    }) : () -> ()
    %mul3A_11 = arith.constant 640 : i32
    %mul3A_12 = arith.muli %arg1, %mul3A_11 : i32
    %add3A_13 = arith.constant 128 : i32
    %add3A_14 = arith.addi %mul3A_12, %add3A_13 : i32
    "tpu.region"() ({
      %run_scoped3A_136 = tpu.sem_alloc : memref<!tpu.dma_semaphore, #tpu.memory_space<semaphore_mem>>
      %dma_start3A_137 = arith.constant 0 : i32
      %dma_start3A_138 = tpu.memref_slice %arg8[%add3A_14, %dma_start3A_137] : memref<10240x128xf32, #tpu.memory_space<vmem_shared>> -> memref<128x128xf32, #tpu.memory_space<vmem_shared>>
      %dma_start3A_139 = arith.constant 0 : i32
      %dma_start3A_140 = tpu.memref_slice %arg8[%add3A_14, %dma_start3A_139] : memref<10240x128xf32, #tpu.memory_space<vmem_shared>> -> memref<128x128xf32, #tpu.memory_space<vmem_shared>>
      tpu.enqueue_dma source(%arg7 : memref<128x128xf32, #tpu.memory_space<vmem>>) target(%dma_start3A_140 : memref<128x128xf32, #tpu.memory_space<vmem_shared>>) target_semaphore(%run_scoped3A_136 : memref<!tpu.dma_semaphore, #tpu.memory_space<semaphore_mem>>)
      %dma_wait3A = arith.constant 0 : i32
      %dma_wait3A_141 = tpu.memref_slice %arg8[%add3A_14, %dma_wait3A] : memref<10240x128xf32, #tpu.memory_space<vmem_shared>> -> memref<128x128xf32, #tpu.memory_space<vmem_shared>>
      %dma_wait3A_142 = arith.constant 0 : i32
      %dma_wait3A_143 = tpu.memref_slice %arg8[%add3A_14, %dma_wait3A_142] : memref<10240x128xf32, #tpu.memory_space<vmem_shared>> -> memref<128x128xf32, #tpu.memory_space<vmem_shared>>
      tpu.wait_dma2 semaphore(%run_scoped3A_136 : memref<!tpu.dma_semaphore, #tpu.memory_space<semaphore_mem>>) src(%arg7 : memref<128x128xf32, #tpu.memory_space<vmem>>) dst(%dma_wait3A_143 : memref<128x128xf32, #tpu.memory_space<vmem_shared>>)
      tpu.yield
    }) : () -> ()
    %mul3A_15 = arith.constant 640 : i32
    %mul3A_16 = arith.muli %arg1, %mul3A_15 : i32
    %add3A_17 = arith.constant 256 : i32
    %add3A_18 = arith.addi %mul3A_16, %add3A_17 : i32
    "tpu.region"() ({
      %run_scoped3A_136 = tpu.sem_alloc : memref<!tpu.dma_semaphore, #tpu.memory_space<semaphore_mem>>
      %dma_start3A_137 = arith.constant 0 : i32
      %dma_start3A_138 = tpu.memref_slice %arg8[%add3A_18, %dma_start3A_137] : memref<10240x128xf32, #tpu.memory_space<vmem_shared>> -> memref<128x128xf32, #tpu.memory_space<vmem_shared>>
      %dma_start3A_139 = arith.constant 0 : i32
      %dma_start3A_140 = tpu.memref_slice %arg8[%add3A_18, %dma_start3A_139] : memref<10240x128xf32, #tpu.memory_space<vmem_shared>> -> memref<128x128xf32, #tpu.memory_space<vmem_shared>>
      tpu.enqueue_dma source(%arg7 : memref<128x128xf32, #tpu.memory_space<vmem>>) target(%dma_start3A_140 : memref<128x128xf32, #tpu.memory_space<vmem_shared>>) target_semaphore(%run_scoped3A_136 : memref<!tpu.dma_semaphore, #tpu.memory_space<semaphore_mem>>)
      %dma_wait3A = arith.constant 0 : i32
      %dma_wait3A_141 = tpu.memref_slice %arg8[%add3A_18, %dma_wait3A] : memref<10240x128xf32, #tpu.memory_space<vmem_shared>> -> memref<128x128xf32, #tpu.memory_space<vmem_shared>>
      %dma_wait3A_142 = arith.constant 0 : i32
      %dma_wait3A_143 = tpu.memref_slice %arg8[%add3A_18, %dma_wait3A_142] : memref<10240x128xf32, #tpu.memory_space<vmem_shared>> -> memref<128x128xf32, #tpu.memory_space<vmem_shared>>
      tpu.wait_dma2 semaphore(%run_scoped3A_136 : memref<!tpu.dma_semaphore, #tpu.memory_space<semaphore_mem>>) src(%arg7 : memref<128x128xf32, #tpu.memory_space<vmem>>) dst(%dma_wait3A_143 : memref<128x128xf32, #tpu.memory_space<vmem_shared>>)
      tpu.yield
    }) : () -> ()
    %mul3A_19 = arith.constant 640 : i32
    %mul3A_20 = arith.muli %arg1, %mul3A_19 : i32
    %add3A_21 = arith.constant 384 : i32
    %add3A_22 = arith.addi %mul3A_20, %add3A_21 : i32
    "tpu.region"() ({
      %run_scoped3A_136 = tpu.sem_alloc : memref<!tpu.dma_semaphore, #tpu.memory_space<semaphore_mem>>
      %dma_start3A_137 = arith.constant 0 : i32
      %dma_start3A_138 = tpu.memref_slice %arg8[%add3A_22, %dma_start3A_137] : memref<10240x128xf32, #tpu.memory_space<vmem_shared>> -> memref<128x128xf32, #tpu.memory_space<vmem_shared>>
      %dma_start3A_139 = arith.constant 0 : i32
      %dma_start3A_140 = tpu.memref_slice %arg8[%add3A_22, %dma_start3A_139] : memref<10240x128xf32, #tpu.memory_space<vmem_shared>> -> memref<128x128xf32, #tpu.memory_space<vmem_shared>>
      tpu.enqueue_dma source(%arg7 : memref<128x128xf32, #tpu.memory_space<vmem>>) target(%dma_start3A_140 : memref<128x128xf32, #tpu.memory_space<vmem_shared>>) target_semaphore(%run_scoped3A_136 : memref<!tpu.dma_semaphore, #tpu.memory_space<semaphore_mem>>)
      %dma_wait3A = arith.constant 0 : i32
      %dma_wait3A_141 = tpu.memref_slice %arg8[%add3A_22, %dma_wait3A] : memref<10240x128xf32, #tpu.memory_space<vmem_shared>> -> memref<128x128xf32, #tpu.memory_space<vmem_shared>>
      %dma_wait3A_142 = arith.constant 0 : i32
      %dma_wait3A_143 = tpu.memref_slice %arg8[%add3A_22, %dma_wait3A_142] : memref<10240x128xf32, #tpu.memory_space<vmem_shared>> -> memref<128x128xf32, #tpu.memory_space<vmem_shared>>
      tpu.wait_dma2 semaphore(%run_scoped3A_136 : memref<!tpu.dma_semaphore, #tpu.memory_space<semaphore_mem>>) src(%arg7 : memref<128x128xf32, #tpu.memory_space<vmem>>) dst(%dma_wait3A_143 : memref<128x128xf32, #tpu.memory_space<vmem_shared>>)
      tpu.yield
    }) : () -> ()
    %mul3A_23 = arith.constant 640 : i32
    %mul3A_24 = arith.muli %arg1, %mul3A_23 : i32
    %add3A_25 = arith.constant 512 : i32
    %add3A_26 = arith.addi %mul3A_24, %add3A_25 : i32
    "tpu.region"() ({
      %run_scoped3A_136 = tpu.sem_alloc : memref<!tpu.dma_semaphore, #tpu.memory_space<semaphore_mem>>
      %dma_start3A_137 = arith.constant 0 : i32
      %dma_start3A_138 = tpu.memref_slice %arg8[%add3A_26, %dma_start3A_137] : memref<10240x128xf32, #tpu.memory_space<vmem_shared>> -> memref<128x128xf32, #tpu.memory_space<vmem_shared>>
      %dma_start3A_139 = arith.constant 0 : i32
      %dma_start3A_140 = tpu.memref_slice %arg8[%add3A_26, %dma_start3A_139] : memref<10240x128xf32, #tpu.memory_space<vmem_shared>> -> memref<128x128xf32, #tpu.memory_space<vmem_shared>>
      tpu.enqueue_dma source(%arg7 : memref<128x128xf32, #tpu.memory_space<vmem>>) target(%dma_start3A_140 : memref<128x128xf32, #tpu.memory_space<vmem_shared>>) target_semaphore(%run_scoped3A_136 : memref<!tpu.dma_semaphore, #tpu.memory_space<semaphore_mem>>)
      %dma_wait3A = arith.constant 0 : i32
      %dma_wait3A_141 = tpu.memref_slice %arg8[%add3A_26, %dma_wait3A] : memref<10240x128xf32, #tpu.memory_space<vmem_shared>> -> memref<128x128xf32, #tpu.memory_space<vmem_shared>>
      %dma_wait3A_142 = arith.constant 0 : i32
      %dma_wait3A_143 = tpu.memref_slice %arg8[%add3A_26, %dma_wait3A_142] : memref<10240x128xf32, #tpu.memory_space<vmem_shared>> -> memref<128x128xf32, #tpu.memory_space<vmem_shared>>
      tpu.wait_dma2 semaphore(%run_scoped3A_136 : memref<!tpu.dma_semaphore, #tpu.memory_space<semaphore_mem>>) src(%arg7 : memref<128x128xf32, #tpu.memory_space<vmem>>) dst(%dma_wait3A_143 : memref<128x128xf32, #tpu.memory_space<vmem_shared>>)
      tpu.yield
    }) : () -> ()
    %mul3A_27 = arith.constant 2016 : i32
    %mul3A_28 = arith.muli %add3A_6, %mul3A_27 : i32
    %mul3A_29 = arith.constant 126 : i32
    %mul3A_30 = arith.muli %arg1, %mul3A_29 : i32
    %add3A_31 = arith.addi %mul3A_28, %mul3A_30 : i32
    %add3A_32 = arith.constant 0 : i32
    %add3A_33 = arith.addi %add3A_31, %add3A_32 : i32
    %run_scoped3A = arith.constant 0 : i32
    "tpu.region"() ({
      %run_scoped3A_136 = tpu.sem_alloc : memref<!tpu.dma_semaphore, #tpu.memory_space<semaphore_mem>>
      %dma_start3A_137 = arith.constant 0 : i32
      %dma_start3A_138 = arith.constant 0 : i32
      %dma_start3A_139 = tpu.memref_slice %arg5[%run_scoped3A, %dma_start3A_137, %dma_start3A_138] : memref<2x2x80xi32, #tpu.memory_space<vmem>> -> memref<1x2x80xi32, #tpu.memory_space<vmem>>
      %dma_start3A_140 = tpu.memref_squeeze %dma_start3A_139 : memref<1x2x80xi32, #tpu.memory_space<vmem>> -> memref<2x80xi32, #tpu.memory_space<vmem>>
      %dma_start3A_141 = arith.constant 0 : i32
      %dma_start3A_142 = arith.constant 0 : i32
      %dma_start3A_143 = tpu.memref_slice %arg3[%add3A_33, %dma_start3A_141, %dma_start3A_142] : memref<8064x2x80xi32, #tpu.memory_space<hbm>> -> memref<1x2x80xi32, #tpu.memory_space<hbm>>
      %dma_start3A_144 = tpu.memref_squeeze %dma_start3A_143 : memref<1x2x80xi32, #tpu.memory_space<hbm>> -> memref<2x80xi32, #tpu.memory_space<hbm>>
      %dma_start3A_145 = arith.constant 0 : i32
      %dma_start3A_146 = arith.constant 0 : i32
      %dma_start3A_147 = tpu.memref_slice %arg5[%run_scoped3A, %dma_start3A_145, %dma_start3A_146] : memref<2x2x80xi32, #tpu.memory_space<vmem>> -> memref<1x2x80xi32, #tpu.memory_space<vmem>>
      %dma_start3A_148 = tpu.memref_squeeze %dma_start3A_147 : memref<1x2x80xi32, #tpu.memory_space<vmem>> -> memref<2x80xi32, #tpu.memory_space<vmem>>
      %dma_start3A_149 = arith.constant 0 : i32
      %dma_start3A_150 = arith.constant 0 : i32
      %dma_start3A_151 = tpu.memref_slice %arg3[%add3A_33, %dma_start3A_149, %dma_start3A_150] : memref<8064x2x80xi32, #tpu.memory_space<hbm>> -> memref<1x2x80xi32, #tpu.memory_space<hbm>>
      %dma_start3A_152 = tpu.memref_squeeze %dma_start3A_151 : memref<1x2x80xi32, #tpu.memory_space<hbm>> -> memref<2x80xi32, #tpu.memory_space<hbm>>
      tpu.enqueue_dma source(%dma_start3A_152 : memref<2x80xi32, #tpu.memory_space<hbm>>) target(%dma_start3A_148 : memref<2x80xi32, #tpu.memory_space<vmem>>) target_semaphore(%run_scoped3A_136 : memref<!tpu.dma_semaphore, #tpu.memory_space<semaphore_mem>>)
      %dma_wait3A = arith.constant 0 : i32
      %dma_wait3A_153 = arith.constant 0 : i32
      %dma_wait3A_154 = tpu.memref_slice %arg5[%run_scoped3A, %dma_wait3A, %dma_wait3A_153] : memref<2x2x80xi32, #tpu.memory_space<vmem>> -> memref<1x2x80xi32, #tpu.memory_space<vmem>>
      %dma_wait3A_155 = tpu.memref_squeeze %dma_wait3A_154 : memref<1x2x80xi32, #tpu.memory_space<vmem>> -> memref<2x80xi32, #tpu.memory_space<vmem>>
      %dma_wait3A_156 = arith.constant 0 : i32
      %dma_wait3A_157 = arith.constant 0 : i32
      %dma_wait3A_158 = tpu.memref_slice %arg3[%add3A_33, %dma_wait3A_156, %dma_wait3A_157] : memref<8064x2x80xi32, #tpu.memory_space<hbm>> -> memref<1x2x80xi32, #tpu.memory_space<hbm>>
      %dma_wait3A_159 = tpu.memref_squeeze %dma_wait3A_158 : memref<1x2x80xi32, #tpu.memory_space<hbm>> -> memref<2x80xi32, #tpu.memory_space<hbm>>
      %dma_wait3A_160 = arith.constant 0 : i32
      %dma_wait3A_161 = arith.constant 0 : i32
      %dma_wait3A_162 = tpu.memref_slice %arg5[%run_scoped3A, %dma_wait3A_160, %dma_wait3A_161] : memref<2x2x80xi32, #tpu.memory_space<vmem>> -> memref<1x2x80xi32, #tpu.memory_space<vmem>>
      %dma_wait3A_163 = tpu.memref_squeeze %dma_wait3A_162 : memref<1x2x80xi32, #tpu.memory_space<vmem>> -> memref<2x80xi32, #tpu.memory_space<vmem>>
      %dma_wait3A_164 = arith.constant 0 : i32
      %dma_wait3A_165 = arith.constant 0 : i32
      %dma_wait3A_166 = tpu.memref_slice %arg3[%add3A_33, %dma_wait3A_164, %dma_wait3A_165] : memref<8064x2x80xi32, #tpu.memory_space<hbm>> -> memref<1x2x80xi32, #tpu.memory_space<hbm>>
      %dma_wait3A_167 = tpu.memref_squeeze %dma_wait3A_166 : memref<1x2x80xi32, #tpu.memory_space<hbm>> -> memref<2x80xi32, #tpu.memory_space<hbm>>
      tpu.wait_dma2 semaphore(%run_scoped3A_136 : memref<!tpu.dma_semaphore, #tpu.memory_space<semaphore_mem>>) src(%dma_wait3A_167 : memref<2x80xi32, #tpu.memory_space<hbm>>) dst(%dma_wait3A_163 : memref<2x80xi32, #tpu.memory_space<vmem>>)
      tpu.yield
    }) : () -> ()
    %dma_start3A = arith.constant 0 : i32
    %dma_start3A_34 = arith.constant 0 : i32
    %dma_start3A_35 = arith.constant 0 : i32
    %dma_start3A_36 = arith.constant 0 : i32
    %dma_start3A_37 = arith.constant 0 : i32
    %dma_start3A_38 = tpu.memref_slice %arg6[%dma_start3A_35, %dma_start3A_36, %dma_start3A_37] : memref<2x80x128xf32, #tpu.memory_space<vmem>> -> memref<1x80x128xf32, #tpu.memory_space<vmem>>
    %dma_start3A_39 = tpu.memref_squeeze %dma_start3A_38 : memref<1x80x128xf32, #tpu.memory_space<vmem>> -> memref<80x128xf32, #tpu.memory_space<vmem>>
    %dma_start3A_40 = arith.constant 0 : i32
    %dma_start3A_41 = tpu.memref_slice %arg5[%dma_start3A, %dma_start3A_34, %dma_start3A_40] : memref<2x2x80xi32, #tpu.memory_space<vmem>> -> memref<1x1x80xi32, #tpu.memory_space<vmem>>
    %dma_start3A_42 = tpu.memref_squeeze %dma_start3A_41 : memref<1x1x80xi32, #tpu.memory_space<vmem>> -> memref<80xi32, #tpu.memory_space<vmem>>
    %dma_start3A_43 = arith.constant 0 : i32
    %dma_start3A_44 = arith.constant 0 : i32
    %dma_start3A_45 = tpu.memref_slice %arg2[%dma_start3A_43, %dma_start3A_44] : memref<40000x128xf32, #tpu.memory_space<hbm>> -> memref<40000x128xf32, #tpu.memory_space<hbm>>
    tpu.enqueue_indirect_dma source(%dma_start3A_45 : memref<40000x128xf32, #tpu.memory_space<hbm>>) target(%dma_start3A_39 : memref<80x128xf32, #tpu.memory_space<vmem>>) offsets(%dma_start3A_42 : memref<80xi32, #tpu.memory_space<vmem>>) semaphore(%arg9 : memref<!tpu.dma_semaphore, #tpu.memory_space<semaphore_mem>>)
    %mul3A_46 = arith.constant 2016 : i32
    %mul3A_47 = arith.muli %add3A_6, %mul3A_46 : i32
    %mul3A_48 = arith.constant 126 : i32
    %mul3A_49 = arith.muli %arg1, %mul3A_48 : i32
    %add3A_50 = arith.addi %mul3A_47, %mul3A_49 : i32
    %add3A_51 = arith.constant 1 : i32
    %add3A_52 = arith.addi %add3A_50, %add3A_51 : i32
    %run_scoped3A_53 = arith.constant 1 : i32
    "tpu.region"() ({
      %run_scoped3A_136 = tpu.sem_alloc : memref<!tpu.dma_semaphore, #tpu.memory_space<semaphore_mem>>
      %dma_start3A_137 = arith.constant 0 : i32
      %dma_start3A_138 = arith.constant 0 : i32
      %dma_start3A_139 = tpu.memref_slice %arg5[%run_scoped3A_53, %dma_start3A_137, %dma_start3A_138] : memref<2x2x80xi32, #tpu.memory_space<vmem>> -> memref<1x2x80xi32, #tpu.memory_space<vmem>>
      %dma_start3A_140 = tpu.memref_squeeze %dma_start3A_139 : memref<1x2x80xi32, #tpu.memory_space<vmem>> -> memref<2x80xi32, #tpu.memory_space<vmem>>
      %dma_start3A_141 = arith.constant 0 : i32
      %dma_start3A_142 = arith.constant 0 : i32
      %dma_start3A_143 = tpu.memref_slice %arg3[%add3A_52, %dma_start3A_141, %dma_start3A_142] : memref<8064x2x80xi32, #tpu.memory_space<hbm>> -> memref<1x2x80xi32, #tpu.memory_space<hbm>>
      %dma_start3A_144 = tpu.memref_squeeze %dma_start3A_143 : memref<1x2x80xi32, #tpu.memory_space<hbm>> -> memref<2x80xi32, #tpu.memory_space<hbm>>
      %dma_start3A_145 = arith.constant 0 : i32
      %dma_start3A_146 = arith.constant 0 : i32
      %dma_start3A_147 = tpu.memref_slice %arg5[%run_scoped3A_53, %dma_start3A_145, %dma_start3A_146] : memref<2x2x80xi32, #tpu.memory_space<vmem>> -> memref<1x2x80xi32, #tpu.memory_space<vmem>>
      %dma_start3A_148 = tpu.memref_squeeze %dma_start3A_147 : memref<1x2x80xi32, #tpu.memory_space<vmem>> -> memref<2x80xi32, #tpu.memory_space<vmem>>
      %dma_start3A_149 = arith.constant 0 : i32
      %dma_start3A_150 = arith.constant 0 : i32
      %dma_start3A_151 = tpu.memref_slice %arg3[%add3A_52, %dma_start3A_149, %dma_start3A_150] : memref<8064x2x80xi32, #tpu.memory_space<hbm>> -> memref<1x2x80xi32, #tpu.memory_space<hbm>>
      %dma_start3A_152 = tpu.memref_squeeze %dma_start3A_151 : memref<1x2x80xi32, #tpu.memory_space<hbm>> -> memref<2x80xi32, #tpu.memory_space<hbm>>
      tpu.enqueue_dma source(%dma_start3A_152 : memref<2x80xi32, #tpu.memory_space<hbm>>) target(%dma_start3A_148 : memref<2x80xi32, #tpu.memory_space<vmem>>) target_semaphore(%run_scoped3A_136 : memref<!tpu.dma_semaphore, #tpu.memory_space<semaphore_mem>>)
      %dma_wait3A = arith.constant 0 : i32
      %dma_wait3A_153 = arith.constant 0 : i32
      %dma_wait3A_154 = tpu.memref_slice %arg5[%run_scoped3A_53, %dma_wait3A, %dma_wait3A_153] : memref<2x2x80xi32, #tpu.memory_space<vmem>> -> memref<1x2x80xi32, #tpu.memory_space<vmem>>
      %dma_wait3A_155 = tpu.memref_squeeze %dma_wait3A_154 : memref<1x2x80xi32, #tpu.memory_space<vmem>> -> memref<2x80xi32, #tpu.memory_space<vmem>>
      %dma_wait3A_156 = arith.constant 0 : i32
      %dma_wait3A_157 = arith.constant 0 : i32
      %dma_wait3A_158 = tpu.memref_slice %arg3[%add3A_52, %dma_wait3A_156, %dma_wait3A_157] : memref<8064x2x80xi32, #tpu.memory_space<hbm>> -> memref<1x2x80xi32, #tpu.memory_space<hbm>>
      %dma_wait3A_159 = tpu.memref_squeeze %dma_wait3A_158 : memref<1x2x80xi32, #tpu.memory_space<hbm>> -> memref<2x80xi32, #tpu.memory_space<hbm>>
      %dma_wait3A_160 = arith.constant 0 : i32
      %dma_wait3A_161 = arith.constant 0 : i32
      %dma_wait3A_162 = tpu.memref_slice %arg5[%run_scoped3A_53, %dma_wait3A_160, %dma_wait3A_161] : memref<2x2x80xi32, #tpu.memory_space<vmem>> -> memref<1x2x80xi32, #tpu.memory_space<vmem>>
      %dma_wait3A_163 = tpu.memref_squeeze %dma_wait3A_162 : memref<1x2x80xi32, #tpu.memory_space<vmem>> -> memref<2x80xi32, #tpu.memory_space<vmem>>
      %dma_wait3A_164 = arith.constant 0 : i32
      %dma_wait3A_165 = arith.constant 0 : i32
      %dma_wait3A_166 = tpu.memref_slice %arg3[%add3A_52, %dma_wait3A_164, %dma_wait3A_165] : memref<8064x2x80xi32, #tpu.memory_space<hbm>> -> memref<1x2x80xi32, #tpu.memory_space<hbm>>
      %dma_wait3A_167 = tpu.memref_squeeze %dma_wait3A_166 : memref<1x2x80xi32, #tpu.memory_space<hbm>> -> memref<2x80xi32, #tpu.memory_space<hbm>>
      tpu.wait_dma2 semaphore(%run_scoped3A_136 : memref<!tpu.dma_semaphore, #tpu.memory_space<semaphore_mem>>) src(%dma_wait3A_167 : memref<2x80xi32, #tpu.memory_space<hbm>>) dst(%dma_wait3A_163 : memref<2x80xi32, #tpu.memory_space<vmem>>)
      tpu.yield
    }) : () -> ()
    %barrier3A = arith.constant 0 : index
    tpu.barrier barrier_id(%barrier3A)
    %scan3A_54 = arith.constant 0 : i32
    %scan3A_55 = arith.constant 0 : i32
    %scan3A_56 = arith.constant 63 : i32
    %scan3A_57 = arith.addi %scan3A_55, %scan3A_56 : i32
    %scan3A_58 = arith.constant 1 : i32
    scf.for %scan3A_136 = %scan3A_55 to %scan3A_57 step %scan3A_58  : i32 {
      %mul3A_137 = arith.constant 2 : i32
      %mul3A_138 = arith.muli %mul3A_137, %scan3A_136 : i32
      %add3A_139 = arith.constant 0 : i32
      %add3A_140 = arith.addi %mul3A_138, %add3A_139 : i32
      %dma_wait3A = arith.constant 0 : i32
      %dma_wait3A_141 = arith.constant 0 : i32
      %dma_wait3A_142 = arith.constant 0 : i32
      %dma_wait3A_143 = arith.constant 0 : i32
      %dma_wait3A_144 = arith.constant 0 : i32
      %dma_wait3A_145 = tpu.memref_slice %arg6[%dma_wait3A_142, %dma_wait3A_143, %dma_wait3A_144] : memref<2x80x128xf32, #tpu.memory_space<vmem>> -> memref<1x80x128xf32, #tpu.memory_space<vmem>>
      %dma_wait3A_146 = tpu.memref_squeeze %dma_wait3A_145 : memref<1x80x128xf32, #tpu.memory_space<vmem>> -> memref<80x128xf32, #tpu.memory_space<vmem>>
      %dma_wait3A_147 = arith.constant 0 : i32
      %dma_wait3A_148 = tpu.memref_slice %arg5[%dma_wait3A, %dma_wait3A_141, %dma_wait3A_147] : memref<2x2x80xi32, #tpu.memory_space<vmem>> -> memref<1x1x80xi32, #tpu.memory_space<vmem>>
      %dma_wait3A_149 = tpu.memref_squeeze %dma_wait3A_148 : memref<1x1x80xi32, #tpu.memory_space<vmem>> -> memref<80xi32, #tpu.memory_space<vmem>>
      %dma_wait3A_150 = arith.constant 0 : i32
      %dma_wait3A_151 = arith.constant 0 : i32
      %dma_wait3A_152 = tpu.memref_slice %arg2[%dma_wait3A_150, %dma_wait3A_151] : memref<40000x128xf32, #tpu.memory_space<hbm>> -> memref<40000x128xf32, #tpu.memory_space<hbm>>
      tpu.wait_indirect_dma semaphore(%arg9 : memref<!tpu.dma_semaphore, #tpu.memory_space<semaphore_mem>>) src(%dma_wait3A_152 : memref<40000x128xf32, #tpu.memory_space<hbm>>) dst(%dma_wait3A_146 : memref<80x128xf32, #tpu.memory_space<vmem>>)
      %add3A_153 = arith.constant 1 : i32
      %add3A_154 = arith.addi %add3A_140, %add3A_153 : i32
      %lt3A = arith.constant 126 : i32
      %lt3A_155 = arith.cmpi slt, %add3A_154, %lt3A : i32
      %convert_element_type3A = arith.extui %lt3A_155 : i1 to i32
      %cond3A = arith.constant 0 : i32
      %cond3A_156 = arith.cmpi ne, %convert_element_type3A, %cond3A : i32
      scf.if %cond3A_156 {
        %dma_start3A_201 = arith.constant 1 : i32
        %dma_start3A_202 = arith.constant 0 : i32
        %dma_start3A_203 = arith.constant 1 : i32
        %dma_start3A_204 = arith.constant 0 : i32
        %dma_start3A_205 = arith.constant 0 : i32
        %dma_start3A_206 = tpu.memref_slice %arg6[%dma_start3A_203, %dma_start3A_204, %dma_start3A_205] : memref<2x80x128xf32, #tpu.memory_space<vmem>> -> memref<1x80x128xf32, #tpu.memory_space<vmem>>
        %dma_start3A_207 = tpu.memref_squeeze %dma_start3A_206 : memref<1x80x128xf32, #tpu.memory_space<vmem>> -> memref<80x128xf32, #tpu.memory_space<vmem>>
        %dma_start3A_208 = arith.constant 0 : i32
        %dma_start3A_209 = tpu.memref_slice %arg5[%dma_start3A_201, %dma_start3A_202, %dma_start3A_208] : memref<2x2x80xi32, #tpu.memory_space<vmem>> -> memref<1x1x80xi32, #tpu.memory_space<vmem>>
        %dma_start3A_210 = tpu.memref_squeeze %dma_start3A_209 : memref<1x1x80xi32, #tpu.memory_space<vmem>> -> memref<80xi32, #tpu.memory_space<vmem>>
        %dma_start3A_211 = arith.constant 0 : i32
        %dma_start3A_212 = arith.constant 0 : i32
        %dma_start3A_213 = tpu.memref_slice %arg2[%dma_start3A_211, %dma_start3A_212] : memref<40000x128xf32, #tpu.memory_space<hbm>> -> memref<40000x128xf32, #tpu.memory_space<hbm>>
        tpu.enqueue_indirect_dma source(%dma_start3A_213 : memref<40000x128xf32, #tpu.memory_space<hbm>>) target(%dma_start3A_207 : memref<80x128xf32, #tpu.memory_space<vmem>>) offsets(%dma_start3A_210 : memref<80xi32, #tpu.memory_space<vmem>>) semaphore(%arg10 : memref<!tpu.dma_semaphore, #tpu.memory_space<semaphore_mem>>)
      } else {
      }
      %run_scoped3A_157 = arith.constant 0 : i32
      %run_scoped3A_158 = arith.constant 0 : i32
      %run_scoped3A_159 = arith.constant 1 : i32
      "tpu.region"() ({
        %run_scoped3A_201 = tpu.sem_alloc : memref<!tpu.dma_semaphore, #tpu.memory_space<semaphore_mem>>
        %dma_start3A_202 = arith.constant 0 : i32
        %dma_start3A_203 = arith.constant 0 : i32
        %dma_start3A_204 = tpu.memref_slice %arg6[%run_scoped3A_157, %dma_start3A_202, %dma_start3A_203] : memref<2x80x128xf32, #tpu.memory_space<vmem>> -> memref<1x80x128xf32, #tpu.memory_space<vmem>>
        %dma_start3A_205 = tpu.memref_squeeze %dma_start3A_204 : memref<1x80x128xf32, #tpu.memory_space<vmem>> -> memref<80x128xf32, #tpu.memory_space<vmem>>
        %dma_start3A_206 = arith.constant 0 : i32
        %dma_start3A_207 = tpu.memref_slice %arg5[%run_scoped3A_158, %run_scoped3A_159, %dma_start3A_206] : memref<2x2x80xi32, #tpu.memory_space<vmem>> -> memref<1x1x80xi32, #tpu.memory_space<vmem>>
        %dma_start3A_208 = tpu.memref_squeeze %dma_start3A_207 : memref<1x1x80xi32, #tpu.memory_space<vmem>> -> memref<80xi32, #tpu.memory_space<vmem>>
        %dma_start3A_209 = arith.constant 0 : i32
        %dma_start3A_210 = arith.constant 0 : i32
        %dma_start3A_211 = tpu.memref_slice %arg8[%dma_start3A_209, %dma_start3A_210] : memref<10240x128xf32, #tpu.memory_space<vmem_shared>> -> memref<10240x128xf32, #tpu.memory_space<vmem_shared>>
        tpu.enqueue_indirect_dma source(%dma_start3A_205 : memref<80x128xf32, #tpu.memory_space<vmem>>) target(%dma_start3A_211 : memref<10240x128xf32, #tpu.memory_space<vmem_shared>>) offsets(%dma_start3A_208 : memref<80xi32, #tpu.memory_space<vmem>>) semaphore(%run_scoped3A_201 : memref<!tpu.dma_semaphore, #tpu.memory_space<semaphore_mem>>) {add = true}
        %dma_wait3A_212 = arith.constant 0 : i32
        %dma_wait3A_213 = arith.constant 0 : i32
        %dma_wait3A_214 = tpu.memref_slice %arg6[%run_scoped3A_157, %dma_wait3A_212, %dma_wait3A_213] : memref<2x80x128xf32, #tpu.memory_space<vmem>> -> memref<1x80x128xf32, #tpu.memory_space<vmem>>
        %dma_wait3A_215 = tpu.memref_squeeze %dma_wait3A_214 : memref<1x80x128xf32, #tpu.memory_space<vmem>> -> memref<80x128xf32, #tpu.memory_space<vmem>>
        %dma_wait3A_216 = arith.constant 0 : i32
        %dma_wait3A_217 = tpu.memref_slice %arg5[%run_scoped3A_158, %run_scoped3A_159, %dma_wait3A_216] : memref<2x2x80xi32, #tpu.memory_space<vmem>> -> memref<1x1x80xi32, #tpu.memory_space<vmem>>
        %dma_wait3A_218 = tpu.memref_squeeze %dma_wait3A_217 : memref<1x1x80xi32, #tpu.memory_space<vmem>> -> memref<80xi32, #tpu.memory_space<vmem>>
        %dma_wait3A_219 = arith.constant 0 : i32
        %dma_wait3A_220 = arith.constant 0 : i32
        %dma_wait3A_221 = tpu.memref_slice %arg8[%dma_wait3A_219, %dma_wait3A_220] : memref<10240x128xf32, #tpu.memory_space<vmem_shared>> -> memref<10240x128xf32, #tpu.memory_space<vmem_shared>>
        tpu.wait_indirect_dma semaphore(%run_scoped3A_201 : memref<!tpu.dma_semaphore, #tpu.memory_space<semaphore_mem>>) src(%dma_wait3A_215 : memref<80x128xf32, #tpu.memory_space<vmem>>) dst(%dma_wait3A_221 : memref<10240x128xf32, #tpu.memory_space<vmem_shared>>)
        tpu.yield
      }) : () -> ()
      %add3A_160 = arith.constant 2 : i32
      %add3A_161 = arith.addi %add3A_140, %add3A_160 : i32
      %lt3A_162 = arith.constant 126 : i32
      %lt3A_163 = arith.cmpi slt, %add3A_161, %lt3A_162 : i32
      %convert_element_type3A_164 = arith.extui %lt3A_163 : i1 to i32
      %cond3A_165 = arith.constant 0 : i32
      %cond3A_166 = arith.cmpi ne, %convert_element_type3A_164, %cond3A_165 : i32
      scf.if %cond3A_166 {
        %add3A_201 = arith.constant 2 : i32
        %add3A_202 = arith.addi %add3A_140, %add3A_201 : i32
        %mul3A_203 = arith.constant 2016 : i32
        %mul3A_204 = arith.muli %add3A_6, %mul3A_203 : i32
        %mul3A_205 = arith.constant 126 : i32
        %mul3A_206 = arith.muli %arg1, %mul3A_205 : i32
        %add3A_207 = arith.addi %mul3A_204, %mul3A_206 : i32
        %add3A_208 = arith.addi %add3A_207, %add3A_202 : i32
        %run_scoped3A_209 = arith.constant 0 : i32
        "tpu.region"() ({
          %run_scoped3A_210 = tpu.sem_alloc : memref<!tpu.dma_semaphore, #tpu.memory_space<semaphore_mem>>
          %dma_start3A_211 = arith.constant 0 : i32
          %dma_start3A_212 = arith.constant 0 : i32
          %dma_start3A_213 = tpu.memref_slice %arg5[%run_scoped3A_209, %dma_start3A_211, %dma_start3A_212] : memref<2x2x80xi32, #tpu.memory_space<vmem>> -> memref<1x2x80xi32, #tpu.memory_space<vmem>>
          %dma_start3A_214 = tpu.memref_squeeze %dma_start3A_213 : memref<1x2x80xi32, #tpu.memory_space<vmem>> -> memref<2x80xi32, #tpu.memory_space<vmem>>
          %dma_start3A_215 = arith.constant 0 : i32
          %dma_start3A_216 = arith.constant 0 : i32
          %dma_start3A_217 = tpu.memref_slice %arg3[%add3A_208, %dma_start3A_215, %dma_start3A_216] : memref<8064x2x80xi32, #tpu.memory_space<hbm>> -> memref<1x2x80xi32, #tpu.memory_space<hbm>>
          %dma_start3A_218 = tpu.memref_squeeze %dma_start3A_217 : memref<1x2x80xi32, #tpu.memory_space<hbm>> -> memref<2x80xi32, #tpu.memory_space<hbm>>
          %dma_start3A_219 = arith.constant 0 : i32
          %dma_start3A_220 = arith.constant 0 : i32
          %dma_start3A_221 = tpu.memref_slice %arg5[%run_scoped3A_209, %dma_start3A_219, %dma_start3A_220] : memref<2x2x80xi32, #tpu.memory_space<vmem>> -> memref<1x2x80xi32, #tpu.memory_space<vmem>>
          %dma_start3A_222 = tpu.memref_squeeze %dma_start3A_221 : memref<1x2x80xi32, #tpu.memory_space<vmem>> -> memref<2x80xi32, #tpu.memory_space<vmem>>
          %dma_start3A_223 = arith.constant 0 : i32
          %dma_start3A_224 = arith.constant 0 : i32
          %dma_start3A_225 = tpu.memref_slice %arg3[%add3A_208, %dma_start3A_223, %dma_start3A_224] : memref<8064x2x80xi32, #tpu.memory_space<hbm>> -> memref<1x2x80xi32, #tpu.memory_space<hbm>>
          %dma_start3A_226 = tpu.memref_squeeze %dma_start3A_225 : memref<1x2x80xi32, #tpu.memory_space<hbm>> -> memref<2x80xi32, #tpu.memory_space<hbm>>
          tpu.enqueue_dma source(%dma_start3A_226 : memref<2x80xi32, #tpu.memory_space<hbm>>) target(%dma_start3A_222 : memref<2x80xi32, #tpu.memory_space<vmem>>) target_semaphore(%run_scoped3A_210 : memref<!tpu.dma_semaphore, #tpu.memory_space<semaphore_mem>>)
          %dma_wait3A_227 = arith.constant 0 : i32
          %dma_wait3A_228 = arith.constant 0 : i32
          %dma_wait3A_229 = tpu.memref_slice %arg5[%run_scoped3A_209, %dma_wait3A_227, %dma_wait3A_228] : memref<2x2x80xi32, #tpu.memory_space<vmem>> -> memref<1x2x80xi32, #tpu.memory_space<vmem>>
          %dma_wait3A_230 = tpu.memref_squeeze %dma_wait3A_229 : memref<1x2x80xi32, #tpu.memory_space<vmem>> -> memref<2x80xi32, #tpu.memory_space<vmem>>
          %dma_wait3A_231 = arith.constant 0 : i32
          %dma_wait3A_232 = arith.constant 0 : i32
          %dma_wait3A_233 = tpu.memref_slice %arg3[%add3A_208, %dma_wait3A_231, %dma_wait3A_232] : memref<8064x2x80xi32, #tpu.memory_space<hbm>> -> memref<1x2x80xi32, #tpu.memory_space<hbm>>
          %dma_wait3A_234 = tpu.memref_squeeze %dma_wait3A_233 : memref<1x2x80xi32, #tpu.memory_space<hbm>> -> memref<2x80xi32, #tpu.memory_space<hbm>>
          %dma_wait3A_235 = arith.constant 0 : i32
          %dma_wait3A_236 = arith.constant 0 : i32
          %dma_wait3A_237 = tpu.memref_slice %arg5[%run_scoped3A_209, %dma_wait3A_235, %dma_wait3A_236] : memref<2x2x80xi32, #tpu.memory_space<vmem>> -> memref<1x2x80xi32, #tpu.memory_space<vmem>>
          %dma_wait3A_238 = tpu.memref_squeeze %dma_wait3A_237 : memref<1x2x80xi32, #tpu.memory_space<vmem>> -> memref<2x80xi32, #tpu.memory_space<vmem>>
          %dma_wait3A_239 = arith.constant 0 : i32
          %dma_wait3A_240 = arith.constant 0 : i32
          %dma_wait3A_241 = tpu.memref_slice %arg3[%add3A_208, %dma_wait3A_239, %dma_wait3A_240] : memref<8064x2x80xi32, #tpu.memory_space<hbm>> -> memref<1x2x80xi32, #tpu.memory_space<hbm>>
          %dma_wait3A_242 = tpu.memref_squeeze %dma_wait3A_241 : memref<1x2x80xi32, #tpu.memory_space<hbm>> -> memref<2x80xi32, #tpu.memory_space<hbm>>
          tpu.wait_dma2 semaphore(%run_scoped3A_210 : memref<!tpu.dma_semaphore, #tpu.memory_space<semaphore_mem>>) src(%dma_wait3A_242 : memref<2x80xi32, #tpu.memory_space<hbm>>) dst(%dma_wait3A_238 : memref<2x80xi32, #tpu.memory_space<vmem>>)
          tpu.yield
        }) : () -> ()
      } else {
      }
      %mul3A_167 = arith.constant 2 : i32
      %mul3A_168 = arith.muli %mul3A_167, %scan3A_136 : i32
      %add3A_169 = arith.constant 1 : i32
      %add3A_170 = arith.addi %mul3A_168, %add3A_169 : i32
      %dma_wait3A_171 = arith.constant 1 : i32
      %dma_wait3A_172 = arith.constant 0 : i32
      %dma_wait3A_173 = arith.constant 1 : i32
      %dma_wait3A_174 = arith.constant 0 : i32
      %dma_wait3A_175 = arith.constant 0 : i32
      %dma_wait3A_176 = tpu.memref_slice %arg6[%dma_wait3A_173, %dma_wait3A_174, %dma_wait3A_175] : memref<2x80x128xf32, #tpu.memory_space<vmem>> -> memref<1x80x128xf32, #tpu.memory_space<vmem>>
      %dma_wait3A_177 = tpu.memref_squeeze %dma_wait3A_176 : memref<1x80x128xf32, #tpu.memory_space<vmem>> -> memref<80x128xf32, #tpu.memory_space<vmem>>
      %dma_wait3A_178 = arith.constant 0 : i32
      %dma_wait3A_179 = tpu.memref_slice %arg5[%dma_wait3A_171, %dma_wait3A_172, %dma_wait3A_178] : memref<2x2x80xi32, #tpu.memory_space<vmem>> -> memref<1x1x80xi32, #tpu.memory_space<vmem>>
      %dma_wait3A_180 = tpu.memref_squeeze %dma_wait3A_179 : memref<1x1x80xi32, #tpu.memory_space<vmem>> -> memref<80xi32, #tpu.memory_space<vmem>>
      %dma_wait3A_181 = arith.constant 0 : i32
      %dma_wait3A_182 = arith.constant 0 : i32
      %dma_wait3A_183 = tpu.memref_slice %arg2[%dma_wait3A_181, %dma_wait3A_182] : memref<40000x128xf32, #tpu.memory_space<hbm>> -> memref<40000x128xf32, #tpu.memory_space<hbm>>
      tpu.wait_indirect_dma semaphore(%arg10 : memref<!tpu.dma_semaphore, #tpu.memory_space<semaphore_mem>>) src(%dma_wait3A_183 : memref<40000x128xf32, #tpu.memory_space<hbm>>) dst(%dma_wait3A_177 : memref<80x128xf32, #tpu.memory_space<vmem>>)
      %add3A_184 = arith.constant 1 : i32
      %add3A_185 = arith.addi %add3A_170, %add3A_184 : i32
      %lt3A_186 = arith.constant 126 : i32
      %lt3A_187 = arith.cmpi slt, %add3A_185, %lt3A_186 : i32
      %convert_element_type3A_188 = arith.extui %lt3A_187 : i1 to i32
      %cond3A_189 = arith.constant 0 : i32
      %cond3A_190 = arith.cmpi ne, %convert_element_type3A_188, %cond3A_189 : i32
      scf.if %cond3A_190 {
        %dma_start3A_201 = arith.constant 0 : i32
        %dma_start3A_202 = arith.constant 0 : i32
        %dma_start3A_203 = arith.constant 0 : i32
        %dma_start3A_204 = arith.constant 0 : i32
        %dma_start3A_205 = arith.constant 0 : i32
        %dma_start3A_206 = tpu.memref_slice %arg6[%dma_start3A_203, %dma_start3A_204, %dma_start3A_205] : memref<2x80x128xf32, #tpu.memory_space<vmem>> -> memref<1x80x128xf32, #tpu.memory_space<vmem>>
        %dma_start3A_207 = tpu.memref_squeeze %dma_start3A_206 : memref<1x80x128xf32, #tpu.memory_space<vmem>> -> memref<80x128xf32, #tpu.memory_space<vmem>>
        %dma_start3A_208 = arith.constant 0 : i32
        %dma_start3A_209 = tpu.memref_slice %arg5[%dma_start3A_201, %dma_start3A_202, %dma_start3A_208] : memref<2x2x80xi32, #tpu.memory_space<vmem>> -> memref<1x1x80xi32, #tpu.memory_space<vmem>>
        %dma_start3A_210 = tpu.memref_squeeze %dma_start3A_209 : memref<1x1x80xi32, #tpu.memory_space<vmem>> -> memref<80xi32, #tpu.memory_space<vmem>>
        %dma_start3A_211 = arith.constant 0 : i32
        %dma_start3A_212 = arith.constant 0 : i32
        %dma_start3A_213 = tpu.memref_slice %arg2[%dma_start3A_211, %dma_start3A_212] : memref<40000x128xf32, #tpu.memory_space<hbm>> -> memref<40000x128xf32, #tpu.memory_space<hbm>>
        tpu.enqueue_indirect_dma source(%dma_start3A_213 : memref<40000x128xf32, #tpu.memory_space<hbm>>) target(%dma_start3A_207 : memref<80x128xf32, #tpu.memory_space<vmem>>) offsets(%dma_start3A_210 : memref<80xi32, #tpu.memory_space<vmem>>) semaphore(%arg9 : memref<!tpu.dma_semaphore, #tpu.memory_space<semaphore_mem>>)
      } else {
      }
      %run_scoped3A_191 = arith.constant 1 : i32
      %run_scoped3A_192 = arith.constant 1 : i32
      %run_scoped3A_193 = arith.constant 1 : i32
      "tpu.region"() ({
        %run_scoped3A_201 = tpu.sem_alloc : memref<!tpu.dma_semaphore, #tpu.memory_space<semaphore_mem>>
        %dma_start3A_202 = arith.constant 0 : i32
        %dma_start3A_203 = arith.constant 0 : i32
        %dma_start3A_204 = tpu.memref_slice %arg6[%run_scoped3A_191, %dma_start3A_202, %dma_start3A_203] : memref<2x80x128xf32, #tpu.memory_space<vmem>> -> memref<1x80x128xf32, #tpu.memory_space<vmem>>
        %dma_start3A_205 = tpu.memref_squeeze %dma_start3A_204 : memref<1x80x128xf32, #tpu.memory_space<vmem>> -> memref<80x128xf32, #tpu.memory_space<vmem>>
        %dma_start3A_206 = arith.constant 0 : i32
        %dma_start3A_207 = tpu.memref_slice %arg5[%run_scoped3A_192, %run_scoped3A_193, %dma_start3A_206] : memref<2x2x80xi32, #tpu.memory_space<vmem>> -> memref<1x1x80xi32, #tpu.memory_space<vmem>>
        %dma_start3A_208 = tpu.memref_squeeze %dma_start3A_207 : memref<1x1x80xi32, #tpu.memory_space<vmem>> -> memref<80xi32, #tpu.memory_space<vmem>>
        %dma_start3A_209 = arith.constant 0 : i32
        %dma_start3A_210 = arith.constant 0 : i32
        %dma_start3A_211 = tpu.memref_slice %arg8[%dma_start3A_209, %dma_start3A_210] : memref<10240x128xf32, #tpu.memory_space<vmem_shared>> -> memref<10240x128xf32, #tpu.memory_space<vmem_shared>>
        tpu.enqueue_indirect_dma source(%dma_start3A_205 : memref<80x128xf32, #tpu.memory_space<vmem>>) target(%dma_start3A_211 : memref<10240x128xf32, #tpu.memory_space<vmem_shared>>) offsets(%dma_start3A_208 : memref<80xi32, #tpu.memory_space<vmem>>) semaphore(%run_scoped3A_201 : memref<!tpu.dma_semaphore, #tpu.memory_space<semaphore_mem>>) {add = true}
        %dma_wait3A_212 = arith.constant 0 : i32
        %dma_wait3A_213 = arith.constant 0 : i32
        %dma_wait3A_214 = tpu.memref_slice %arg6[%run_scoped3A_191, %dma_wait3A_212, %dma_wait3A_213] : memref<2x80x128xf32, #tpu.memory_space<vmem>> -> memref<1x80x128xf32, #tpu.memory_space<vmem>>
        %dma_wait3A_215 = tpu.memref_squeeze %dma_wait3A_214 : memref<1x80x128xf32, #tpu.memory_space<vmem>> -> memref<80x128xf32, #tpu.memory_space<vmem>>
        %dma_wait3A_216 = arith.constant 0 : i32
        %dma_wait3A_217 = tpu.memref_slice %arg5[%run_scoped3A_192, %run_scoped3A_193, %dma_wait3A_216] : memref<2x2x80xi32, #tpu.memory_space<vmem>> -> memref<1x1x80xi32, #tpu.memory_space<vmem>>
        %dma_wait3A_218 = tpu.memref_squeeze %dma_wait3A_217 : memref<1x1x80xi32, #tpu.memory_space<vmem>> -> memref<80xi32, #tpu.memory_space<vmem>>
        %dma_wait3A_219 = arith.constant 0 : i32
        %dma_wait3A_220 = arith.constant 0 : i32
        %dma_wait3A_221 = tpu.memref_slice %arg8[%dma_wait3A_219, %dma_wait3A_220] : memref<10240x128xf32, #tpu.memory_space<vmem_shared>> -> memref<10240x128xf32, #tpu.memory_space<vmem_shared>>
        tpu.wait_indirect_dma semaphore(%run_scoped3A_201 : memref<!tpu.dma_semaphore, #tpu.memory_space<semaphore_mem>>) src(%dma_wait3A_215 : memref<80x128xf32, #tpu.memory_space<vmem>>) dst(%dma_wait3A_221 : memref<10240x128xf32, #tpu.memory_space<vmem_shared>>)
        tpu.yield
      }) : () -> ()
      %add3A_194 = arith.constant 2 : i32
      %add3A_195 = arith.addi %add3A_170, %add3A_194 : i32
      %lt3A_196 = arith.constant 126 : i32
      %lt3A_197 = arith.cmpi slt, %add3A_195, %lt3A_196 : i32
      %convert_element_type3A_198 = arith.extui %lt3A_197 : i1 to i32
      %cond3A_199 = arith.constant 0 : i32
      %cond3A_200 = arith.cmpi ne, %convert_element_type3A_198, %cond3A_199 : i32
      scf.if %cond3A_200 {
        %add3A_201 = arith.constant 2 : i32
        %add3A_202 = arith.addi %add3A_170, %add3A_201 : i32
        %mul3A_203 = arith.constant 2016 : i32
        %mul3A_204 = arith.muli %add3A_6, %mul3A_203 : i32
        %mul3A_205 = arith.constant 126 : i32
        %mul3A_206 = arith.muli %arg1, %mul3A_205 : i32
        %add3A_207 = arith.addi %mul3A_204, %mul3A_206 : i32
        %add3A_208 = arith.addi %add3A_207, %add3A_202 : i32
        %run_scoped3A_209 = arith.constant 1 : i32
        "tpu.region"() ({
          %run_scoped3A_210 = tpu.sem_alloc : memref<!tpu.dma_semaphore, #tpu.memory_space<semaphore_mem>>
          %dma_start3A_211 = arith.constant 0 : i32
          %dma_start3A_212 = arith.constant 0 : i32
          %dma_start3A_213 = tpu.memref_slice %arg5[%run_scoped3A_209, %dma_start3A_211, %dma_start3A_212] : memref<2x2x80xi32, #tpu.memory_space<vmem>> -> memref<1x2x80xi32, #tpu.memory_space<vmem>>
          %dma_start3A_214 = tpu.memref_squeeze %dma_start3A_213 : memref<1x2x80xi32, #tpu.memory_space<vmem>> -> memref<2x80xi32, #tpu.memory_space<vmem>>
          %dma_start3A_215 = arith.constant 0 : i32
          %dma_start3A_216 = arith.constant 0 : i32
          %dma_start3A_217 = tpu.memref_slice %arg3[%add3A_208, %dma_start3A_215, %dma_start3A_216] : memref<8064x2x80xi32, #tpu.memory_space<hbm>> -> memref<1x2x80xi32, #tpu.memory_space<hbm>>
          %dma_start3A_218 = tpu.memref_squeeze %dma_start3A_217 : memref<1x2x80xi32, #tpu.memory_space<hbm>> -> memref<2x80xi32, #tpu.memory_space<hbm>>
          %dma_start3A_219 = arith.constant 0 : i32
          %dma_start3A_220 = arith.constant 0 : i32
          %dma_start3A_221 = tpu.memref_slice %arg5[%run_scoped3A_209, %dma_start3A_219, %dma_start3A_220] : memref<2x2x80xi32, #tpu.memory_space<vmem>> -> memref<1x2x80xi32, #tpu.memory_space<vmem>>
          %dma_start3A_222 = tpu.memref_squeeze %dma_start3A_221 : memref<1x2x80xi32, #tpu.memory_space<vmem>> -> memref<2x80xi32, #tpu.memory_space<vmem>>
          %dma_start3A_223 = arith.constant 0 : i32
          %dma_start3A_224 = arith.constant 0 : i32
          %dma_start3A_225 = tpu.memref_slice %arg3[%add3A_208, %dma_start3A_223, %dma_start3A_224] : memref<8064x2x80xi32, #tpu.memory_space<hbm>> -> memref<1x2x80xi32, #tpu.memory_space<hbm>>
          %dma_start3A_226 = tpu.memref_squeeze %dma_start3A_225 : memref<1x2x80xi32, #tpu.memory_space<hbm>> -> memref<2x80xi32, #tpu.memory_space<hbm>>
          tpu.enqueue_dma source(%dma_start3A_226 : memref<2x80xi32, #tpu.memory_space<hbm>>) target(%dma_start3A_222 : memref<2x80xi32, #tpu.memory_space<vmem>>) target_semaphore(%run_scoped3A_210 : memref<!tpu.dma_semaphore, #tpu.memory_space<semaphore_mem>>)
          %dma_wait3A_227 = arith.constant 0 : i32
          %dma_wait3A_228 = arith.constant 0 : i32
          %dma_wait3A_229 = tpu.memref_slice %arg5[%run_scoped3A_209, %dma_wait3A_227, %dma_wait3A_228] : memref<2x2x80xi32, #tpu.memory_space<vmem>> -> memref<1x2x80xi32, #tpu.memory_space<vmem>>
          %dma_wait3A_230 = tpu.memref_squeeze %dma_wait3A_229 : memref<1x2x80xi32, #tpu.memory_space<vmem>> -> memref<2x80xi32, #tpu.memory_space<vmem>>
          %dma_wait3A_231 = arith.constant 0 : i32
          %dma_wait3A_232 = arith.constant 0 : i32
          %dma_wait3A_233 = tpu.memref_slice %arg3[%add3A_208, %dma_wait3A_231, %dma_wait3A_232] : memref<8064x2x80xi32, #tpu.memory_space<hbm>> -> memref<1x2x80xi32, #tpu.memory_space<hbm>>
          %dma_wait3A_234 = tpu.memref_squeeze %dma_wait3A_233 : memref<1x2x80xi32, #tpu.memory_space<hbm>> -> memref<2x80xi32, #tpu.memory_space<hbm>>
          %dma_wait3A_235 = arith.constant 0 : i32
          %dma_wait3A_236 = arith.constant 0 : i32
          %dma_wait3A_237 = tpu.memref_slice %arg5[%run_scoped3A_209, %dma_wait3A_235, %dma_wait3A_236] : memref<2x2x80xi32, #tpu.memory_space<vmem>> -> memref<1x2x80xi32, #tpu.memory_space<vmem>>
          %dma_wait3A_238 = tpu.memref_squeeze %dma_wait3A_237 : memref<1x2x80xi32, #tpu.memory_space<vmem>> -> memref<2x80xi32, #tpu.memory_space<vmem>>
          %dma_wait3A_239 = arith.constant 0 : i32
          %dma_wait3A_240 = arith.constant 0 : i32
          %dma_wait3A_241 = tpu.memref_slice %arg3[%add3A_208, %dma_wait3A_239, %dma_wait3A_240] : memref<8064x2x80xi32, #tpu.memory_space<hbm>> -> memref<1x2x80xi32, #tpu.memory_space<hbm>>
          %dma_wait3A_242 = tpu.memref_squeeze %dma_wait3A_241 : memref<1x2x80xi32, #tpu.memory_space<hbm>> -> memref<2x80xi32, #tpu.memory_space<hbm>>
          tpu.wait_dma2 semaphore(%run_scoped3A_210 : memref<!tpu.dma_semaphore, #tpu.memory_space<semaphore_mem>>) src(%dma_wait3A_242 : memref<2x80xi32, #tpu.memory_space<hbm>>) dst(%dma_wait3A_238 : memref<2x80xi32, #tpu.memory_space<vmem>>)
          tpu.yield
        }) : () -> ()
      } else {
      }
    }
    %scan3A_59 = arith.constant 63 : i32
    %barrier3A_60 = arith.constant 0 : index
    tpu.barrier barrier_id(%barrier3A_60)
    %mul3A_61 = arith.constant 640 : i32
    %mul3A_62 = arith.muli %arg1, %mul3A_61 : i32
    %mul3A_63 = arith.constant 10240 : i32
    %mul3A_64 = arith.muli %add3A_6, %mul3A_63 : i32
    %mul3A_65 = arith.constant 640 : i32
    %mul3A_66 = arith.muli %arg1, %mul3A_65 : i32
    %add3A_67 = arith.addi %mul3A_64, %mul3A_66 : i32
    "tpu.region"() ({
      %run_scoped3A_136 = tpu.sem_alloc : memref<!tpu.dma_semaphore, #tpu.memory_space<semaphore_mem>>
      %dma_start3A_137 = arith.constant 0 : i32
      %dma_start3A_138 = tpu.memref_slice %arg4[%add3A_67, %dma_start3A_137] : memref<40960x128xf32, #tpu.memory_space<hbm>> -> memref<640x128xf32, #tpu.memory_space<hbm>>
      %dma_start3A_139 = arith.constant 0 : i32
      %dma_start3A_140 = tpu.memref_slice %arg8[%mul3A_62, %dma_start3A_139] : memref<10240x128xf32, #tpu.memory_space<vmem_shared>> -> memref<640x128xf32, #tpu.memory_space<vmem_shared>>
      tpu.enqueue_dma source(%dma_start3A_140 : memref<640x128xf32, #tpu.memory_space<vmem_shared>>) target(%dma_start3A_138 : memref<640x128xf32, #tpu.memory_space<hbm>>) target_semaphore(%run_scoped3A_136 : memref<!tpu.dma_semaphore, #tpu.memory_space<semaphore_mem>>)
      %dma_wait3A = arith.constant 0 : i32
      %dma_wait3A_141 = tpu.memref_slice %arg4[%add3A_67, %dma_wait3A] : memref<40960x128xf32, #tpu.memory_space<hbm>> -> memref<640x128xf32, #tpu.memory_space<hbm>>
      %dma_wait3A_142 = arith.constant 0 : i32
      %dma_wait3A_143 = tpu.memref_slice %arg8[%mul3A_62, %dma_wait3A_142] : memref<10240x128xf32, #tpu.memory_space<vmem_shared>> -> memref<640x128xf32, #tpu.memory_space<vmem_shared>>
      tpu.wait_dma2 semaphore(%run_scoped3A_136 : memref<!tpu.dma_semaphore, #tpu.memory_space<semaphore_mem>>) src(%dma_wait3A_143 : memref<640x128xf32, #tpu.memory_space<vmem_shared>>) dst(%dma_wait3A_141 : memref<640x128xf32, #tpu.memory_space<hbm>>)
      tpu.yield
    }) : () -> ()
    %mul3A_68 = arith.constant 2 : i32
    %mul3A_69 = arith.muli %arg0, %mul3A_68 : i32
    %add3A_70 = arith.constant 1 : i32
    %add3A_71 = arith.addi %mul3A_69, %add3A_70 : i32
    %mul3A_72 = arith.constant 640 : i32
    %mul3A_73 = arith.muli %arg1, %mul3A_72 : i32
    %add3A_74 = arith.constant 0 : i32
    %add3A_75 = arith.addi %mul3A_73, %add3A_74 : i32
    "tpu.region"() ({
      %run_scoped3A_136 = tpu.sem_alloc : memref<!tpu.dma_semaphore, #tpu.memory_space<semaphore_mem>>
      %dma_start3A_137 = arith.constant 0 : i32
      %dma_start3A_138 = tpu.memref_slice %arg8[%add3A_75, %dma_start3A_137] : memref<10240x128xf32, #tpu.memory_space<vmem_shared>> -> memref<128x128xf32, #tpu.memory_space<vmem_shared>>
      %dma_start3A_139 = arith.constant 0 : i32
      %dma_start3A_140 = tpu.memref_slice %arg8[%add3A_75, %dma_start3A_139] : memref<10240x128xf32, #tpu.memory_space<vmem_shared>> -> memref<128x128xf32, #tpu.memory_space<vmem_shared>>
      tpu.enqueue_dma source(%arg7 : memref<128x128xf32, #tpu.memory_space<vmem>>) target(%dma_start3A_140 : memref<128x128xf32, #tpu.memory_space<vmem_shared>>) target_semaphore(%run_scoped3A_136 : memref<!tpu.dma_semaphore, #tpu.memory_space<semaphore_mem>>)
      %dma_wait3A = arith.constant 0 : i32
      %dma_wait3A_141 = tpu.memref_slice %arg8[%add3A_75, %dma_wait3A] : memref<10240x128xf32, #tpu.memory_space<vmem_shared>> -> memref<128x128xf32, #tpu.memory_space<vmem_shared>>
      %dma_wait3A_142 = arith.constant 0 : i32
      %dma_wait3A_143 = tpu.memref_slice %arg8[%add3A_75, %dma_wait3A_142] : memref<10240x128xf32, #tpu.memory_space<vmem_shared>> -> memref<128x128xf32, #tpu.memory_space<vmem_shared>>
      tpu.wait_dma2 semaphore(%run_scoped3A_136 : memref<!tpu.dma_semaphore, #tpu.memory_space<semaphore_mem>>) src(%arg7 : memref<128x128xf32, #tpu.memory_space<vmem>>) dst(%dma_wait3A_143 : memref<128x128xf32, #tpu.memory_space<vmem_shared>>)
      tpu.yield
    }) : () -> ()
    %mul3A_76 = arith.constant 640 : i32
    %mul3A_77 = arith.muli %arg1, %mul3A_76 : i32
    %add3A_78 = arith.constant 128 : i32
    %add3A_79 = arith.addi %mul3A_77, %add3A_78 : i32
    "tpu.region"() ({
      %run_scoped3A_136 = tpu.sem_alloc : memref<!tpu.dma_semaphore, #tpu.memory_space<semaphore_mem>>
      %dma_start3A_137 = arith.constant 0 : i32
      %dma_start3A_138 = tpu.memref_slice %arg8[%add3A_79, %dma_start3A_137] : memref<10240x128xf32, #tpu.memory_space<vmem_shared>> -> memref<128x128xf32, #tpu.memory_space<vmem_shared>>
      %dma_start3A_139 = arith.constant 0 : i32
      %dma_start3A_140 = tpu.memref_slice %arg8[%add3A_79, %dma_start3A_139] : memref<10240x128xf32, #tpu.memory_space<vmem_shared>> -> memref<128x128xf32, #tpu.memory_space<vmem_shared>>
      tpu.enqueue_dma source(%arg7 : memref<128x128xf32, #tpu.memory_space<vmem>>) target(%dma_start3A_140 : memref<128x128xf32, #tpu.memory_space<vmem_shared>>) target_semaphore(%run_scoped3A_136 : memref<!tpu.dma_semaphore, #tpu.memory_space<semaphore_mem>>)
      %dma_wait3A = arith.constant 0 : i32
      %dma_wait3A_141 = tpu.memref_slice %arg8[%add3A_79, %dma_wait3A] : memref<10240x128xf32, #tpu.memory_space<vmem_shared>> -> memref<128x128xf32, #tpu.memory_space<vmem_shared>>
      %dma_wait3A_142 = arith.constant 0 : i32
      %dma_wait3A_143 = tpu.memref_slice %arg8[%add3A_79, %dma_wait3A_142] : memref<10240x128xf32, #tpu.memory_space<vmem_shared>> -> memref<128x128xf32, #tpu.memory_space<vmem_shared>>
      tpu.wait_dma2 semaphore(%run_scoped3A_136 : memref<!tpu.dma_semaphore, #tpu.memory_space<semaphore_mem>>) src(%arg7 : memref<128x128xf32, #tpu.memory_space<vmem>>) dst(%dma_wait3A_143 : memref<128x128xf32, #tpu.memory_space<vmem_shared>>)
      tpu.yield
    }) : () -> ()
    %mul3A_80 = arith.constant 640 : i32
    %mul3A_81 = arith.muli %arg1, %mul3A_80 : i32
    %add3A_82 = arith.constant 256 : i32
    %add3A_83 = arith.addi %mul3A_81, %add3A_82 : i32
    "tpu.region"() ({
      %run_scoped3A_136 = tpu.sem_alloc : memref<!tpu.dma_semaphore, #tpu.memory_space<semaphore_mem>>
      %dma_start3A_137 = arith.constant 0 : i32
      %dma_start3A_138 = tpu.memref_slice %arg8[%add3A_83, %dma_start3A_137] : memref<10240x128xf32, #tpu.memory_space<vmem_shared>> -> memref<128x128xf32, #tpu.memory_space<vmem_shared>>
      %dma_start3A_139 = arith.constant 0 : i32
      %dma_start3A_140 = tpu.memref_slice %arg8[%add3A_83, %dma_start3A_139] : memref<10240x128xf32, #tpu.memory_space<vmem_shared>> -> memref<128x128xf32, #tpu.memory_space<vmem_shared>>
      tpu.enqueue_dma source(%arg7 : memref<128x128xf32, #tpu.memory_space<vmem>>) target(%dma_start3A_140 : memref<128x128xf32, #tpu.memory_space<vmem_shared>>) target_semaphore(%run_scoped3A_136 : memref<!tpu.dma_semaphore, #tpu.memory_space<semaphore_mem>>)
      %dma_wait3A = arith.constant 0 : i32
      %dma_wait3A_141 = tpu.memref_slice %arg8[%add3A_83, %dma_wait3A] : memref<10240x128xf32, #tpu.memory_space<vmem_shared>> -> memref<128x128xf32, #tpu.memory_space<vmem_shared>>
      %dma_wait3A_142 = arith.constant 0 : i32
      %dma_wait3A_143 = tpu.memref_slice %arg8[%add3A_83, %dma_wait3A_142] : memref<10240x128xf32, #tpu.memory_space<vmem_shared>> -> memref<128x128xf32, #tpu.memory_space<vmem_shared>>
      tpu.wait_dma2 semaphore(%run_scoped3A_136 : memref<!tpu.dma_semaphore, #tpu.memory_space<semaphore_mem>>) src(%arg7 : memref<128x128xf32, #tpu.memory_space<vmem>>) dst(%dma_wait3A_143 : memref<128x128xf32, #tpu.memory_space<vmem_shared>>)
      tpu.yield
    }) : () -> ()
    %mul3A_84 = arith.constant 640 : i32
    %mul3A_85 = arith.muli %arg1, %mul3A_84 : i32
    %add3A_86 = arith.constant 384 : i32
    %add3A_87 = arith.addi %mul3A_85, %add3A_86 : i32
    "tpu.region"() ({
      %run_scoped3A_136 = tpu.sem_alloc : memref<!tpu.dma_semaphore, #tpu.memory_space<semaphore_mem>>
      %dma_start3A_137 = arith.constant 0 : i32
      %dma_start3A_138 = tpu.memref_slice %arg8[%add3A_87, %dma_start3A_137] : memref<10240x128xf32, #tpu.memory_space<vmem_shared>> -> memref<128x128xf32, #tpu.memory_space<vmem_shared>>
      %dma_start3A_139 = arith.constant 0 : i32
      %dma_start3A_140 = tpu.memref_slice %arg8[%add3A_87, %dma_start3A_139] : memref<10240x128xf32, #tpu.memory_space<vmem_shared>> -> memref<128x128xf32, #tpu.memory_space<vmem_shared>>
      tpu.enqueue_dma source(%arg7 : memref<128x128xf32, #tpu.memory_space<vmem>>) target(%dma_start3A_140 : memref<128x128xf32, #tpu.memory_space<vmem_shared>>) target_semaphore(%run_scoped3A_136 : memref<!tpu.dma_semaphore, #tpu.memory_space<semaphore_mem>>)
      %dma_wait3A = arith.constant 0 : i32
      %dma_wait3A_141 = tpu.memref_slice %arg8[%add3A_87, %dma_wait3A] : memref<10240x128xf32, #tpu.memory_space<vmem_shared>> -> memref<128x128xf32, #tpu.memory_space<vmem_shared>>
      %dma_wait3A_142 = arith.constant 0 : i32
      %dma_wait3A_143 = tpu.memref_slice %arg8[%add3A_87, %dma_wait3A_142] : memref<10240x128xf32, #tpu.memory_space<vmem_shared>> -> memref<128x128xf32, #tpu.memory_space<vmem_shared>>
      tpu.wait_dma2 semaphore(%run_scoped3A_136 : memref<!tpu.dma_semaphore, #tpu.memory_space<semaphore_mem>>) src(%arg7 : memref<128x128xf32, #tpu.memory_space<vmem>>) dst(%dma_wait3A_143 : memref<128x128xf32, #tpu.memory_space<vmem_shared>>)
      tpu.yield
    }) : () -> ()
    %mul3A_88 = arith.constant 640 : i32
    %mul3A_89 = arith.muli %arg1, %mul3A_88 : i32
    %add3A_90 = arith.constant 512 : i32
    %add3A_91 = arith.addi %mul3A_89, %add3A_90 : i32
    "tpu.region"() ({
      %run_scoped3A_136 = tpu.sem_alloc : memref<!tpu.dma_semaphore, #tpu.memory_space<semaphore_mem>>
      %dma_start3A_137 = arith.constant 0 : i32
      %dma_start3A_138 = tpu.memref_slice %arg8[%add3A_91, %dma_start3A_137] : memref<10240x128xf32, #tpu.memory_space<vmem_shared>> -> memref<128x128xf32, #tpu.memory_space<vmem_shared>>
      %dma_start3A_139 = arith.constant 0 : i32
      %dma_start3A_140 = tpu.memref_slice %arg8[%add3A_91, %dma_start3A_139] : memref<10240x128xf32, #tpu.memory_space<vmem_shared>> -> memref<128x128xf32, #tpu.memory_space<vmem_shared>>
      tpu.enqueue_dma source(%arg7 : memref<128x128xf32, #tpu.memory_space<vmem>>) target(%dma_start3A_140 : memref<128x128xf32, #tpu.memory_space<vmem_shared>>) target_semaphore(%run_scoped3A_136 : memref<!tpu.dma_semaphore, #tpu.memory_space<semaphore_mem>>)
      %dma_wait3A = arith.constant 0 : i32
      %dma_wait3A_141 = tpu.memref_slice %arg8[%add3A_91, %dma_wait3A] : memref<10240x128xf32, #tpu.memory_space<vmem_shared>> -> memref<128x128xf32, #tpu.memory_space<vmem_shared>>
      %dma_wait3A_142 = arith.constant 0 : i32
      %dma_wait3A_143 = tpu.memref_slice %arg8[%add3A_91, %dma_wait3A_142] : memref<10240x128xf32, #tpu.memory_space<vmem_shared>> -> memref<128x128xf32, #tpu.memory_space<vmem_shared>>
      tpu.wait_dma2 semaphore(%run_scoped3A_136 : memref<!tpu.dma_semaphore, #tpu.memory_space<semaphore_mem>>) src(%arg7 : memref<128x128xf32, #tpu.memory_space<vmem>>) dst(%dma_wait3A_143 : memref<128x128xf32, #tpu.memory_space<vmem_shared>>)
      tpu.yield
    }) : () -> ()
    %mul3A_92 = arith.constant 2016 : i32
    %mul3A_93 = arith.muli %add3A_71, %mul3A_92 : i32
    %mul3A_94 = arith.constant 126 : i32
    %mul3A_95 = arith.muli %arg1, %mul3A_94 : i32
    %add3A_96 = arith.addi %mul3A_93, %mul3A_95 : i32
    %add3A_97 = arith.constant 0 : i32
    %add3A_98 = arith.addi %add3A_96, %add3A_97 : i32
    %run_scoped3A_99 = arith.constant 0 : i32
    "tpu.region"() ({
      %run_scoped3A_136 = tpu.sem_alloc : memref<!tpu.dma_semaphore, #tpu.memory_space<semaphore_mem>>
      %dma_start3A_137 = arith.constant 0 : i32
      %dma_start3A_138 = arith.constant 0 : i32
      %dma_start3A_139 = tpu.memref_slice %arg5[%run_scoped3A_99, %dma_start3A_137, %dma_start3A_138] : memref<2x2x80xi32, #tpu.memory_space<vmem>> -> memref<1x2x80xi32, #tpu.memory_space<vmem>>
      %dma_start3A_140 = tpu.memref_squeeze %dma_start3A_139 : memref<1x2x80xi32, #tpu.memory_space<vmem>> -> memref<2x80xi32, #tpu.memory_space<vmem>>
      %dma_start3A_141 = arith.constant 0 : i32
      %dma_start3A_142 = arith.constant 0 : i32
      %dma_start3A_143 = tpu.memref_slice %arg3[%add3A_98, %dma_start3A_141, %dma_start3A_142] : memref<8064x2x80xi32, #tpu.memory_space<hbm>> -> memref<1x2x80xi32, #tpu.memory_space<hbm>>
      %dma_start3A_144 = tpu.memref_squeeze %dma_start3A_143 : memref<1x2x80xi32, #tpu.memory_space<hbm>> -> memref<2x80xi32, #tpu.memory_space<hbm>>
      %dma_start3A_145 = arith.constant 0 : i32
      %dma_start3A_146 = arith.constant 0 : i32
      %dma_start3A_147 = tpu.memref_slice %arg5[%run_scoped3A_99, %dma_start3A_145, %dma_start3A_146] : memref<2x2x80xi32, #tpu.memory_space<vmem>> -> memref<1x2x80xi32, #tpu.memory_space<vmem>>
      %dma_start3A_148 = tpu.memref_squeeze %dma_start3A_147 : memref<1x2x80xi32, #tpu.memory_space<vmem>> -> memref<2x80xi32, #tpu.memory_space<vmem>>
      %dma_start3A_149 = arith.constant 0 : i32
      %dma_start3A_150 = arith.constant 0 : i32
      %dma_start3A_151 = tpu.memref_slice %arg3[%add3A_98, %dma_start3A_149, %dma_start3A_150] : memref<8064x2x80xi32, #tpu.memory_space<hbm>> -> memref<1x2x80xi32, #tpu.memory_space<hbm>>
      %dma_start3A_152 = tpu.memref_squeeze %dma_start3A_151 : memref<1x2x80xi32, #tpu.memory_space<hbm>> -> memref<2x80xi32, #tpu.memory_space<hbm>>
      tpu.enqueue_dma source(%dma_start3A_152 : memref<2x80xi32, #tpu.memory_space<hbm>>) target(%dma_start3A_148 : memref<2x80xi32, #tpu.memory_space<vmem>>) target_semaphore(%run_scoped3A_136 : memref<!tpu.dma_semaphore, #tpu.memory_space<semaphore_mem>>)
      %dma_wait3A = arith.constant 0 : i32
      %dma_wait3A_153 = arith.constant 0 : i32
      %dma_wait3A_154 = tpu.memref_slice %arg5[%run_scoped3A_99, %dma_wait3A, %dma_wait3A_153] : memref<2x2x80xi32, #tpu.memory_space<vmem>> -> memref<1x2x80xi32, #tpu.memory_space<vmem>>
      %dma_wait3A_155 = tpu.memref_squeeze %dma_wait3A_154 : memref<1x2x80xi32, #tpu.memory_space<vmem>> -> memref<2x80xi32, #tpu.memory_space<vmem>>
      %dma_wait3A_156 = arith.constant 0 : i32
      %dma_wait3A_157 = arith.constant 0 : i32
      %dma_wait3A_158 = tpu.memref_slice %arg3[%add3A_98, %dma_wait3A_156, %dma_wait3A_157] : memref<8064x2x80xi32, #tpu.memory_space<hbm>> -> memref<1x2x80xi32, #tpu.memory_space<hbm>>
      %dma_wait3A_159 = tpu.memref_squeeze %dma_wait3A_158 : memref<1x2x80xi32, #tpu.memory_space<hbm>> -> memref<2x80xi32, #tpu.memory_space<hbm>>
      %dma_wait3A_160 = arith.constant 0 : i32
      %dma_wait3A_161 = arith.constant 0 : i32
      %dma_wait3A_162 = tpu.memref_slice %arg5[%run_scoped3A_99, %dma_wait3A_160, %dma_wait3A_161] : memref<2x2x80xi32, #tpu.memory_space<vmem>> -> memref<1x2x80xi32, #tpu.memory_space<vmem>>
      %dma_wait3A_163 = tpu.memref_squeeze %dma_wait3A_162 : memref<1x2x80xi32, #tpu.memory_space<vmem>> -> memref<2x80xi32, #tpu.memory_space<vmem>>
      %dma_wait3A_164 = arith.constant 0 : i32
      %dma_wait3A_165 = arith.constant 0 : i32
      %dma_wait3A_166 = tpu.memref_slice %arg3[%add3A_98, %dma_wait3A_164, %dma_wait3A_165] : memref<8064x2x80xi32, #tpu.memory_space<hbm>> -> memref<1x2x80xi32, #tpu.memory_space<hbm>>
      %dma_wait3A_167 = tpu.memref_squeeze %dma_wait3A_166 : memref<1x2x80xi32, #tpu.memory_space<hbm>> -> memref<2x80xi32, #tpu.memory_space<hbm>>
      tpu.wait_dma2 semaphore(%run_scoped3A_136 : memref<!tpu.dma_semaphore, #tpu.memory_space<semaphore_mem>>) src(%dma_wait3A_167 : memref<2x80xi32, #tpu.memory_space<hbm>>) dst(%dma_wait3A_163 : memref<2x80xi32, #tpu.memory_space<vmem>>)
      tpu.yield
    }) : () -> ()
    %dma_start3A_100 = arith.constant 0 : i32
    %dma_start3A_101 = arith.constant 0 : i32
    %dma_start3A_102 = arith.constant 0 : i32
    %dma_start3A_103 = arith.constant 0 : i32
    %dma_start3A_104 = arith.constant 0 : i32
    %dma_start3A_105 = tpu.memref_slice %arg6[%dma_start3A_102, %dma_start3A_103, %dma_start3A_104] : memref<2x80x128xf32, #tpu.memory_space<vmem>> -> memref<1x80x128xf32, #tpu.memory_space<vmem>>
    %dma_start3A_106 = tpu.memref_squeeze %dma_start3A_105 : memref<1x80x128xf32, #tpu.memory_space<vmem>> -> memref<80x128xf32, #tpu.memory_space<vmem>>
    %dma_start3A_107 = arith.constant 0 : i32
    %dma_start3A_108 = tpu.memref_slice %arg5[%dma_start3A_100, %dma_start3A_101, %dma_start3A_107] : memref<2x2x80xi32, #tpu.memory_space<vmem>> -> memref<1x1x80xi32, #tpu.memory_space<vmem>>
    %dma_start3A_109 = tpu.memref_squeeze %dma_start3A_108 : memref<1x1x80xi32, #tpu.memory_space<vmem>> -> memref<80xi32, #tpu.memory_space<vmem>>
    %dma_start3A_110 = arith.constant 0 : i32
    %dma_start3A_111 = arith.constant 0 : i32
    %dma_start3A_112 = tpu.memref_slice %arg2[%dma_start3A_110, %dma_start3A_111] : memref<40000x128xf32, #tpu.memory_space<hbm>> -> memref<40000x128xf32, #tpu.memory_space<hbm>>
    tpu.enqueue_indirect_dma source(%dma_start3A_112 : memref<40000x128xf32, #tpu.memory_space<hbm>>) target(%dma_start3A_106 : memref<80x128xf32, #tpu.memory_space<vmem>>) offsets(%dma_start3A_109 : memref<80xi32, #tpu.memory_space<vmem>>) semaphore(%arg9 : memref<!tpu.dma_semaphore, #tpu.memory_space<semaphore_mem>>)
    %mul3A_113 = arith.constant 2016 : i32
    %mul3A_114 = arith.muli %add3A_71, %mul3A_113 : i32
    %mul3A_115 = arith.constant 126 : i32
    %mul3A_116 = arith.muli %arg1, %mul3A_115 : i32
    %add3A_117 = arith.addi %mul3A_114, %mul3A_116 : i32
    %add3A_118 = arith.constant 1 : i32
    %add3A_119 = arith.addi %add3A_117, %add3A_118 : i32
    %run_scoped3A_120 = arith.constant 1 : i32
    "tpu.region"() ({
      %run_scoped3A_136 = tpu.sem_alloc : memref<!tpu.dma_semaphore, #tpu.memory_space<semaphore_mem>>
      %dma_start3A_137 = arith.constant 0 : i32
      %dma_start3A_138 = arith.constant 0 : i32
      %dma_start3A_139 = tpu.memref_slice %arg5[%run_scoped3A_120, %dma_start3A_137, %dma_start3A_138] : memref<2x2x80xi32, #tpu.memory_space<vmem>> -> memref<1x2x80xi32, #tpu.memory_space<vmem>>
      %dma_start3A_140 = tpu.memref_squeeze %dma_start3A_139 : memref<1x2x80xi32, #tpu.memory_space<vmem>> -> memref<2x80xi32, #tpu.memory_space<vmem>>
      %dma_start3A_141 = arith.constant 0 : i32
      %dma_start3A_142 = arith.constant 0 : i32
      %dma_start3A_143 = tpu.memref_slice %arg3[%add3A_119, %dma_start3A_141, %dma_start3A_142] : memref<8064x2x80xi32, #tpu.memory_space<hbm>> -> memref<1x2x80xi32, #tpu.memory_space<hbm>>
      %dma_start3A_144 = tpu.memref_squeeze %dma_start3A_143 : memref<1x2x80xi32, #tpu.memory_space<hbm>> -> memref<2x80xi32, #tpu.memory_space<hbm>>
      %dma_start3A_145 = arith.constant 0 : i32
      %dma_start3A_146 = arith.constant 0 : i32
      %dma_start3A_147 = tpu.memref_slice %arg5[%run_scoped3A_120, %dma_start3A_145, %dma_start3A_146] : memref<2x2x80xi32, #tpu.memory_space<vmem>> -> memref<1x2x80xi32, #tpu.memory_space<vmem>>
      %dma_start3A_148 = tpu.memref_squeeze %dma_start3A_147 : memref<1x2x80xi32, #tpu.memory_space<vmem>> -> memref<2x80xi32, #tpu.memory_space<vmem>>
      %dma_start3A_149 = arith.constant 0 : i32
      %dma_start3A_150 = arith.constant 0 : i32
      %dma_start3A_151 = tpu.memref_slice %arg3[%add3A_119, %dma_start3A_149, %dma_start3A_150] : memref<8064x2x80xi32, #tpu.memory_space<hbm>> -> memref<1x2x80xi32, #tpu.memory_space<hbm>>
      %dma_start3A_152 = tpu.memref_squeeze %dma_start3A_151 : memref<1x2x80xi32, #tpu.memory_space<hbm>> -> memref<2x80xi32, #tpu.memory_space<hbm>>
      tpu.enqueue_dma source(%dma_start3A_152 : memref<2x80xi32, #tpu.memory_space<hbm>>) target(%dma_start3A_148 : memref<2x80xi32, #tpu.memory_space<vmem>>) target_semaphore(%run_scoped3A_136 : memref<!tpu.dma_semaphore, #tpu.memory_space<semaphore_mem>>)
      %dma_wait3A = arith.constant 0 : i32
      %dma_wait3A_153 = arith.constant 0 : i32
      %dma_wait3A_154 = tpu.memref_slice %arg5[%run_scoped3A_120, %dma_wait3A, %dma_wait3A_153] : memref<2x2x80xi32, #tpu.memory_space<vmem>> -> memref<1x2x80xi32, #tpu.memory_space<vmem>>
      %dma_wait3A_155 = tpu.memref_squeeze %dma_wait3A_154 : memref<1x2x80xi32, #tpu.memory_space<vmem>> -> memref<2x80xi32, #tpu.memory_space<vmem>>
      %dma_wait3A_156 = arith.constant 0 : i32
      %dma_wait3A_157 = arith.constant 0 : i32
      %dma_wait3A_158 = tpu.memref_slice %arg3[%add3A_119, %dma_wait3A_156, %dma_wait3A_157] : memref<8064x2x80xi32, #tpu.memory_space<hbm>> -> memref<1x2x80xi32, #tpu.memory_space<hbm>>
      %dma_wait3A_159 = tpu.memref_squeeze %dma_wait3A_158 : memref<1x2x80xi32, #tpu.memory_space<hbm>> -> memref<2x80xi32, #tpu.memory_space<hbm>>
      %dma_wait3A_160 = arith.constant 0 : i32
      %dma_wait3A_161 = arith.constant 0 : i32
      %dma_wait3A_162 = tpu.memref_slice %arg5[%run_scoped3A_120, %dma_wait3A_160, %dma_wait3A_161] : memref<2x2x80xi32, #tpu.memory_space<vmem>> -> memref<1x2x80xi32, #tpu.memory_space<vmem>>
      %dma_wait3A_163 = tpu.memref_squeeze %dma_wait3A_162 : memref<1x2x80xi32, #tpu.memory_space<vmem>> -> memref<2x80xi32, #tpu.memory_space<vmem>>
      %dma_wait3A_164 = arith.constant 0 : i32
      %dma_wait3A_165 = arith.constant 0 : i32
      %dma_wait3A_166 = tpu.memref_slice %arg3[%add3A_119, %dma_wait3A_164, %dma_wait3A_165] : memref<8064x2x80xi32, #tpu.memory_space<hbm>> -> memref<1x2x80xi32, #tpu.memory_space<hbm>>
      %dma_wait3A_167 = tpu.memref_squeeze %dma_wait3A_166 : memref<1x2x80xi32, #tpu.memory_space<hbm>> -> memref<2x80xi32, #tpu.memory_space<hbm>>
      tpu.wait_dma2 semaphore(%run_scoped3A_136 : memref<!tpu.dma_semaphore, #tpu.memory_space<semaphore_mem>>) src(%dma_wait3A_167 : memref<2x80xi32, #tpu.memory_space<hbm>>) dst(%dma_wait3A_163 : memref<2x80xi32, #tpu.memory_space<vmem>>)
      tpu.yield
    }) : () -> ()
    %barrier3A_121 = arith.constant 0 : index
    tpu.barrier barrier_id(%barrier3A_121)
    %scan3A_122 = arith.constant 0 : i32
    %scan3A_123 = arith.constant 0 : i32
    %scan3A_124 = arith.constant 63 : i32
    %scan3A_125 = arith.addi %scan3A_123, %scan3A_124 : i32
    %scan3A_126 = arith.constant 1 : i32
    scf.for %scan3A_136 = %scan3A_123 to %scan3A_125 step %scan3A_126  : i32 {
      %mul3A_137 = arith.constant 2 : i32
      %mul3A_138 = arith.muli %mul3A_137, %scan3A_136 : i32
      %add3A_139 = arith.constant 0 : i32
      %add3A_140 = arith.addi %mul3A_138, %add3A_139 : i32
      %dma_wait3A = arith.constant 0 : i32
      %dma_wait3A_141 = arith.constant 0 : i32
      %dma_wait3A_142 = arith.constant 0 : i32
      %dma_wait3A_143 = arith.constant 0 : i32
      %dma_wait3A_144 = arith.constant 0 : i32
      %dma_wait3A_145 = tpu.memref_slice %arg6[%dma_wait3A_142, %dma_wait3A_143, %dma_wait3A_144] : memref<2x80x128xf32, #tpu.memory_space<vmem>> -> memref<1x80x128xf32, #tpu.memory_space<vmem>>
      %dma_wait3A_146 = tpu.memref_squeeze %dma_wait3A_145 : memref<1x80x128xf32, #tpu.memory_space<vmem>> -> memref<80x128xf32, #tpu.memory_space<vmem>>
      %dma_wait3A_147 = arith.constant 0 : i32
      %dma_wait3A_148 = tpu.memref_slice %arg5[%dma_wait3A, %dma_wait3A_141, %dma_wait3A_147] : memref<2x2x80xi32, #tpu.memory_space<vmem>> -> memref<1x1x80xi32, #tpu.memory_space<vmem>>
      %dma_wait3A_149 = tpu.memref_squeeze %dma_wait3A_148 : memref<1x1x80xi32, #tpu.memory_space<vmem>> -> memref<80xi32, #tpu.memory_space<vmem>>
      %dma_wait3A_150 = arith.constant 0 : i32
      %dma_wait3A_151 = arith.constant 0 : i32
      %dma_wait3A_152 = tpu.memref_slice %arg2[%dma_wait3A_150, %dma_wait3A_151] : memref<40000x128xf32, #tpu.memory_space<hbm>> -> memref<40000x128xf32, #tpu.memory_space<hbm>>
      tpu.wait_indirect_dma semaphore(%arg9 : memref<!tpu.dma_semaphore, #tpu.memory_space<semaphore_mem>>) src(%dma_wait3A_152 : memref<40000x128xf32, #tpu.memory_space<hbm>>) dst(%dma_wait3A_146 : memref<80x128xf32, #tpu.memory_space<vmem>>)
      %add3A_153 = arith.constant 1 : i32
      %add3A_154 = arith.addi %add3A_140, %add3A_153 : i32
      %lt3A = arith.constant 126 : i32
      %lt3A_155 = arith.cmpi slt, %add3A_154, %lt3A : i32
      %convert_element_type3A = arith.extui %lt3A_155 : i1 to i32
      %cond3A = arith.constant 0 : i32
      %cond3A_156 = arith.cmpi ne, %convert_element_type3A, %cond3A : i32
      scf.if %cond3A_156 {
        %dma_start3A_201 = arith.constant 1 : i32
        %dma_start3A_202 = arith.constant 0 : i32
        %dma_start3A_203 = arith.constant 1 : i32
        %dma_start3A_204 = arith.constant 0 : i32
        %dma_start3A_205 = arith.constant 0 : i32
        %dma_start3A_206 = tpu.memref_slice %arg6[%dma_start3A_203, %dma_start3A_204, %dma_start3A_205] : memref<2x80x128xf32, #tpu.memory_space<vmem>> -> memref<1x80x128xf32, #tpu.memory_space<vmem>>
        %dma_start3A_207 = tpu.memref_squeeze %dma_start3A_206 : memref<1x80x128xf32, #tpu.memory_space<vmem>> -> memref<80x128xf32, #tpu.memory_space<vmem>>
        %dma_start3A_208 = arith.constant 0 : i32
        %dma_start3A_209 = tpu.memref_slice %arg5[%dma_start3A_201, %dma_start3A_202, %dma_start3A_208] : memref<2x2x80xi32, #tpu.memory_space<vmem>> -> memref<1x1x80xi32, #tpu.memory_space<vmem>>
        %dma_start3A_210 = tpu.memref_squeeze %dma_start3A_209 : memref<1x1x80xi32, #tpu.memory_space<vmem>> -> memref<80xi32, #tpu.memory_space<vmem>>
        %dma_start3A_211 = arith.constant 0 : i32
        %dma_start3A_212 = arith.constant 0 : i32
        %dma_start3A_213 = tpu.memref_slice %arg2[%dma_start3A_211, %dma_start3A_212] : memref<40000x128xf32, #tpu.memory_space<hbm>> -> memref<40000x128xf32, #tpu.memory_space<hbm>>
        tpu.enqueue_indirect_dma source(%dma_start3A_213 : memref<40000x128xf32, #tpu.memory_space<hbm>>) target(%dma_start3A_207 : memref<80x128xf32, #tpu.memory_space<vmem>>) offsets(%dma_start3A_210 : memref<80xi32, #tpu.memory_space<vmem>>) semaphore(%arg10 : memref<!tpu.dma_semaphore, #tpu.memory_space<semaphore_mem>>)
      } else {
      }
      %run_scoped3A_157 = arith.constant 0 : i32
      %run_scoped3A_158 = arith.constant 0 : i32
      %run_scoped3A_159 = arith.constant 1 : i32
      "tpu.region"() ({
        %run_scoped3A_201 = tpu.sem_alloc : memref<!tpu.dma_semaphore, #tpu.memory_space<semaphore_mem>>
        %dma_start3A_202 = arith.constant 0 : i32
        %dma_start3A_203 = arith.constant 0 : i32
        %dma_start3A_204 = tpu.memref_slice %arg6[%run_scoped3A_157, %dma_start3A_202, %dma_start3A_203] : memref<2x80x128xf32, #tpu.memory_space<vmem>> -> memref<1x80x128xf32, #tpu.memory_space<vmem>>
        %dma_start3A_205 = tpu.memref_squeeze %dma_start3A_204 : memref<1x80x128xf32, #tpu.memory_space<vmem>> -> memref<80x128xf32, #tpu.memory_space<vmem>>
        %dma_start3A_206 = arith.constant 0 : i32
        %dma_start3A_207 = tpu.memref_slice %arg5[%run_scoped3A_158, %run_scoped3A_159, %dma_start3A_206] : memref<2x2x80xi32, #tpu.memory_space<vmem>> -> memref<1x1x80xi32, #tpu.memory_space<vmem>>
        %dma_start3A_208 = tpu.memref_squeeze %dma_start3A_207 : memref<1x1x80xi32, #tpu.memory_space<vmem>> -> memref<80xi32, #tpu.memory_space<vmem>>
        %dma_start3A_209 = arith.constant 0 : i32
        %dma_start3A_210 = arith.constant 0 : i32
        %dma_start3A_211 = tpu.memref_slice %arg8[%dma_start3A_209, %dma_start3A_210] : memref<10240x128xf32, #tpu.memory_space<vmem_shared>> -> memref<10240x128xf32, #tpu.memory_space<vmem_shared>>
        tpu.enqueue_indirect_dma source(%dma_start3A_205 : memref<80x128xf32, #tpu.memory_space<vmem>>) target(%dma_start3A_211 : memref<10240x128xf32, #tpu.memory_space<vmem_shared>>) offsets(%dma_start3A_208 : memref<80xi32, #tpu.memory_space<vmem>>) semaphore(%run_scoped3A_201 : memref<!tpu.dma_semaphore, #tpu.memory_space<semaphore_mem>>) {add = true}
        %dma_wait3A_212 = arith.constant 0 : i32
        %dma_wait3A_213 = arith.constant 0 : i32
        %dma_wait3A_214 = tpu.memref_slice %arg6[%run_scoped3A_157, %dma_wait3A_212, %dma_wait3A_213] : memref<2x80x128xf32, #tpu.memory_space<vmem>> -> memref<1x80x128xf32, #tpu.memory_space<vmem>>
        %dma_wait3A_215 = tpu.memref_squeeze %dma_wait3A_214 : memref<1x80x128xf32, #tpu.memory_space<vmem>> -> memref<80x128xf32, #tpu.memory_space<vmem>>
        %dma_wait3A_216 = arith.constant 0 : i32
        %dma_wait3A_217 = tpu.memref_slice %arg5[%run_scoped3A_158, %run_scoped3A_159, %dma_wait3A_216] : memref<2x2x80xi32, #tpu.memory_space<vmem>> -> memref<1x1x80xi32, #tpu.memory_space<vmem>>
        %dma_wait3A_218 = tpu.memref_squeeze %dma_wait3A_217 : memref<1x1x80xi32, #tpu.memory_space<vmem>> -> memref<80xi32, #tpu.memory_space<vmem>>
        %dma_wait3A_219 = arith.constant 0 : i32
        %dma_wait3A_220 = arith.constant 0 : i32
        %dma_wait3A_221 = tpu.memref_slice %arg8[%dma_wait3A_219, %dma_wait3A_220] : memref<10240x128xf32, #tpu.memory_space<vmem_shared>> -> memref<10240x128xf32, #tpu.memory_space<vmem_shared>>
        tpu.wait_indirect_dma semaphore(%run_scoped3A_201 : memref<!tpu.dma_semaphore, #tpu.memory_space<semaphore_mem>>) src(%dma_wait3A_215 : memref<80x128xf32, #tpu.memory_space<vmem>>) dst(%dma_wait3A_221 : memref<10240x128xf32, #tpu.memory_space<vmem_shared>>)
        tpu.yield
      }) : () -> ()
      %add3A_160 = arith.constant 2 : i32
      %add3A_161 = arith.addi %add3A_140, %add3A_160 : i32
      %lt3A_162 = arith.constant 126 : i32
      %lt3A_163 = arith.cmpi slt, %add3A_161, %lt3A_162 : i32
      %convert_element_type3A_164 = arith.extui %lt3A_163 : i1 to i32
      %cond3A_165 = arith.constant 0 : i32
      %cond3A_166 = arith.cmpi ne, %convert_element_type3A_164, %cond3A_165 : i32
      scf.if %cond3A_166 {
        %add3A_201 = arith.constant 2 : i32
        %add3A_202 = arith.addi %add3A_140, %add3A_201 : i32
        %mul3A_203 = arith.constant 2016 : i32
        %mul3A_204 = arith.muli %add3A_71, %mul3A_203 : i32
        %mul3A_205 = arith.constant 126 : i32
        %mul3A_206 = arith.muli %arg1, %mul3A_205 : i32
        %add3A_207 = arith.addi %mul3A_204, %mul3A_206 : i32
        %add3A_208 = arith.addi %add3A_207, %add3A_202 : i32
        %run_scoped3A_209 = arith.constant 0 : i32
        "tpu.region"() ({
          %run_scoped3A_210 = tpu.sem_alloc : memref<!tpu.dma_semaphore, #tpu.memory_space<semaphore_mem>>
          %dma_start3A_211 = arith.constant 0 : i32
          %dma_start3A_212 = arith.constant 0 : i32
          %dma_start3A_213 = tpu.memref_slice %arg5[%run_scoped3A_209, %dma_start3A_211, %dma_start3A_212] : memref<2x2x80xi32, #tpu.memory_space<vmem>> -> memref<1x2x80xi32, #tpu.memory_space<vmem>>
          %dma_start3A_214 = tpu.memref_squeeze %dma_start3A_213 : memref<1x2x80xi32, #tpu.memory_space<vmem>> -> memref<2x80xi32, #tpu.memory_space<vmem>>
          %dma_start3A_215 = arith.constant 0 : i32
          %dma_start3A_216 = arith.constant 0 : i32
          %dma_start3A_217 = tpu.memref_slice %arg3[%add3A_208, %dma_start3A_215, %dma_start3A_216] : memref<8064x2x80xi32, #tpu.memory_space<hbm>> -> memref<1x2x80xi32, #tpu.memory_space<hbm>>
          %dma_start3A_218 = tpu.memref_squeeze %dma_start3A_217 : memref<1x2x80xi32, #tpu.memory_space<hbm>> -> memref<2x80xi32, #tpu.memory_space<hbm>>
          %dma_start3A_219 = arith.constant 0 : i32
          %dma_start3A_220 = arith.constant 0 : i32
          %dma_start3A_221 = tpu.memref_slice %arg5[%run_scoped3A_209, %dma_start3A_219, %dma_start3A_220] : memref<2x2x80xi32, #tpu.memory_space<vmem>> -> memref<1x2x80xi32, #tpu.memory_space<vmem>>
          %dma_start3A_222 = tpu.memref_squeeze %dma_start3A_221 : memref<1x2x80xi32, #tpu.memory_space<vmem>> -> memref<2x80xi32, #tpu.memory_space<vmem>>
          %dma_start3A_223 = arith.constant 0 : i32
          %dma_start3A_224 = arith.constant 0 : i32
          %dma_start3A_225 = tpu.memref_slice %arg3[%add3A_208, %dma_start3A_223, %dma_start3A_224] : memref<8064x2x80xi32, #tpu.memory_space<hbm>> -> memref<1x2x80xi32, #tpu.memory_space<hbm>>
          %dma_start3A_226 = tpu.memref_squeeze %dma_start3A_225 : memref<1x2x80xi32, #tpu.memory_space<hbm>> -> memref<2x80xi32, #tpu.memory_space<hbm>>
          tpu.enqueue_dma source(%dma_start3A_226 : memref<2x80xi32, #tpu.memory_space<hbm>>) target(%dma_start3A_222 : memref<2x80xi32, #tpu.memory_space<vmem>>) target_semaphore(%run_scoped3A_210 : memref<!tpu.dma_semaphore, #tpu.memory_space<semaphore_mem>>)
          %dma_wait3A_227 = arith.constant 0 : i32
          %dma_wait3A_228 = arith.constant 0 : i32
          %dma_wait3A_229 = tpu.memref_slice %arg5[%run_scoped3A_209, %dma_wait3A_227, %dma_wait3A_228] : memref<2x2x80xi32, #tpu.memory_space<vmem>> -> memref<1x2x80xi32, #tpu.memory_space<vmem>>
          %dma_wait3A_230 = tpu.memref_squeeze %dma_wait3A_229 : memref<1x2x80xi32, #tpu.memory_space<vmem>> -> memref<2x80xi32, #tpu.memory_space<vmem>>
          %dma_wait3A_231 = arith.constant 0 : i32
          %dma_wait3A_232 = arith.constant 0 : i32
          %dma_wait3A_233 = tpu.memref_slice %arg3[%add3A_208, %dma_wait3A_231, %dma_wait3A_232] : memref<8064x2x80xi32, #tpu.memory_space<hbm>> -> memref<1x2x80xi32, #tpu.memory_space<hbm>>
          %dma_wait3A_234 = tpu.memref_squeeze %dma_wait3A_233 : memref<1x2x80xi32, #tpu.memory_space<hbm>> -> memref<2x80xi32, #tpu.memory_space<hbm>>
          %dma_wait3A_235 = arith.constant 0 : i32
          %dma_wait3A_236 = arith.constant 0 : i32
          %dma_wait3A_237 = tpu.memref_slice %arg5[%run_scoped3A_209, %dma_wait3A_235, %dma_wait3A_236] : memref<2x2x80xi32, #tpu.memory_space<vmem>> -> memref<1x2x80xi32, #tpu.memory_space<vmem>>
          %dma_wait3A_238 = tpu.memref_squeeze %dma_wait3A_237 : memref<1x2x80xi32, #tpu.memory_space<vmem>> -> memref<2x80xi32, #tpu.memory_space<vmem>>
          %dma_wait3A_239 = arith.constant 0 : i32
          %dma_wait3A_240 = arith.constant 0 : i32
          %dma_wait3A_241 = tpu.memref_slice %arg3[%add3A_208, %dma_wait3A_239, %dma_wait3A_240] : memref<8064x2x80xi32, #tpu.memory_space<hbm>> -> memref<1x2x80xi32, #tpu.memory_space<hbm>>
          %dma_wait3A_242 = tpu.memref_squeeze %dma_wait3A_241 : memref<1x2x80xi32, #tpu.memory_space<hbm>> -> memref<2x80xi32, #tpu.memory_space<hbm>>
          tpu.wait_dma2 semaphore(%run_scoped3A_210 : memref<!tpu.dma_semaphore, #tpu.memory_space<semaphore_mem>>) src(%dma_wait3A_242 : memref<2x80xi32, #tpu.memory_space<hbm>>) dst(%dma_wait3A_238 : memref<2x80xi32, #tpu.memory_space<vmem>>)
          tpu.yield
        }) : () -> ()
      } else {
      }
      %mul3A_167 = arith.constant 2 : i32
      %mul3A_168 = arith.muli %mul3A_167, %scan3A_136 : i32
      %add3A_169 = arith.constant 1 : i32
      %add3A_170 = arith.addi %mul3A_168, %add3A_169 : i32
      %dma_wait3A_171 = arith.constant 1 : i32
      %dma_wait3A_172 = arith.constant 0 : i32
      %dma_wait3A_173 = arith.constant 1 : i32
      %dma_wait3A_174 = arith.constant 0 : i32
      %dma_wait3A_175 = arith.constant 0 : i32
      %dma_wait3A_176 = tpu.memref_slice %arg6[%dma_wait3A_173, %dma_wait3A_174, %dma_wait3A_175] : memref<2x80x128xf32, #tpu.memory_space<vmem>> -> memref<1x80x128xf32, #tpu.memory_space<vmem>>
      %dma_wait3A_177 = tpu.memref_squeeze %dma_wait3A_176 : memref<1x80x128xf32, #tpu.memory_space<vmem>> -> memref<80x128xf32, #tpu.memory_space<vmem>>
      %dma_wait3A_178 = arith.constant 0 : i32
      %dma_wait3A_179 = tpu.memref_slice %arg5[%dma_wait3A_171, %dma_wait3A_172, %dma_wait3A_178] : memref<2x2x80xi32, #tpu.memory_space<vmem>> -> memref<1x1x80xi32, #tpu.memory_space<vmem>>
      %dma_wait3A_180 = tpu.memref_squeeze %dma_wait3A_179 : memref<1x1x80xi32, #tpu.memory_space<vmem>> -> memref<80xi32, #tpu.memory_space<vmem>>
      %dma_wait3A_181 = arith.constant 0 : i32
      %dma_wait3A_182 = arith.constant 0 : i32
      %dma_wait3A_183 = tpu.memref_slice %arg2[%dma_wait3A_181, %dma_wait3A_182] : memref<40000x128xf32, #tpu.memory_space<hbm>> -> memref<40000x128xf32, #tpu.memory_space<hbm>>
      tpu.wait_indirect_dma semaphore(%arg10 : memref<!tpu.dma_semaphore, #tpu.memory_space<semaphore_mem>>) src(%dma_wait3A_183 : memref<40000x128xf32, #tpu.memory_space<hbm>>) dst(%dma_wait3A_177 : memref<80x128xf32, #tpu.memory_space<vmem>>)
      %add3A_184 = arith.constant 1 : i32
      %add3A_185 = arith.addi %add3A_170, %add3A_184 : i32
      %lt3A_186 = arith.constant 126 : i32
      %lt3A_187 = arith.cmpi slt, %add3A_185, %lt3A_186 : i32
      %convert_element_type3A_188 = arith.extui %lt3A_187 : i1 to i32
      %cond3A_189 = arith.constant 0 : i32
      %cond3A_190 = arith.cmpi ne, %convert_element_type3A_188, %cond3A_189 : i32
      scf.if %cond3A_190 {
        %dma_start3A_201 = arith.constant 0 : i32
        %dma_start3A_202 = arith.constant 0 : i32
        %dma_start3A_203 = arith.constant 0 : i32
        %dma_start3A_204 = arith.constant 0 : i32
        %dma_start3A_205 = arith.constant 0 : i32
        %dma_start3A_206 = tpu.memref_slice %arg6[%dma_start3A_203, %dma_start3A_204, %dma_start3A_205] : memref<2x80x128xf32, #tpu.memory_space<vmem>> -> memref<1x80x128xf32, #tpu.memory_space<vmem>>
        %dma_start3A_207 = tpu.memref_squeeze %dma_start3A_206 : memref<1x80x128xf32, #tpu.memory_space<vmem>> -> memref<80x128xf32, #tpu.memory_space<vmem>>
        %dma_start3A_208 = arith.constant 0 : i32
        %dma_start3A_209 = tpu.memref_slice %arg5[%dma_start3A_201, %dma_start3A_202, %dma_start3A_208] : memref<2x2x80xi32, #tpu.memory_space<vmem>> -> memref<1x1x80xi32, #tpu.memory_space<vmem>>
        %dma_start3A_210 = tpu.memref_squeeze %dma_start3A_209 : memref<1x1x80xi32, #tpu.memory_space<vmem>> -> memref<80xi32, #tpu.memory_space<vmem>>
        %dma_start3A_211 = arith.constant 0 : i32
        %dma_start3A_212 = arith.constant 0 : i32
        %dma_start3A_213 = tpu.memref_slice %arg2[%dma_start3A_211, %dma_start3A_212] : memref<40000x128xf32, #tpu.memory_space<hbm>> -> memref<40000x128xf32, #tpu.memory_space<hbm>>
        tpu.enqueue_indirect_dma source(%dma_start3A_213 : memref<40000x128xf32, #tpu.memory_space<hbm>>) target(%dma_start3A_207 : memref<80x128xf32, #tpu.memory_space<vmem>>) offsets(%dma_start3A_210 : memref<80xi32, #tpu.memory_space<vmem>>) semaphore(%arg9 : memref<!tpu.dma_semaphore, #tpu.memory_space<semaphore_mem>>)
      } else {
      }
      %run_scoped3A_191 = arith.constant 1 : i32
      %run_scoped3A_192 = arith.constant 1 : i32
      %run_scoped3A_193 = arith.constant 1 : i32
      "tpu.region"() ({
        %run_scoped3A_201 = tpu.sem_alloc : memref<!tpu.dma_semaphore, #tpu.memory_space<semaphore_mem>>
        %dma_start3A_202 = arith.constant 0 : i32
        %dma_start3A_203 = arith.constant 0 : i32
        %dma_start3A_204 = tpu.memref_slice %arg6[%run_scoped3A_191, %dma_start3A_202, %dma_start3A_203] : memref<2x80x128xf32, #tpu.memory_space<vmem>> -> memref<1x80x128xf32, #tpu.memory_space<vmem>>
        %dma_start3A_205 = tpu.memref_squeeze %dma_start3A_204 : memref<1x80x128xf32, #tpu.memory_space<vmem>> -> memref<80x128xf32, #tpu.memory_space<vmem>>
        %dma_start3A_206 = arith.constant 0 : i32
        %dma_start3A_207 = tpu.memref_slice %arg5[%run_scoped3A_192, %run_scoped3A_193, %dma_start3A_206] : memref<2x2x80xi32, #tpu.memory_space<vmem>> -> memref<1x1x80xi32, #tpu.memory_space<vmem>>
        %dma_start3A_208 = tpu.memref_squeeze %dma_start3A_207 : memref<1x1x80xi32, #tpu.memory_space<vmem>> -> memref<80xi32, #tpu.memory_space<vmem>>
        %dma_start3A_209 = arith.constant 0 : i32
        %dma_start3A_210 = arith.constant 0 : i32
        %dma_start3A_211 = tpu.memref_slice %arg8[%dma_start3A_209, %dma_start3A_210] : memref<10240x128xf32, #tpu.memory_space<vmem_shared>> -> memref<10240x128xf32, #tpu.memory_space<vmem_shared>>
        tpu.enqueue_indirect_dma source(%dma_start3A_205 : memref<80x128xf32, #tpu.memory_space<vmem>>) target(%dma_start3A_211 : memref<10240x128xf32, #tpu.memory_space<vmem_shared>>) offsets(%dma_start3A_208 : memref<80xi32, #tpu.memory_space<vmem>>) semaphore(%run_scoped3A_201 : memref<!tpu.dma_semaphore, #tpu.memory_space<semaphore_mem>>) {add = true}
        %dma_wait3A_212 = arith.constant 0 : i32
        %dma_wait3A_213 = arith.constant 0 : i32
        %dma_wait3A_214 = tpu.memref_slice %arg6[%run_scoped3A_191, %dma_wait3A_212, %dma_wait3A_213] : memref<2x80x128xf32, #tpu.memory_space<vmem>> -> memref<1x80x128xf32, #tpu.memory_space<vmem>>
        %dma_wait3A_215 = tpu.memref_squeeze %dma_wait3A_214 : memref<1x80x128xf32, #tpu.memory_space<vmem>> -> memref<80x128xf32, #tpu.memory_space<vmem>>
        %dma_wait3A_216 = arith.constant 0 : i32
        %dma_wait3A_217 = tpu.memref_slice %arg5[%run_scoped3A_192, %run_scoped3A_193, %dma_wait3A_216] : memref<2x2x80xi32, #tpu.memory_space<vmem>> -> memref<1x1x80xi32, #tpu.memory_space<vmem>>
        %dma_wait3A_218 = tpu.memref_squeeze %dma_wait3A_217 : memref<1x1x80xi32, #tpu.memory_space<vmem>> -> memref<80xi32, #tpu.memory_space<vmem>>
        %dma_wait3A_219 = arith.constant 0 : i32
        %dma_wait3A_220 = arith.constant 0 : i32
        %dma_wait3A_221 = tpu.memref_slice %arg8[%dma_wait3A_219, %dma_wait3A_220] : memref<10240x128xf32, #tpu.memory_space<vmem_shared>> -> memref<10240x128xf32, #tpu.memory_space<vmem_shared>>
        tpu.wait_indirect_dma semaphore(%run_scoped3A_201 : memref<!tpu.dma_semaphore, #tpu.memory_space<semaphore_mem>>) src(%dma_wait3A_215 : memref<80x128xf32, #tpu.memory_space<vmem>>) dst(%dma_wait3A_221 : memref<10240x128xf32, #tpu.memory_space<vmem_shared>>)
        tpu.yield
      }) : () -> ()
      %add3A_194 = arith.constant 2 : i32
      %add3A_195 = arith.addi %add3A_170, %add3A_194 : i32
      %lt3A_196 = arith.constant 126 : i32
      %lt3A_197 = arith.cmpi slt, %add3A_195, %lt3A_196 : i32
      %convert_element_type3A_198 = arith.extui %lt3A_197 : i1 to i32
      %cond3A_199 = arith.constant 0 : i32
      %cond3A_200 = arith.cmpi ne, %convert_element_type3A_198, %cond3A_199 : i32
      scf.if %cond3A_200 {
        %add3A_201 = arith.constant 2 : i32
        %add3A_202 = arith.addi %add3A_170, %add3A_201 : i32
        %mul3A_203 = arith.constant 2016 : i32
        %mul3A_204 = arith.muli %add3A_71, %mul3A_203 : i32
        %mul3A_205 = arith.constant 126 : i32
        %mul3A_206 = arith.muli %arg1, %mul3A_205 : i32
        %add3A_207 = arith.addi %mul3A_204, %mul3A_206 : i32
        %add3A_208 = arith.addi %add3A_207, %add3A_202 : i32
        %run_scoped3A_209 = arith.constant 1 : i32
        "tpu.region"() ({
          %run_scoped3A_210 = tpu.sem_alloc : memref<!tpu.dma_semaphore, #tpu.memory_space<semaphore_mem>>
          %dma_start3A_211 = arith.constant 0 : i32
          %dma_start3A_212 = arith.constant 0 : i32
          %dma_start3A_213 = tpu.memref_slice %arg5[%run_scoped3A_209, %dma_start3A_211, %dma_start3A_212] : memref<2x2x80xi32, #tpu.memory_space<vmem>> -> memref<1x2x80xi32, #tpu.memory_space<vmem>>
          %dma_start3A_214 = tpu.memref_squeeze %dma_start3A_213 : memref<1x2x80xi32, #tpu.memory_space<vmem>> -> memref<2x80xi32, #tpu.memory_space<vmem>>
          %dma_start3A_215 = arith.constant 0 : i32
          %dma_start3A_216 = arith.constant 0 : i32
          %dma_start3A_217 = tpu.memref_slice %arg3[%add3A_208, %dma_start3A_215, %dma_start3A_216] : memref<8064x2x80xi32, #tpu.memory_space<hbm>> -> memref<1x2x80xi32, #tpu.memory_space<hbm>>
          %dma_start3A_218 = tpu.memref_squeeze %dma_start3A_217 : memref<1x2x80xi32, #tpu.memory_space<hbm>> -> memref<2x80xi32, #tpu.memory_space<hbm>>
          %dma_start3A_219 = arith.constant 0 : i32
          %dma_start3A_220 = arith.constant 0 : i32
          %dma_start3A_221 = tpu.memref_slice %arg5[%run_scoped3A_209, %dma_start3A_219, %dma_start3A_220] : memref<2x2x80xi32, #tpu.memory_space<vmem>> -> memref<1x2x80xi32, #tpu.memory_space<vmem>>
          %dma_start3A_222 = tpu.memref_squeeze %dma_start3A_221 : memref<1x2x80xi32, #tpu.memory_space<vmem>> -> memref<2x80xi32, #tpu.memory_space<vmem>>
          %dma_start3A_223 = arith.constant 0 : i32
          %dma_start3A_224 = arith.constant 0 : i32
          %dma_start3A_225 = tpu.memref_slice %arg3[%add3A_208, %dma_start3A_223, %dma_start3A_224] : memref<8064x2x80xi32, #tpu.memory_space<hbm>> -> memref<1x2x80xi32, #tpu.memory_space<hbm>>
          %dma_start3A_226 = tpu.memref_squeeze %dma_start3A_225 : memref<1x2x80xi32, #tpu.memory_space<hbm>> -> memref<2x80xi32, #tpu.memory_space<hbm>>
          tpu.enqueue_dma source(%dma_start3A_226 : memref<2x80xi32, #tpu.memory_space<hbm>>) target(%dma_start3A_222 : memref<2x80xi32, #tpu.memory_space<vmem>>) target_semaphore(%run_scoped3A_210 : memref<!tpu.dma_semaphore, #tpu.memory_space<semaphore_mem>>)
          %dma_wait3A_227 = arith.constant 0 : i32
          %dma_wait3A_228 = arith.constant 0 : i32
          %dma_wait3A_229 = tpu.memref_slice %arg5[%run_scoped3A_209, %dma_wait3A_227, %dma_wait3A_228] : memref<2x2x80xi32, #tpu.memory_space<vmem>> -> memref<1x2x80xi32, #tpu.memory_space<vmem>>
          %dma_wait3A_230 = tpu.memref_squeeze %dma_wait3A_229 : memref<1x2x80xi32, #tpu.memory_space<vmem>> -> memref<2x80xi32, #tpu.memory_space<vmem>>
          %dma_wait3A_231 = arith.constant 0 : i32
          %dma_wait3A_232 = arith.constant 0 : i32
          %dma_wait3A_233 = tpu.memref_slice %arg3[%add3A_208, %dma_wait3A_231, %dma_wait3A_232] : memref<8064x2x80xi32, #tpu.memory_space<hbm>> -> memref<1x2x80xi32, #tpu.memory_space<hbm>>
          %dma_wait3A_234 = tpu.memref_squeeze %dma_wait3A_233 : memref<1x2x80xi32, #tpu.memory_space<hbm>> -> memref<2x80xi32, #tpu.memory_space<hbm>>
          %dma_wait3A_235 = arith.constant 0 : i32
          %dma_wait3A_236 = arith.constant 0 : i32
          %dma_wait3A_237 = tpu.memref_slice %arg5[%run_scoped3A_209, %dma_wait3A_235, %dma_wait3A_236] : memref<2x2x80xi32, #tpu.memory_space<vmem>> -> memref<1x2x80xi32, #tpu.memory_space<vmem>>
          %dma_wait3A_238 = tpu.memref_squeeze %dma_wait3A_237 : memref<1x2x80xi32, #tpu.memory_space<vmem>> -> memref<2x80xi32, #tpu.memory_space<vmem>>
          %dma_wait3A_239 = arith.constant 0 : i32
          %dma_wait3A_240 = arith.constant 0 : i32
          %dma_wait3A_241 = tpu.memref_slice %arg3[%add3A_208, %dma_wait3A_239, %dma_wait3A_240] : memref<8064x2x80xi32, #tpu.memory_space<hbm>> -> memref<1x2x80xi32, #tpu.memory_space<hbm>>
          %dma_wait3A_242 = tpu.memref_squeeze %dma_wait3A_241 : memref<1x2x80xi32, #tpu.memory_space<hbm>> -> memref<2x80xi32, #tpu.memory_space<hbm>>
          tpu.wait_dma2 semaphore(%run_scoped3A_210 : memref<!tpu.dma_semaphore, #tpu.memory_space<semaphore_mem>>) src(%dma_wait3A_242 : memref<2x80xi32, #tpu.memory_space<hbm>>) dst(%dma_wait3A_238 : memref<2x80xi32, #tpu.memory_space<vmem>>)
          tpu.yield
        }) : () -> ()
      } else {
      }
    }
    %scan3A_127 = arith.constant 63 : i32
    %barrier3A_128 = arith.constant 0 : index
    tpu.barrier barrier_id(%barrier3A_128)
    %mul3A_129 = arith.constant 640 : i32
    %mul3A_130 = arith.muli %arg1, %mul3A_129 : i32
    %mul3A_131 = arith.constant 10240 : i32
    %mul3A_132 = arith.muli %add3A_71, %mul3A_131 : i32
    %mul3A_133 = arith.constant 640 : i32
    %mul3A_134 = arith.muli %arg1, %mul3A_133 : i32
    %add3A_135 = arith.addi %mul3A_132, %mul3A_134 : i32
    "tpu.region"() ({
      %run_scoped3A_136 = tpu.sem_alloc : memref<!tpu.dma_semaphore, #tpu.memory_space<semaphore_mem>>
      %dma_start3A_137 = arith.constant 0 : i32
      %dma_start3A_138 = tpu.memref_slice %arg4[%add3A_135, %dma_start3A_137] : memref<40960x128xf32, #tpu.memory_space<hbm>> -> memref<640x128xf32, #tpu.memory_space<hbm>>
      %dma_start3A_139 = arith.constant 0 : i32
      %dma_start3A_140 = tpu.memref_slice %arg8[%mul3A_130, %dma_start3A_139] : memref<10240x128xf32, #tpu.memory_space<vmem_shared>> -> memref<640x128xf32, #tpu.memory_space<vmem_shared>>
      tpu.enqueue_dma source(%dma_start3A_140 : memref<640x128xf32, #tpu.memory_space<vmem_shared>>) target(%dma_start3A_138 : memref<640x128xf32, #tpu.memory_space<hbm>>) target_semaphore(%run_scoped3A_136 : memref<!tpu.dma_semaphore, #tpu.memory_space<semaphore_mem>>)
      %dma_wait3A = arith.constant 0 : i32
      %dma_wait3A_141 = tpu.memref_slice %arg4[%add3A_135, %dma_wait3A] : memref<40960x128xf32, #tpu.memory_space<hbm>> -> memref<640x128xf32, #tpu.memory_space<hbm>>
      %dma_wait3A_142 = arith.constant 0 : i32
      %dma_wait3A_143 = tpu.memref_slice %arg8[%mul3A_130, %dma_wait3A_142] : memref<10240x128xf32, #tpu.memory_space<vmem_shared>> -> memref<640x128xf32, #tpu.memory_space<vmem_shared>>
      tpu.wait_dma2 semaphore(%run_scoped3A_136 : memref<!tpu.dma_semaphore, #tpu.memory_space<semaphore_mem>>) src(%dma_wait3A_143 : memref<640x128xf32, #tpu.memory_space<vmem_shared>>) dst(%dma_wait3A_141 : memref<640x128xf32, #tpu.memory_space<hbm>>)
      tpu.yield
    }) : () -> ()
    return
  }
}

module attributes {stable_mosaic.version = 14 : i64} {
  func.func @_k1_body(%arg0: i32, %arg1: memref<2000x256xf32, #tpu.memory_space<vmem>>, %arg2: memref<2x2000x128xf32, #tpu.memory_space<vmem>>, %arg3: memref<256x512xf32, #tpu.memory_space<vmem>>, %arg4: memref<1x512xf32, #tpu.memory_space<vmem>>, %arg5: memref<512x512xf32, #tpu.memory_space<vmem>>, %arg6: memref<1x512xf32, #tpu.memory_space<vmem>>, %arg7: memref<2000x512xf32, #tpu.memory_space<vmem>>, %arg8: memref<8x512xf32, #tpu.memory_space<vmem>>) attributes {dimension_semantics = [#tpu.dimension_semantics<arbitrary>], iteration_bounds = array<i64: 5>, scalar_prefetch = 0 : i64, scratch_operands = 0 : i64, tpu.core_type = #tpu.core_type<tc>, window_params = [{transform_indices = @transform_0, window_bounds = array<i64: 2000, 256>}, {transform_indices = @transform_1, window_bounds = array<i64: 2, 2000, 128>}, {pipeline_mode = #tpu.pipeline_mode<synchronous>, transform_indices = @transform_2, window_bounds = array<i64: 256, 512>}, {pipeline_mode = #tpu.pipeline_mode<synchronous>, transform_indices = @transform_3, window_bounds = array<i64: 1, 512>}, {pipeline_mode = #tpu.pipeline_mode<synchronous>, transform_indices = @transform_4, window_bounds = array<i64: 512, 512>}, {pipeline_mode = #tpu.pipeline_mode<synchronous>, transform_indices = @transform_5, window_bounds = array<i64: 1, 512>}, {transform_indices = @transform_6, window_bounds = array<i64: 2000, 512>}, {pipeline_mode = #tpu.pipeline_mode<synchronous>, transform_indices = @transform_7, window_bounds = array<i64: 8, 512>}]} {
    %get3A = arith.constant 0 : index
    %get3A_0 = arith.constant 0 : index
    %get3A_1 = vector.load %arg1[%get3A, %get3A_0] : memref<2000x256xf32, #tpu.memory_space<vmem>>, vector<2000x256xf32>
    %get3A_2 = arith.constant 0 : index
    %get3A_3 = arith.constant 0 : index
    %get3A_4 = arith.constant 0 : index
    %get3A_5 = vector.load %arg2[%get3A_2, %get3A_3, %get3A_4] : memref<2x2000x128xf32, #tpu.memory_space<vmem>>, vector<1x2000x128xf32>
    %get3A_6 = vector.shape_cast %get3A_5 : vector<1x2000x128xf32> to vector<2000x128xf32>
    %get3A_7 = arith.constant 1 : index
    %get3A_8 = arith.constant 0 : index
    %get3A_9 = arith.constant 0 : index
    %get3A_10 = vector.load %arg2[%get3A_7, %get3A_8, %get3A_9] : memref<2x2000x128xf32, #tpu.memory_space<vmem>>, vector<1x2000x128xf32>
    %get3A_11 = vector.shape_cast %get3A_10 : vector<1x2000x128xf32> to vector<2000x128xf32>
    %concatenate3A = tpu.concatenate %get3A_6, %get3A_11 in 1 : vector<2000x128xf32>, vector<2000x128xf32> -> vector<2000x256xf32>
    %add3A = arith.addf %get3A_1, %concatenate3A : vector<2000x256xf32>
    %get3A_12 = arith.constant 0 : index
    %get3A_13 = arith.constant 0 : index
    %get3A_14 = vector.load %arg3[%get3A_12, %get3A_13] : memref<256x512xf32, #tpu.memory_space<vmem>>, vector<256x512xf32>
    %dot_general3A = arith.constant dense<0.000000e+00> : vector<2000x512xf32>
    %dot_general3A_15 = tpu.matmul %add3A, %get3A_14, %dot_general3A {dimension_numbers = #tpu.dot_dimension_numbers<[1], [0], [0], [1], [0, 0, 1, 1], [], []>, transpose_lhs_hint = false} : vector<2000x256xf32>, vector<256x512xf32>, vector<2000x512xf32> -> vector<2000x512xf32>
    %get3A_16 = arith.constant 0 : index
    %get3A_17 = arith.constant 0 : index
    %get3A_18 = vector.load %arg4[%get3A_16, %get3A_17] : memref<1x512xf32, #tpu.memory_space<vmem>>, vector<1x512xf32>
    %add3A_19 = vector.broadcast %get3A_18 : vector<1x512xf32> to vector<2000x512xf32>
    %add3A_20 = arith.addf %dot_general3A_15, %add3A_19 : vector<2000x512xf32>
    %max3A = arith.constant 0.000000e+00 : f32
    %max3A_21 = vector.broadcast %max3A : f32 to vector<2000x512xf32>
    %max3A_22 = arith.maximumf %add3A_20, %max3A_21 : vector<2000x512xf32>
    %get3A_23 = arith.constant 0 : index
    %get3A_24 = arith.constant 0 : index
    %get3A_25 = vector.load %arg5[%get3A_23, %get3A_24] : memref<512x512xf32, #tpu.memory_space<vmem>>, vector<512x512xf32>
    %dot_general3A_26 = arith.constant dense<0.000000e+00> : vector<2000x512xf32>
    %dot_general3A_27 = tpu.matmul %max3A_22, %get3A_25, %dot_general3A_26 {dimension_numbers = #tpu.dot_dimension_numbers<[1], [0], [0], [1], [0, 0, 1, 1], [], []>, transpose_lhs_hint = false} : vector<2000x512xf32>, vector<512x512xf32>, vector<2000x512xf32> -> vector<2000x512xf32>
    %get3A_28 = arith.constant 0 : index
    %get3A_29 = arith.constant 0 : index
    %get3A_30 = vector.load %arg6[%get3A_28, %get3A_29] : memref<1x512xf32, #tpu.memory_space<vmem>>, vector<1x512xf32>
    %add3A_31 = vector.broadcast %get3A_30 : vector<1x512xf32> to vector<2000x512xf32>
    %add3A_32 = arith.addf %dot_general3A_27, %add3A_31 : vector<2000x512xf32>
    %swap3A = arith.constant 0 : index
    %swap3A_33 = arith.constant 0 : index
    %swap3A_34 = vector.load %arg7[%swap3A, %swap3A_33] : memref<2000x512xf32, #tpu.memory_space<vmem>>, vector<2000x512xf32>
    tpu.vector_store %arg7[%swap3A, %swap3A_33], %add3A_32 {strides = array<i32>} : memref<2000x512xf32, #tpu.memory_space<vmem>>, vector<2000x512xf32>,
    %reduce_sum3A = arith.constant dense<0.000000e+00> : vector<512xf32>
    %reduce_sum3A_35 = vector.multi_reduction <add>, %add3A_32, %reduce_sum3A [0] : vector<2000x512xf32> to vector<512xf32>
    %broadcast_in_dim3A = vector.shape_cast %reduce_sum3A_35 : vector<512xf32> to vector<1x512xf32>
    %mul3A = arith.mulf %add3A_32, %add3A_32 : vector<2000x512xf32>
    %reduce_sum3A_36 = arith.constant dense<0.000000e+00> : vector<512xf32>
    %reduce_sum3A_37 = vector.multi_reduction <add>, %mul3A, %reduce_sum3A_36 [0] : vector<2000x512xf32> to vector<512xf32>
    %broadcast_in_dim3A_38 = vector.shape_cast %reduce_sum3A_37 : vector<512xf32> to vector<1x512xf32>
    %broadcast_in_dim3A_39 = arith.constant 0.000000e+00 : f32
    %broadcast_in_dim3A_40 = vector.broadcast %broadcast_in_dim3A_39 : f32 to vector<6x512xf32>
    %concatenate3A_41 = tpu.concatenate %broadcast_in_dim3A, %broadcast_in_dim3A_38, %broadcast_in_dim3A_40 in 0 : vector<1x512xf32>, vector<1x512xf32>, vector<6x512xf32> -> vector<8x512xf32>
    %eq3A = arith.constant 0 : i32
    %eq3A_42 = arith.cmpi eq, %arg0, %eq3A : i32
    %convert_element_type3A = arith.extui %eq3A_42 : i1 to i32
    %cond3A = arith.constant 0 : i32
    %cond3A_43 = arith.cmpi ne, %convert_element_type3A, %cond3A : i32
    scf.if %cond3A_43 {
      %swap3A_48 = arith.constant 0 : index
      %swap3A_49 = arith.constant 0 : index
      %swap3A_50 = vector.load %arg8[%swap3A_48, %swap3A_49] : memref<8x512xf32, #tpu.memory_space<vmem>>, vector<8x512xf32>
      tpu.vector_store %arg8[%swap3A_48, %swap3A_49], %concatenate3A_41 {strides = array<i32>} : memref<8x512xf32, #tpu.memory_space<vmem>>, vector<8x512xf32>,
    } else {
    }
    %ne3A = arith.constant 0 : i32
    %ne3A_44 = arith.cmpi ne, %arg0, %ne3A : i32
    %convert_element_type3A_45 = arith.extui %ne3A_44 : i1 to i32
    %cond3A_46 = arith.constant 0 : i32
    %cond3A_47 = arith.cmpi ne, %convert_element_type3A_45, %cond3A_46 : i32
    scf.if %cond3A_47 {
      %get3A_48 = arith.constant 0 : index
      %get3A_49 = arith.constant 0 : index
      %get3A_50 = vector.load %arg8[%get3A_48, %get3A_49] : memref<8x512xf32, #tpu.memory_space<vmem>>, vector<8x512xf32>
      %add3A_51 = arith.addf %get3A_50, %concatenate3A_41 : vector<8x512xf32>
      %swap3A_52 = arith.constant 0 : index
      %swap3A_53 = arith.constant 0 : index
      %swap3A_54 = vector.load %arg8[%swap3A_52, %swap3A_53] : memref<8x512xf32, #tpu.memory_space<vmem>>, vector<8x512xf32>
      tpu.vector_store %arg8[%swap3A_52, %swap3A_53], %add3A_51 {strides = array<i32>} : memref<8x512xf32, #tpu.memory_space<vmem>>, vector<8x512xf32>,
    } else {
    }
    return
  }
  func.func @transform_0(%arg0: i32) -> (i32, i32) {
    %c0_i32 = arith.constant 0 : i32
    %c0_i32_0 = arith.constant 0 : i32
    return %arg0, %c0_i32 : i32, i32
  }
  func.func @transform_1(%arg0: i32) -> (i32, i32, i32) {
    %c0_i32 = arith.constant 0 : i32
    %c0_i32_0 = arith.constant 0 : i32
    %c0_i32_1 = arith.constant 0 : i32
    return %c0_i32, %arg0, %c0_i32_0 : i32, i32, i32
  }
  func.func @transform_2(%arg0: i32) -> (i32, i32) {
    %c0_i32 = arith.constant 0 : i32
    %c0_i32_0 = arith.constant 0 : i32
    %c0_i32_1 = arith.constant 0 : i32
    return %c0_i32, %c0_i32_0 : i32, i32
  }
  func.func @transform_3(%arg0: i32) -> (i32, i32) {
    %c0_i32 = arith.constant 0 : i32
    %c0_i32_0 = arith.constant 0 : i32
    %c0_i32_1 = arith.constant 0 : i32
    return %c0_i32, %c0_i32_0 : i32, i32
  }
  func.func @transform_4(%arg0: i32) -> (i32, i32) {
    %c0_i32 = arith.constant 0 : i32
    %c0_i32_0 = arith.constant 0 : i32
    %c0_i32_1 = arith.constant 0 : i32
    return %c0_i32, %c0_i32_0 : i32, i32
  }
  func.func @transform_5(%arg0: i32) -> (i32, i32) {
    %c0_i32 = arith.constant 0 : i32
    %c0_i32_0 = arith.constant 0 : i32
    %c0_i32_1 = arith.constant 0 : i32
    return %c0_i32, %c0_i32_0 : i32, i32
  }
  func.func @transform_6(%arg0: i32) -> (i32, i32) {
    %c0_i32 = arith.constant 0 : i32
    %c0_i32_0 = arith.constant 0 : i32
    return %arg0, %c0_i32 : i32, i32
  }
  func.func @transform_7(%arg0: i32) -> (i32, i32) {
    %c0_i32 = arith.constant 0 : i32
    %c0_i32_0 = arith.constant 0 : i32
    %c0_i32_1 = arith.constant 0 : i32
    return %c0_i32, %c0_i32_0 : i32, i32
  }
}

module attributes {stable_mosaic.version = 14 : i64} {
  func.func @_k2_body(%arg0: i32, %arg1: memref<2000x512xf32, #tpu.memory_space<vmem>>, %arg2: memref<8x512xf32, #tpu.memory_space<vmem>>, %arg3: memref<1x512xf32, #tpu.memory_space<vmem>>, %arg4: memref<1x512xf32, #tpu.memory_space<vmem>>, %arg5: memref<4x2000x128xf32, #tpu.memory_space<vmem>>) attributes {dimension_semantics = [#tpu.dimension_semantics<arbitrary>], iteration_bounds = array<i64: 5>, scalar_prefetch = 0 : i64, scratch_operands = 0 : i64, tpu.core_type = #tpu.core_type<tc>, window_params = [{transform_indices = @transform_0, window_bounds = array<i64: 2000, 512>}, {pipeline_mode = #tpu.pipeline_mode<synchronous>, transform_indices = @transform_1, window_bounds = array<i64: 8, 512>}, {pipeline_mode = #tpu.pipeline_mode<synchronous>, transform_indices = @transform_2, window_bounds = array<i64: 1, 512>}, {pipeline_mode = #tpu.pipeline_mode<synchronous>, transform_indices = @transform_3, window_bounds = array<i64: 1, 512>}, {transform_indices = @transform_4, window_bounds = array<i64: 4, 2000, 128>}]} {
    %get3A = arith.constant 0 : index
    %get3A_0 = arith.constant 0 : index
    %get3A_1 = vector.load %arg2[%get3A, %get3A_0] : memref<8x512xf32, #tpu.memory_space<vmem>>, vector<1x512xf32>
    %div3A = arith.constant 1.000000e+04 : f32
    %div3A_2 = vector.broadcast %div3A : f32 to vector<1x512xf32>
    %div3A_3 = arith.divf %get3A_1, %div3A_2 : vector<1x512xf32>
    %get3A_4 = arith.constant 1 : index
    %get3A_5 = arith.constant 0 : index
    %get3A_6 = vector.load %arg2[%get3A_4, %get3A_5] : memref<8x512xf32, #tpu.memory_space<vmem>>, vector<1x512xf32>
    %div3A_7 = arith.constant 1.000000e+04 : f32
    %div3A_8 = vector.broadcast %div3A_7 : f32 to vector<1x512xf32>
    %div3A_9 = arith.divf %get3A_6, %div3A_8 : vector<1x512xf32>
    %mul3A = arith.mulf %div3A_3, %div3A_3 : vector<1x512xf32>
    %sub3A = arith.subf %div3A_9, %mul3A : vector<1x512xf32>
    %add3A = arith.constant 9.99999974E-6 : f32
    %add3A_10 = vector.broadcast %add3A : f32 to vector<1x512xf32>
    %add3A_11 = arith.addf %sub3A, %add3A_10 : vector<1x512xf32>
    %rsqrt3A = math.rsqrt %add3A_11 : vector<1x512xf32>
    %get3A_12 = arith.constant 0 : index
    %get3A_13 = arith.constant 0 : index
    %get3A_14 = vector.load %arg1[%get3A_12, %get3A_13] : memref<2000x512xf32, #tpu.memory_space<vmem>>, vector<2000x512xf32>
    %sub3A_15 = vector.broadcast %div3A_3 : vector<1x512xf32> to vector<2000x512xf32>
    %sub3A_16 = arith.subf %get3A_14, %sub3A_15 : vector<2000x512xf32>
    %mul3A_17 = vector.broadcast %rsqrt3A : vector<1x512xf32> to vector<2000x512xf32>
    %mul3A_18 = arith.mulf %sub3A_16, %mul3A_17 : vector<2000x512xf32>
    %get3A_19 = arith.constant 0 : index
    %get3A_20 = arith.constant 0 : index
    %get3A_21 = vector.load %arg3[%get3A_19, %get3A_20] : memref<1x512xf32, #tpu.memory_space<vmem>>, vector<1x512xf32>
    %mul3A_22 = vector.broadcast %get3A_21 : vector<1x512xf32> to vector<2000x512xf32>
    %mul3A_23 = arith.mulf %mul3A_18, %mul3A_22 : vector<2000x512xf32>
    %get3A_24 = arith.constant 0 : index
    %get3A_25 = arith.constant 0 : index
    %get3A_26 = vector.load %arg4[%get3A_24, %get3A_25] : memref<1x512xf32, #tpu.memory_space<vmem>>, vector<1x512xf32>
    %add3A_27 = vector.broadcast %get3A_26 : vector<1x512xf32> to vector<2000x512xf32>
    %add3A_28 = arith.addf %mul3A_23, %add3A_27 : vector<2000x512xf32>
    %max3A = arith.constant 0.000000e+00 : f32
    %max3A_29 = vector.broadcast %max3A : f32 to vector<2000x512xf32>
    %max3A_30 = arith.maximumf %add3A_28, %max3A_29 : vector<2000x512xf32>
    %slice3A = vector.extract_strided_slice %max3A_30 {offsets = [0, 0], sizes = [2000, 128], strides = [1, 1]} : vector<2000x512xf32> to vector<2000x128xf32>
    %swap3A = arith.constant 0 : index
    %swap3A_31 = arith.constant 0 : index
    %swap3A_32 = arith.constant 0 : index
    %swap3A_33 = vector.load %arg5[%swap3A, %swap3A_31, %swap3A_32] : memref<4x2000x128xf32, #tpu.memory_space<vmem>>, vector<1x2000x128xf32>
    %swap3A_34 = vector.shape_cast %swap3A_33 : vector<1x2000x128xf32> to vector<2000x128xf32>
    %swap3A_35 = vector.shape_cast %slice3A : vector<2000x128xf32> to vector<1x2000x128xf32>
    tpu.vector_store %arg5[%swap3A, %swap3A_31, %swap3A_32], %swap3A_35 {strides = array<i32>} : memref<4x2000x128xf32, #tpu.memory_space<vmem>>, vector<1x2000x128xf32>,
    %slice3A_36 = vector.extract_strided_slice %max3A_30 {offsets = [0, 128], sizes = [2000, 128], strides = [1, 1]} : vector<2000x512xf32> to vector<2000x128xf32>
    %swap3A_37 = arith.constant 1 : index
    %swap3A_38 = arith.constant 0 : index
    %swap3A_39 = arith.constant 0 : index
    %swap3A_40 = vector.load %arg5[%swap3A_37, %swap3A_38, %swap3A_39] : memref<4x2000x128xf32, #tpu.memory_space<vmem>>, vector<1x2000x128xf32>
    %swap3A_41 = vector.shape_cast %swap3A_40 : vector<1x2000x128xf32> to vector<2000x128xf32>
    %swap3A_42 = vector.shape_cast %slice3A_36 : vector<2000x128xf32> to vector<1x2000x128xf32>
    tpu.vector_store %arg5[%swap3A_37, %swap3A_38, %swap3A_39], %swap3A_42 {strides = array<i32>} : memref<4x2000x128xf32, #tpu.memory_space<vmem>>, vector<1x2000x128xf32>,
    %slice3A_43 = vector.extract_strided_slice %max3A_30 {offsets = [0, 256], sizes = [2000, 128], strides = [1, 1]} : vector<2000x512xf32> to vector<2000x128xf32>
    %swap3A_44 = arith.constant 2 : index
    %swap3A_45 = arith.constant 0 : index
    %swap3A_46 = arith.constant 0 : index
    %swap3A_47 = vector.load %arg5[%swap3A_44, %swap3A_45, %swap3A_46] : memref<4x2000x128xf32, #tpu.memory_space<vmem>>, vector<1x2000x128xf32>
    %swap3A_48 = vector.shape_cast %swap3A_47 : vector<1x2000x128xf32> to vector<2000x128xf32>
    %swap3A_49 = vector.shape_cast %slice3A_43 : vector<2000x128xf32> to vector<1x2000x128xf32>
    tpu.vector_store %arg5[%swap3A_44, %swap3A_45, %swap3A_46], %swap3A_49 {strides = array<i32>} : memref<4x2000x128xf32, #tpu.memory_space<vmem>>, vector<1x2000x128xf32>,
    %slice3A_50 = vector.extract_strided_slice %max3A_30 {offsets = [0, 384], sizes = [2000, 128], strides = [1, 1]} : vector<2000x512xf32> to vector<2000x128xf32>
    %swap3A_51 = arith.constant 3 : index
    %swap3A_52 = arith.constant 0 : index
    %swap3A_53 = arith.constant 0 : index
    %swap3A_54 = vector.load %arg5[%swap3A_51, %swap3A_52, %swap3A_53] : memref<4x2000x128xf32, #tpu.memory_space<vmem>>, vector<1x2000x128xf32>
    %swap3A_55 = vector.shape_cast %swap3A_54 : vector<1x2000x128xf32> to vector<2000x128xf32>
    %swap3A_56 = vector.shape_cast %slice3A_50 : vector<2000x128xf32> to vector<1x2000x128xf32>
    tpu.vector_store %arg5[%swap3A_51, %swap3A_52, %swap3A_53], %swap3A_56 {strides = array<i32>} : memref<4x2000x128xf32, #tpu.memory_space<vmem>>, vector<1x2000x128xf32>,
    return
  }
  func.func @transform_0(%arg0: i32) -> (i32, i32) {
    %c0_i32 = arith.constant 0 : i32
    %c0_i32_0 = arith.constant 0 : i32
    return %arg0, %c0_i32 : i32, i32
  }
  func.func @transform_1(%arg0: i32) -> (i32, i32) {
    %c0_i32 = arith.constant 0 : i32
    %c0_i32_0 = arith.constant 0 : i32
    %c0_i32_1 = arith.constant 0 : i32
    return %c0_i32, %c0_i32_0 : i32, i32
  }
  func.func @transform_2(%arg0: i32) -> (i32, i32) {
    %c0_i32 = arith.constant 0 : i32
    %c0_i32_0 = arith.constant 0 : i32
    %c0_i32_1 = arith.constant 0 : i32
    return %c0_i32, %c0_i32_0 : i32, i32
  }
  func.func @transform_3(%arg0: i32) -> (i32, i32) {
    %c0_i32 = arith.constant 0 : i32
    %c0_i32_0 = arith.constant 0 : i32
    %c0_i32_1 = arith.constant 0 : i32
    return %c0_i32, %c0_i32_0 : i32, i32
  }
  func.func @transform_4(%arg0: i32) -> (i32, i32, i32) {
    %c0_i32 = arith.constant 0 : i32
    %c0_i32_0 = arith.constant 0 : i32
    %c0_i32_1 = arith.constant 0 : i32
    return %c0_i32, %arg0, %c0_i32_0 : i32, i32, i32
  }
}

module attributes {stable_mosaic.version = 14 : i64} {
  func.func @_k1_body(%arg0: i32, %arg1: memref<4x2000x128xf32, #tpu.memory_space<vmem>>, %arg2: memref<4x2000x128xf32, #tpu.memory_space<vmem>>, %arg3: memref<512x512xf32, #tpu.memory_space<vmem>>, %arg4: memref<1x512xf32, #tpu.memory_space<vmem>>, %arg5: memref<512x512xf32, #tpu.memory_space<vmem>>, %arg6: memref<1x512xf32, #tpu.memory_space<vmem>>, %arg7: memref<2000x512xf32, #tpu.memory_space<vmem>>, %arg8: memref<8x512xf32, #tpu.memory_space<vmem>>) attributes {dimension_semantics = [#tpu.dimension_semantics<arbitrary>], iteration_bounds = array<i64: 5>, scalar_prefetch = 0 : i64, scratch_operands = 0 : i64, tpu.core_type = #tpu.core_type<tc>, window_params = [{transform_indices = @transform_0, window_bounds = array<i64: 4, 2000, 128>}, {transform_indices = @transform_1, window_bounds = array<i64: 4, 2000, 128>}, {pipeline_mode = #tpu.pipeline_mode<synchronous>, transform_indices = @transform_2, window_bounds = array<i64: 512, 512>}, {pipeline_mode = #tpu.pipeline_mode<synchronous>, transform_indices = @transform_3, window_bounds = array<i64: 1, 512>}, {pipeline_mode = #tpu.pipeline_mode<synchronous>, transform_indices = @transform_4, window_bounds = array<i64: 512, 512>}, {pipeline_mode = #tpu.pipeline_mode<synchronous>, transform_indices = @transform_5, window_bounds = array<i64: 1, 512>}, {transform_indices = @transform_6, window_bounds = array<i64: 2000, 512>}, {pipeline_mode = #tpu.pipeline_mode<synchronous>, transform_indices = @transform_7, window_bounds = array<i64: 8, 512>}]} {
    %get3A = arith.constant 0 : index
    %get3A_0 = arith.constant 0 : index
    %get3A_1 = arith.constant 0 : index
    %get3A_2 = vector.load %arg1[%get3A, %get3A_0, %get3A_1] : memref<4x2000x128xf32, #tpu.memory_space<vmem>>, vector<1x2000x128xf32>
    %get3A_3 = vector.shape_cast %get3A_2 : vector<1x2000x128xf32> to vector<2000x128xf32>
    %get3A_4 = arith.constant 1 : index
    %get3A_5 = arith.constant 0 : index
    %get3A_6 = arith.constant 0 : index
    %get3A_7 = vector.load %arg1[%get3A_4, %get3A_5, %get3A_6] : memref<4x2000x128xf32, #tpu.memory_space<vmem>>, vector<1x2000x128xf32>
    %get3A_8 = vector.shape_cast %get3A_7 : vector<1x2000x128xf32> to vector<2000x128xf32>
    %get3A_9 = arith.constant 2 : index
    %get3A_10 = arith.constant 0 : index
    %get3A_11 = arith.constant 0 : index
    %get3A_12 = vector.load %arg1[%get3A_9, %get3A_10, %get3A_11] : memref<4x2000x128xf32, #tpu.memory_space<vmem>>, vector<1x2000x128xf32>
    %get3A_13 = vector.shape_cast %get3A_12 : vector<1x2000x128xf32> to vector<2000x128xf32>
    %get3A_14 = arith.constant 3 : index
    %get3A_15 = arith.constant 0 : index
    %get3A_16 = arith.constant 0 : index
    %get3A_17 = vector.load %arg1[%get3A_14, %get3A_15, %get3A_16] : memref<4x2000x128xf32, #tpu.memory_space<vmem>>, vector<1x2000x128xf32>
    %get3A_18 = vector.shape_cast %get3A_17 : vector<1x2000x128xf32> to vector<2000x128xf32>
    %concatenate3A = tpu.concatenate %get3A_3, %get3A_8, %get3A_13, %get3A_18 in 1 : vector<2000x128xf32>, vector<2000x128xf32>, vector<2000x128xf32>, vector<2000x128xf32> -> vector<2000x512xf32>
    %get3A_19 = arith.constant 0 : index
    %get3A_20 = arith.constant 0 : index
    %get3A_21 = arith.constant 0 : index
    %get3A_22 = vector.load %arg2[%get3A_19, %get3A_20, %get3A_21] : memref<4x2000x128xf32, #tpu.memory_space<vmem>>, vector<1x2000x128xf32>
    %get3A_23 = vector.shape_cast %get3A_22 : vector<1x2000x128xf32> to vector<2000x128xf32>
    %get3A_24 = arith.constant 1 : index
    %get3A_25 = arith.constant 0 : index
    %get3A_26 = arith.constant 0 : index
    %get3A_27 = vector.load %arg2[%get3A_24, %get3A_25, %get3A_26] : memref<4x2000x128xf32, #tpu.memory_space<vmem>>, vector<1x2000x128xf32>
    %get3A_28 = vector.shape_cast %get3A_27 : vector<1x2000x128xf32> to vector<2000x128xf32>
    %get3A_29 = arith.constant 2 : index
    %get3A_30 = arith.constant 0 : index
    %get3A_31 = arith.constant 0 : index
    %get3A_32 = vector.load %arg2[%get3A_29, %get3A_30, %get3A_31] : memref<4x2000x128xf32, #tpu.memory_space<vmem>>, vector<1x2000x128xf32>
    %get3A_33 = vector.shape_cast %get3A_32 : vector<1x2000x128xf32> to vector<2000x128xf32>
    %get3A_34 = arith.constant 3 : index
    %get3A_35 = arith.constant 0 : index
    %get3A_36 = arith.constant 0 : index
    %get3A_37 = vector.load %arg2[%get3A_34, %get3A_35, %get3A_36] : memref<4x2000x128xf32, #tpu.memory_space<vmem>>, vector<1x2000x128xf32>
    %get3A_38 = vector.shape_cast %get3A_37 : vector<1x2000x128xf32> to vector<2000x128xf32>
    %concatenate3A_39 = tpu.concatenate %get3A_23, %get3A_28, %get3A_33, %get3A_38 in 1 : vector<2000x128xf32>, vector<2000x128xf32>, vector<2000x128xf32>, vector<2000x128xf32> -> vector<2000x512xf32>
    %add3A = arith.addf %concatenate3A, %concatenate3A_39 : vector<2000x512xf32>
    %get3A_40 = arith.constant 0 : index
    %get3A_41 = arith.constant 0 : index
    %get3A_42 = vector.load %arg3[%get3A_40, %get3A_41] : memref<512x512xf32, #tpu.memory_space<vmem>>, vector<512x512xf32>
    %dot_general3A = arith.constant dense<0.000000e+00> : vector<2000x512xf32>
    %dot_general3A_43 = tpu.matmul %add3A, %get3A_42, %dot_general3A {dimension_numbers = #tpu.dot_dimension_numbers<[1], [0], [0], [1], [0, 0, 1, 1], [], []>, transpose_lhs_hint = false} : vector<2000x512xf32>, vector<512x512xf32>, vector<2000x512xf32> -> vector<2000x512xf32>
    %get3A_44 = arith.constant 0 : index
    %get3A_45 = arith.constant 0 : index
    %get3A_46 = vector.load %arg4[%get3A_44, %get3A_45] : memref<1x512xf32, #tpu.memory_space<vmem>>, vector<1x512xf32>
    %add3A_47 = vector.broadcast %get3A_46 : vector<1x512xf32> to vector<2000x512xf32>
    %add3A_48 = arith.addf %dot_general3A_43, %add3A_47 : vector<2000x512xf32>
    %max3A = arith.constant 0.000000e+00 : f32
    %max3A_49 = vector.broadcast %max3A : f32 to vector<2000x512xf32>
    %max3A_50 = arith.maximumf %add3A_48, %max3A_49 : vector<2000x512xf32>
    %get3A_51 = arith.constant 0 : index
    %get3A_52 = arith.constant 0 : index
    %get3A_53 = vector.load %arg5[%get3A_51, %get3A_52] : memref<512x512xf32, #tpu.memory_space<vmem>>, vector<512x512xf32>
    %dot_general3A_54 = arith.constant dense<0.000000e+00> : vector<2000x512xf32>
    %dot_general3A_55 = tpu.matmul %max3A_50, %get3A_53, %dot_general3A_54 {dimension_numbers = #tpu.dot_dimension_numbers<[1], [0], [0], [1], [0, 0, 1, 1], [], []>, transpose_lhs_hint = false} : vector<2000x512xf32>, vector<512x512xf32>, vector<2000x512xf32> -> vector<2000x512xf32>
    %get3A_56 = arith.constant 0 : index
    %get3A_57 = arith.constant 0 : index
    %get3A_58 = vector.load %arg6[%get3A_56, %get3A_57] : memref<1x512xf32, #tpu.memory_space<vmem>>, vector<1x512xf32>
    %add3A_59 = vector.broadcast %get3A_58 : vector<1x512xf32> to vector<2000x512xf32>
    %add3A_60 = arith.addf %dot_general3A_55, %add3A_59 : vector<2000x512xf32>
    %swap3A = arith.constant 0 : index
    %swap3A_61 = arith.constant 0 : index
    %swap3A_62 = vector.load %arg7[%swap3A, %swap3A_61] : memref<2000x512xf32, #tpu.memory_space<vmem>>, vector<2000x512xf32>
    tpu.vector_store %arg7[%swap3A, %swap3A_61], %add3A_60 {strides = array<i32>} : memref<2000x512xf32, #tpu.memory_space<vmem>>, vector<2000x512xf32>,
    %reduce_sum3A = arith.constant dense<0.000000e+00> : vector<512xf32>
    %reduce_sum3A_63 = vector.multi_reduction <add>, %add3A_60, %reduce_sum3A [0] : vector<2000x512xf32> to vector<512xf32>
    %broadcast_in_dim3A = vector.shape_cast %reduce_sum3A_63 : vector<512xf32> to vector<1x512xf32>
    %mul3A = arith.mulf %add3A_60, %add3A_60 : vector<2000x512xf32>
    %reduce_sum3A_64 = arith.constant dense<0.000000e+00> : vector<512xf32>
    %reduce_sum3A_65 = vector.multi_reduction <add>, %mul3A, %reduce_sum3A_64 [0] : vector<2000x512xf32> to vector<512xf32>
    %broadcast_in_dim3A_66 = vector.shape_cast %reduce_sum3A_65 : vector<512xf32> to vector<1x512xf32>
    %broadcast_in_dim3A_67 = arith.constant 0.000000e+00 : f32
    %broadcast_in_dim3A_68 = vector.broadcast %broadcast_in_dim3A_67 : f32 to vector<6x512xf32>
    %concatenate3A_69 = tpu.concatenate %broadcast_in_dim3A, %broadcast_in_dim3A_66, %broadcast_in_dim3A_68 in 0 : vector<1x512xf32>, vector<1x512xf32>, vector<6x512xf32> -> vector<8x512xf32>
    %eq3A = arith.constant 0 : i32
    %eq3A_70 = arith.cmpi eq, %arg0, %eq3A : i32
    %convert_element_type3A = arith.extui %eq3A_70 : i1 to i32
    %cond3A = arith.constant 0 : i32
    %cond3A_71 = arith.cmpi ne, %convert_element_type3A, %cond3A : i32
    scf.if %cond3A_71 {
      %swap3A_76 = arith.constant 0 : index
      %swap3A_77 = arith.constant 0 : index
      %swap3A_78 = vector.load %arg8[%swap3A_76, %swap3A_77] : memref<8x512xf32, #tpu.memory_space<vmem>>, vector<8x512xf32>
      tpu.vector_store %arg8[%swap3A_76, %swap3A_77], %concatenate3A_69 {strides = array<i32>} : memref<8x512xf32, #tpu.memory_space<vmem>>, vector<8x512xf32>,
    } else {
    }
    %ne3A = arith.constant 0 : i32
    %ne3A_72 = arith.cmpi ne, %arg0, %ne3A : i32
    %convert_element_type3A_73 = arith.extui %ne3A_72 : i1 to i32
    %cond3A_74 = arith.constant 0 : i32
    %cond3A_75 = arith.cmpi ne, %convert_element_type3A_73, %cond3A_74 : i32
    scf.if %cond3A_75 {
      %get3A_76 = arith.constant 0 : index
      %get3A_77 = arith.constant 0 : index
      %get3A_78 = vector.load %arg8[%get3A_76, %get3A_77] : memref<8x512xf32, #tpu.memory_space<vmem>>, vector<8x512xf32>
      %add3A_79 = arith.addf %get3A_78, %concatenate3A_69 : vector<8x512xf32>
      %swap3A_80 = arith.constant 0 : index
      %swap3A_81 = arith.constant 0 : index
      %swap3A_82 = vector.load %arg8[%swap3A_80, %swap3A_81] : memref<8x512xf32, #tpu.memory_space<vmem>>, vector<8x512xf32>
      tpu.vector_store %arg8[%swap3A_80, %swap3A_81], %add3A_79 {strides = array<i32>} : memref<8x512xf32, #tpu.memory_space<vmem>>, vector<8x512xf32>,
    } else {
    }
    return
  }
  func.func @transform_0(%arg0: i32) -> (i32, i32, i32) {
    %c0_i32 = arith.constant 0 : i32
    %c0_i32_0 = arith.constant 0 : i32
    %c0_i32_1 = arith.constant 0 : i32
    return %c0_i32, %arg0, %c0_i32_0 : i32, i32, i32
  }
  func.func @transform_1(%arg0: i32) -> (i32, i32, i32) {
    %c0_i32 = arith.constant 0 : i32
    %c0_i32_0 = arith.constant 0 : i32
    %c0_i32_1 = arith.constant 0 : i32
    return %c0_i32, %arg0, %c0_i32_0 : i32, i32, i32
  }
  func.func @transform_2(%arg0: i32) -> (i32, i32) {
    %c0_i32 = arith.constant 0 : i32
    %c0_i32_0 = arith.constant 0 : i32
    %c0_i32_1 = arith.constant 0 : i32
    return %c0_i32, %c0_i32_0 : i32, i32
  }
  func.func @transform_3(%arg0: i32) -> (i32, i32) {
    %c0_i32 = arith.constant 0 : i32
    %c0_i32_0 = arith.constant 0 : i32
    %c0_i32_1 = arith.constant 0 : i32
    return %c0_i32, %c0_i32_0 : i32, i32
  }
  func.func @transform_4(%arg0: i32) -> (i32, i32) {
    %c0_i32 = arith.constant 0 : i32
    %c0_i32_0 = arith.constant 0 : i32
    %c0_i32_1 = arith.constant 0 : i32
    return %c0_i32, %c0_i32_0 : i32, i32
  }
  func.func @transform_5(%arg0: i32) -> (i32, i32) {
    %c0_i32 = arith.constant 0 : i32
    %c0_i32_0 = arith.constant 0 : i32
    %c0_i32_1 = arith.constant 0 : i32
    return %c0_i32, %c0_i32_0 : i32, i32
  }
  func.func @transform_6(%arg0: i32) -> (i32, i32) {
    %c0_i32 = arith.constant 0 : i32
    %c0_i32_0 = arith.constant 0 : i32
    return %arg0, %c0_i32 : i32, i32
  }
  func.func @transform_7(%arg0: i32) -> (i32, i32) {
    %c0_i32 = arith.constant 0 : i32
    %c0_i32_0 = arith.constant 0 : i32
    %c0_i32_1 = arith.constant 0 : i32
    return %c0_i32, %c0_i32_0 : i32, i32
  }
}

module attributes {stable_mosaic.version = 14 : i64} {
  func.func @_kpool_body(%arg0: i32, %arg1: memref<2000x512xf32, #tpu.memory_space<vmem>>, %arg2: memref<8x512xf32, #tpu.memory_space<vmem>>, %arg3: memref<1x512xf32, #tpu.memory_space<vmem>>, %arg4: memref<1x512xf32, #tpu.memory_space<vmem>>, %arg5: memref<1x1x2000xf32, #tpu.memory_space<vmem>>, %arg6: memref<512x256xf32, #tpu.memory_space<vmem>>, %arg7: memref<1x256xf32, #tpu.memory_space<vmem>>, %arg8: memref<64x256xf32, #tpu.memory_space<vmem>>, %arg9: memref<64x512xf32, #tpu.memory_space<vmem>>, %arg10: memref<64x128xf32, #tpu.memory_space<vmem>>) attributes {dimension_semantics = [#tpu.dimension_semantics<arbitrary>], iteration_bounds = array<i64: 5>, scalar_prefetch = 0 : i64, scratch_operands = 2 : i64, tpu.core_type = #tpu.core_type<tc>, window_params = [{transform_indices = @transform_0, window_bounds = array<i64: 2000, 512>}, {pipeline_mode = #tpu.pipeline_mode<synchronous>, transform_indices = @transform_1, window_bounds = array<i64: 8, 512>}, {pipeline_mode = #tpu.pipeline_mode<synchronous>, transform_indices = @transform_2, window_bounds = array<i64: 1, 512>}, {pipeline_mode = #tpu.pipeline_mode<synchronous>, transform_indices = @transform_3, window_bounds = array<i64: 1, 512>}, {transform_indices = @transform_4, window_bounds = array<i64: 1, 1, 2000>}, {pipeline_mode = #tpu.pipeline_mode<synchronous>, transform_indices = @transform_5, window_bounds = array<i64: 512, 256>}, {pipeline_mode = #tpu.pipeline_mode<synchronous>, transform_indices = @transform_6, window_bounds = array<i64: 1, 256>}, {pipeline_mode = #tpu.pipeline_mode<synchronous>, transform_indices = @transform_7, window_bounds = array<i64: 64, 256>}]} {
    %get3A = arith.constant 0 : index
    %get3A_0 = arith.constant 0 : index
    %get3A_1 = vector.load %arg2[%get3A, %get3A_0] : memref<8x512xf32, #tpu.memory_space<vmem>>, vector<1x512xf32>
    %div3A = arith.constant 1.000000e+04 : f32
    %div3A_2 = vector.broadcast %div3A : f32 to vector<1x512xf32>
    %div3A_3 = arith.divf %get3A_1, %div3A_2 : vector<1x512xf32>
    %get3A_4 = arith.constant 1 : index
    %get3A_5 = arith.constant 0 : index
    %get3A_6 = vector.load %arg2[%get3A_4, %get3A_5] : memref<8x512xf32, #tpu.memory_space<vmem>>, vector<1x512xf32>
    %div3A_7 = arith.constant 1.000000e+04 : f32
    %div3A_8 = vector.broadcast %div3A_7 : f32 to vector<1x512xf32>
    %div3A_9 = arith.divf %get3A_6, %div3A_8 : vector<1x512xf32>
    %mul3A = arith.mulf %div3A_3, %div3A_3 : vector<1x512xf32>
    %sub3A = arith.subf %div3A_9, %mul3A : vector<1x512xf32>
    %add3A = arith.constant 9.99999974E-6 : f32
    %add3A_10 = vector.broadcast %add3A : f32 to vector<1x512xf32>
    %add3A_11 = arith.addf %sub3A, %add3A_10 : vector<1x512xf32>
    %rsqrt3A = math.rsqrt %add3A_11 : vector<1x512xf32>
    %get3A_12 = arith.constant 0 : index
    %get3A_13 = arith.constant 0 : index
    %get3A_14 = vector.load %arg1[%get3A_12, %get3A_13] : memref<2000x512xf32, #tpu.memory_space<vmem>>, vector<2000x512xf32>
    %sub3A_15 = vector.broadcast %div3A_3 : vector<1x512xf32> to vector<2000x512xf32>
    %sub3A_16 = arith.subf %get3A_14, %sub3A_15 : vector<2000x512xf32>
    %mul3A_17 = vector.broadcast %rsqrt3A : vector<1x512xf32> to vector<2000x512xf32>
    %mul3A_18 = arith.mulf %sub3A_16, %mul3A_17 : vector<2000x512xf32>
    %get3A_19 = arith.constant 0 : index
    %get3A_20 = arith.constant 0 : index
    %get3A_21 = vector.load %arg3[%get3A_19, %get3A_20] : memref<1x512xf32, #tpu.memory_space<vmem>>, vector<1x512xf32>
    %mul3A_22 = vector.broadcast %get3A_21 : vector<1x512xf32> to vector<2000x512xf32>
    %mul3A_23 = arith.mulf %mul3A_18, %mul3A_22 : vector<2000x512xf32>
    %get3A_24 = arith.constant 0 : index
    %get3A_25 = arith.constant 0 : index
    %get3A_26 = vector.load %arg4[%get3A_24, %get3A_25] : memref<1x512xf32, #tpu.memory_space<vmem>>, vector<1x512xf32>
    %add3A_27 = vector.broadcast %get3A_26 : vector<1x512xf32> to vector<2000x512xf32>
    %add3A_28 = arith.addf %mul3A_23, %add3A_27 : vector<2000x512xf32>
    %max3A = arith.constant 0.000000e+00 : f32
    %max3A_29 = vector.broadcast %max3A : f32 to vector<2000x512xf32>
    %max3A_30 = arith.maximumf %add3A_28, %max3A_29 : vector<2000x512xf32>
    %iota3A = tpu.iota {dimensions = array<i32: 0>} : vector<64x2000xi32>
    %convert_element_type3A = arith.sitofp %iota3A : vector<64x2000xi32> to vector<64x2000xf32>
    %get3A_31 = arith.constant 0 : index
    %get3A_32 = arith.constant 0 : index
    %get3A_33 = arith.constant 0 : index
    %get3A_34 = vector.load %arg5[%get3A_31, %get3A_32, %get3A_33] : memref<1x1x2000xf32, #tpu.memory_space<vmem>>, vector<1x1x2000xf32>
    %get3A_35 = vector.shape_cast %get3A_34 : vector<1x1x2000xf32> to vector<1x2000xf32>
    %eq3A = vector.broadcast %get3A_35 : vector<1x2000xf32> to vector<64x2000xf32>
    %eq3A_36 = arith.cmpf oeq, %convert_element_type3A, %eq3A : vector<64x2000xf32>
    %convert_element_type3A_37 = arith.extui %eq3A_36 : vector<64x2000xi1> to vector<64x2000xi32>
    %convert_element_type3A_38 = arith.sitofp %convert_element_type3A_37 : vector<64x2000xi32> to vector<64x2000xf32>
    %dot_general3A = arith.constant dense<0.000000e+00> : vector<64x512xf32>
    %dot_general3A_39 = tpu.matmul %convert_element_type3A_38, %max3A_30, %dot_general3A {dimension_numbers = #tpu.dot_dimension_numbers<[1], [0], [0], [1], [0, 0, 1, 1], [], []>, transpose_lhs_hint = false} : vector<64x2000xf32>, vector<2000x512xf32>, vector<64x512xf32> -> vector<64x512xf32>
    %broadcast_in_dim3A = arith.constant 1.000000e+00 : f32
    %broadcast_in_dim3A_40 = vector.broadcast %broadcast_in_dim3A : f32 to vector<2000x128xf32>
    %dot_general3A_41 = arith.constant dense<0.000000e+00> : vector<64x128xf32>
    %dot_general3A_42 = tpu.matmul %convert_element_type3A_38, %broadcast_in_dim3A_40, %dot_general3A_41 {dimension_numbers = #tpu.dot_dimension_numbers<[1], [0], [0], [1], [0, 0, 1, 1], [], []>, transpose_lhs_hint = false} : vector<64x2000xf32>, vector<2000x128xf32>, vector<64x128xf32> -> vector<64x128xf32>
    %eq3A_43 = arith.constant 0 : i32
    %eq3A_44 = arith.cmpi eq, %arg0, %eq3A_43 : i32
    %convert_element_type3A_45 = arith.extui %eq3A_44 : i1 to i32
    %cond3A = arith.constant 0 : i32
    %cond3A_46 = arith.cmpi ne, %convert_element_type3A_45, %cond3A : i32
    scf.if %cond3A_46 {
      %swap3A_74 = arith.constant 0 : index
      %swap3A_75 = arith.constant 0 : index
      %swap3A_76 = vector.load %arg9[%swap3A_74, %swap3A_75] : memref<64x512xf32, #tpu.memory_space<vmem>>, vector<64x512xf32>
      tpu.vector_store %arg9[%swap3A_74, %swap3A_75], %dot_general3A_39 {strides = array<i32>} : memref<64x512xf32, #tpu.memory_space<vmem>>, vector<64x512xf32>,
      %swap3A_77 = arith.constant 0 : index
      %swap3A_78 = arith.constant 0 : index
      %swap3A_79 = vector.load %arg10[%swap3A_77, %swap3A_78] : memref<64x128xf32, #tpu.memory_space<vmem>>, vector<64x128xf32>
      tpu.vector_store %arg10[%swap3A_77, %swap3A_78], %dot_general3A_42 {strides = array<i32>} : memref<64x128xf32, #tpu.memory_space<vmem>>, vector<64x128xf32>,
    } else {
    }
    %ne3A = arith.constant 0 : i32
    %ne3A_47 = arith.cmpi ne, %arg0, %ne3A : i32
    %convert_element_type3A_48 = arith.extui %ne3A_47 : i1 to i32
    %cond3A_49 = arith.constant 0 : i32
    %cond3A_50 = arith.cmpi ne, %convert_element_type3A_48, %cond3A_49 : i32
    scf.if %cond3A_50 {
      %get3A_74 = arith.constant 0 : index
      %get3A_75 = arith.constant 0 : index
      %get3A_76 = vector.load %arg9[%get3A_74, %get3A_75] : memref<64x512xf32, #tpu.memory_space<vmem>>, vector<64x512xf32>
      %add3A_77 = arith.addf %get3A_76, %dot_general3A_39 : vector<64x512xf32>
      %swap3A_78 = arith.constant 0 : index
      %swap3A_79 = arith.constant 0 : index
      %swap3A_80 = vector.load %arg9[%swap3A_78, %swap3A_79] : memref<64x512xf32, #tpu.memory_space<vmem>>, vector<64x512xf32>
      tpu.vector_store %arg9[%swap3A_78, %swap3A_79], %add3A_77 {strides = array<i32>} : memref<64x512xf32, #tpu.memory_space<vmem>>, vector<64x512xf32>,
      %get3A_81 = arith.constant 0 : index
      %get3A_82 = arith.constant 0 : index
      %get3A_83 = vector.load %arg10[%get3A_81, %get3A_82] : memref<64x128xf32, #tpu.memory_space<vmem>>, vector<64x128xf32>
      %add3A_84 = arith.addf %get3A_83, %dot_general3A_42 : vector<64x128xf32>
      %swap3A_85 = arith.constant 0 : index
      %swap3A_86 = arith.constant 0 : index
      %swap3A_87 = vector.load %arg10[%swap3A_85, %swap3A_86] : memref<64x128xf32, #tpu.memory_space<vmem>>, vector<64x128xf32>
      tpu.vector_store %arg10[%swap3A_85, %swap3A_86], %add3A_84 {strides = array<i32>} : memref<64x128xf32, #tpu.memory_space<vmem>>, vector<64x128xf32>,
    } else {
    }
    %get3A_51 = arith.constant 0 : index
    %get3A_52 = arith.constant 0 : index
    %get3A_53 = vector.load %arg9[%get3A_51, %get3A_52] : memref<64x512xf32, #tpu.memory_space<vmem>>, vector<64x512xf32>
    %get3A_54 = arith.constant 0 : index
    %get3A_55 = arith.constant 0 : index
    %get3A_56 = vector.load %arg10[%get3A_54, %get3A_55] : memref<64x128xf32, #tpu.memory_space<vmem>>, vector<64x1xf32>
    %max3A_57 = arith.constant 1.000000e+00 : f32
    %max3A_58 = vector.broadcast %max3A_57 : f32 to vector<64x1xf32>
    %max3A_59 = arith.maximumf %get3A_56, %max3A_58 : vector<64x1xf32>
    %div3A_60 = vector.broadcast %max3A_59 : vector<64x1xf32> to vector<64x512xf32>
    %div3A_61 = arith.divf %get3A_53, %div3A_60 : vector<64x512xf32>
    %get3A_62 = arith.constant 0 : index
    %get3A_63 = arith.constant 0 : index
    %get3A_64 = vector.load %arg6[%get3A_62, %get3A_63] : memref<512x256xf32, #tpu.memory_space<vmem>>, vector<512x256xf32>
    %dot_general3A_65 = arith.constant dense<0.000000e+00> : vector<64x256xf32>
    %dot_general3A_66 = tpu.matmul %div3A_61, %get3A_64, %dot_general3A_65 {dimension_numbers = #tpu.dot_dimension_numbers<[1], [0], [0], [1], [0, 0, 1, 1], [], []>, transpose_lhs_hint = false} : vector<64x512xf32>, vector<512x256xf32>, vector<64x256xf32> -> vector<64x256xf32>
    %get3A_67 = arith.constant 0 : index
    %get3A_68 = arith.constant 0 : index
    %get3A_69 = vector.load %arg7[%get3A_67, %get3A_68] : memref<1x256xf32, #tpu.memory_space<vmem>>, vector<1x256xf32>
    %add3A_70 = vector.broadcast %get3A_69 : vector<1x256xf32> to vector<64x256xf32>
    %add3A_71 = arith.addf %dot_general3A_66, %add3A_70 : vector<64x256xf32>
    %swap3A = arith.constant 0 : index
    %swap3A_72 = arith.constant 0 : index
    %swap3A_73 = vector.load %arg8[%swap3A, %swap3A_72] : memref<64x256xf32, #tpu.memory_space<vmem>>, vector<64x256xf32>
    tpu.vector_store %arg8[%swap3A, %swap3A_72], %add3A_71 {strides = array<i32>} : memref<64x256xf32, #tpu.memory_space<vmem>>, vector<64x256xf32>,
    return
  }
  func.func @transform_0(%arg0: i32) -> (i32, i32) {
    %c0_i32 = arith.constant 0 : i32
    %c0_i32_0 = arith.constant 0 : i32
    return %arg0, %c0_i32 : i32, i32
  }
  func.func @transform_1(%arg0: i32) -> (i32, i32) {
    %c0_i32 = arith.constant 0 : i32
    %c0_i32_0 = arith.constant 0 : i32
    %c0_i32_1 = arith.constant 0 : i32
    return %c0_i32, %c0_i32_0 : i32, i32
  }
  func.func @transform_2(%arg0: i32) -> (i32, i32) {
    %c0_i32 = arith.constant 0 : i32
    %c0_i32_0 = arith.constant 0 : i32
    %c0_i32_1 = arith.constant 0 : i32
    return %c0_i32, %c0_i32_0 : i32, i32
  }
  func.func @transform_3(%arg0: i32) -> (i32, i32) {
    %c0_i32 = arith.constant 0 : i32
    %c0_i32_0 = arith.constant 0 : i32
    %c0_i32_1 = arith.constant 0 : i32
    return %c0_i32, %c0_i32_0 : i32, i32
  }
  func.func @transform_4(%arg0: i32) -> (i32, i32, i32) {
    %c0_i32 = arith.constant 0 : i32
    %c0_i32_0 = arith.constant 0 : i32
    %c0_i32_1 = arith.constant 0 : i32
    return %arg0, %c0_i32, %c0_i32_0 : i32, i32, i32
  }
  func.func @transform_5(%arg0: i32) -> (i32, i32) {
    %c0_i32 = arith.constant 0 : i32
    %c0_i32_0 = arith.constant 0 : i32
    %c0_i32_1 = arith.constant 0 : i32
    return %c0_i32, %c0_i32_0 : i32, i32
  }
  func.func @transform_6(%arg0: i32) -> (i32, i32) {
    %c0_i32 = arith.constant 0 : i32
    %c0_i32_0 = arith.constant 0 : i32
    %c0_i32_1 = arith.constant 0 : i32
    return %c0_i32, %c0_i32_0 : i32, i32
  }
  func.func @transform_7(%arg0: i32) -> (i32, i32) {
    %c0_i32 = arith.constant 0 : i32
    %c0_i32_0 = arith.constant 0 : i32
    %c0_i32_1 = arith.constant 0 : i32
    return %c0_i32, %c0_i32_0 : i32, i32
  }
}

</mosaic_0001>

<sc_bundles>
// kernel: kernel.11.cloned.1.call-start
scs
__scs_entry_jumppad:
0x0: {  	(pc) =	sbr.rel $0x88, $3  }
0x1: {  	(tag) =	ssettag $0x0;
	lr =	simm.s32 $0x1  }
0x2: {  	[smem:$0x3F8A] =	sst lr;
	_ =	strace $0xD0000000  }
0x3: {  	_ = 	snop  }
0x4: {  	_ = 	snop  }
0x5: {  	_ = 	snop  }
0x6: {  	_ = 	snop  }
0x7: {  	_ = 	snop  }
__scs_overlays_trampoline_lowered:
0x8: {  	[smem:$0x3F99] =	sst s0  }
0x9: {  	[smem:$0x3F9A] =	sst s1  }
0xa: {  	[smem:$0x3F9B] =	sst s2  }
0xb: {  	[smem:$0x3F9C] =	sst s3  }
0xc: {  	[smem:$0x3F9D] =	sst s4  }
0xd: {  	[smem:$0x3F9E] =	sst s5  }
0xe: {  	[smem:$0x3F9F] =	sst s6  }
0xf: {  	[smem:$0x3FA0] =	sst s7  }
0x10: {  	[smem:$0x3FA1] =	sst s8  }
0x11: {  	[smem:$0x3FA2] =	sst s9;
	s0 =	simm.s32 @!p0 $0x0  }
0x12: {  	s1 =	sld [smem:$0x3F88];
	s0 =	simm.s32 @p0 $0x1  }
0x13: {  	[smem:$0x3FA3] =	sst s0;
	s0 =	simm.s32 @!p1 $0x0  }
0x14: {  	s2 =	sld [smem:$0x3F87];
	s0 =	simm.s32 @p1 $0x1  }
0x15: {  	[smem:$0x3FA4] =	sst s0;
	s0 =	simm.s32 @!p2 $0x0  }
0x16: {  	s3 =	sld [smem:$0x3FDB];
	s0 =	simm.s32 @p2 $0x1  }
0x17: {  	s4 =	simm.s32 $0x1BF5;
	[smem:$0x3FA6] =	sst s0  }
0x18: {  	s0 =	sld [smem:$0x3F89];
	_ =	swait.ge [sflag:s4], $0x0  }
0x19: {  	s7 =	sld [smem:$0x3F8A]  }
0x1a: {  	s8 =	sadd.s32 $0xFFFFE003, lr  }
0x1b: {  	s9 =	sadd.s32 $0xFFFFFEF7, lr;
	s5 =	simm.s32 $0xFFFFFFFF;
	p2 =	slt.u32 s8, $0xFFFFF086  }
0x1c: {  	p1 =	slt.u32 s9, $0xF7A;
	s5 =	simm.s32 @!p2 $0x0  }
0x1d: {  	s5 =	simm.s32 @p1 $0x1;
	p0 =	seq.s32 s7, s2  }
0x1e: {  	s7 =	smul.u32 @!p0 $0xF7A, s2;
	p2 =	seq.s32 @!p0 s5, $0x0  }
0x1f: {  	s9 =	smul.u32 $0xF7A, s1;
	s8 =	simm.s32 @!p0 $0x1BF5;
	p2 =	por !p2, p0  }
0x20: {  	[sflag:s8] =	ssyncset.s32 @!p0 $0xFFFFF086;
	s6 =	sadd.s32 @!p0 s3, s7;
	s7 =	simm.s32 @!p0 $0x108  }
0x21: {  	s3 =	sadd.s32 s3, s9;
	s6 =	sadd.s32 @!p0 $0x88, s6;
	s7 =	simm.s32 @p2 $0x1082  }
0x22: {  	[simem:s7], [sflag:s8] =	dma.local @!p0 [hbm:s6], $0xF7A  }
0x23: {  	s9 =	sor.u32 $0xD0000000, s2;
	s6 =	simm.s32 $0x108;
	_ =	swait.ge @!p0 [sflag:s8], $0x0  }
0x24: {  	s3 =	sadd.s32 $0x88, s3;
	s6 =	simm.s32 @!p1 $0x1082;
	[sflag:s4] =	ssyncset.s32 $0xFFFFF086  }
0x25: {  	[simem:s6], [sflag:s4] =	dma.local [hbm:s3], $0xF7A  }
0x26: {  	[smem:$0x3F8A] =	sst s1;
	(tag) =	ssettag s2;
	_ =	strace s9  }
0x27: {  	s1 =	sld [smem:$0x3F9A]  }
0x28: {  	s2 =	sld [smem:$0x3F9B]  }
0x29: {  	s4 =	sld [smem:$0x3F9D]  }
0x2a: {  	p0 =	seq.s32 s5, $0x0;
	s5 =	sld [smem:$0x3F9E]  }
0x2b: {  	s6 =	sld [smem:$0x3F9F]  }
0x2c: {  	s7 =	sld [smem:$0x3FA0]  }
0x2d: {  	s3 =	simm.s32 $0x108;
	s8 =	sld [smem:$0x3FA1]  }
0x2e: {  	s3 =	simm.s32 @!p0 $0x1082;
	s9 =	sld [smem:$0x3FA2]  }
0x2f: {  	lr =	sadd.s32 s0, s3;
	s0 =	sld [smem:$0x3F99]  }
0x30: {  	s3 =	sld [smem:$0x3F9C]  }
0x31: {  	[smem:$0x3FA5] =	sst s10  }
0x32: {  	s10 =	sld [smem:$0x3FA3];
	_ =	sdelay $0x3  }
0x33: {  	p0 =	seq.s32 s10, $0x1;
	s10 =	sld [smem:$0x3FA5];
	_ =	sdelay $0x3  }
0x34: {  	[smem:$0x3FA5] =	sst s10  }
0x35: {  	s10 =	sld [smem:$0x3FA4];
	_ =	sdelay $0x3  }
0x36: {  	p1 =	seq.s32 s10, $0x1;
	s10 =	sld [smem:$0x3FA5];
	_ =	sdelay $0x3  }
0x37: {  	[smem:$0x3FA5] =	sst s10  }
0x38: {  	s10 =	sld [smem:$0x3FA6]  }
0x39: {  	_ = 	snop;
	(pc) =	sbr.ind lr, $3  }
0x3a: {  	_ = 	snop  }
0x3b: {  	_ = 	snop  }
0x3c: {  	p2 =	seq.s32 s10, $0x1;
	s10 =	sld [smem:$0x3FA5]  }
0x3d: {  	_ =	shalt  }
0x3e: {  	_ =	shalt  }
0x3f: {  	_ =	shalt  }
0x40: {  	_ =	shalt  }
0x41: {  	_ =	shalt  }
0x42: {  	_ =	shalt  }
0x43: {  	_ =	shalt  }
0x44: {  	_ =	shalt  }
0x45: {  	_ =	shalt  }
0x46: {  	_ =	shalt  }
0x47: {  	_ =	shalt  }
0x48: {  	_ =	shalt  }
0x49: {  	_ =	shalt  }
0x4a: {  	_ =	shalt  }
0x4b: {  	_ =	shalt  }
0x4c: {  	_ =	shalt  }
0x4d: {  	_ =	shalt  }
0x4e: {  	_ =	shalt  }
0x4f: {  	_ =	shalt  }
0x50: {  	_ =	shalt  }
0x51: {  	_ =	shalt  }
0x52: {  	_ =	shalt  }
0x53: {  	_ =	shalt  }
0x54: {  	_ =	shalt  }
0x55: {  	_ =	shalt  }
0x56: {  	_ =	shalt  }
0x57: {  	_ =	shalt  }
0x58: {  	_ =	shalt  }
0x59: {  	_ =	shalt  }
0x5a: {  	_ =	shalt  }
0x5b: {  	_ =	shalt  }
0x5c: {  	_ =	shalt  }
0x5d: {  	_ =	shalt  }
0x5e: {  	_ =	shalt  }
0x5f: {  	_ =	shalt  }
0x60: {  	_ =	shalt  }
0x61: {  	_ =	shalt  }
0x62: {  	_ =	shalt  }
0x63: {  	_ =	shalt  }
0x64: {  	_ =	shalt  }
0x65: {  	_ =	shalt  }
0x66: {  	_ =	shalt  }
0x67: {  	_ =	shalt  }
0x68: {  	_ =	shalt  }
0x69: {  	_ =	shalt  }
0x6a: {  	_ =	shalt  }
0x6b: {  	_ =	shalt  }
0x6c: {  	_ =	shalt  }
0x6d: {  	_ =	shalt  }
0x6e: {  	_ =	shalt  }
0x6f: {  	_ =	shalt  }
0x70: {  	_ =	shalt  }
0x71: {  	_ =	shalt  }
0x72: {  	_ =	shalt  }
0x73: {  	_ =	shalt  }
0x74: {  	_ =	shalt  }
0x75: {  	_ =	shalt  }
0x76: {  	_ =	shalt  }
0x77: {  	_ =	shalt  }
0x78: {  	_ =	shalt  }
0x79: {  	_ =	shalt  }
0x7a: {  	_ =	shalt  }
0x7b: {  	_ =	shalt  }
0x7c: {  	_ =	shalt  }
0x7d: {  	_ =	shalt  }
0x7e: {  	_ =	shalt  }
0x7f: {  	_ =	shalt  }
0x80: {  	_ =	shalt  }
0x81: {  	_ =	shalt  }
0x82: {  	_ =	shalt  }
0x83: {  	_ =	shalt  }
0x84: {  	_ =	shalt  }
0x85: {  	_ =	shalt  }
0x86: {  	_ =	shalt  }
0x87: {  	_ =	shalt  }
.Lfunc_end0:
.L_simem_size_0:
called_computation_lowered:
.L_overlay_start_0:
0x88: {  	s2 =	sld [smem:$0x3FD9]  }
0x89: {  	s3 =	sld [smem:$0x3FFE];
	_ =	sdelay $0x1  }
0x8a: {  	s1 =	srdreg.scid  }
0x8b: {  	s0 =	sand.u32 $0x1, s1  }
0x8c: {  	s16 =	sshll.u32 s0, $0xA;
	s2 =	sadd.s32 s3, s2  }
0x8d: {  	s2 =	sadd.s32 s2, s16  }
0x8e: {  	[smem:$0x3FB1] =	sst s2  }
0x8f: {  	_ = 	snop  }
0x90: {  	(tm) =	ssettm $0x1  }
0x91: {  	s17 =	sld [smem:$0x3FFB];
	_ =	sdelay $0x3  }
0x92: {  	_ =	strace s17  }
0x93: {  	s2 =	sld [smem:$0x3FFC];
	_ =	sdelay $0x3  }
0x94: {  	_ =	strace s2  }
0x95: {  	s2 =	sld [smem:$0x3FFD];
	_ =	sdelay $0x3  }
0x96: {  	_ =	strace s2  }
0x97: {  	_ =	strace $0x8FFFFFFF  }
0x98: {  	s18 =	sld [smem:$0x3FDB];
	_ =	sdelay $0x1  }
0x99: {  	s19 =	simm.s32 $_scs_section_size  }
0x9a: {  	s4 =	simm.s32 $_size__tile_overlayer_lowered;
	s5 =	simm.s32 $_tile_overlayer_lowered  }
0x9b: {  	s22 =	simm.s32 $0x1BFF;
	s21 =	sshll.u32 s5, $0x1;
	s2 =	sadd.s32 s19, s18  }
0x9c: {  	s6 =	simm.s32 $0x0;
	s20 =	sshll.u32 s4, $0x1;
	s4 =	sadd.s32 s21, s2  }
0x9d: {  	[timem:s6], [sflag:s22] =	dma.local [hbm:s4], s20  }
0x9e: {  	_ =	swait.ge [sflag:s22], s20  }
0x9f: {  	s3 =	ssub.s32 $0x0, s20;
	[sflag:s22] =	ssyncset.done $0x0  }
0xa0: {  	[sflag:s22] =	ssyncadd.s32 s3;
	_ =	sdelay $0x1  }
0xa1: {  	s23 =	simm.s32 $0x1B8B  }
0xa2: {  	_ =	swait.ge [sflag:s23], $0x1  }
0xa3: {  	[sflag:s23] =	ssyncset.done $0x0  }
0xa4: {  	s25 =	simm.s32 $0x1B8E;
	s24 =	sld [smem:$0x3FFE];
	[sflag:s23] =	ssyncadd.s32 $0xFFFFFFFF  }
0xa5: {  	s26 =	simm.s32 $execute0_lowered;
	[smem:$0x3FD2] =	sst s25  }
0xa6: {  	s4 =	sshll.u32 s26, $0x1;
	_ =	strace $0x80000046;
	[dreg:$0x1] =	wrdreg $0xFFFFFFFF  }
0xa7: {  	s28 =	simm.s32 $_size_execute0_lowered;
	s2 =	sadd.s32 s2, s4;
	[dreg:$0x0] =	wrdreg $0x0  }
0xa8: {  	s4 =	sshll.u32 s28, $0x1;
	[dreg:$0x2] =	wrdreg s2  }
0xa9: {  	[dreg:$0x3] =	wrdreg s4  }
0xaa: {  	[dreg:$0x4] =	wrdreg $0xC0  }
0xab: {  	_ =	task [dreg:s6], $0x5FFFF  }
0xac: {  	[dreg:$0x1] =	wrdreg $0xFFFFFFFF  }
0xad: {  	[dreg:$0x0] =	wrdreg $0x60  }
0xae: {  	[dreg:$0x2] =	wrdreg s24  }
0xaf: {  	[dreg:$0x3] =	wrdreg $0x92000  }
0xb0: {  	[dreg:$0x4] =	wrdreg $0x9  }
0xb1: {  	_ =	task.clear_ibuf [dreg:s6], $0x5FFFF;
	_ =	strace $0x90000046  }
0xb2: {  	s29 =	simm.s32 $0x9;
	_ =	strace $0x80000048  }
0xb3: {  	_ =	swait.ge [sflag:s29], $0x1  }
0xb4: {  	[sflag:s29] =	ssyncadd.s32 $0xFFFFFFFF  }
0xb5: {  	_ =	strace $0x90000048  }
0xb6: {  	_ =	sfence  }
0xb7: {  	s30 =	sld [smem:$0x0];
	_ =	sdelay $0x2  }
0xb8: {  	s31 =	sshll.u32 s1, $0xD;
	s1 =	sshrl.u32 s1, $0x2  }
0xb9: {  	s3 =	sand.u32 $0x4000, s31;
	s1 =	sadd.s32 s1, s30  }
0xba: {  	s0 =	sor.u32 s3, s0;
	s1 =	sshll.u32 s1, $0x11  }
0xbb: {  	s0 =	sor.u32 s1, s0  }
0xbc: {  	s0 =	sadd.s32 $0x8F2B, s0  }
0xbd: {  	[sflag:s0] =	ssyncadd.remote.s32 $0x1  }
0xbe: {  	_ =	sfence.sel $0xFFFF  }
0xbf: {  	[dreg:$0x0] =	wrdreg $0xFFFFFFFF;
	(pc) =	sbr.abs _section_cstart, $3  }
0xc0: {  	[dreg:$0x1] =	wrdreg $0xFFFFFFFF  }
0xc1: {  	_ =	task.clear_ibuf [dreg:s6], $0x2FFFF;
	_ =	strace $0x9FFFFFFF  }
0xc2: {  	(tm) =	ssettm $0x7FFFFFFF  }
0xc3: {  	_ =	shalt  }
tec
execute0_lowered:
.L_overlay_start_1:
0x0: {  	(tag) =	ssettag $0x1  }
0x1: {  	s5 =	rddreg [dreg:$0x0]  }
0x2: {  	s2 =	rddreg [dreg:$0x1]  }
0x3: {  	s0 =	rddreg [dreg:$0x2];
	s4 =	srdreg.scid  }
0x4: {  	s1 =	stileid.u32;
	s3 =	simm.s32 $0x0;
	s17 =	simm.s32 $0x50  }
0x5: {  	s18 =	simm.s32 $0x200;
	s19 =	simm.s32 $0x100;
	s20 =	simm.s32 $0x1  }
0x6: {  	s21 =	simm.s32 $0x2A00;
	s22 =	simm.s32 $0x80;
	s6 =	smul.u32 $0x2800, s1  }
0x7: {  	s23 =	simm.s32 $0x4;
	s24 =	simm.s32 $0x2;
	s9 =	smul.u32 $0x50000, s1  }
0x8: {  	s25 =	simm.s32 $0x180;
	s26 =	simm.s32 $0x0;
	s11 =	smul.u32 $0x7E, s1  }
0x9: {  	s8 =	sand.u32 $0x1, s4;
	[smem:$0x7FF] =	sst s3;
	s16 =	smul.u32 $0xFC0, s1  }
0xa: {  	s4 =	sadd.s32 $0x4E00, s5;
	s12 =	sadd.s32 $0x53000, s5;
	s7 =	smul.u32 $0x28000, s8  }
0xb: {  	_ =	strace $0x80000047;
	s29 =	smul.u32 $0x7E0, s8;
	s10 =	ssub.s32 $0x2, s8  }
0xc: {  	s15 =	smul.u32 $0xFC00, s8;
	s9 =	sshrl.u32 s9, $0x2;
	s30 =	sshrl.u32 s10, $0x1  }
0xd: {  	s6 =	sadd.s32 s6, s7;
	s14 =	ssub.s32 s10, s30;
	s31 =	sadd.s32 s11, s29  }
0xe: {  	s15 =	sadd.s32 s15, s12;
	s13 =	sadd.s32 s6, s5;
	s5 =	sadd.s32 s9, s2  }
0xf: {  	s9 =	sshll.u32 s31, $0x5;
	s6 =	sadd.s32 $0x4000, s5;
	s7 =	sadd.s32 $0x8000, s5  }
0x10: {  	s8 =	sadd.s32 $0xC000, s5;
	s9 =	sadd.s32 s12, s9;
	s10 =	sadd.s32 $0x10000, s5  }
0x11: {  	s12 =	sadd.s32 $0x72800, s13;
	s13 =	smax.u32 s14, $0x1;
	s14 =	sadd.s32 s16, s15  }
0x12: {  	v0 =	vimm.f32 $0.0e+00;
	s15 =	simm.s32 $0x5200;
	s16 =	simm.s32 $0x3;
	s11 =	sadd.s32 $0x20, s9  }
.LBB2_1:
0x13: {  	s28 =	simm.s32 $0x0;
	s29 =	simm.s32 $0x200  }
.LBB2_2:
0x14: {  	p0 =	sne.s32 s29, $0xFE00;
	[tilespmem:s28+$0x5270] =	vst v0  }
0x15: {  	[tilespmem:s28+$0x5200] =	vst v0  }
0x16: {  	[tilespmem:s28+$0x5210] =	vst v0  }
.Ltmp0:
0x17: {  	[tilespmem:s28+$0x5220] =	vst v0;
	(pc) =	sbr.rel @p0 .LBB2_2-.Ltmp0, $4  }
0x18: {  	[tilespmem:s28+$0x5230] =	vst v0  }
0x19: {  	[tilespmem:s28+$0x5240] =	vst v0  }
0x1a: {  	[tilespmem:s28+$0x5250] =	vst v0  }
0x1b: {  	[tilespmem:s28+$0x5260] =	vst v0;
	s28 =	sshra.s32 s29, $0x2;
	s29 =	sadd.s32 $0x200, s29  }
0x1c: {  	[tilespmem:s28+$0x5270] =	vst v0  }
0x1d: {  	[tilespmem:s28+$0x5200] =	vst v0  }
0x1e: {  	[tilespmem:s28+$0x5210] =	vst v0  }
0x1f: {  	[tilespmem:s28+$0x5220] =	vst v0  }
0x20: {  	[tilespmem:s28+$0x5230] =	vst v0  }
0x21: {  	[tilespmem:s28+$0x5240] =	vst v0  }
0x22: {  	[tilespmem:s28+$0x5250] =	vst v0  }
0x23: {  	[tilespmem:s28+$0x5260] =	vst v0  }
0x24: {  	[spmem:s5] =	stream.linear.scatter [tilespmem:s15], [sflag:$0x3], $0x4000, $0x38;
	[tilespmem:$0x1D200] =	vst v63  }
0x25: {  	_ =	swait.ge [sflag:s16], $0x4000  }
0x26: {  	[sflag:s16] =	ssyncset.done $0x0  }
0x27: {  	[sflag:s16] =	ssyncadd.s32 $0xFFFFC000  }
0x28: {  	[spmem:s6] =	stream.linear.scatter [tilespmem:s15], [sflag:$0x3], $0x4000, $0x38;
	[tilespmem:$0x1D200] =	vst v63  }
0x29: {  	_ =	swait.ge [sflag:s16], $0x4000  }
0x2a: {  	[sflag:s16] =	ssyncset.done $0x0  }
0x2b: {  	[sflag:s16] =	ssyncadd.s32 $0xFFFFC000  }
0x2c: {  	[spmem:s7] =	stream.linear.scatter [tilespmem:s15], [sflag:$0x3], $0x4000, $0x38;
	[tilespmem:$0x1D200] =	vst v63  }
0x2d: {  	_ =	swait.ge [sflag:s16], $0x4000  }
0x2e: {  	[sflag:s16] =	ssyncset.done $0x0  }
0x2f: {  	[sflag:s16] =	ssyncadd.s32 $0xFFFFC000  }
0x30: {  	[spmem:s8] =	stream.linear.scatter [tilespmem:s15], [sflag:$0x3], $0x4000, $0x38;
	[tilespmem:$0x1D200] =	vst v63  }
0x31: {  	_ =	swait.ge [sflag:s16], $0x4000  }
0x32: {  	[sflag:s16] =	ssyncset.done $0x0  }
0x33: {  	[sflag:s16] =	ssyncadd.s32 $0xFFFFC000  }
0x34: {  	[spmem:s10] =	stream.linear.scatter [tilespmem:s15], [sflag:$0x3], $0x4000, $0x38;
	[tilespmem:$0x1D200] =	vst v63  }
0x35: {  	_ =	swait.ge [sflag:s16], $0x4000  }
0x36: {  	[sflag:s16] =	ssyncset.done $0x0  }
0x37: {  	[sflag:s16] =	ssyncadd.s32 $0xFFFFC000  }
0x38: {  	[tilespmem:s3], [sflag:$0x3] =	stream.linear.gather [hbm4b:s9+s3], $0x100, $0x38;
	[tilespmem:$0x1D200] =	vst v63  }
0x39: {  	_ =	swait.ge [sflag:s16], $0x100  }
0x3a: {  	[sflag:s16] =	ssyncset.done $0x0  }
0x3b: {  	[sflag:s16] =	ssyncadd.s32 $0xFFFFFF00  }
0x3c: {  	[tilespmem:s18], [sflag:$0x1] =	stream.indirect.gather [hbm4b:s4+s17], $0x80, s3, s17, $0xb8;
	[tilespmem:$0x1D200] =	vst v63  }
0x3d: {  	_ = 	snop  }
0x3e: {  	[tilespmem:s19], [sflag:$0x3] =	stream.linear.gather [hbm4b:s11+s3], $0x100, $0x38;
	[tilespmem:$0x1D200] =	vst v63  }
0x3f: {  	_ =	swait.ge [sflag:s16], $0x100  }
0x40: {  	[sflag:s16] =	ssyncset.done $0x0  }
0x41: {  	[sflag:s16] =	ssyncadd.s32 $0xFFFFFF00  }
0x42: {  	[bflag:$0x0] =	sbarrier.arrive $0xFFFF  }
0x43: {  	_ =	swait.ge [sflag:s20], $0x2800  }
0x44: {  	[sflag:s20] =	ssyncset.done $0x0  }
0x45: {  	[sflag:s20] =	ssyncadd.s32 $0xFFFFD800  }
0x46: {  	[tilespmem:s21], [sflag:$0x2] =	stream.indirect.gather [hbm4b:s4+s17], $0x80, s19, s17, $0xb8;
	[tilespmem:$0x1D200] =	vst v63  }
0x47: {  	_ = 	snop  }
0x48: {  	[spmem:s2] =	stream.indirect.scatter.add.f32 [tilespmem:s18], [sflag:$0x4], $0x80, s22, s17, $0xb8;
	[tilespmem:$0x1D200] =	vst v63  }
0x49: {  	_ =	swait.ge [sflag:s23], $0x2800  }
0x4a: {  	s28 =	sadd.s32 $0xFFFFF080, s14;
	[sflag:s23] =	ssyncset.done $0x0  }
0x4b: {  	s29 =	sadd.s32 $0xFC0, s28;
	[sflag:s23] =	ssyncadd.s32 $0xFFFFD800  }
0x4c: {  	[tilespmem:s3], [sflag:$0x4] =	stream.linear.gather [hbm4b:s29+s3], $0x100, $0x38;
	[tilespmem:$0x1D200] =	vst v63  }
0x4d: {  	_ =	swait.ge [sflag:s23], $0x100  }
0x4e: {  	[sflag:s23] =	ssyncset.done $0x0  }
0x4f: {  	[sflag:s23] =	ssyncadd.s32 $0xFFFFFF00  }
0x50: {  	_ =	swait.ge [sflag:s24], $0x2800  }
0x51: {  	[sflag:s24] =	ssyncset.done $0x0  }
0x52: {  	[sflag:s24] =	ssyncadd.s32 $0xFFFFD800  }
0x53: {  	[tilespmem:s18], [sflag:$0x1] =	stream.indirect.gather [hbm4b:s4+s17], $0x80, s3, s17, $0xb8;
	[tilespmem:$0x1D200] =	vst v63  }
0x54: {  	_ = 	snop  }
0x55: {  	[spmem:s2] =	stream.indirect.scatter.add.f32 [tilespmem:s21], [sflag:$0x4], $0x80, s25, s17, $0xb8;
	[tilespmem:$0x1D200] =	vst v63  }
0x56: {  	_ =	swait.ge [sflag:s23], $0x2800  }
0x57: {  	[sflag:s23] =	ssyncset.done $0x0  }
0x58: {  	s28 =	sadd.s32 $0xFE0, s28;
	[sflag:s23] =	ssyncadd.s32 $0xFFFFD800  }
0x59: {  	[tilespmem:s19], [sflag:$0x3] =	stream.linear.gather [hbm4b:s28+s3], $0x100, $0x38;
	[tilespmem:$0x1D200] =	vst v63  }
0x5a: {  	_ =	swait.ge [sflag:s16], $0x100  }
0x5b: {  	s28 =	simm.s32 $0xFFFFF0C0;
	[sflag:s16] =	ssyncset.done $0x0  }
.LBB2_4:
0x5c: {  	p0 =	sne.s32 s28, $0xFFFFFFC0  }
0x5d: {  	[sflag:s16] =	ssyncadd.s32 $0xFFFFFF00;
	s29 =	smov.u32 s28;
	s28 =	sadd.s32 $0x40, s28  }
0x5e: {  	_ =	swait.ge [sflag:s20], $0x2800  }
0x5f: {  	[sflag:s20] =	ssyncset.done $0x0  }
0x60: {  	[sflag:s20] =	ssyncadd.s32 $0xFFFFD800  }
0x61: {  	[tilespmem:s21], [sflag:$0x2] =	stream.indirect.gather [hbm4b:s4+s17], $0x80, s19, s17, $0xb8;
	[tilespmem:$0x1D200] =	vst v63  }
0x62: {  	_ = 	snop  }
0x63: {  	[spmem:s2] =	stream.indirect.scatter.add.f32 [tilespmem:s18], [sflag:$0x4], $0x80, s22, s17, $0xb8;
	[tilespmem:$0x1D200] =	vst v63  }
0x64: {  	_ =	swait.ge [sflag:s23], $0x2800  }
0x65: {  	s29 =	sadd.s32 s29, s14;
	[sflag:s23] =	ssyncset.done $0x0  }
0x66: {  	s30 =	sadd.s32 $0xFC0, s29;
	[sflag:s23] =	ssyncadd.s32 $0xFFFFD800  }
0x67: {  	[tilespmem:s3], [sflag:$0x4] =	stream.linear.gather [hbm4b:s30+s3], $0x100, $0x38;
	[tilespmem:$0x1D200] =	vst v63  }
0x68: {  	_ =	swait.ge [sflag:s23], $0x100  }
0x69: {  	[sflag:s23] =	ssyncset.done $0x0  }
0x6a: {  	[sflag:s23] =	ssyncadd.s32 $0xFFFFFF00  }
0x6b: {  	_ =	swait.ge [sflag:s24], $0x2800  }
0x6c: {  	[sflag:s24] =	ssyncset.done $0x0  }
0x6d: {  	[sflag:s24] =	ssyncadd.s32 $0xFFFFD800  }
0x6e: {  	[tilespmem:s18], [sflag:$0x1] =	stream.indirect.gather [hbm4b:s4+s17], $0x80, s3, s17, $0xb8;
	[tilespmem:$0x1D200] =	vst v63  }
0x6f: {  	_ = 	snop  }
0x70: {  	[spmem:s2] =	stream.indirect.scatter.add.f32 [tilespmem:s21], [sflag:$0x4], $0x80, s25, s17, $0xb8;
	[tilespmem:$0x1D200] =	vst v63  }
0x71: {  	_ =	swait.ge [sflag:s23], $0x2800  }
.Ltmp1:
0x72: {  	[sflag:s23] =	ssyncset.done $0x0;
	(pc) =	sbr.rel @p0 .LBB2_4-.Ltmp1, $4  }
0x73: {  	s29 =	sadd.s32 $0xFE0, s29;
	[sflag:s23] =	ssyncadd.s32 $0xFFFFD800  }
0x74: {  	[tilespmem:s19], [sflag:$0x3] =	stream.linear.gather [hbm4b:s29+s3], $0x100, $0x38;
	[tilespmem:$0x1D200] =	vst v63  }
0x75: {  	_ =	swait.ge [sflag:s16], $0x100  }
0x76: {  	[sflag:s16] =	ssyncset.done $0x0  }
0x77: {  	[sflag:s16] =	ssyncadd.s32 $0xFFFFFF00  }
0x78: {  	_ =	swait.ge [sflag:s20], $0x2800  }
0x79: {  	[sflag:s20] =	ssyncset.done $0x0  }
0x7a: {  	[sflag:s20] =	ssyncadd.s32 $0xFFFFD800  }
0x7b: {  	[tilespmem:s21], [sflag:$0x2] =	stream.indirect.gather [hbm4b:s4+s17], $0x80, s19, s17, $0xb8;
	[tilespmem:$0x1D200] =	vst v63  }
0x7c: {  	_ = 	snop  }
0x7d: {  	[spmem:s2] =	stream.indirect.scatter.add.f32 [tilespmem:s18], [sflag:$0x4], $0x80, s22, s17, $0xb8;
	[tilespmem:$0x1D200] =	vst v63  }
0x7e: {  	_ =	swait.ge [sflag:s23], $0x2800  }
0x7f: {  	[sflag:s23] =	ssyncset.done $0x0  }
0x80: {  	[sflag:s23] =	ssyncadd.s32 $0xFFFFD800  }
0x81: {  	_ =	swait.ge [sflag:s24], $0x2800  }
0x82: {  	[sflag:s24] =	ssyncset.done $0x0  }
0x83: {  	[sflag:s24] =	ssyncadd.s32 $0xFFFFD800  }
0x84: {  	[spmem:s2] =	stream.indirect.scatter.add.f32 [tilespmem:s21], [sflag:$0x4], $0x80, s25, s17, $0xb8;
	[tilespmem:$0x1D200] =	vst v63  }
0x85: {  	_ =	swait.ge [sflag:s23], $0x2800  }
0x86: {  	s28 =	sshll.u32 s1, $0x6;
	s26 =	sadd.s32 $0x1, s26;
	[sflag:s23] =	ssyncset.done $0x0  }
0x87: {  	s29 =	sshrl.u32 s5, $0x3;
	p0 =	sne.s32 s26, s13;
	[sflag:s23] =	ssyncadd.s32 $0xFFFFD800  }
.Ltmp2:
0x88: {  	s28 =	sor.u32 $0x1C03, s28;
	[bflag:$0x0] =	sbarrier.arrive $0xFFFF;
	(pc) =	sbr.rel @p0 .LBB2_1-.Ltmp2, $4  }
0x89: {  	[hbm:s12], [sflag:s28] =	dma.local [spmem:s29], $0x2800  }
0x8a: {  	_ =	swait.ge [sflag:s16], $0x2800  }
0x8b: {  	[sflag:s16] =	ssyncset.done $0x0  }
0x8c: {  	[sflag:s16] =	ssyncadd.s32 $0xFFFFD800  }
0x8d: {  	_ =	sfence.sel $0x180000  }
0x8e: {  	[bflag:$0x0] =	sbarrier.arrive $0xFFFF  }
0x8f: {  	p0 =	sne.s32 s1, $0x0;
	_ =	strace $0x90000047  }
0x90: {  	s0 =	sadd.s32 @!p0 $0x100000, s0;
	[bflag:$0x2] =	sbarrier.arrive $0xFFFF  }
0x91: {  	[sflag:s0] =	ssyncadd.tile.s32 @!p0 $0x1;
	_ =	shalt  }
.Lfunc_end2:
_tile_overlayer_lowered:
.L_overlay_start_2:
0x92: {  	(tag) =	ssettag $0x2  }
0x93: {  	s0 =	rddreg [dreg:$0x0];
	s2 =	stileid.u32  }
0x94: {  	s1 =	rddreg [dreg:$0x1];
	p0 =	sne.s32 s2, $0x0  }
0x95: {  	s3 =	rddreg [dreg:$0x2];
	[bflag:$0x3] =	sbarrier.arrive $0xFFFF;
	s2 =	simm.s32 @!p0 $0x1C03  }
0x96: {  	[timem:s3], [sflag:s2] =	dma.local @!p0 [hbm:s0], s1  }
0x97: {  	s0 =	simm.s32 @!p0 $0x3  }
0x98: {  	_ =	swait.ge @!p0 [sflag:s0], s1  }
0x99: {  	s1 =	ssub.s32 @!p0 $0x0, s1;
	[sflag:s0] =	ssyncset.done @!p0 $0x0  }
0x9a: {  	[sflag:s0] =	ssyncadd.s32 @!p0 s1  }
0x9b: {  	[bflag:$0x3] =	sbarrier.arrive $0xFFFF  }
0x9c: {  	_ =	shalt  }

// kernel: kernel.14.cloned.1.call-start
scs
__scs_entry_jumppad:
0x0: {  	(pc) =	sbr.rel $0x88, $3  }
0x1: {  	(tag) =	ssettag $0x0;
	lr =	simm.s32 $0x1  }
0x2: {  	[smem:$0x3F8A] =	sst lr;
	_ =	strace $0xD0000000  }
0x3: {  	_ = 	snop  }
0x4: {  	_ = 	snop  }
0x5: {  	_ = 	snop  }
0x6: {  	_ = 	snop  }
0x7: {  	_ = 	snop  }
__scs_overlays_trampoline_lowered:
0x8: {  	[smem:$0x3F99] =	sst s0  }
0x9: {  	[smem:$0x3F9A] =	sst s1  }
0xa: {  	[smem:$0x3F9B] =	sst s2  }
0xb: {  	[smem:$0x3F9C] =	sst s3  }
0xc: {  	[smem:$0x3F9D] =	sst s4  }
0xd: {  	[smem:$0x3F9E] =	sst s5  }
0xe: {  	[smem:$0x3F9F] =	sst s6  }
0xf: {  	[smem:$0x3FA0] =	sst s7  }
0x10: {  	[smem:$0x3FA1] =	sst s8  }
0x11: {  	[smem:$0x3FA2] =	sst s9;
	s0 =	simm.s32 @!p0 $0x0  }
0x12: {  	s1 =	sld [smem:$0x3F88];
	s0 =	simm.s32 @p0 $0x1  }
0x13: {  	[smem:$0x3FA3] =	sst s0;
	s0 =	simm.s32 @!p1 $0x0  }
0x14: {  	s2 =	sld [smem:$0x3F87];
	s0 =	simm.s32 @p1 $0x1  }
0x15: {  	[smem:$0x3FA4] =	sst s0;
	s0 =	simm.s32 @!p2 $0x0  }
0x16: {  	s3 =	sld [smem:$0x3FDB];
	s0 =	simm.s32 @p2 $0x1  }
0x17: {  	s4 =	simm.s32 $0x1BF5;
	[smem:$0x3FA6] =	sst s0  }
0x18: {  	s0 =	sld [smem:$0x3F89];
	_ =	swait.ge [sflag:s4], $0x0  }
0x19: {  	s7 =	sld [smem:$0x3F8A]  }
0x1a: {  	s8 =	sadd.s32 $0xFFFFE003, lr  }
0x1b: {  	s9 =	sadd.s32 $0xFFFFFEF7, lr;
	s5 =	simm.s32 $0xFFFFFFFF;
	p2 =	slt.u32 s8, $0xFFFFF086  }
0x1c: {  	p1 =	slt.u32 s9, $0xF7A;
	s5 =	simm.s32 @!p2 $0x0  }
0x1d: {  	s5 =	simm.s32 @p1 $0x1;
	p0 =	seq.s32 s7, s2  }
0x1e: {  	s7 =	smul.u32 @!p0 $0xF7A, s2;
	p2 =	seq.s32 @!p0 s5, $0x0  }
0x1f: {  	s9 =	smul.u32 $0xF7A, s1;
	s8 =	simm.s32 @!p0 $0x1BF5;
	p2 =	por !p2, p0  }
0x20: {  	[sflag:s8] =	ssyncset.s32 @!p0 $0xFFFFF086;
	s6 =	sadd.s32 @!p0 s3, s7;
	s7 =	simm.s32 @!p0 $0x108  }
0x21: {  	s3 =	sadd.s32 s3, s9;
	s6 =	sadd.s32 @!p0 $0x88, s6;
	s7 =	simm.s32 @p2 $0x1082  }
0x22: {  	[simem:s7], [sflag:s8] =	dma.local @!p0 [hbm:s6], $0xF7A  }
0x23: {  	s9 =	sor.u32 $0xD0000000, s2;
	s6 =	simm.s32 $0x108;
	_ =	swait.ge @!p0 [sflag:s8], $0x0  }
0x24: {  	s3 =	sadd.s32 $0x88, s3;
	s6 =	simm.s32 @!p1 $0x1082;
	[sflag:s4] =	ssyncset.s32 $0xFFFFF086  }
0x25: {  	[simem:s6], [sflag:s4] =	dma.local [hbm:s3], $0xF7A  }
0x26: {  	[smem:$0x3F8A] =	sst s1;
	(tag) =	ssettag s2;
	_ =	strace s9  }
0x27: {  	s1 =	sld [smem:$0x3F9A]  }
0x28: {  	s2 =	sld [smem:$0x3F9B]  }
0x29: {  	s4 =	sld [smem:$0x3F9D]  }
0x2a: {  	p0 =	seq.s32 s5, $0x0;
	s5 =	sld [smem:$0x3F9E]  }
0x2b: {  	s6 =	sld [smem:$0x3F9F]  }
0x2c: {  	s7 =	sld [smem:$0x3FA0]  }
0x2d: {  	s3 =	simm.s32 $0x108;
	s8 =	sld [smem:$0x3FA1]  }
0x2e: {  	s3 =	simm.s32 @!p0 $0x1082;
	s9 =	sld [smem:$0x3FA2]  }
0x2f: {  	lr =	sadd.s32 s0, s3;
	s0 =	sld [smem:$0x3F99]  }
0x30: {  	s3 =	sld [smem:$0x3F9C]  }
0x31: {  	[smem:$0x3FA5] =	sst s10  }
0x32: {  	s10 =	sld [smem:$0x3FA3];
	_ =	sdelay $0x3  }
0x33: {  	p0 =	seq.s32 s10, $0x1;
	s10 =	sld [smem:$0x3FA5];
	_ =	sdelay $0x3  }
0x34: {  	[smem:$0x3FA5] =	sst s10  }
0x35: {  	s10 =	sld [smem:$0x3FA4];
	_ =	sdelay $0x3  }
0x36: {  	p1 =	seq.s32 s10, $0x1;
	s10 =	sld [smem:$0x3FA5];
	_ =	sdelay $0x3  }
0x37: {  	[smem:$0x3FA5] =	sst s10  }
0x38: {  	s10 =	sld [smem:$0x3FA6]  }
0x39: {  	_ = 	snop;
	(pc) =	sbr.ind lr, $3  }
0x3a: {  	_ = 	snop  }
0x3b: {  	_ = 	snop  }
0x3c: {  	p2 =	seq.s32 s10, $0x1;
	s10 =	sld [smem:$0x3FA5]  }
0x3d: {  	_ =	shalt  }
0x3e: {  	_ =	shalt  }
0x3f: {  	_ =	shalt  }
0x40: {  	_ =	shalt  }
0x41: {  	_ =	shalt  }
0x42: {  	_ =	shalt  }
0x43: {  	_ =	shalt  }
0x44: {  	_ =	shalt  }
0x45: {  	_ =	shalt  }
0x46: {  	_ =	shalt  }
0x47: {  	_ =	shalt  }
0x48: {  	_ =	shalt  }
0x49: {  	_ =	shalt  }
0x4a: {  	_ =	shalt  }
0x4b: {  	_ =	shalt  }
0x4c: {  	_ =	shalt  }
0x4d: {  	_ =	shalt  }
0x4e: {  	_ =	shalt  }
0x4f: {  	_ =	shalt  }
0x50: {  	_ =	shalt  }
0x51: {  	_ =	shalt  }
0x52: {  	_ =	shalt  }
0x53: {  	_ =	shalt  }
0x54: {  	_ =	shalt  }
0x55: {  	_ =	shalt  }
0x56: {  	_ =	shalt  }
0x57: {  	_ =	shalt  }
0x58: {  	_ =	shalt  }
0x59: {  	_ =	shalt  }
0x5a: {  	_ =	shalt  }
0x5b: {  	_ =	shalt  }
0x5c: {  	_ =	shalt  }
0x5d: {  	_ =	shalt  }
0x5e: {  	_ =	shalt  }
0x5f: {  	_ =	shalt  }
0x60: {  	_ =	shalt  }
0x61: {  	_ =	shalt  }
0x62: {  	_ =	shalt  }
0x63: {  	_ =	shalt  }
0x64: {  	_ =	shalt  }
0x65: {  	_ =	shalt  }
0x66: {  	_ =	shalt  }
0x67: {  	_ =	shalt  }
0x68: {  	_ =	shalt  }
0x69: {  	_ =	shalt  }
0x6a: {  	_ =	shalt  }
0x6b: {  	_ =	shalt  }
0x6c: {  	_ =	shalt  }
0x6d: {  	_ =	shalt  }
0x6e: {  	_ =	shalt  }
0x6f: {  	_ =	shalt  }
0x70: {  	_ =	shalt  }
0x71: {  	_ =	shalt  }
0x72: {  	_ =	shalt  }
0x73: {  	_ =	shalt  }
0x74: {  	_ =	shalt  }
0x75: {  	_ =	shalt  }
0x76: {  	_ =	shalt  }
0x77: {  	_ =	shalt  }
0x78: {  	_ =	shalt  }
0x79: {  	_ =	shalt  }
0x7a: {  	_ =	shalt  }
0x7b: {  	_ =	shalt  }
0x7c: {  	_ =	shalt  }
0x7d: {  	_ =	shalt  }
0x7e: {  	_ =	shalt  }
0x7f: {  	_ =	shalt  }
0x80: {  	_ =	shalt  }
0x81: {  	_ =	shalt  }
0x82: {  	_ =	shalt  }
0x83: {  	_ =	shalt  }
0x84: {  	_ =	shalt  }
0x85: {  	_ =	shalt  }
0x86: {  	_ =	shalt  }
0x87: {  	_ =	shalt  }
.Lfunc_end0:
.L_simem_size_0:
called_computation.1_lowered:
.L_overlay_start_0:
0x88: {  	s2 =	sld [smem:$0x3FD9]  }
0x89: {  	s3 =	sld [smem:$0x3FFE];
	_ =	sdelay $0x1  }
0x8a: {  	s1 =	srdreg.scid  }
0x8b: {  	s0 =	sand.u32 $0x1, s1  }
0x8c: {  	s16 =	sshll.u32 s0, $0xA;
	s2 =	sadd.s32 s3, s2  }
0x8d: {  	s2 =	sadd.s32 s2, s16  }
0x8e: {  	[smem:$0x3FB1] =	sst s2  }
0x8f: {  	_ = 	snop  }
0x90: {  	(tm) =	ssettm $0x1  }
0x91: {  	s17 =	sld [smem:$0x3FFB];
	_ =	sdelay $0x3  }
0x92: {  	_ =	strace s17  }
0x93: {  	s2 =	sld [smem:$0x3FFC];
	_ =	sdelay $0x3  }
0x94: {  	_ =	strace s2  }
0x95: {  	s2 =	sld [smem:$0x3FFD];
	_ =	sdelay $0x3  }
0x96: {  	_ =	strace s2  }
0x97: {  	_ =	strace $0x8FFFFFFF  }
0x98: {  	s18 =	sld [smem:$0x3FDB];
	_ =	sdelay $0x1  }
0x99: {  	s19 =	simm.s32 $_scs_section_size  }
0x9a: {  	s4 =	simm.s32 $_size__tile_overlayer_lowered;
	s5 =	simm.s32 $_tile_overlayer_lowered  }
0x9b: {  	s22 =	simm.s32 $0x1BFF;
	s21 =	sshll.u32 s5, $0x1;
	s2 =	sadd.s32 s19, s18  }
0x9c: {  	s6 =	simm.s32 $0x0;
	s20 =	sshll.u32 s4, $0x1;
	s4 =	sadd.s32 s21, s2  }
0x9d: {  	[timem:s6], [sflag:s22] =	dma.local [hbm:s4], s20  }
0x9e: {  	_ =	swait.ge [sflag:s22], s20  }
0x9f: {  	s3 =	ssub.s32 $0x0, s20;
	[sflag:s22] =	ssyncset.done $0x0  }
0xa0: {  	[sflag:s22] =	ssyncadd.s32 s3;
	_ =	sdelay $0x1  }
0xa1: {  	s23 =	simm.s32 $0x1B8B  }
0xa2: {  	_ =	swait.ge [sflag:s23], $0x1  }
0xa3: {  	[sflag:s23] =	ssyncset.done $0x0  }
0xa4: {  	s25 =	simm.s32 $0x1B8E;
	s24 =	sld [smem:$0x3FFE];
	[sflag:s23] =	ssyncadd.s32 $0xFFFFFFFF  }
0xa5: {  	s26 =	simm.s32 $execute0_lowered;
	[smem:$0x3FD2] =	sst s25  }
0xa6: {  	s4 =	sshll.u32 s26, $0x1;
	_ =	strace $0x80000049;
	[dreg:$0x1] =	wrdreg $0xFFFFFFFF  }
0xa7: {  	s28 =	simm.s32 $_size_execute0_lowered;
	s2 =	sadd.s32 s2, s4;
	[dreg:$0x0] =	wrdreg $0x0  }
0xa8: {  	s4 =	sshll.u32 s28, $0x1;
	[dreg:$0x2] =	wrdreg s2  }
0xa9: {  	[dreg:$0x3] =	wrdreg s4  }
0xaa: {  	[dreg:$0x4] =	wrdreg $0xC0  }
0xab: {  	_ =	task [dreg:s6], $0x5FFFF  }
0xac: {  	[dreg:$0x1] =	wrdreg $0xFFFFFFFF  }
0xad: {  	[dreg:$0x0] =	wrdreg $0x60  }
0xae: {  	[dreg:$0x2] =	wrdreg s24  }
0xaf: {  	[dreg:$0x3] =	wrdreg $0x92000  }
0xb0: {  	[dreg:$0x4] =	wrdreg $0x9  }
0xb1: {  	_ =	task.clear_ibuf [dreg:s6], $0x5FFFF;
	_ =	strace $0x90000049  }
0xb2: {  	s29 =	simm.s32 $0x9;
	_ =	strace $0x8000004B  }
0xb3: {  	_ =	swait.ge [sflag:s29], $0x1  }
0xb4: {  	[sflag:s29] =	ssyncadd.s32 $0xFFFFFFFF  }
0xb5: {  	_ =	strace $0x9000004B  }
0xb6: {  	_ =	sfence  }
0xb7: {  	s30 =	sld [smem:$0x0];
	_ =	sdelay $0x2  }
0xb8: {  	s31 =	sshll.u32 s1, $0xD;
	s1 =	sshrl.u32 s1, $0x2  }
0xb9: {  	s3 =	sand.u32 $0x4000, s31;
	s1 =	sadd.s32 s1, s30  }
0xba: {  	s0 =	sor.u32 s3, s0;
	s1 =	sshll.u32 s1, $0x11  }
0xbb: {  	s0 =	sor.u32 s1, s0  }
0xbc: {  	s0 =	sadd.s32 $0x8F2B, s0  }
0xbd: {  	[sflag:s0] =	ssyncadd.remote.s32 $0x1  }
0xbe: {  	_ =	sfence.sel $0xFFFF  }
0xbf: {  	[dreg:$0x0] =	wrdreg $0xFFFFFFFF;
	(pc) =	sbr.abs _section_cstart, $3  }
0xc0: {  	[dreg:$0x1] =	wrdreg $0xFFFFFFFF  }
0xc1: {  	_ =	task.clear_ibuf [dreg:s6], $0x2FFFF;
	_ =	strace $0x9FFFFFFF  }
0xc2: {  	(tm) =	ssettm $0x7FFFFFFF  }
0xc3: {  	_ =	shalt  }
tec
execute0_lowered:
.L_overlay_start_1:
0x0: {  	(tag) =	ssettag $0x1  }
0x1: {  	s0 =	rddreg [dreg:$0x0]  }
0x2: {  	s1 =	rddreg [dreg:$0x1];
	s2 =	simm.s32 $0x0;
	s20 =	stileid.u32  }
0x3: {  	s3 =	srdreg.scid;
	s21 =	simm.s32 $0x3;
	s5 =	smul.u32 $0x50000, s20  }
0x4: {  	s28 =	simm.s32 $0x80;
	s29 =	simm.s32 $0x4;
	s14 =	smul.u32 $0x280, s20  }
0x5: {  	s30 =	simm.s32 $0x2;
	s31 =	simm.s32 $0x180;
	s11 =	smul.u32 $0x7E, s20  }
0x6: {  	[smem:$0x7FF] =	sst s2;
	s3 =	sand.u32 $0x1, s3;
	s25 =	smul.u32 $0xFC0, s20  }
0x7: {  	s4 =	sadd.s32 $0x4E00, s0;
	s12 =	sadd.s32 $0xC2800, s0;
	s9 =	smul.u32 $0xFC0, s3  }
0x8: {  	s13 =	sadd.s32 $0x101800, s0;
	s0 =	sadd.s32 $0xC2820, s0;
	s15 =	smul.u32 $0x5000, s3  }
0x9: {  	s6 =	ssub.s32 $0x2, s3;
	s17 =	sshllo.u32 s3, $0x1;
	s3 =	smul.u32 $0x1F800, s3  }
0xa: {  	s20 =	simm.s32 $0x5200;
	_ =	strace $0x8000004A;
	s19 =	smul.u32 $0x7E0, s17  }
0xb: {  	s7 =	sshrl.u32 s6, $0x1;
	s5 =	sshrl.u32 s5, $0x2;
	s17 =	smul.u32 $0x2800, s17  }
0xc: {  	s16 =	ssub.s32 s6, s7;
	s5 =	sadd.s32 s5, s1;
	s10 =	sadd.s32 s11, s9  }
0xd: {  	s15 =	sadd.s32 s14, s15;
	s26 =	sadd.s32 s3, s12;
	s6 =	sadd.s32 $0x4000, s5  }
0xe: {  	s7 =	sadd.s32 $0x8000, s5;
	s8 =	sadd.s32 $0xC000, s5;
	s9 =	sadd.s32 $0x10000, s5  }
0xf: {  	s18 =	sshll.u32 s10, $0x5;
	s15 =	sshll.u32 s15, $0x4;
	s19 =	sadd.s32 s11, s19  }
0x10: {  	s17 =	sadd.s32 s14, s17;
	s16 =	smax.u32 s16, $0x1;
	s10 =	sadd.s32 s12, s18  }
0x11: {  	s11 =	sadd.s32 s18, s0;
	s15 =	sadd.s32 s13, s15;
	s22 =	sshll.u32 s19, $0x5  }
0x12: {  	s24 =	sshll.u32 s17, $0x4;
	s17 =	sadd.s32 s25, s26;
	s25 =	simm.s32 $0x1  }
0x13: {  	s26 =	simm.s32 $0x2A00;
	[dreg:$0x3] =	wrdreg s15;
	s23 =	sadd.s32 s12, s22  }
0x14: {  	s0 =	sadd.s32 s22, s0;
	s18 =	sadd.s32 $0xFC40, s11;
	s15 =	smov.u32 s10  }
0x15: {  	s19 =	sadd.s32 $0xFC40, s10;
	s22 =	simm.s32 $0x50;
	[dreg:$0x4] =	wrdreg s23  }
0x16: {  	[dreg:$0x5] =	wrdreg s0;
	s0 =	sadd.s32 s13, s24;
	s23 =	simm.s32 $0x200  }
0x17: {  	v0 =	vimm.f32 $0.0e+00;
	s24 =	simm.s32 $0x100;
	[dreg:$0x6] =	wrdreg s0;
	s0 =	simm.s32 $0x0  }
.LBB2_1:
0x18: {  	s3 =	simm.s32 $0x0;
	s12 =	simm.s32 $0x200  }
.LBB2_2:
0x19: {  	p0 =	sne.s32 s12, $0xFE00;
	[tilespmem:s3+$0x5270] =	vst v0  }
0x1a: {  	[tilespmem:s3+$0x5200] =	vst v0  }
0x1b: {  	[tilespmem:s3+$0x5210] =	vst v0  }
.Ltmp0:
0x1c: {  	[tilespmem:s3+$0x5220] =	vst v0;
	(pc) =	sbr.rel @p0 .LBB2_2-.Ltmp0, $4  }
0x1d: {  	[tilespmem:s3+$0x5230] =	vst v0  }
0x1e: {  	[tilespmem:s3+$0x5240] =	vst v0  }
0x1f: {  	[tilespmem:s3+$0x5250] =	vst v0  }
0x20: {  	[tilespmem:s3+$0x5260] =	vst v0;
	s3 =	sshra.s32 s12, $0x2;
	s12 =	sadd.s32 $0x200, s12  }
0x21: {  	[tilespmem:s3+$0x5270] =	vst v0  }
0x22: {  	[tilespmem:s3+$0x5200] =	vst v0  }
0x23: {  	[tilespmem:s3+$0x5210] =	vst v0  }
0x24: {  	[tilespmem:s3+$0x5220] =	vst v0  }
0x25: {  	[tilespmem:s3+$0x5230] =	vst v0  }
0x26: {  	[tilespmem:s3+$0x5240] =	vst v0  }
0x27: {  	[tilespmem:s3+$0x5250] =	vst v0  }
0x28: {  	[tilespmem:s3+$0x5260] =	vst v0  }
0x29: {  	[spmem:s5] =	stream.linear.scatter [tilespmem:s20], [sflag:$0x3], $0x4000, $0x38;
	[tilespmem:$0x1D200] =	vst v63  }
0x2a: {  	_ =	swait.ge [sflag:s21], $0x4000  }
0x2b: {  	[sflag:s21] =	ssyncset.done $0x0  }
0x2c: {  	[sflag:s21] =	ssyncadd.s32 $0xFFFFC000  }
0x2d: {  	[spmem:s6] =	stream.linear.scatter [tilespmem:s20], [sflag:$0x3], $0x4000, $0x38;
	[tilespmem:$0x1D200] =	vst v63  }
0x2e: {  	_ =	swait.ge [sflag:s21], $0x4000  }
0x2f: {  	[sflag:s21] =	ssyncset.done $0x0  }
0x30: {  	[sflag:s21] =	ssyncadd.s32 $0xFFFFC000  }
0x31: {  	[spmem:s7] =	stream.linear.scatter [tilespmem:s20], [sflag:$0x3], $0x4000, $0x38;
	[tilespmem:$0x1D200] =	vst v63  }
0x32: {  	_ =	swait.ge [sflag:s21], $0x4000  }
0x33: {  	[sflag:s21] =	ssyncset.done $0x0  }
0x34: {  	[sflag:s21] =	ssyncadd.s32 $0xFFFFC000  }
0x35: {  	[spmem:s8] =	stream.linear.scatter [tilespmem:s20], [sflag:$0x3], $0x4000, $0x38;
	[tilespmem:$0x1D200] =	vst v63  }
0x36: {  	_ =	swait.ge [sflag:s21], $0x4000  }
0x37: {  	[sflag:s21] =	ssyncset.done $0x0  }
0x38: {  	[sflag:s21] =	ssyncadd.s32 $0xFFFFC000  }
0x39: {  	[spmem:s9] =	stream.linear.scatter [tilespmem:s20], [sflag:$0x3], $0x4000, $0x38;
	[tilespmem:$0x1D200] =	vst v63  }
0x3a: {  	_ =	swait.ge [sflag:s21], $0x4000  }
0x3b: {  	[sflag:s21] =	ssyncset.done $0x0  }
0x3c: {  	[sflag:s21] =	ssyncadd.s32 $0xFFFFC000  }
0x3d: {  	[tilespmem:s2], [sflag:$0x3] =	stream.linear.gather [hbm4b:s15+s2], $0x100, $0x38;
	[tilespmem:$0x1D200] =	vst v63  }
0x3e: {  	_ =	swait.ge [sflag:s21], $0x100  }
0x3f: {  	[sflag:s21] =	ssyncset.done $0x0  }
0x40: {  	[sflag:s21] =	ssyncadd.s32 $0xFFFFFF00  }
0x41: {  	[tilespmem:s23], [sflag:$0x1] =	stream.indirect.gather [hbm4b:s4+s22], $0x80, s2, s22, $0xb8;
	[tilespmem:$0x1D200] =	vst v63  }
0x42: {  	_ = 	snop  }
0x43: {  	[tilespmem:s24], [sflag:$0x3] =	stream.linear.gather [hbm4b:s11+s2], $0x100, $0x38;
	[tilespmem:$0x1D200] =	vst v63  }
0x44: {  	_ =	swait.ge [sflag:s21], $0x100  }
0x45: {  	[sflag:s21] =	ssyncset.done $0x0  }
0x46: {  	[sflag:s21] =	ssyncadd.s32 $0xFFFFFF00  }
0x47: {  	[bflag:$0x0] =	sbarrier.arrive $0xFFFF  }
0x48: {  	_ =	swait.ge [sflag:s25], $0x2800  }
0x49: {  	[sflag:s25] =	ssyncset.done $0x0  }
0x4a: {  	[sflag:s25] =	ssyncadd.s32 $0xFFFFD800  }
0x4b: {  	[tilespmem:s26], [sflag:$0x2] =	stream.indirect.gather [hbm4b:s4+s22], $0x80, s24, s22, $0xb8;
	[tilespmem:$0x1D200] =	vst v63  }
0x4c: {  	_ = 	snop  }
0x4d: {  	[spmem:s1] =	stream.indirect.scatter.add.f32 [tilespmem:s23], [sflag:$0x4], $0x80, s28, s22, $0xb8;
	[tilespmem:$0x1D200] =	vst v63  }
0x4e: {  	_ =	swait.ge [sflag:s29], $0x2800  }
0x4f: {  	s14 =	sadd.s32 $0xFFFFF080, s17;
	[sflag:s29] =	ssyncset.done $0x0  }
0x50: {  	s12 =	sadd.s32 $0xFC0, s14;
	[sflag:s29] =	ssyncadd.s32 $0xFFFFD800  }
0x51: {  	[tilespmem:s2], [sflag:$0x4] =	stream.linear.gather [hbm4b:s12+s2], $0x100, $0x38;
	[tilespmem:$0x1D200] =	vst v63  }
0x52: {  	_ =	swait.ge [sflag:s29], $0x100  }
0x53: {  	[sflag:s29] =	ssyncset.done $0x0  }
0x54: {  	[sflag:s29] =	ssyncadd.s32 $0xFFFFFF00  }
0x55: {  	_ =	swait.ge [sflag:s30], $0x2800  }
0x56: {  	[sflag:s30] =	ssyncset.done $0x0  }
0x57: {  	[sflag:s30] =	ssyncadd.s32 $0xFFFFD800  }
0x58: {  	[tilespmem:s23], [sflag:$0x1] =	stream.indirect.gather [hbm4b:s4+s22], $0x80, s2, s22, $0xb8;
	[tilespmem:$0x1D200] =	vst v63  }
0x59: {  	_ = 	snop  }
0x5a: {  	[spmem:s1] =	stream.indirect.scatter.add.f32 [tilespmem:s26], [sflag:$0x4], $0x80, s31, s22, $0xb8;
	[tilespmem:$0x1D200] =	vst v63  }
0x5b: {  	_ =	swait.ge [sflag:s29], $0x2800  }
0x5c: {  	[sflag:s29] =	ssyncset.done $0x0  }
0x5d: {  	s3 =	sadd.s32 $0xFE0, s14;
	[sflag:s29] =	ssyncadd.s32 $0xFFFFD800  }
0x5e: {  	[tilespmem:s24], [sflag:$0x3] =	stream.linear.gather [hbm4b:s3+s2], $0x100, $0x38;
	[tilespmem:$0x1D200] =	vst v63  }
0x5f: {  	_ =	swait.ge [sflag:s21], $0x100  }
0x60: {  	s3 =	simm.s32 $0xFFFFF0C0;
	[sflag:s21] =	ssyncset.done $0x0  }
.LBB2_4:
0x61: {  	p0 =	sne.s32 s3, $0xFFFFFFC0  }
0x62: {  	[sflag:s21] =	ssyncadd.s32 $0xFFFFFF00;
	s12 =	smov.u32 s3;
	s3 =	sadd.s32 $0x40, s3  }
0x63: {  	_ =	swait.ge [sflag:s25], $0x2800  }
0x64: {  	[sflag:s25] =	ssyncset.done $0x0  }
0x65: {  	[sflag:s25] =	ssyncadd.s32 $0xFFFFD800  }
0x66: {  	[tilespmem:s26], [sflag:$0x2] =	stream.indirect.gather [hbm4b:s4+s22], $0x80, s24, s22, $0xb8;
	[tilespmem:$0x1D200] =	vst v63  }
0x67: {  	_ = 	snop  }
0x68: {  	[spmem:s1] =	stream.indirect.scatter.add.f32 [tilespmem:s23], [sflag:$0x4], $0x80, s28, s22, $0xb8;
	[tilespmem:$0x1D200] =	vst v63  }
0x69: {  	_ =	swait.ge [sflag:s29], $0x2800  }
0x6a: {  	s12 =	sadd.s32 s12, s17;
	[sflag:s29] =	ssyncset.done $0x0  }
0x6b: {  	s13 =	sadd.s32 $0xFC0, s12;
	[sflag:s29] =	ssyncadd.s32 $0xFFFFD800  }
0x6c: {  	[tilespmem:s2], [sflag:$0x4] =	stream.linear.gather [hbm4b:s13+s2], $0x100, $0x38;
	[tilespmem:$0x1D200] =	vst v63  }
0x6d: {  	_ =	swait.ge [sflag:s29], $0x100  }
0x6e: {  	[sflag:s29] =	ssyncset.done $0x0  }
0x6f: {  	[sflag:s29] =	ssyncadd.s32 $0xFFFFFF00  }
0x70: {  	_ =	swait.ge [sflag:s30], $0x2800  }
0x71: {  	[sflag:s30] =	ssyncset.done $0x0  }
0x72: {  	[sflag:s30] =	ssyncadd.s32 $0xFFFFD800  }
0x73: {  	[tilespmem:s23], [sflag:$0x1] =	stream.indirect.gather [hbm4b:s4+s22], $0x80, s2, s22, $0xb8;
	[tilespmem:$0x1D200] =	vst v63  }
0x74: {  	_ = 	snop  }
0x75: {  	[spmem:s1] =	stream.indirect.scatter.add.f32 [tilespmem:s26], [sflag:$0x4], $0x80, s31, s22, $0xb8;
	[tilespmem:$0x1D200] =	vst v63  }
0x76: {  	_ =	swait.ge [sflag:s29], $0x2800  }
.Ltmp1:
0x77: {  	[sflag:s29] =	ssyncset.done $0x0;
	(pc) =	sbr.rel @p0 .LBB2_4-.Ltmp1, $4  }
0x78: {  	s12 =	sadd.s32 $0xFE0, s12;
	[sflag:s29] =	ssyncadd.s32 $0xFFFFD800  }
0x79: {  	[tilespmem:s24], [sflag:$0x3] =	stream.linear.gather [hbm4b:s12+s2], $0x100, $0x38;
	[tilespmem:$0x1D200] =	vst v63  }
0x7a: {  	_ =	swait.ge [sflag:s21], $0x100  }
0x7b: {  	[sflag:s21] =	ssyncset.done $0x0  }
0x7c: {  	[sflag:s21] =	ssyncadd.s32 $0xFFFFFF00  }
0x7d: {  	_ =	swait.ge [sflag:s25], $0x2800  }
0x7e: {  	[sflag:s25] =	ssyncset.done $0x0  }
0x7f: {  	[sflag:s25] =	ssyncadd.s32 $0xFFFFD800  }
0x80: {  	[tilespmem:s26], [sflag:$0x2] =	stream.indirect.gather [hbm4b:s4+s22], $0x80, s24, s22, $0xb8;
	[tilespmem:$0x1D200] =	vst v63  }
0x81: {  	_ = 	snop  }
0x82: {  	[spmem:s1] =	stream.indirect.scatter.add.f32 [tilespmem:s23], [sflag:$0x4], $0x80, s28, s22, $0xb8;
	[tilespmem:$0x1D200] =	vst v63  }
0x83: {  	_ =	swait.ge [sflag:s29], $0x2800  }
0x84: {  	[sflag:s29] =	ssyncset.done $0x0  }
0x85: {  	[sflag:s29] =	ssyncadd.s32 $0xFFFFD800  }
0x86: {  	_ =	swait.ge [sflag:s30], $0x2800  }
0x87: {  	[sflag:s30] =	ssyncset.done $0x0  }
0x88: {  	[sflag:s30] =	ssyncadd.s32 $0xFFFFD800  }
0x89: {  	[spmem:s1] =	stream.indirect.scatter.add.f32 [tilespmem:s26], [sflag:$0x4], $0x80, s31, s22, $0xb8;
	[tilespmem:$0x1D200] =	vst v63  }
0x8a: {  	_ =	swait.ge [sflag:s29], $0x2800  }
0x8b: {  	[sflag:s29] =	ssyncset.done $0x0  }
0x8c: {  	s3 =	stileid.u32;
	[sflag:s29] =	ssyncadd.s32 $0xFFFFD800  }
0x8d: {  	s3 =	sshll.u32 s3, $0x6;
	[bflag:$0x0] =	sbarrier.arrive $0xFFFF  }
0x8e: {  	s12 =	sshrl.u32 s5, $0x3;
	s3 =	sor.u32 $0x1C03, s3;
	s10 =	rddreg [dreg:$0x3]  }
0x8f: {  	[hbm:s10], [sflag:s3] =	dma.local [spmem:s12], $0x2800  }
0x90: {  	_ =	swait.ge [sflag:s21], $0x2800  }
0x91: {  	[sflag:s21] =	ssyncset.done $0x0  }
0x92: {  	[sflag:s21] =	ssyncadd.s32 $0xFFFFD800  }
0x93: {  	[spmem:s5] =	stream.linear.scatter [tilespmem:s20], [sflag:$0x3], $0x4000, $0x38;
	[tilespmem:$0x1D200] =	vst v63  }
0x94: {  	_ =	swait.ge [sflag:s21], $0x4000  }
0x95: {  	[sflag:s21] =	ssyncset.done $0x0  }
0x96: {  	[sflag:s21] =	ssyncadd.s32 $0xFFFFC000  }
0x97: {  	[spmem:s6] =	stream.linear.scatter [tilespmem:s20], [sflag:$0x3], $0x4000, $0x38;
	[tilespmem:$0x1D200] =	vst v63  }
0x98: {  	_ =	swait.ge [sflag:s21], $0x4000  }
0x99: {  	[sflag:s21] =	ssyncset.done $0x0  }
0x9a: {  	[sflag:s21] =	ssyncadd.s32 $0xFFFFC000  }
0x9b: {  	[spmem:s7] =	stream.linear.scatter [tilespmem:s20], [sflag:$0x3], $0x4000, $0x38;
	[tilespmem:$0x1D200] =	vst v63  }
0x9c: {  	_ =	swait.ge [sflag:s21], $0x4000  }
0x9d: {  	[sflag:s21] =	ssyncset.done $0x0  }
0x9e: {  	[sflag:s21] =	ssyncadd.s32 $0xFFFFC000  }
0x9f: {  	[spmem:s8] =	stream.linear.scatter [tilespmem:s20], [sflag:$0x3], $0x4000, $0x38;
	[tilespmem:$0x1D200] =	vst v63  }
0xa0: {  	_ =	swait.ge [sflag:s21], $0x4000  }
0xa1: {  	[sflag:s21] =	ssyncset.done $0x0  }
0xa2: {  	[sflag:s21] =	ssyncadd.s32 $0xFFFFC000  }
0xa3: {  	[spmem:s9] =	stream.linear.scatter [tilespmem:s20], [sflag:$0x3], $0x4000, $0x38;
	[tilespmem:$0x1D200] =	vst v63  }
0xa4: {  	_ =	swait.ge [sflag:s21], $0x4000  }
0xa5: {  	[sflag:s21] =	ssyncset.done $0x0  }
0xa6: {  	s13 =	simm.s32 $0x0;
	s14 =	rddreg [dreg:$0x4];
	[sflag:s21] =	ssyncadd.s32 $0xFFFFC000  }
0xa7: {  	[tilespmem:s13], [sflag:$0x3] =	stream.linear.gather [hbm4b:s14+s13], $0x100, $0x38;
	[tilespmem:$0x1D200] =	vst v63  }
0xa8: {  	_ =	swait.ge [sflag:s21], $0x100  }
0xa9: {  	[sflag:s21] =	ssyncset.done $0x0  }
0xaa: {  	[sflag:s21] =	ssyncadd.s32 $0xFFFFFF00  }
0xab: {  	[tilespmem:s23], [sflag:$0x1] =	stream.indirect.gather [hbm4b:s4+s22], $0x80, s13, s22, $0xb8;
	[tilespmem:$0x1D200] =	vst v63  }
0xac: {  	s14 =	rddreg [dreg:$0x5]  }
0xad: {  	[tilespmem:s24], [sflag:$0x3] =	stream.linear.gather [hbm4b:s14+s13], $0x100, $0x38;
	[tilespmem:$0x1D200] =	vst v63  }
0xae: {  	_ =	swait.ge [sflag:s21], $0x100  }
0xaf: {  	[sflag:s21] =	ssyncset.done $0x0  }
0xb0: {  	[sflag:s21] =	ssyncadd.s32 $0xFFFFFF00  }
0xb1: {  	[bflag:$0x0] =	sbarrier.arrive $0xFFFF  }
0xb2: {  	_ =	swait.ge [sflag:s25], $0x2800  }
0xb3: {  	[sflag:s25] =	ssyncset.done $0x0  }
0xb4: {  	[sflag:s25] =	ssyncadd.s32 $0xFFFFD800  }
0xb5: {  	[tilespmem:s26], [sflag:$0x2] =	stream.indirect.gather [hbm4b:s4+s22], $0x80, s24, s22, $0xb8;
	[tilespmem:$0x1D200] =	vst v63  }
0xb6: {  	_ = 	snop  }
0xb7: {  	[spmem:s1] =	stream.indirect.scatter.add.f32 [tilespmem:s23], [sflag:$0x4], $0x80, s28, s22, $0xb8;
	[tilespmem:$0x1D200] =	vst v63  }
0xb8: {  	_ =	swait.ge [sflag:s29], $0x2800  }
0xb9: {  	[sflag:s29] =	ssyncset.done $0x0  }
0xba: {  	s10 =	sadd.s32 $0x0, s19;
	[sflag:s29] =	ssyncadd.s32 $0xFFFFD800  }
0xbb: {  	[tilespmem:s2], [sflag:$0x4] =	stream.linear.gather [hbm4b:s10+s2], $0x100, $0x38;
	[tilespmem:$0x1D200] =	vst v63  }
0xbc: {  	_ =	swait.ge [sflag:s29], $0x100  }
0xbd: {  	[sflag:s29] =	ssyncset.done $0x0  }
0xbe: {  	[sflag:s29] =	ssyncadd.s32 $0xFFFFFF00  }
0xbf: {  	_ =	swait.ge [sflag:s30], $0x2800  }
0xc0: {  	[sflag:s30] =	ssyncset.done $0x0  }
0xc1: {  	[sflag:s30] =	ssyncadd.s32 $0xFFFFD800  }
0xc2: {  	[tilespmem:s23], [sflag:$0x1] =	stream.indirect.gather [hbm4b:s4+s22], $0x80, s2, s22, $0xb8;
	[tilespmem:$0x1D200] =	vst v63  }
0xc3: {  	_ = 	snop  }
0xc4: {  	[spmem:s1] =	stream.indirect.scatter.add.f32 [tilespmem:s26], [sflag:$0x4], $0x80, s31, s22, $0xb8;
	[tilespmem:$0x1D200] =	vst v63  }
0xc5: {  	_ =	swait.ge [sflag:s29], $0x2800  }
0xc6: {  	[sflag:s29] =	ssyncset.done $0x0  }
0xc7: {  	s14 =	sadd.s32 $0x0, s18;
	[sflag:s29] =	ssyncadd.s32 $0xFFFFD800  }
0xc8: {  	[tilespmem:s24], [sflag:$0x3] =	stream.linear.gather [hbm4b:s14+s2], $0x100, $0x38;
	[tilespmem:$0x1D200] =	vst v63  }
0xc9: {  	_ =	swait.ge [sflag:s21], $0x100  }
0xca: {  	s13 =	simm.s32 $0x40;
	[sflag:s21] =	ssyncset.done $0x0  }
.LBB2_6:
0xcb: {  	p0 =	sne.s32 s13, $0xF40  }
0xcc: {  	[sflag:s21] =	ssyncadd.s32 $0xFFFFFF00;
	s10 =	smov.u32 s13;
	s13 =	sadd.s32 $0x40, s13  }
0xcd: {  	_ =	swait.ge [sflag:s25], $0x2800  }
0xce: {  	[sflag:s25] =	ssyncset.done $0x0  }
0xcf: {  	[sflag:s25] =	ssyncadd.s32 $0xFFFFD800  }
0xd0: {  	[tilespmem:s26], [sflag:$0x2] =	stream.indirect.gather [hbm4b:s4+s22], $0x80, s24, s22, $0xb8;
	[tilespmem:$0x1D200] =	vst v63  }
0xd1: {  	_ = 	snop  }
0xd2: {  	[spmem:s1] =	stream.indirect.scatter.add.f32 [tilespmem:s23], [sflag:$0x4], $0x80, s28, s22, $0xb8;
	[tilespmem:$0x1D200] =	vst v63  }
0xd3: {  	_ =	swait.ge [sflag:s29], $0x2800  }
0xd4: {  	[sflag:s29] =	ssyncset.done $0x0  }
0xd5: {  	s14 =	sadd.s32 s10, s19;
	[sflag:s29] =	ssyncadd.s32 $0xFFFFD800  }
0xd6: {  	[tilespmem:s2], [sflag:$0x4] =	stream.linear.gather [hbm4b:s14+s2], $0x100, $0x38;
	[tilespmem:$0x1D200] =	vst v63  }
0xd7: {  	_ =	swait.ge [sflag:s29], $0x100  }
0xd8: {  	[sflag:s29] =	ssyncset.done $0x0  }
0xd9: {  	[sflag:s29] =	ssyncadd.s32 $0xFFFFFF00  }
0xda: {  	_ =	swait.ge [sflag:s30], $0x2800  }
0xdb: {  	[sflag:s30] =	ssyncset.done $0x0  }
0xdc: {  	[sflag:s30] =	ssyncadd.s32 $0xFFFFD800  }
0xdd: {  	[tilespmem:s23], [sflag:$0x1] =	stream.indirect.gather [hbm4b:s4+s22], $0x80, s2, s22, $0xb8;
	[tilespmem:$0x1D200] =	vst v63  }
0xde: {  	_ = 	snop  }
0xdf: {  	[spmem:s1] =	stream.indirect.scatter.add.f32 [tilespmem:s26], [sflag:$0x4], $0x80, s31, s22, $0xb8;
	[tilespmem:$0x1D200] =	vst v63  }
0xe0: {  	_ =	swait.ge [sflag:s29], $0x2800  }
.Ltmp2:
0xe1: {  	[sflag:s29] =	ssyncset.done $0x0;
	(pc) =	sbr.rel @p0 .LBB2_6-.Ltmp2, $4  }
0xe2: {  	s10 =	sadd.s32 s10, s18;
	[sflag:s29] =	ssyncadd.s32 $0xFFFFD800  }
0xe3: {  	[tilespmem:s24], [sflag:$0x3] =	stream.linear.gather [hbm4b:s10+s2], $0x100, $0x38;
	[tilespmem:$0x1D200] =	vst v63  }
0xe4: {  	_ =	swait.ge [sflag:s21], $0x100  }
0xe5: {  	[sflag:s21] =	ssyncset.done $0x0  }
0xe6: {  	[sflag:s21] =	ssyncadd.s32 $0xFFFFFF00  }
0xe7: {  	_ =	swait.ge [sflag:s25], $0x2800  }
0xe8: {  	[sflag:s25] =	ssyncset.done $0x0  }
0xe9: {  	[sflag:s25] =	ssyncadd.s32 $0xFFFFD800  }
0xea: {  	[tilespmem:s26], [sflag:$0x2] =	stream.indirect.gather [hbm4b:s4+s22], $0x80, s24, s22, $0xb8;
	[tilespmem:$0x1D200] =	vst v63  }
0xeb: {  	_ = 	snop  }
0xec: {  	[spmem:s1] =	stream.indirect.scatter.add.f32 [tilespmem:s23], [sflag:$0x4], $0x80, s28, s22, $0xb8;
	[tilespmem:$0x1D200] =	vst v63  }
0xed: {  	_ =	swait.ge [sflag:s29], $0x2800  }
0xee: {  	[sflag:s29] =	ssyncset.done $0x0  }
0xef: {  	[sflag:s29] =	ssyncadd.s32 $0xFFFFD800  }
0xf0: {  	_ =	swait.ge [sflag:s30], $0x2800  }
0xf1: {  	[sflag:s30] =	ssyncset.done $0x0  }
0xf2: {  	[sflag:s30] =	ssyncadd.s32 $0xFFFFD800  }
0xf3: {  	[spmem:s1] =	stream.indirect.scatter.add.f32 [tilespmem:s26], [sflag:$0x4], $0x80, s31, s22, $0xb8;
	[tilespmem:$0x1D200] =	vst v63  }
0xf4: {  	_ =	swait.ge [sflag:s29], $0x2800  }
0xf5: {  	[sflag:s29] =	ssyncset.done $0x0  }
0xf6: {  	s0 =	sadd.s32 $0x1, s0;
	[sflag:s29] =	ssyncadd.s32 $0xFFFFD800  }
0xf7: {  	p0 =	sne.s32 s0, s16;
	[bflag:$0x0] =	sbarrier.arrive $0xFFFF  }
.Ltmp3:
0xf8: {  	s10 =	rddreg [dreg:$0x6];
	(pc) =	sbr.rel @p0 .LBB2_1-.Ltmp3, $4  }
0xf9: {  	[hbm:s10], [sflag:s3] =	dma.local [spmem:s12], $0x2800  }
0xfa: {  	_ =	swait.ge [sflag:s21], $0x2800  }
0xfb: {  	[sflag:s21] =	ssyncset.done $0x0  }
0xfc: {  	[sflag:s21] =	ssyncadd.s32 $0xFFFFD800  }
0xfd: {  	_ =	sfence.sel $0x180000  }
0xfe: {  	[bflag:$0x0] =	sbarrier.arrive $0xFFFF  }
0xff: {  	_ =	strace $0x9000004A  }
0x100: {  	s0 =	stileid.u32;
	[bflag:$0x2] =	sbarrier.arrive $0xFFFF  }
0x101: {  	p0 =	sne.s32 s0, $0x0;
	s0 =	rddreg [dreg:$0x2]  }
0x102: {  	s0 =	sadd.s32 @!p0 $0x100000, s0  }
0x103: {  	[sflag:s0] =	ssyncadd.tile.s32 @!p0 $0x1;
	_ =	shalt  }
.Lfunc_end2:
_tile_overlayer_lowered:
.L_overlay_start_2:
0x104: {  	(tag) =	ssettag $0x2  }
0x105: {  	s0 =	rddreg [dreg:$0x0];
	s2 =	stileid.u32  }
0x106: {  	s1 =	rddreg [dreg:$0x1];
	p0 =	sne.s32 s2, $0x0  }
0x107: {  	s3 =	rddreg [dreg:$0x2];
	[bflag:$0x3] =	sbarrier.arrive $0xFFFF;
	s2 =	simm.s32 @!p0 $0x1C03  }
0x108: {  	[timem:s3], [sflag:s2] =	dma.local @!p0 [hbm:s0], s1  }
0x109: {  	s0 =	simm.s32 @!p0 $0x3  }
0x10a: {  	_ =	swait.ge @!p0 [sflag:s0], s1  }
0x10b: {  	s1 =	ssub.s32 @!p0 $0x0, s1;
	[sflag:s0] =	ssyncset.done @!p0 $0x0  }
0x10c: {  	[sflag:s0] =	ssyncadd.s32 @!p0 s1  }
0x10d: {  	[bflag:$0x3] =	sbarrier.arrive $0xFFFF  }
0x10e: {  	_ =	shalt  }

// kernel: kernel.17.cloned.1.call-start
scs
__scs_entry_jumppad:
0x0: {  	(pc) =	sbr.rel $0x88, $3  }
0x1: {  	(tag) =	ssettag $0x0;
	lr =	simm.s32 $0x1  }
0x2: {  	[smem:$0x3F8A] =	sst lr;
	_ =	strace $0xD0000000  }
0x3: {  	_ = 	snop  }
0x4: {  	_ = 	snop  }
0x5: {  	_ = 	snop  }
0x6: {  	_ = 	snop  }
0x7: {  	_ = 	snop  }
__scs_overlays_trampoline_lowered:
0x8: {  	[smem:$0x3F99] =	sst s0  }
0x9: {  	[smem:$0x3F9A] =	sst s1  }
0xa: {  	[smem:$0x3F9B] =	sst s2  }
0xb: {  	[smem:$0x3F9C] =	sst s3  }
0xc: {  	[smem:$0x3F9D] =	sst s4  }
0xd: {  	[smem:$0x3F9E] =	sst s5  }
0xe: {  	[smem:$0x3F9F] =	sst s6  }
0xf: {  	[smem:$0x3FA0] =	sst s7  }
0x10: {  	[smem:$0x3FA1] =	sst s8  }
0x11: {  	[smem:$0x3FA2] =	sst s9;
	s0 =	simm.s32 @!p0 $0x0  }
0x12: {  	s1 =	sld [smem:$0x3F88];
	s0 =	simm.s32 @p0 $0x1  }
0x13: {  	[smem:$0x3FA3] =	sst s0;
	s0 =	simm.s32 @!p1 $0x0  }
0x14: {  	s2 =	sld [smem:$0x3F87];
	s0 =	simm.s32 @p1 $0x1  }
0x15: {  	[smem:$0x3FA4] =	sst s0;
	s0 =	simm.s32 @!p2 $0x0  }
0x16: {  	s3 =	sld [smem:$0x3FDB];
	s0 =	simm.s32 @p2 $0x1  }
0x17: {  	s4 =	simm.s32 $0x1BF5;
	[smem:$0x3FA6] =	sst s0  }
0x18: {  	s0 =	sld [smem:$0x3F89];
	_ =	swait.ge [sflag:s4], $0x0  }
0x19: {  	s7 =	sld [smem:$0x3F8A]  }
0x1a: {  	s8 =	sadd.s32 $0xFFFFE003, lr  }
0x1b: {  	s9 =	sadd.s32 $0xFFFFFEF7, lr;
	s5 =	simm.s32 $0xFFFFFFFF;
	p2 =	slt.u32 s8, $0xFFFFF086  }
0x1c: {  	p1 =	slt.u32 s9, $0xF7A;
	s5 =	simm.s32 @!p2 $0x0  }
0x1d: {  	s5 =	simm.s32 @p1 $0x1;
	p0 =	seq.s32 s7, s2  }
0x1e: {  	s7 =	smul.u32 @!p0 $0xF7A, s2;
	p2 =	seq.s32 @!p0 s5, $0x0  }
0x1f: {  	s9 =	smul.u32 $0xF7A, s1;
	s8 =	simm.s32 @!p0 $0x1BF5;
	p2 =	por !p2, p0  }
0x20: {  	[sflag:s8] =	ssyncset.s32 @!p0 $0xFFFFF086;
	s6 =	sadd.s32 @!p0 s3, s7;
	s7 =	simm.s32 @!p0 $0x108  }
0x21: {  	s3 =	sadd.s32 s3, s9;
	s6 =	sadd.s32 @!p0 $0x88, s6;
	s7 =	simm.s32 @p2 $0x1082  }
0x22: {  	[simem:s7], [sflag:s8] =	dma.local @!p0 [hbm:s6], $0xF7A  }
0x23: {  	s9 =	sor.u32 $0xD0000000, s2;
	s6 =	simm.s32 $0x108;
	_ =	swait.ge @!p0 [sflag:s8], $0x0  }
0x24: {  	s3 =	sadd.s32 $0x88, s3;
	s6 =	simm.s32 @!p1 $0x1082;
	[sflag:s4] =	ssyncset.s32 $0xFFFFF086  }
0x25: {  	[simem:s6], [sflag:s4] =	dma.local [hbm:s3], $0xF7A  }
0x26: {  	[smem:$0x3F8A] =	sst s1;
	(tag) =	ssettag s2;
	_ =	strace s9  }
0x27: {  	s1 =	sld [smem:$0x3F9A]  }
0x28: {  	s2 =	sld [smem:$0x3F9B]  }
0x29: {  	s4 =	sld [smem:$0x3F9D]  }
0x2a: {  	p0 =	seq.s32 s5, $0x0;
	s5 =	sld [smem:$0x3F9E]  }
0x2b: {  	s6 =	sld [smem:$0x3F9F]  }
0x2c: {  	s7 =	sld [smem:$0x3FA0]  }
0x2d: {  	s3 =	simm.s32 $0x108;
	s8 =	sld [smem:$0x3FA1]  }
0x2e: {  	s3 =	simm.s32 @!p0 $0x1082;
	s9 =	sld [smem:$0x3FA2]  }
0x2f: {  	lr =	sadd.s32 s0, s3;
	s0 =	sld [smem:$0x3F99]  }
0x30: {  	s3 =	sld [smem:$0x3F9C]  }
0x31: {  	[smem:$0x3FA5] =	sst s10  }
0x32: {  	s10 =	sld [smem:$0x3FA3];
	_ =	sdelay $0x3  }
0x33: {  	p0 =	seq.s32 s10, $0x1;
	s10 =	sld [smem:$0x3FA5];
	_ =	sdelay $0x3  }
0x34: {  	[smem:$0x3FA5] =	sst s10  }
0x35: {  	s10 =	sld [smem:$0x3FA4];
	_ =	sdelay $0x3  }
0x36: {  	p1 =	seq.s32 s10, $0x1;
	s10 =	sld [smem:$0x3FA5];
	_ =	sdelay $0x3  }
0x37: {  	[smem:$0x3FA5] =	sst s10  }
0x38: {  	s10 =	sld [smem:$0x3FA6]  }
0x39: {  	_ = 	snop;
	(pc) =	sbr.ind lr, $3  }
0x3a: {  	_ = 	snop  }
0x3b: {  	_ = 	snop  }
0x3c: {  	p2 =	seq.s32 s10, $0x1;
	s10 =	sld [smem:$0x3FA5]  }
0x3d: {  	_ =	shalt  }
0x3e: {  	_ =	shalt  }
0x3f: {  	_ =	shalt  }
0x40: {  	_ =	shalt  }
0x41: {  	_ =	shalt  }
0x42: {  	_ =	shalt  }
0x43: {  	_ =	shalt  }
0x44: {  	_ =	shalt  }
0x45: {  	_ =	shalt  }
0x46: {  	_ =	shalt  }
0x47: {  	_ =	shalt  }
0x48: {  	_ =	shalt  }
0x49: {  	_ =	shalt  }
0x4a: {  	_ =	shalt  }
0x4b: {  	_ =	shalt  }
0x4c: {  	_ =	shalt  }
0x4d: {  	_ =	shalt  }
0x4e: {  	_ =	shalt  }
0x4f: {  	_ =	shalt  }
0x50: {  	_ =	shalt  }
0x51: {  	_ =	shalt  }
0x52: {  	_ =	shalt  }
0x53: {  	_ =	shalt  }
0x54: {  	_ =	shalt  }
0x55: {  	_ =	shalt  }
0x56: {  	_ =	shalt  }
0x57: {  	_ =	shalt  }
0x58: {  	_ =	shalt  }
0x59: {  	_ =	shalt  }
0x5a: {  	_ =	shalt  }
0x5b: {  	_ =	shalt  }
0x5c: {  	_ =	shalt  }
0x5d: {  	_ =	shalt  }
0x5e: {  	_ =	shalt  }
0x5f: {  	_ =	shalt  }
0x60: {  	_ =	shalt  }
0x61: {  	_ =	shalt  }
0x62: {  	_ =	shalt  }
0x63: {  	_ =	shalt  }
0x64: {  	_ =	shalt  }
0x65: {  	_ =	shalt  }
0x66: {  	_ =	shalt  }
0x67: {  	_ =	shalt  }
0x68: {  	_ =	shalt  }
0x69: {  	_ =	shalt  }
0x6a: {  	_ =	shalt  }
0x6b: {  	_ =	shalt  }
0x6c: {  	_ =	shalt  }
0x6d: {  	_ =	shalt  }
0x6e: {  	_ =	shalt  }
0x6f: {  	_ =	shalt  }
0x70: {  	_ =	shalt  }
0x71: {  	_ =	shalt  }
0x72: {  	_ =	shalt  }
0x73: {  	_ =	shalt  }
0x74: {  	_ =	shalt  }
0x75: {  	_ =	shalt  }
0x76: {  	_ =	shalt  }
0x77: {  	_ =	shalt  }
0x78: {  	_ =	shalt  }
0x79: {  	_ =	shalt  }
0x7a: {  	_ =	shalt  }
0x7b: {  	_ =	shalt  }
0x7c: {  	_ =	shalt  }
0x7d: {  	_ =	shalt  }
0x7e: {  	_ =	shalt  }
0x7f: {  	_ =	shalt  }
0x80: {  	_ =	shalt  }
0x81: {  	_ =	shalt  }
0x82: {  	_ =	shalt  }
0x83: {  	_ =	shalt  }
0x84: {  	_ =	shalt  }
0x85: {  	_ =	shalt  }
0x86: {  	_ =	shalt  }
0x87: {  	_ =	shalt  }
.Lfunc_end0:
.L_simem_size_0:
called_computation.2_lowered:
.L_overlay_start_0:
0x88: {  	s2 =	sld [smem:$0x3FD9]  }
0x89: {  	s3 =	sld [smem:$0x3FFE];
	_ =	sdelay $0x1  }
0x8a: {  	s1 =	srdreg.scid  }
0x8b: {  	s0 =	sand.u32 $0x1, s1  }
0x8c: {  	s16 =	sshll.u32 s0, $0xA;
	s2 =	sadd.s32 s3, s2  }
0x8d: {  	s2 =	sadd.s32 s2, s16  }
0x8e: {  	[smem:$0x3FB1] =	sst s2  }
0x8f: {  	_ = 	snop  }
0x90: {  	(tm) =	ssettm $0x1  }
0x91: {  	s17 =	sld [smem:$0x3FFB];
	_ =	sdelay $0x3  }
0x92: {  	_ =	strace s17  }
0x93: {  	s2 =	sld [smem:$0x3FFC];
	_ =	sdelay $0x3  }
0x94: {  	_ =	strace s2  }
0x95: {  	s2 =	sld [smem:$0x3FFD];
	_ =	sdelay $0x3  }
0x96: {  	_ =	strace s2  }
0x97: {  	_ =	strace $0x8FFFFFFF  }
0x98: {  	s18 =	sld [smem:$0x3FDB];
	_ =	sdelay $0x1  }
0x99: {  	s19 =	simm.s32 $_scs_section_size  }
0x9a: {  	s4 =	simm.s32 $_size__tile_overlayer_lowered;
	s5 =	simm.s32 $_tile_overlayer_lowered  }
0x9b: {  	s22 =	simm.s32 $0x1BFF;
	s21 =	sshll.u32 s5, $0x1;
	s2 =	sadd.s32 s19, s18  }
0x9c: {  	s6 =	simm.s32 $0x0;
	s20 =	sshll.u32 s4, $0x1;
	s4 =	sadd.s32 s21, s2  }
0x9d: {  	[timem:s6], [sflag:s22] =	dma.local [hbm:s4], s20  }
0x9e: {  	_ =	swait.ge [sflag:s22], s20  }
0x9f: {  	s3 =	ssub.s32 $0x0, s20;
	[sflag:s22] =	ssyncset.done $0x0  }
0xa0: {  	[sflag:s22] =	ssyncadd.s32 s3;
	_ =	sdelay $0x1  }
0xa1: {  	s23 =	simm.s32 $0x1B8B  }
0xa2: {  	_ =	swait.ge [sflag:s23], $0x1  }
0xa3: {  	[sflag:s23] =	ssyncset.done $0x0  }
0xa4: {  	s25 =	simm.s32 $0x1B8E;
	s24 =	sld [smem:$0x3FFE];
	[sflag:s23] =	ssyncadd.s32 $0xFFFFFFFF  }
0xa5: {  	s26 =	simm.s32 $execute0_lowered;
	[smem:$0x3FD2] =	sst s25  }
0xa6: {  	s4 =	sshll.u32 s26, $0x1;
	_ =	strace $0x8000004C;
	[dreg:$0x1] =	wrdreg $0xFFFFFFFF  }
0xa7: {  	s28 =	simm.s32 $_size_execute0_lowered;
	s2 =	sadd.s32 s2, s4;
	[dreg:$0x0] =	wrdreg $0x0  }
0xa8: {  	s4 =	sshll.u32 s28, $0x1;
	[dreg:$0x2] =	wrdreg s2  }
0xa9: {  	[dreg:$0x3] =	wrdreg s4  }
0xaa: {  	[dreg:$0x4] =	wrdreg $0xC0  }
0xab: {  	_ =	task [dreg:s6], $0x5FFFF  }
0xac: {  	[dreg:$0x1] =	wrdreg $0xFFFFFFFF  }
0xad: {  	[dreg:$0x0] =	wrdreg $0x60  }
0xae: {  	[dreg:$0x2] =	wrdreg s24  }
0xaf: {  	[dreg:$0x3] =	wrdreg $0x92000  }
0xb0: {  	[dreg:$0x4] =	wrdreg $0x9  }
0xb1: {  	_ =	task.clear_ibuf [dreg:s6], $0x5FFFF;
	_ =	strace $0x9000004C  }
0xb2: {  	s29 =	simm.s32 $0x9;
	_ =	strace $0x8000004E  }
0xb3: {  	_ =	swait.ge [sflag:s29], $0x1  }
0xb4: {  	[sflag:s29] =	ssyncadd.s32 $0xFFFFFFFF  }
0xb5: {  	_ =	strace $0x9000004E  }
0xb6: {  	_ =	sfence  }
0xb7: {  	s30 =	sld [smem:$0x0];
	_ =	sdelay $0x2  }
0xb8: {  	s31 =	sshll.u32 s1, $0xD;
	s1 =	sshrl.u32 s1, $0x2  }
0xb9: {  	s3 =	sand.u32 $0x4000, s31;
	s1 =	sadd.s32 s1, s30  }
0xba: {  	s0 =	sor.u32 s3, s0;
	s1 =	sshll.u32 s1, $0x11  }
0xbb: {  	s0 =	sor.u32 s1, s0  }
0xbc: {  	s0 =	sadd.s32 $0x8F2B, s0  }
0xbd: {  	[sflag:s0] =	ssyncadd.remote.s32 $0x1  }
0xbe: {  	_ =	sfence.sel $0xFFFF  }
0xbf: {  	[dreg:$0x0] =	wrdreg $0xFFFFFFFF;
	(pc) =	sbr.abs _section_cstart, $3  }
0xc0: {  	[dreg:$0x1] =	wrdreg $0xFFFFFFFF  }
0xc1: {  	_ =	task.clear_ibuf [dreg:s6], $0x2FFFF;
	_ =	strace $0x9FFFFFFF  }
0xc2: {  	(tm) =	ssettm $0x7FFFFFFF  }
0xc3: {  	_ =	shalt  }
tec
execute0_lowered:
.L_overlay_start_1:
0x0: {  	(tag) =	ssettag $0x1  }
0x1: {  	s0 =	rddreg [dreg:$0x0]  }
0x2: {  	s1 =	rddreg [dreg:$0x1];
	s2 =	simm.s32 $0x0;
	s20 =	stileid.u32  }
0x3: {  	s3 =	srdreg.scid;
	s21 =	simm.s32 $0x3;
	s5 =	smul.u32 $0x50000, s20  }
0x4: {  	s28 =	simm.s32 $0x80;
	s29 =	simm.s32 $0x4;
	s14 =	smul.u32 $0x280, s20  }
0x5: {  	s30 =	simm.s32 $0x2;
	s31 =	simm.s32 $0x180;
	s11 =	smul.u32 $0x7E, s20  }
0x6: {  	[smem:$0x7FF] =	sst s2;
	s3 =	sand.u32 $0x1, s3;
	s25 =	smul.u32 $0xFC0, s20  }
0x7: {  	s4 =	sadd.s32 $0x4E00, s0;
	s12 =	sadd.s32 $0xC2800, s0;
	s9 =	smul.u32 $0xFC0, s3  }
0x8: {  	s13 =	sadd.s32 $0x101800, s0;
	s0 =	sadd.s32 $0xC2820, s0;
	s15 =	smul.u32 $0x5000, s3  }
0x9: {  	s6 =	ssub.s32 $0x2, s3;
	s17 =	sshllo.u32 s3, $0x1;
	s3 =	smul.u32 $0x1F800, s3  }
0xa: {  	s20 =	simm.s32 $0x5200;
	_ =	strace $0x8000004D;
	s19 =	smul.u32 $0x7E0, s17  }
0xb: {  	s7 =	sshrl.u32 s6, $0x1;
	s5 =	sshrl.u32 s5, $0x2;
	s17 =	smul.u32 $0x2800, s17  }
0xc: {  	s16 =	ssub.s32 s6, s7;
	s5 =	sadd.s32 s5, s1;
	s10 =	sadd.s32 s11, s9  }
0xd: {  	s15 =	sadd.s32 s14, s15;
	s26 =	sadd.s32 s3, s12;
	s6 =	sadd.s32 $0x4000, s5  }
0xe: {  	s7 =	sadd.s32 $0x8000, s5;
	s8 =	sadd.s32 $0xC000, s5;
	s9 =	sadd.s32 $0x10000, s5  }
0xf: {  	s18 =	sshll.u32 s10, $0x5;
	s15 =	sshll.u32 s15, $0x4;
	s19 =	sadd.s32 s11, s19  }
0x10: {  	s17 =	sadd.s32 s14, s17;
	s16 =	smax.u32 s16, $0x1;
	s10 =	sadd.s32 s12, s18  }
0x11: {  	s11 =	sadd.s32 s18, s0;
	s15 =	sadd.s32 s13, s15;
	s22 =	sshll.u32 s19, $0x5  }
0x12: {  	s24 =	sshll.u32 s17, $0x4;
	s17 =	sadd.s32 s25, s26;
	s25 =	simm.s32 $0x1  }
0x13: {  	s26 =	simm.s32 $0x2A00;
	[dreg:$0x3] =	wrdreg s15;
	s23 =	sadd.s32 s12, s22  }
0x14: {  	s0 =	sadd.s32 s22, s0;
	s18 =	sadd.s32 $0xFC40, s11;
	s15 =	smov.u32 s10  }
0x15: {  	s19 =	sadd.s32 $0xFC40, s10;
	s22 =	simm.s32 $0x50;
	[dreg:$0x4] =	wrdreg s23  }
0x16: {  	[dreg:$0x5] =	wrdreg s0;
	s0 =	sadd.s32 s13, s24;
	s23 =	simm.s32 $0x200  }
0x17: {  	v0 =	vimm.f32 $0.0e+00;
	s24 =	simm.s32 $0x100;
	[dreg:$0x6] =	wrdreg s0;
	s0 =	simm.s32 $0x0  }
.LBB2_1:
0x18: {  	s3 =	simm.s32 $0x0;
	s12 =	simm.s32 $0x200  }
.LBB2_2:
0x19: {  	p0 =	sne.s32 s12, $0xFE00;
	[tilespmem:s3+$0x5270] =	vst v0  }
0x1a: {  	[tilespmem:s3+$0x5200] =	vst v0  }
0x1b: {  	[tilespmem:s3+$0x5210] =	vst v0  }
.Ltmp0:
0x1c: {  	[tilespmem:s3+$0x5220] =	vst v0;
	(pc) =	sbr.rel @p0 .LBB2_2-.Ltmp0, $4  }
0x1d: {  	[tilespmem:s3+$0x5230] =	vst v0  }
0x1e: {  	[tilespmem:s3+$0x5240] =	vst v0  }
0x1f: {  	[tilespmem:s3+$0x5250] =	vst v0  }
0x20: {  	[tilespmem:s3+$0x5260] =	vst v0;
	s3 =	sshra.s32 s12, $0x2;
	s12 =	sadd.s32 $0x200, s12  }
0x21: {  	[tilespmem:s3+$0x5270] =	vst v0  }
0x22: {  	[tilespmem:s3+$0x5200] =	vst v0  }
0x23: {  	[tilespmem:s3+$0x5210] =	vst v0  }
0x24: {  	[tilespmem:s3+$0x5220] =	vst v0  }
0x25: {  	[tilespmem:s3+$0x5230] =	vst v0  }
0x26: {  	[tilespmem:s3+$0x5240] =	vst v0  }
0x27: {  	[tilespmem:s3+$0x5250] =	vst v0  }
0x28: {  	[tilespmem:s3+$0x5260] =	vst v0  }
0x29: {  	[spmem:s5] =	stream.linear.scatter [tilespmem:s20], [sflag:$0x3], $0x4000, $0x38;
	[tilespmem:$0x1D200] =	vst v63  }
0x2a: {  	_ =	swait.ge [sflag:s21], $0x4000  }
0x2b: {  	[sflag:s21] =	ssyncset.done $0x0  }
0x2c: {  	[sflag:s21] =	ssyncadd.s32 $0xFFFFC000  }
0x2d: {  	[spmem:s6] =	stream.linear.scatter [tilespmem:s20], [sflag:$0x3], $0x4000, $0x38;
	[tilespmem:$0x1D200] =	vst v63  }
0x2e: {  	_ =	swait.ge [sflag:s21], $0x4000  }
0x2f: {  	[sflag:s21] =	ssyncset.done $0x0  }
0x30: {  	[sflag:s21] =	ssyncadd.s32 $0xFFFFC000  }
0x31: {  	[spmem:s7] =	stream.linear.scatter [tilespmem:s20], [sflag:$0x3], $0x4000, $0x38;
	[tilespmem:$0x1D200] =	vst v63  }
0x32: {  	_ =	swait.ge [sflag:s21], $0x4000  }
0x33: {  	[sflag:s21] =	ssyncset.done $0x0  }
0x34: {  	[sflag:s21] =	ssyncadd.s32 $0xFFFFC000  }
0x35: {  	[spmem:s8] =	stream.linear.scatter [tilespmem:s20], [sflag:$0x3], $0x4000, $0x38;
	[tilespmem:$0x1D200] =	vst v63  }
0x36: {  	_ =	swait.ge [sflag:s21], $0x4000  }
0x37: {  	[sflag:s21] =	ssyncset.done $0x0  }
0x38: {  	[sflag:s21] =	ssyncadd.s32 $0xFFFFC000  }
0x39: {  	[spmem:s9] =	stream.linear.scatter [tilespmem:s20], [sflag:$0x3], $0x4000, $0x38;
	[tilespmem:$0x1D200] =	vst v63  }
0x3a: {  	_ =	swait.ge [sflag:s21], $0x4000  }
0x3b: {  	[sflag:s21] =	ssyncset.done $0x0  }
0x3c: {  	[sflag:s21] =	ssyncadd.s32 $0xFFFFC000  }
0x3d: {  	[tilespmem:s2], [sflag:$0x3] =	stream.linear.gather [hbm4b:s15+s2], $0x100, $0x38;
	[tilespmem:$0x1D200] =	vst v63  }
0x3e: {  	_ =	swait.ge [sflag:s21], $0x100  }
0x3f: {  	[sflag:s21] =	ssyncset.done $0x0  }
0x40: {  	[sflag:s21] =	ssyncadd.s32 $0xFFFFFF00  }
0x41: {  	[tilespmem:s23], [sflag:$0x1] =	stream.indirect.gather [hbm4b:s4+s22], $0x80, s2, s22, $0xb8;
	[tilespmem:$0x1D200] =	vst v63  }
0x42: {  	_ = 	snop  }
0x43: {  	[tilespmem:s24], [sflag:$0x3] =	stream.linear.gather [hbm4b:s11+s2], $0x100, $0x38;
	[tilespmem:$0x1D200] =	vst v63  }
0x44: {  	_ =	swait.ge [sflag:s21], $0x100  }
0x45: {  	[sflag:s21] =	ssyncset.done $0x0  }
0x46: {  	[sflag:s21] =	ssyncadd.s32 $0xFFFFFF00  }
0x47: {  	[bflag:$0x0] =	sbarrier.arrive $0xFFFF  }
0x48: {  	_ =	swait.ge [sflag:s25], $0x2800  }
0x49: {  	[sflag:s25] =	ssyncset.done $0x0  }
0x4a: {  	[sflag:s25] =	ssyncadd.s32 $0xFFFFD800  }
0x4b: {  	[tilespmem:s26], [sflag:$0x2] =	stream.indirect.gather [hbm4b:s4+s22], $0x80, s24, s22, $0xb8;
	[tilespmem:$0x1D200] =	vst v63  }
0x4c: {  	_ = 	snop  }
0x4d: {  	[spmem:s1] =	stream.indirect.scatter.add.f32 [tilespmem:s23], [sflag:$0x4], $0x80, s28, s22, $0xb8;
	[tilespmem:$0x1D200] =	vst v63  }
0x4e: {  	_ =	swait.ge [sflag:s29], $0x2800  }
0x4f: {  	s14 =	sadd.s32 $0xFFFFF080, s17;
	[sflag:s29] =	ssyncset.done $0x0  }
0x50: {  	s12 =	sadd.s32 $0xFC0, s14;
	[sflag:s29] =	ssyncadd.s32 $0xFFFFD800  }
0x51: {  	[tilespmem:s2], [sflag:$0x4] =	stream.linear.gather [hbm4b:s12+s2], $0x100, $0x38;
	[tilespmem:$0x1D200] =	vst v63  }
0x52: {  	_ =	swait.ge [sflag:s29], $0x100  }
0x53: {  	[sflag:s29] =	ssyncset.done $0x0  }
0x54: {  	[sflag:s29] =	ssyncadd.s32 $0xFFFFFF00  }
0x55: {  	_ =	swait.ge [sflag:s30], $0x2800  }
0x56: {  	[sflag:s30] =	ssyncset.done $0x0  }
0x57: {  	[sflag:s30] =	ssyncadd.s32 $0xFFFFD800  }
0x58: {  	[tilespmem:s23], [sflag:$0x1] =	stream.indirect.gather [hbm4b:s4+s22], $0x80, s2, s22, $0xb8;
	[tilespmem:$0x1D200] =	vst v63  }
0x59: {  	_ = 	snop  }
0x5a: {  	[spmem:s1] =	stream.indirect.scatter.add.f32 [tilespmem:s26], [sflag:$0x4], $0x80, s31, s22, $0xb8;
	[tilespmem:$0x1D200] =	vst v63  }
0x5b: {  	_ =	swait.ge [sflag:s29], $0x2800  }
0x5c: {  	[sflag:s29] =	ssyncset.done $0x0  }
0x5d: {  	s3 =	sadd.s32 $0xFE0, s14;
	[sflag:s29] =	ssyncadd.s32 $0xFFFFD800  }
0x5e: {  	[tilespmem:s24], [sflag:$0x3] =	stream.linear.gather [hbm4b:s3+s2], $0x100, $0x38;
	[tilespmem:$0x1D200] =	vst v63  }
0x5f: {  	_ =	swait.ge [sflag:s21], $0x100  }
0x60: {  	s3 =	simm.s32 $0xFFFFF0C0;
	[sflag:s21] =	ssyncset.done $0x0  }
.LBB2_4:
0x61: {  	p0 =	sne.s32 s3, $0xFFFFFFC0  }
0x62: {  	[sflag:s21] =	ssyncadd.s32 $0xFFFFFF00;
	s12 =	smov.u32 s3;
	s3 =	sadd.s32 $0x40, s3  }
0x63: {  	_ =	swait.ge [sflag:s25], $0x2800  }
0x64: {  	[sflag:s25] =	ssyncset.done $0x0  }
0x65: {  	[sflag:s25] =	ssyncadd.s32 $0xFFFFD800  }
0x66: {  	[tilespmem:s26], [sflag:$0x2] =	stream.indirect.gather [hbm4b:s4+s22], $0x80, s24, s22, $0xb8;
	[tilespmem:$0x1D200] =	vst v63  }
0x67: {  	_ = 	snop  }
0x68: {  	[spmem:s1] =	stream.indirect.scatter.add.f32 [tilespmem:s23], [sflag:$0x4], $0x80, s28, s22, $0xb8;
	[tilespmem:$0x1D200] =	vst v63  }
0x69: {  	_ =	swait.ge [sflag:s29], $0x2800  }
0x6a: {  	s12 =	sadd.s32 s12, s17;
	[sflag:s29] =	ssyncset.done $0x0  }
0x6b: {  	s13 =	sadd.s32 $0xFC0, s12;
	[sflag:s29] =	ssyncadd.s32 $0xFFFFD800  }
0x6c: {  	[tilespmem:s2], [sflag:$0x4] =	stream.linear.gather [hbm4b:s13+s2], $0x100, $0x38;
	[tilespmem:$0x1D200] =	vst v63  }
0x6d: {  	_ =	swait.ge [sflag:s29], $0x100  }
0x6e: {  	[sflag:s29] =	ssyncset.done $0x0  }
0x6f: {  	[sflag:s29] =	ssyncadd.s32 $0xFFFFFF00  }
0x70: {  	_ =	swait.ge [sflag:s30], $0x2800  }
0x71: {  	[sflag:s30] =	ssyncset.done $0x0  }
0x72: {  	[sflag:s30] =	ssyncadd.s32 $0xFFFFD800  }
0x73: {  	[tilespmem:s23], [sflag:$0x1] =	stream.indirect.gather [hbm4b:s4+s22], $0x80, s2, s22, $0xb8;
	[tilespmem:$0x1D200] =	vst v63  }
0x74: {  	_ = 	snop  }
0x75: {  	[spmem:s1] =	stream.indirect.scatter.add.f32 [tilespmem:s26], [sflag:$0x4], $0x80, s31, s22, $0xb8;
	[tilespmem:$0x1D200] =	vst v63  }
0x76: {  	_ =	swait.ge [sflag:s29], $0x2800  }
.Ltmp1:
0x77: {  	[sflag:s29] =	ssyncset.done $0x0;
	(pc) =	sbr.rel @p0 .LBB2_4-.Ltmp1, $4  }
0x78: {  	s12 =	sadd.s32 $0xFE0, s12;
	[sflag:s29] =	ssyncadd.s32 $0xFFFFD800  }
0x79: {  	[tilespmem:s24], [sflag:$0x3] =	stream.linear.gather [hbm4b:s12+s2], $0x100, $0x38;
	[tilespmem:$0x1D200] =	vst v63  }
0x7a: {  	_ =	swait.ge [sflag:s21], $0x100  }
0x7b: {  	[sflag:s21] =	ssyncset.done $0x0  }
0x7c: {  	[sflag:s21] =	ssyncadd.s32 $0xFFFFFF00  }
0x7d: {  	_ =	swait.ge [sflag:s25], $0x2800  }
0x7e: {  	[sflag:s25] =	ssyncset.done $0x0  }
0x7f: {  	[sflag:s25] =	ssyncadd.s32 $0xFFFFD800  }
0x80: {  	[tilespmem:s26], [sflag:$0x2] =	stream.indirect.gather [hbm4b:s4+s22], $0x80, s24, s22, $0xb8;
	[tilespmem:$0x1D200] =	vst v63  }
0x81: {  	_ = 	snop  }
0x82: {  	[spmem:s1] =	stream.indirect.scatter.add.f32 [tilespmem:s23], [sflag:$0x4], $0x80, s28, s22, $0xb8;
	[tilespmem:$0x1D200] =	vst v63  }
0x83: {  	_ =	swait.ge [sflag:s29], $0x2800  }
0x84: {  	[sflag:s29] =	ssyncset.done $0x0  }
0x85: {  	[sflag:s29] =	ssyncadd.s32 $0xFFFFD800  }
0x86: {  	_ =	swait.ge [sflag:s30], $0x2800  }
0x87: {  	[sflag:s30] =	ssyncset.done $0x0  }
0x88: {  	[sflag:s30] =	ssyncadd.s32 $0xFFFFD800  }
0x89: {  	[spmem:s1] =	stream.indirect.scatter.add.f32 [tilespmem:s26], [sflag:$0x4], $0x80, s31, s22, $0xb8;
	[tilespmem:$0x1D200] =	vst v63  }
0x8a: {  	_ =	swait.ge [sflag:s29], $0x2800  }
0x8b: {  	[sflag:s29] =	ssyncset.done $0x0  }
0x8c: {  	s3 =	stileid.u32;
	[sflag:s29] =	ssyncadd.s32 $0xFFFFD800  }
0x8d: {  	s3 =	sshll.u32 s3, $0x6;
	[bflag:$0x0] =	sbarrier.arrive $0xFFFF  }
0x8e: {  	s12 =	sshrl.u32 s5, $0x3;
	s3 =	sor.u32 $0x1C03, s3;
	s10 =	rddreg [dreg:$0x3]  }
0x8f: {  	[hbm:s10], [sflag:s3] =	dma.local [spmem:s12], $0x2800  }
0x90: {  	_ =	swait.ge [sflag:s21], $0x2800  }
0x91: {  	[sflag:s21] =	ssyncset.done $0x0  }
0x92: {  	[sflag:s21] =	ssyncadd.s32 $0xFFFFD800  }
0x93: {  	[spmem:s5] =	stream.linear.scatter [tilespmem:s20], [sflag:$0x3], $0x4000, $0x38;
	[tilespmem:$0x1D200] =	vst v63  }
0x94: {  	_ =	swait.ge [sflag:s21], $0x4000  }
0x95: {  	[sflag:s21] =	ssyncset.done $0x0  }
0x96: {  	[sflag:s21] =	ssyncadd.s32 $0xFFFFC000  }
0x97: {  	[spmem:s6] =	stream.linear.scatter [tilespmem:s20], [sflag:$0x3], $0x4000, $0x38;
	[tilespmem:$0x1D200] =	vst v63  }
0x98: {  	_ =	swait.ge [sflag:s21], $0x4000  }
0x99: {  	[sflag:s21] =	ssyncset.done $0x0  }
0x9a: {  	[sflag:s21] =	ssyncadd.s32 $0xFFFFC000  }
0x9b: {  	[spmem:s7] =	stream.linear.scatter [tilespmem:s20], [sflag:$0x3], $0x4000, $0x38;
	[tilespmem:$0x1D200] =	vst v63  }
0x9c: {  	_ =	swait.ge [sflag:s21], $0x4000  }
0x9d: {  	[sflag:s21] =	ssyncset.done $0x0  }
0x9e: {  	[sflag:s21] =	ssyncadd.s32 $0xFFFFC000  }
0x9f: {  	[spmem:s8] =	stream.linear.scatter [tilespmem:s20], [sflag:$0x3], $0x4000, $0x38;
	[tilespmem:$0x1D200] =	vst v63  }
0xa0: {  	_ =	swait.ge [sflag:s21], $0x4000  }
0xa1: {  	[sflag:s21] =	ssyncset.done $0x0  }
0xa2: {  	[sflag:s21] =	ssyncadd.s32 $0xFFFFC000  }
0xa3: {  	[spmem:s9] =	stream.linear.scatter [tilespmem:s20], [sflag:$0x3], $0x4000, $0x38;
	[tilespmem:$0x1D200] =	vst v63  }
0xa4: {  	_ =	swait.ge [sflag:s21], $0x4000  }
0xa5: {  	[sflag:s21] =	ssyncset.done $0x0  }
0xa6: {  	s13 =	simm.s32 $0x0;
	s14 =	rddreg [dreg:$0x4];
	[sflag:s21] =	ssyncadd.s32 $0xFFFFC000  }
0xa7: {  	[tilespmem:s13], [sflag:$0x3] =	stream.linear.gather [hbm4b:s14+s13], $0x100, $0x38;
	[tilespmem:$0x1D200] =	vst v63  }
0xa8: {  	_ =	swait.ge [sflag:s21], $0x100  }
0xa9: {  	[sflag:s21] =	ssyncset.done $0x0  }
0xaa: {  	[sflag:s21] =	ssyncadd.s32 $0xFFFFFF00  }
0xab: {  	[tilespmem:s23], [sflag:$0x1] =	stream.indirect.gather [hbm4b:s4+s22], $0x80, s13, s22, $0xb8;
	[tilespmem:$0x1D200] =	vst v63  }
0xac: {  	s14 =	rddreg [dreg:$0x5]  }
0xad: {  	[tilespmem:s24], [sflag:$0x3] =	stream.linear.gather [hbm4b:s14+s13], $0x100, $0x38;
	[tilespmem:$0x1D200] =	vst v63  }
0xae: {  	_ =	swait.ge [sflag:s21], $0x100  }
0xaf: {  	[sflag:s21] =	ssyncset.done $0x0  }
0xb0: {  	[sflag:s21] =	ssyncadd.s32 $0xFFFFFF00  }
0xb1: {  	[bflag:$0x0] =	sbarrier.arrive $0xFFFF  }
0xb2: {  	_ =	swait.ge [sflag:s25], $0x2800  }
0xb3: {  	[sflag:s25] =	ssyncset.done $0x0  }
0xb4: {  	[sflag:s25] =	ssyncadd.s32 $0xFFFFD800  }
0xb5: {  	[tilespmem:s26], [sflag:$0x2] =	stream.indirect.gather [hbm4b:s4+s22], $0x80, s24, s22, $0xb8;
	[tilespmem:$0x1D200] =	vst v63  }
0xb6: {  	_ = 	snop  }
0xb7: {  	[spmem:s1] =	stream.indirect.scatter.add.f32 [tilespmem:s23], [sflag:$0x4], $0x80, s28, s22, $0xb8;
	[tilespmem:$0x1D200] =	vst v63  }
0xb8: {  	_ =	swait.ge [sflag:s29], $0x2800  }
0xb9: {  	[sflag:s29] =	ssyncset.done $0x0  }
0xba: {  	s10 =	sadd.s32 $0x0, s19;
	[sflag:s29] =	ssyncadd.s32 $0xFFFFD800  }
0xbb: {  	[tilespmem:s2], [sflag:$0x4] =	stream.linear.gather [hbm4b:s10+s2], $0x100, $0x38;
	[tilespmem:$0x1D200] =	vst v63  }
0xbc: {  	_ =	swait.ge [sflag:s29], $0x100  }
0xbd: {  	[sflag:s29] =	ssyncset.done $0x0  }
0xbe: {  	[sflag:s29] =	ssyncadd.s32 $0xFFFFFF00  }
0xbf: {  	_ =	swait.ge [sflag:s30], $0x2800  }
0xc0: {  	[sflag:s30] =	ssyncset.done $0x0  }
0xc1: {  	[sflag:s30] =	ssyncadd.s32 $0xFFFFD800  }
0xc2: {  	[tilespmem:s23], [sflag:$0x1] =	stream.indirect.gather [hbm4b:s4+s22], $0x80, s2, s22, $0xb8;
	[tilespmem:$0x1D200] =	vst v63  }
0xc3: {  	_ = 	snop  }
0xc4: {  	[spmem:s1] =	stream.indirect.scatter.add.f32 [tilespmem:s26], [sflag:$0x4], $0x80, s31, s22, $0xb8;
	[tilespmem:$0x1D200] =	vst v63  }
0xc5: {  	_ =	swait.ge [sflag:s29], $0x2800  }
0xc6: {  	[sflag:s29] =	ssyncset.done $0x0  }
0xc7: {  	s14 =	sadd.s32 $0x0, s18;
	[sflag:s29] =	ssyncadd.s32 $0xFFFFD800  }
0xc8: {  	[tilespmem:s24], [sflag:$0x3] =	stream.linear.gather [hbm4b:s14+s2], $0x100, $0x38;
	[tilespmem:$0x1D200] =	vst v63  }
0xc9: {  	_ =	swait.ge [sflag:s21], $0x100  }
0xca: {  	s13 =	simm.s32 $0x40;
	[sflag:s21] =	ssyncset.done $0x0  }
.LBB2_6:
0xcb: {  	p0 =	sne.s32 s13, $0xF40  }
0xcc: {  	[sflag:s21] =	ssyncadd.s32 $0xFFFFFF00;
	s10 =	smov.u32 s13;
	s13 =	sadd.s32 $0x40, s13  }
0xcd: {  	_ =	swait.ge [sflag:s25], $0x2800  }
0xce: {  	[sflag:s25] =	ssyncset.done $0x0  }
0xcf: {  	[sflag:s25] =	ssyncadd.s32 $0xFFFFD800  }
0xd0: {  	[tilespmem:s26], [sflag:$0x2] =	stream.indirect.gather [hbm4b:s4+s22], $0x80, s24, s22, $0xb8;
	[tilespmem:$0x1D200] =	vst v63  }
0xd1: {  	_ = 	snop  }
0xd2: {  	[spmem:s1] =	stream.indirect.scatter.add.f32 [tilespmem:s23], [sflag:$0x4], $0x80, s28, s22, $0xb8;
	[tilespmem:$0x1D200] =	vst v63  }
0xd3: {  	_ =	swait.ge [sflag:s29], $0x2800  }
0xd4: {  	[sflag:s29] =	ssyncset.done $0x0  }
0xd5: {  	s14 =	sadd.s32 s10, s19;
	[sflag:s29] =	ssyncadd.s32 $0xFFFFD800  }
0xd6: {  	[tilespmem:s2], [sflag:$0x4] =	stream.linear.gather [hbm4b:s14+s2], $0x100, $0x38;
	[tilespmem:$0x1D200] =	vst v63  }
0xd7: {  	_ =	swait.ge [sflag:s29], $0x100  }
0xd8: {  	[sflag:s29] =	ssyncset.done $0x0  }
0xd9: {  	[sflag:s29] =	ssyncadd.s32 $0xFFFFFF00  }
0xda: {  	_ =	swait.ge [sflag:s30], $0x2800  }
0xdb: {  	[sflag:s30] =	ssyncset.done $0x0  }
0xdc: {  	[sflag:s30] =	ssyncadd.s32 $0xFFFFD800  }
0xdd: {  	[tilespmem:s23], [sflag:$0x1] =	stream.indirect.gather [hbm4b:s4+s22], $0x80, s2, s22, $0xb8;
	[tilespmem:$0x1D200] =	vst v63  }
0xde: {  	_ = 	snop  }
0xdf: {  	[spmem:s1] =	stream.indirect.scatter.add.f32 [tilespmem:s26], [sflag:$0x4], $0x80, s31, s22, $0xb8;
	[tilespmem:$0x1D200] =	vst v63  }
0xe0: {  	_ =	swait.ge [sflag:s29], $0x2800  }
.Ltmp2:
0xe1: {  	[sflag:s29] =	ssyncset.done $0x0;
	(pc) =	sbr.rel @p0 .LBB2_6-.Ltmp2, $4  }
0xe2: {  	s10 =	sadd.s32 s10, s18;
	[sflag:s29] =	ssyncadd.s32 $0xFFFFD800  }
0xe3: {  	[tilespmem:s24], [sflag:$0x3] =	stream.linear.gather [hbm4b:s10+s2], $0x100, $0x38;
	[tilespmem:$0x1D200] =	vst v63  }
0xe4: {  	_ =	swait.ge [sflag:s21], $0x100  }
0xe5: {  	[sflag:s21] =	ssyncset.done $0x0  }
0xe6: {  	[sflag:s21] =	ssyncadd.s32 $0xFFFFFF00  }
0xe7: {  	_ =	swait.ge [sflag:s25], $0x2800  }
0xe8: {  	[sflag:s25] =	ssyncset.done $0x0  }
0xe9: {  	[sflag:s25] =	ssyncadd.s32 $0xFFFFD800  }
0xea: {  	[tilespmem:s26], [sflag:$0x2] =	stream.indirect.gather [hbm4b:s4+s22], $0x80, s24, s22, $0xb8;
	[tilespmem:$0x1D200] =	vst v63  }
0xeb: {  	_ = 	snop  }
0xec: {  	[spmem:s1] =	stream.indirect.scatter.add.f32 [tilespmem:s23], [sflag:$0x4], $0x80, s28, s22, $0xb8;
	[tilespmem:$0x1D200] =	vst v63  }
0xed: {  	_ =	swait.ge [sflag:s29], $0x2800  }
0xee: {  	[sflag:s29] =	ssyncset.done $0x0  }
0xef: {  	[sflag:s29] =	ssyncadd.s32 $0xFFFFD800  }
0xf0: {  	_ =	swait.ge [sflag:s30], $0x2800  }
0xf1: {  	[sflag:s30] =	ssyncset.done $0x0  }
0xf2: {  	[sflag:s30] =	ssyncadd.s32 $0xFFFFD800  }
0xf3: {  	[spmem:s1] =	stream.indirect.scatter.add.f32 [tilespmem:s26], [sflag:$0x4], $0x80, s31, s22, $0xb8;
	[tilespmem:$0x1D200] =	vst v63  }
0xf4: {  	_ =	swait.ge [sflag:s29], $0x2800  }
0xf5: {  	[sflag:s29] =	ssyncset.done $0x0  }
0xf6: {  	s0 =	sadd.s32 $0x1, s0;
	[sflag:s29] =	ssyncadd.s32 $0xFFFFD800  }
0xf7: {  	p0 =	sne.s32 s0, s16;
	[bflag:$0x0] =	sbarrier.arrive $0xFFFF  }
.Ltmp3:
0xf8: {  	s10 =	rddreg [dreg:$0x6];
	(pc) =	sbr.rel @p0 .LBB2_1-.Ltmp3, $4  }
0xf9: {  	[hbm:s10], [sflag:s3] =	dma.local [spmem:s12], $0x2800  }
0xfa: {  	_ =	swait.ge [sflag:s21], $0x2800  }
0xfb: {  	[sflag:s21] =	ssyncset.done $0x0  }
0xfc: {  	[sflag:s21] =	ssyncadd.s32 $0xFFFFD800  }
0xfd: {  	_ =	sfence.sel $0x180000  }
0xfe: {  	[bflag:$0x0] =	sbarrier.arrive $0xFFFF  }
0xff: {  	_ =	strace $0x9000004D  }
0x100: {  	s0 =	stileid.u32;
	[bflag:$0x2] =	sbarrier.arrive $0xFFFF  }
0x101: {  	p0 =	sne.s32 s0, $0x0;
	s0 =	rddreg [dreg:$0x2]  }
0x102: {  	s0 =	sadd.s32 @!p0 $0x100000, s0  }
0x103: {  	[sflag:s0] =	ssyncadd.tile.s32 @!p0 $0x1;
	_ =	shalt  }
.Lfunc_end2:
_tile_overlayer_lowered:
.L_overlay_start_2:
0x104: {  	(tag) =	ssettag $0x2  }
0x105: {  	s0 =	rddreg [dreg:$0x0];
	s2 =	stileid.u32  }
0x106: {  	s1 =	rddreg [dreg:$0x1];
	p0 =	sne.s32 s2, $0x0  }
0x107: {  	s3 =	rddreg [dreg:$0x2];
	[bflag:$0x3] =	sbarrier.arrive $0xFFFF;
	s2 =	simm.s32 @!p0 $0x1C03  }
0x108: {  	[timem:s3], [sflag:s2] =	dma.local @!p0 [hbm:s0], s1  }
0x109: {  	s0 =	simm.s32 @!p0 $0x3  }
0x10a: {  	_ =	swait.ge @!p0 [sflag:s0], s1  }
0x10b: {  	s1 =	ssub.s32 @!p0 $0x0, s1;
	[sflag:s0] =	ssyncset.done @!p0 $0x0  }
0x10c: {  	[sflag:s0] =	ssyncadd.s32 @!p0 s1  }
0x10d: {  	[bflag:$0x3] =	sbarrier.arrive $0xFFFF  }
0x10e: {  	_ =	shalt  }

</sc_bundles>
